<compile_context>
chip_gen: v7x
topology: tpu7x:2x2x1
jax: 0.10.2.dev20260603
libtpu: 0.0.44.dev20260713+nightly
codegen_flags: <defaults>
</compile_context>

<pallas_src>
import functools

import jax
import jax.numpy as jnp
from jax import lax
from jax.experimental import pallas as pl
from jax.experimental.pallas import tpu as pltpu
from jax.experimental.pallas import tpu_sc as plsc

NC = 2
NS = 16
LANES = 16
BN_EPS_ = 1e-5


def _mm_body(x_ref, w_ref, o_ref):
    o_ref[...] = jnp.dot(x_ref[...], w_ref[...],
                         preferred_element_type=jnp.float32)


def _matmul(x, w, block_rows=1000):
    n, k = x.shape
    _, m = w.shape
    return pl.pallas_call(
        _mm_body,
        grid=(n // block_rows,),
        in_specs=[
            pl.BlockSpec((block_rows, k), lambda i: (i, 0)),
            pl.BlockSpec((k, m), lambda i: (0, 0)),
        ],
        out_specs=pl.BlockSpec((block_rows, m), lambda i: (i, 0)),
        out_shape=jax.ShapeDtypeStruct((n, m), jnp.float32),
    )(x, w)


def _ew_body(a0_ref, a1_ref, a2_ref, a3_ref, b_ref, g_ref, be_ref, mu_ref,
             var_ref, ew_ref, sc_ref, sh_ref):
    ew_ref[...] = (a0_ref[...] + a1_ref[...]
                   + a2_ref[...] + a3_ref[...]) * 0.25
    scale = g_ref[...] * lax.rsqrt(var_ref[...] + BN_EPS_)
    sc_ref[...] = scale
    sh_ref[...] = be_ref[...] + (b_ref[...] - mu_ref[...]) * scale


def _edge_weights(attrs, b0, gamma, beta, mean, var):
    na, nl = attrs[0].shape
    d = b0.shape[0]
    vec = lambda a: a.reshape(1, d)
    vsds = jax.ShapeDtypeStruct((1, d), jnp.float32)
    return pl.pallas_call(
        _ew_body,
        out_shape=[jax.ShapeDtypeStruct((na, nl), jnp.float32), vsds, vsds],
    )(*attrs, vec(b0), vec(gamma), vec(beta), vec(mean), vec(var))


def _mm_bias_body(q0_ref, q1_ref, w_ref, b_ref, o_ref):
    agg = q0_ref[...] + q1_ref[...]
    o_ref[...] = jnp.dot(agg, w_ref[...],
                         preferred_element_type=jnp.float32) + b_ref[...]


def _matmul_bias(q0, q1, w, b, block_rows=1000):
    n, k = q0.shape
    _, m = w.shape
    bspec = pl.BlockSpec((block_rows, k), lambda i: (i, 0))
    return pl.pallas_call(
        _mm_bias_body,
        grid=(n // block_rows,),
        in_specs=[
            bspec, bspec,
            pl.BlockSpec((k, m), lambda i: (0, 0)),
            pl.BlockSpec((1, m), lambda i: (0, 0)),
        ],
        out_specs=pl.BlockSpec((block_rows, m), lambda i: (i, 0)),
        out_shape=jax.ShapeDtypeStruct((n, m), jnp.float32),
    )(q0, q1, w, b.reshape(1, m))


def _make_sc_agg(weighted, n, e, d, chunk, bn=False):
    assert not (weighted and bn)
    per_tile = e // (NC * NS)
    assert per_tile * NC * NS == e
    n_chunks = per_tile // chunk
    n_pairs = n_chunks // 2
    assert n_chunks * chunk == per_tile and n_pairs * 2 == n_chunks
    assert chunk <= 128
    main_rows = (n // NS) // 8 * 8
    tail_rows = n - main_rows * NS
    assert 0 <= tail_rows and tail_rows % 8 == 0

    mesh = plsc.VectorSubcoreMesh(core_axis_name="c", subcore_axis_name="s")
    out_sds = jax.ShapeDtypeStruct((n, d), jnp.float32)

    slab = main_rows // 8
    scratch = [
        pltpu.VMEM_SHARED((n, d), jnp.float32),
        pltpu.VMEM_SHARED((n, d), jnp.float32),
        pltpu.VMEM((n_chunks, chunk), jnp.int32),
        pltpu.VMEM((n_chunks, chunk), jnp.int32),
        pltpu.VMEM((chunk, d), jnp.float32),
        pltpu.VMEM((chunk, d), jnp.float32),
        pltpu.SemaphoreType.DMA,
        pltpu.SemaphoreType.DMA,
        pltpu.SemaphoreType.DMA,
        pltpu.SemaphoreType.DMA,
    ]
    if weighted:
        scratch.append(pltpu.VMEM((per_tile + LANES,), jnp.float32))
    if bn:
        scratch.extend([
            pltpu.VMEM((d,), jnp.float32),
            pltpu.VMEM((d,), jnp.float32),
            pltpu.VMEM((slab, d), jnp.float32),
            pltpu.VMEM((slab, d), jnp.float32),
        ])

    @functools.partial(
        pl.kernel, mesh=mesh,
        out_type=(out_sds, out_sds),
        scratch_types=scratch,
        compiler_params=pltpu.CompilerParams(use_tc_tiling_on_sc=False),
    )
    def sc_agg(*refs):
        if bn:
            (p0_hbm, p1_hbm, sc_hbm, sh_hbm, src_hbm, dst_hbm, zero_hbm,
             out0, out1, acc_sh, h_sh, srcb, dstb, rows0, rows1,
             g0, g1, s0, s1, sv, tv, pA, pB) = refs
        elif weighted:
            (h_hbm, src_hbm, dst_hbm, ew_hbm, zero_hbm,
             out0, out1, acc_sh, h_sh, srcb, dstb, rows0, rows1,
             g0, g1, s0, s1, ew_v) = refs
        else:
            (h_hbm, src_hbm, dst_hbm, zero_hbm,
             out0, out1, acc_sh, h_sh, srcb, dstb, rows0, rows1,
             g0, g1, s0, s1) = refs
        cid = lax.axis_index("c")
        sid = lax.axis_index("s")
        wid = sid * NC + cid
        row0 = pl.multiple_of(sid * main_rows, 8)
        rowsb = (rows0, rows1)
        gsem = (g0, g1)
        ssem = (s0, s1)

        pltpu.sync_copy(src_hbm.at[pl.ds(wid * n_chunks, n_chunks)], srcb)
        pltpu.sync_copy(dst_hbm.at[pl.ds(wid * n_chunks, n_chunks)], dstb)
        if weighted:
            pltpu.sync_copy(ew_hbm.at[pl.ds(wid * per_tile, per_tile)],
                            ew_v.at[pl.ds(0, per_tile)])

        pltpu.sync_copy(zero_hbm.at[pl.ds(row0, main_rows)],
                        acc_sh.at[pl.ds(row0, main_rows)])

        def stage_bn(r0, nrows, bufa, bufb):
            pltpu.sync_copy(p0_hbm.at[pl.ds(r0, nrows)], bufa)
            pltpu.sync_copy(p1_hbm.at[pl.ds(r0, nrows)], bufb)

            def rbody(ri, c2):
                for q in range(d // LANES):
                    sl = pl.ds(q * LANES, LANES)
                    v = (bufa[ri, sl] + bufb[ri, sl]) * sv[sl] + tv[sl]
                    bufa[ri, sl] = jnp.maximum(v, 0.0)
                return c2
            lax.fori_loop(0, nrows, rbody, 0)
            pltpu.sync_copy(bufa, h_sh.at[pl.ds(r0, nrows)])

        if bn:
            pltpu.sync_copy(sc_hbm, sv)
            pltpu.sync_copy(sh_hbm, tv)
            for k in range(main_rows // slab):
                stage_bn(row0 + k * slab, slab, pA, pB)
        else:
            pltpu.sync_copy(h_hbm.at[pl.ds(row0, main_rows)],
                            h_sh.at[pl.ds(row0, main_rows)])
        if tail_rows:
            @pl.when(sid == NS - 1)
            def _():
                pltpu.sync_copy(zero_hbm.at[pl.ds(NS * main_rows, tail_rows)],
                                acc_sh.at[pl.ds(NS * main_rows, tail_rows)])
                if bn:
                    stage_bn(NS * main_rows, tail_rows,
                             pA.at[pl.ds(0, tail_rows)],
                             pB.at[pl.ds(0, tail_rows)])
                else:
                    pltpu.sync_copy(
                        h_hbm.at[pl.ds(NS * main_rows, tail_rows)],
                        h_sh.at[pl.ds(NS * main_rows, tail_rows)])
        plsc.subcore_barrier()
        pltpu.async_copy(h_sh.at[srcb.at[0]], rows0, g0)

        grp = 10
        assert chunk % grp == 0

        def scale_rows(ci, rv):
            def grp_body(gi, c2):
                w16 = ew_v[pl.ds(ci * chunk + gi * grp, LANES)]
                for j in range(grp):
                    w = w16[j]
                    for q in range(d // LANES):
                        sl = pl.ds(q * LANES, LANES)
                        rv[gi * grp + j, sl] = rv[gi * grp + j, sl] * w
                return c2
            lax.fori_loop(0, chunk // grp, grp_body, 0)

        def pair_body(i, carry):
            for b in (0, 1):
                ci = 2 * i + b
                rv, nrv = rowsb[b], rowsb[1 - b]
                pltpu.make_async_copy(h_sh.at[srcb.at[ci]], rv,
                                      gsem[b]).wait()
                if b == 0:
                    @pl.when(i >= 1)
                    def _():
                        pltpu.make_async_copy(
                            nrv, acc_sh.at[dstb.at[ci - 1]],
                            ssem[1 - b]).wait()
                    pltpu.async_copy(h_sh.at[srcb.at[ci + 1]], nrv,
                                     gsem[1 - b])
                else:
                    pltpu.make_async_copy(nrv, acc_sh.at[dstb.at[ci - 1]],
                                          ssem[1 - b]).wait()

                    @pl.when(i < n_pairs - 1)
                    def _():
                        pltpu.async_copy(h_sh.at[srcb.at[ci + 1]], nrv,
                                         gsem[1 - b])
                if weighted:
                    scale_rows(ci, rv)
                pltpu.async_copy(rv, acc_sh.at[dstb.at[ci]], ssem[b],
                                 add=True)
            return carry
        lax.fori_loop(0, n_pairs, pair_body, 0)
        pltpu.make_async_copy(rows1, acc_sh.at[dstb.at[n_chunks - 1]],
                              s1).wait()

        plsc.subcore_barrier()

        @pl.when(cid == 0)
        def _():
            pltpu.sync_copy(acc_sh.at[pl.ds(row0, main_rows)],
                            out0.at[pl.ds(row0, main_rows)])
            if tail_rows:
                @pl.when(sid == NS - 1)
                def _():
                    pltpu.sync_copy(
                        acc_sh.at[pl.ds(NS * main_rows, tail_rows)],
                        out0.at[pl.ds(NS * main_rows, tail_rows)])

        @pl.when(cid == 1)
        def _():
            pltpu.sync_copy(acc_sh.at[pl.ds(row0, main_rows)],
                            out1.at[pl.ds(row0, main_rows)])
            if tail_rows:
                @pl.when(sid == NS - 1)
                def _():
                    pltpu.sync_copy(
                        acc_sh.at[pl.ds(NS * main_rows, tail_rows)],
                        out1.at[pl.ds(NS * main_rows, tail_rows)])

    return sc_agg


def kernel(x, edge_index, edge_attr, W0, b0, bn_gamma, bn_beta, bn_mean,
           bn_var, W1, b1):
    n, din = x.shape
    e = edge_index.shape[1]
    h_dim = W0.shape[1]
    src = edge_index[0]
    dst = edge_index[1]
    zeros = jnp.zeros((n, h_dim), jnp.float32)

    chunk = 100
    src2d = src.reshape(e // chunk, chunk)
    dst2d = dst.reshape(e // chunk, chunk)
    attrs = [edge_attr[:, i].reshape(e // 128, 128) for i in range(4)]
    h = _matmul(x, W0, block_rows=n // 10)
    ew2d, scale, shift = _edge_weights(attrs, b0, bn_gamma, bn_beta,
                                       bn_mean, bn_var)
    ew = ew2d.reshape(-1)
    agg_w = _make_sc_agg(True, n, e, h_dim, chunk)
    p0, p1 = agg_w(h, src2d, dst2d, ew, zeros)
    agg_p = _make_sc_agg(False, n, e, h_dim, chunk, bn=True)
    q0, q1 = agg_p(p0, p1, scale.reshape(-1), shift.reshape(-1),
                   src2d, dst2d, zeros)
    return _matmul_bias(q0, q1, W1, b1)

# --- scband reference (transcript-rebuilt; emitter-appended) ---
"""Pipeline reference for scband-gcnencoder-33698313404444 (READ-ONLY COPY).

The authoritative reference and input builder live on the scoring server;
editing this copy changes nothing except your own understanding.
"""

import jax, jax.numpy as jnp
import numpy as np

N, E, DIN, H, DOUT = 10000, 320000, 128, 64, 128
BN_EPS = 1e-5

def setup_inputs(seed: int = 0) -> dict:
    key = jax.random.key(seed)
    ks = jax.random.split(key, 8)
    x = jax.random.normal(ks[0], (N, DIN), dtype=jnp.float32)
    edge_index = jax.random.randint(ks[1], (2, E), 0, N, dtype=jnp.int32)
    edge_attr = jax.random.uniform(ks[2], (E, 4), dtype=jnp.float32)
    # GCNConv(in->hidden, normalize=False): lin (no bias) + scatter-add aggregation + bias
    W0 = jax.random.normal(ks[3], (DIN, H), dtype=jnp.float32) * (1.0 / np.sqrt(DIN))
    b0 = jnp.zeros((H,), dtype=jnp.float32)
    # BatchNorm1d(hidden) in eval mode (running stats)
    bn_gamma = jnp.ones((H,), dtype=jnp.float32)
    bn_beta = jnp.zeros((H,), dtype=jnp.float32)
    bn_mean = jnp.zeros((H,), dtype=jnp.float32)
    bn_var = jnp.ones((H,), dtype=jnp.float32)
    # GCNConv(hidden->out, normalize=False)
    W1 = jax.random.normal(ks[4], (H, DOUT), dtype=jnp.float32) * (1.0 / np.sqrt(H))
    b1 = jnp.zeros((DOUT,), dtype=jnp.float32)
    return {"x": x, "edge_index": edge_index, "edge_attr": edge_attr,
            "W0": W0, "b0": b0, "bn_gamma": bn_gamma, "bn_beta": bn_beta,
            "bn_mean": bn_mean, "bn_var": bn_var, "W1": W1, "b1": b1}

def gcn_conv(x, src, dst, W, b, edge_weight=None):
    # normalize=False: no gcn_norm, no self-loops; linear -> weighted scatter-add -> bias
    h = x @ W
    msg = h[src]
    if edge_weight is not None:
        msg = msg * edge_weight[:, None]
    out = jax.ops.segment_sum(msg, dst, num_segments=x.shape[0])
    return out + b

def reference(x, edge_index, edge_attr, W0, b0, bn_gamma, bn_beta, bn_mean, bn_var, W1, b1):
    src = edge_index[0]
    dst = edge_index[1]
    ew = jnp.mean(edge_attr.astype(jnp.float32), axis=-1)
    h = gcn_conv(x.astype(jnp.float32), src, dst, W0, b0, edge_weight=ew)
    # BatchNorm1d eval: use running stats
    h = (h - bn_mean) / jnp.sqrt(bn_var + BN_EPS) * bn_gamma + bn_beta
    h = jax.nn.relu(h)
    # dropout is identity in eval mode
    out = gcn_conv(h, src, dst, W1, b1, edge_weight=None)
    return out

if __name__ == "__main__":
    import jax
    _d = setup_inputs()
    print(jax.jit(kernel)(*tuple(_d.values())))

</pallas_src>

<mosaic_0001>
#map = affine_map<(d0, d1) -> (0, 0)>
#map1 = affine_map<(d0, d1) -> (0)>
module attributes {stable_mosaic.version = 14 : i64} {
  func.func @sc_agg(%arg0: i32, %arg1: i32, %arg2: memref<10000x64xf32, #tpu.memory_space<hbm>>, %arg3: memref<3200x100xi32, #tpu.memory_space<hbm>>, %arg4: memref<3200x100xi32, #tpu.memory_space<hbm>>, %arg5: memref<320000xf32, #tpu.memory_space<hbm>>, %arg6: memref<10000x64xf32, #tpu.memory_space<hbm>>, %arg7: memref<10000x64xf32, #tpu.memory_space<hbm>>, %arg8: memref<10000x64xf32, #tpu.memory_space<hbm>>, %arg9: memref<10000x64xf32, #tpu.memory_space<vmem_shared>>, %arg10: memref<10000x64xf32, #tpu.memory_space<vmem_shared>>, %arg11: memref<100x100xi32, #tpu.memory_space<vmem>>, %arg12: memref<100x100xi32, #tpu.memory_space<vmem>>, %arg13: memref<100x64xf32, #tpu.memory_space<vmem>>, %arg14: memref<100x64xf32, #tpu.memory_space<vmem>>, %arg15: memref<!tpu.dma_semaphore, #tpu.memory_space<semaphore_mem>>, %arg16: memref<!tpu.dma_semaphore, #tpu.memory_space<semaphore_mem>>, %arg17: memref<!tpu.dma_semaphore, #tpu.memory_space<semaphore_mem>>, %arg18: memref<!tpu.dma_semaphore, #tpu.memory_space<semaphore_mem>>, %arg19: memref<10016xf32, #tpu.memory_space<vmem>>) attributes {dimension_semantics = [#tpu.dimension_semantics<core_parallel>, #tpu.dimension_semantics<subcore_parallel>], iteration_bounds = array<i64: 2, 16>, scalar_prefetch = 0 : i64, scratch_operands = 11 : i64, tpu.core_type = #tpu.core_type<sc_vector_subcore>, window_params = [{transform_indices = #map}, {transform_indices = #map}, {transform_indices = #map}, {transform_indices = #map1}, {transform_indices = #map}, {transform_indices = #map}, {transform_indices = #map}]} {
    %mul3A = arith.constant 2 : i32
    %mul3A_0 = arith.muli %arg1, %mul3A : i32
    %add3A = arith.addi %mul3A_0, %arg0 : i32
    %mul3A_1 = arith.constant 624 : i32
    %mul3A_2 = arith.muli %arg1, %mul3A_1 : i32
    %multiple_of3A = tpu.assume_multiple %mul3A_2, 8 : i32
    %mul3A_3 = arith.constant 100 : i32
    %mul3A_4 = arith.muli %add3A, %mul3A_3 : i32
    "tpu.region"() ({
      %run_scoped3A = tpu.sem_alloc : memref<!tpu.dma_semaphore, #tpu.memory_space<semaphore_mem>>
      %dma_start3A_39 = arith.constant 0 : i32
      %dma_start3A_40 = tpu.memref_slice %arg3[%mul3A_4, %dma_start3A_39] : memref<3200x100xi32, #tpu.memory_space<hbm>> -> memref<100x100xi32, #tpu.memory_space<hbm>>
      %dma_start3A_41 = arith.constant 0 : i32
      %dma_start3A_42 = tpu.memref_slice %arg3[%mul3A_4, %dma_start3A_41] : memref<3200x100xi32, #tpu.memory_space<hbm>> -> memref<100x100xi32, #tpu.memory_space<hbm>>
      tpu.enqueue_dma source(%dma_start3A_42 : memref<100x100xi32, #tpu.memory_space<hbm>>) target(%arg11 : memref<100x100xi32, #tpu.memory_space<vmem>>) target_semaphore(%run_scoped3A : memref<!tpu.dma_semaphore, #tpu.memory_space<semaphore_mem>>)
      %dma_wait3A_43 = arith.constant 0 : i32
      %dma_wait3A_44 = tpu.memref_slice %arg3[%mul3A_4, %dma_wait3A_43] : memref<3200x100xi32, #tpu.memory_space<hbm>> -> memref<100x100xi32, #tpu.memory_space<hbm>>
      %dma_wait3A_45 = arith.constant 0 : i32
      %dma_wait3A_46 = tpu.memref_slice %arg3[%mul3A_4, %dma_wait3A_45] : memref<3200x100xi32, #tpu.memory_space<hbm>> -> memref<100x100xi32, #tpu.memory_space<hbm>>
      tpu.wait_dma2 semaphore(%run_scoped3A : memref<!tpu.dma_semaphore, #tpu.memory_space<semaphore_mem>>) src(%dma_wait3A_46 : memref<100x100xi32, #tpu.memory_space<hbm>>) dst(%arg11 : memref<100x100xi32, #tpu.memory_space<vmem>>)
      tpu.yield
    }) : () -> ()
    %mul3A_5 = arith.constant 100 : i32
    %mul3A_6 = arith.muli %add3A, %mul3A_5 : i32
    "tpu.region"() ({
      %run_scoped3A = tpu.sem_alloc : memref<!tpu.dma_semaphore, #tpu.memory_space<semaphore_mem>>
      %dma_start3A_39 = arith.constant 0 : i32
      %dma_start3A_40 = tpu.memref_slice %arg4[%mul3A_6, %dma_start3A_39] : memref<3200x100xi32, #tpu.memory_space<hbm>> -> memref<100x100xi32, #tpu.memory_space<hbm>>
      %dma_start3A_41 = arith.constant 0 : i32
      %dma_start3A_42 = tpu.memref_slice %arg4[%mul3A_6, %dma_start3A_41] : memref<3200x100xi32, #tpu.memory_space<hbm>> -> memref<100x100xi32, #tpu.memory_space<hbm>>
      tpu.enqueue_dma source(%dma_start3A_42 : memref<100x100xi32, #tpu.memory_space<hbm>>) target(%arg12 : memref<100x100xi32, #tpu.memory_space<vmem>>) target_semaphore(%run_scoped3A : memref<!tpu.dma_semaphore, #tpu.memory_space<semaphore_mem>>)
      %dma_wait3A_43 = arith.constant 0 : i32
      %dma_wait3A_44 = tpu.memref_slice %arg4[%mul3A_6, %dma_wait3A_43] : memref<3200x100xi32, #tpu.memory_space<hbm>> -> memref<100x100xi32, #tpu.memory_space<hbm>>
      %dma_wait3A_45 = arith.constant 0 : i32
      %dma_wait3A_46 = tpu.memref_slice %arg4[%mul3A_6, %dma_wait3A_45] : memref<3200x100xi32, #tpu.memory_space<hbm>> -> memref<100x100xi32, #tpu.memory_space<hbm>>
      tpu.wait_dma2 semaphore(%run_scoped3A : memref<!tpu.dma_semaphore, #tpu.memory_space<semaphore_mem>>) src(%dma_wait3A_46 : memref<100x100xi32, #tpu.memory_space<hbm>>) dst(%arg12 : memref<100x100xi32, #tpu.memory_space<vmem>>)
      tpu.yield
    }) : () -> ()
    %mul3A_7 = arith.constant 10000 : i32
    %mul3A_8 = arith.muli %add3A, %mul3A_7 : i32
    "tpu.region"() ({
      %run_scoped3A = tpu.sem_alloc : memref<!tpu.dma_semaphore, #tpu.memory_space<semaphore_mem>>
      %dma_start3A_39 = arith.constant 0 : i32
      %dma_start3A_40 = tpu.memref_slice %arg19[%dma_start3A_39] : memref<10016xf32, #tpu.memory_space<vmem>> -> memref<10000xf32, #tpu.memory_space<vmem>>
      %dma_start3A_41 = tpu.memref_slice %arg5[%mul3A_8] : memref<320000xf32, #tpu.memory_space<hbm>> -> memref<10000xf32, #tpu.memory_space<hbm>>
      %dma_start3A_42 = arith.constant 0 : i32
      %dma_start3A_43 = tpu.memref_slice %arg19[%dma_start3A_42] : memref<10016xf32, #tpu.memory_space<vmem>> -> memref<10000xf32, #tpu.memory_space<vmem>>
      %dma_start3A_44 = tpu.memref_slice %arg5[%mul3A_8] : memref<320000xf32, #tpu.memory_space<hbm>> -> memref<10000xf32, #tpu.memory_space<hbm>>
      tpu.enqueue_dma source(%dma_start3A_44 : memref<10000xf32, #tpu.memory_space<hbm>>) target(%dma_start3A_43 : memref<10000xf32, #tpu.memory_space<vmem>>) target_semaphore(%run_scoped3A : memref<!tpu.dma_semaphore, #tpu.memory_space<semaphore_mem>>)
      %dma_wait3A_45 = arith.constant 0 : i32
      %dma_wait3A_46 = tpu.memref_slice %arg19[%dma_wait3A_45] : memref<10016xf32, #tpu.memory_space<vmem>> -> memref<10000xf32, #tpu.memory_space<vmem>>
      %dma_wait3A_47 = tpu.memref_slice %arg5[%mul3A_8] : memref<320000xf32, #tpu.memory_space<hbm>> -> memref<10000xf32, #tpu.memory_space<hbm>>
      %dma_wait3A_48 = arith.constant 0 : i32
      %dma_wait3A_49 = tpu.memref_slice %arg19[%dma_wait3A_48] : memref<10016xf32, #tpu.memory_space<vmem>> -> memref<10000xf32, #tpu.memory_space<vmem>>
      %dma_wait3A_50 = tpu.memref_slice %arg5[%mul3A_8] : memref<320000xf32, #tpu.memory_space<hbm>> -> memref<10000xf32, #tpu.memory_space<hbm>>
      tpu.wait_dma2 semaphore(%run_scoped3A : memref<!tpu.dma_semaphore, #tpu.memory_space<semaphore_mem>>) src(%dma_wait3A_50 : memref<10000xf32, #tpu.memory_space<hbm>>) dst(%dma_wait3A_49 : memref<10000xf32, #tpu.memory_space<vmem>>)
      tpu.yield
    }) : () -> ()
    "tpu.region"() ({
      %run_scoped3A = tpu.sem_alloc : memref<!tpu.dma_semaphore, #tpu.memory_space<semaphore_mem>>
      %dma_start3A_39 = arith.constant 0 : i32
      %dma_start3A_40 = tpu.memref_slice %arg9[%multiple_of3A, %dma_start3A_39] : memref<10000x64xf32, #tpu.memory_space<vmem_shared>> -> memref<624x64xf32, #tpu.memory_space<vmem_shared>>
      %dma_start3A_41 = arith.constant 0 : i32
      %dma_start3A_42 = tpu.memref_slice %arg6[%multiple_of3A, %dma_start3A_41] : memref<10000x64xf32, #tpu.memory_space<hbm>> -> memref<624x64xf32, #tpu.memory_space<hbm>>
      tpu.enqueue_dma source(%dma_start3A_42 : memref<624x64xf32, #tpu.memory_space<hbm>>) target(%dma_start3A_40 : memref<624x64xf32, #tpu.memory_space<vmem_shared>>) target_semaphore(%run_scoped3A : memref<!tpu.dma_semaphore, #tpu.memory_space<semaphore_mem>>)
      %dma_wait3A_43 = arith.constant 0 : i32
      %dma_wait3A_44 = tpu.memref_slice %arg9[%multiple_of3A, %dma_wait3A_43] : memref<10000x64xf32, #tpu.memory_space<vmem_shared>> -> memref<624x64xf32, #tpu.memory_space<vmem_shared>>
      %dma_wait3A_45 = arith.constant 0 : i32
      %dma_wait3A_46 = tpu.memref_slice %arg6[%multiple_of3A, %dma_wait3A_45] : memref<10000x64xf32, #tpu.memory_space<hbm>> -> memref<624x64xf32, #tpu.memory_space<hbm>>
      tpu.wait_dma2 semaphore(%run_scoped3A : memref<!tpu.dma_semaphore, #tpu.memory_space<semaphore_mem>>) src(%dma_wait3A_46 : memref<624x64xf32, #tpu.memory_space<hbm>>) dst(%dma_wait3A_44 : memref<624x64xf32, #tpu.memory_space<vmem_shared>>)
      tpu.yield
    }) : () -> ()
    "tpu.region"() ({
      %run_scoped3A = tpu.sem_alloc : memref<!tpu.dma_semaphore, #tpu.memory_space<semaphore_mem>>
      %dma_start3A_39 = arith.constant 0 : i32
      %dma_start3A_40 = tpu.memref_slice %arg10[%multiple_of3A, %dma_start3A_39] : memref<10000x64xf32, #tpu.memory_space<vmem_shared>> -> memref<624x64xf32, #tpu.memory_space<vmem_shared>>
      %dma_start3A_41 = arith.constant 0 : i32
      %dma_start3A_42 = tpu.memref_slice %arg2[%multiple_of3A, %dma_start3A_41] : memref<10000x64xf32, #tpu.memory_space<hbm>> -> memref<624x64xf32, #tpu.memory_space<hbm>>
      tpu.enqueue_dma source(%dma_start3A_42 : memref<624x64xf32, #tpu.memory_space<hbm>>) target(%dma_start3A_40 : memref<624x64xf32, #tpu.memory_space<vmem_shared>>) target_semaphore(%run_scoped3A : memref<!tpu.dma_semaphore, #tpu.memory_space<semaphore_mem>>)
      %dma_wait3A_43 = arith.constant 0 : i32
      %dma_wait3A_44 = tpu.memref_slice %arg10[%multiple_of3A, %dma_wait3A_43] : memref<10000x64xf32, #tpu.memory_space<vmem_shared>> -> memref<624x64xf32, #tpu.memory_space<vmem_shared>>
      %dma_wait3A_45 = arith.constant 0 : i32
      %dma_wait3A_46 = tpu.memref_slice %arg2[%multiple_of3A, %dma_wait3A_45] : memref<10000x64xf32, #tpu.memory_space<hbm>> -> memref<624x64xf32, #tpu.memory_space<hbm>>
      tpu.wait_dma2 semaphore(%run_scoped3A : memref<!tpu.dma_semaphore, #tpu.memory_space<semaphore_mem>>) src(%dma_wait3A_46 : memref<624x64xf32, #tpu.memory_space<hbm>>) dst(%dma_wait3A_44 : memref<624x64xf32, #tpu.memory_space<vmem_shared>>)
      tpu.yield
    }) : () -> ()
    %eq3A = arith.constant 15 : i32
    %eq3A_9 = arith.cmpi eq, %arg1, %eq3A : i32
    %convert_element_type3A = arith.extui %eq3A_9 : i1 to i32
    %cond3A = arith.constant 0 : i32
    %cond3A_10 = arith.cmpi ne, %convert_element_type3A, %cond3A : i32
    scf.if %cond3A_10 {
      "tpu.region"() ({
        %run_scoped3A = tpu.sem_alloc : memref<!tpu.dma_semaphore, #tpu.memory_space<semaphore_mem>>
        %dma_start3A_39 = arith.constant 9984 : i32
        %dma_start3A_40 = arith.constant 0 : i32
        %dma_start3A_41 = tpu.memref_slice %arg9[%dma_start3A_39, %dma_start3A_40] : memref<10000x64xf32, #tpu.memory_space<vmem_shared>> -> memref<16x64xf32, #tpu.memory_space<vmem_shared>>
        %dma_start3A_42 = arith.constant 9984 : i32
        %dma_start3A_43 = arith.constant 0 : i32
        %dma_start3A_44 = tpu.memref_slice %arg6[%dma_start3A_42, %dma_start3A_43] : memref<10000x64xf32, #tpu.memory_space<hbm>> -> memref<16x64xf32, #tpu.memory_space<hbm>>
        tpu.enqueue_dma source(%dma_start3A_44 : memref<16x64xf32, #tpu.memory_space<hbm>>) target(%dma_start3A_41 : memref<16x64xf32, #tpu.memory_space<vmem_shared>>) target_semaphore(%run_scoped3A : memref<!tpu.dma_semaphore, #tpu.memory_space<semaphore_mem>>)
        %dma_wait3A_45 = arith.constant 9984 : i32
        %dma_wait3A_46 = arith.constant 0 : i32
        %dma_wait3A_47 = tpu.memref_slice %arg9[%dma_wait3A_45, %dma_wait3A_46] : memref<10000x64xf32, #tpu.memory_space<vmem_shared>> -> memref<16x64xf32, #tpu.memory_space<vmem_shared>>
        %dma_wait3A_48 = arith.constant 9984 : i32
        %dma_wait3A_49 = arith.constant 0 : i32
        %dma_wait3A_50 = tpu.memref_slice %arg6[%dma_wait3A_48, %dma_wait3A_49] : memref<10000x64xf32, #tpu.memory_space<hbm>> -> memref<16x64xf32, #tpu.memory_space<hbm>>
        tpu.wait_dma2 semaphore(%run_scoped3A : memref<!tpu.dma_semaphore, #tpu.memory_space<semaphore_mem>>) src(%dma_wait3A_50 : memref<16x64xf32, #tpu.memory_space<hbm>>) dst(%dma_wait3A_47 : memref<16x64xf32, #tpu.memory_space<vmem_shared>>)
        tpu.yield
      }) : () -> ()
      "tpu.region"() ({
        %run_scoped3A = tpu.sem_alloc : memref<!tpu.dma_semaphore, #tpu.memory_space<semaphore_mem>>
        %dma_start3A_39 = arith.constant 9984 : i32
        %dma_start3A_40 = arith.constant 0 : i32
        %dma_start3A_41 = tpu.memref_slice %arg10[%dma_start3A_39, %dma_start3A_40] : memref<10000x64xf32, #tpu.memory_space<vmem_shared>> -> memref<16x64xf32, #tpu.memory_space<vmem_shared>>
        %dma_start3A_42 = arith.constant 9984 : i32
        %dma_start3A_43 = arith.constant 0 : i32
        %dma_start3A_44 = tpu.memref_slice %arg2[%dma_start3A_42, %dma_start3A_43] : memref<10000x64xf32, #tpu.memory_space<hbm>> -> memref<16x64xf32, #tpu.memory_space<hbm>>
        tpu.enqueue_dma source(%dma_start3A_44 : memref<16x64xf32, #tpu.memory_space<hbm>>) target(%dma_start3A_41 : memref<16x64xf32, #tpu.memory_space<vmem_shared>>) target_semaphore(%run_scoped3A : memref<!tpu.dma_semaphore, #tpu.memory_space<semaphore_mem>>)
        %dma_wait3A_45 = arith.constant 9984 : i32
        %dma_wait3A_46 = arith.constant 0 : i32
        %dma_wait3A_47 = tpu.memref_slice %arg10[%dma_wait3A_45, %dma_wait3A_46] : memref<10000x64xf32, #tpu.memory_space<vmem_shared>> -> memref<16x64xf32, #tpu.memory_space<vmem_shared>>
        %dma_wait3A_48 = arith.constant 9984 : i32
        %dma_wait3A_49 = arith.constant 0 : i32
        %dma_wait3A_50 = tpu.memref_slice %arg2[%dma_wait3A_48, %dma_wait3A_49] : memref<10000x64xf32, #tpu.memory_space<hbm>> -> memref<16x64xf32, #tpu.memory_space<hbm>>
        tpu.wait_dma2 semaphore(%run_scoped3A : memref<!tpu.dma_semaphore, #tpu.memory_space<semaphore_mem>>) src(%dma_wait3A_50 : memref<16x64xf32, #tpu.memory_space<hbm>>) dst(%dma_wait3A_47 : memref<16x64xf32, #tpu.memory_space<vmem_shared>>)
        tpu.yield
      }) : () -> ()
    } else {
    }
    %barrier3A = arith.constant 0 : index
    tpu.barrier barrier_id(%barrier3A)
    %dma_start3A = arith.constant 0 : i32
    %dma_start3A_11 = arith.constant 0 : i32
    %dma_start3A_12 = tpu.memref_slice %arg11[%dma_start3A, %dma_start3A_11] : memref<100x100xi32, #tpu.memory_space<vmem>> -> memref<1x100xi32, #tpu.memory_space<vmem>>
    %dma_start3A_13 = tpu.memref_squeeze %dma_start3A_12 : memref<1x100xi32, #tpu.memory_space<vmem>> -> memref<100xi32, #tpu.memory_space<vmem>>
    %dma_start3A_14 = arith.constant 0 : i32
    %dma_start3A_15 = arith.constant 0 : i32
    %dma_start3A_16 = tpu.memref_slice %arg10[%dma_start3A_14, %dma_start3A_15] : memref<10000x64xf32, #tpu.memory_space<vmem_shared>> -> memref<10000x64xf32, #tpu.memory_space<vmem_shared>>
    tpu.enqueue_indirect_dma source(%dma_start3A_16 : memref<10000x64xf32, #tpu.memory_space<vmem_shared>>) target(%arg13 : memref<100x64xf32, #tpu.memory_space<vmem>>) offsets(%dma_start3A_13 : memref<100xi32, #tpu.memory_space<vmem>>) semaphore(%arg15 : memref<!tpu.dma_semaphore, #tpu.memory_space<semaphore_mem>>)
    %scan3A = arith.constant 0 : i32
    %scan3A_17 = arith.constant 0 : i32
    %scan3A_18 = arith.constant 50 : i32
    %scan3A_19 = arith.addi %scan3A_17, %scan3A_18 : i32
    %scan3A_20 = arith.constant 1 : i32
    scf.for %scan3A_39 = %scan3A_17 to %scan3A_19 step %scan3A_20  : i32 {
      %mul3A_40 = arith.constant 2 : i32
      %mul3A_41 = arith.muli %mul3A_40, %scan3A_39 : i32
      %add3A_42 = arith.constant 0 : i32
      %add3A_43 = arith.addi %mul3A_41, %add3A_42 : i32
      %dma_wait3A_44 = arith.constant 0 : i32
      %dma_wait3A_45 = tpu.memref_slice %arg11[%add3A_43, %dma_wait3A_44] : memref<100x100xi32, #tpu.memory_space<vmem>> -> memref<1x100xi32, #tpu.memory_space<vmem>>
      %dma_wait3A_46 = tpu.memref_squeeze %dma_wait3A_45 : memref<1x100xi32, #tpu.memory_space<vmem>> -> memref<100xi32, #tpu.memory_space<vmem>>
      %dma_wait3A_47 = arith.constant 0 : i32
      %dma_wait3A_48 = arith.constant 0 : i32
      %dma_wait3A_49 = tpu.memref_slice %arg10[%dma_wait3A_47, %dma_wait3A_48] : memref<10000x64xf32, #tpu.memory_space<vmem_shared>> -> memref<10000x64xf32, #tpu.memory_space<vmem_shared>>
      tpu.wait_indirect_dma semaphore(%arg15 : memref<!tpu.dma_semaphore, #tpu.memory_space<semaphore_mem>>) src(%dma_wait3A_49 : memref<10000x64xf32, #tpu.memory_space<vmem_shared>>) dst(%arg13 : memref<100x64xf32, #tpu.memory_space<vmem>>)
      %ge3A = arith.constant 1 : i32
      %ge3A_50 = arith.cmpi sge, %scan3A_39, %ge3A : i32
      %convert_element_type3A_51 = arith.extui %ge3A_50 : i1 to i32
      %cond3A_52 = arith.constant 0 : i32
      %cond3A_53 = arith.cmpi ne, %convert_element_type3A_51, %cond3A_52 : i32
      scf.if %cond3A_53 {
        %sub3A_107 = arith.constant 1 : i32
        %sub3A_108 = arith.subi %add3A_43, %sub3A_107 : i32
        %dma_wait3A_109 = arith.constant 0 : i32
        %dma_wait3A_110 = tpu.memref_slice %arg12[%sub3A_108, %dma_wait3A_109] : memref<100x100xi32, #tpu.memory_space<vmem>> -> memref<1x100xi32, #tpu.memory_space<vmem>>
        %dma_wait3A_111 = tpu.memref_squeeze %dma_wait3A_110 : memref<1x100xi32, #tpu.memory_space<vmem>> -> memref<100xi32, #tpu.memory_space<vmem>>
        %dma_wait3A_112 = arith.constant 0 : i32
        %dma_wait3A_113 = arith.constant 0 : i32
        %dma_wait3A_114 = tpu.memref_slice %arg9[%dma_wait3A_112, %dma_wait3A_113] : memref<10000x64xf32, #tpu.memory_space<vmem_shared>> -> memref<10000x64xf32, #tpu.memory_space<vmem_shared>>
        tpu.wait_indirect_dma semaphore(%arg18 : memref<!tpu.dma_semaphore, #tpu.memory_space<semaphore_mem>>) src(%arg14 : memref<100x64xf32, #tpu.memory_space<vmem>>) dst(%dma_wait3A_114 : memref<10000x64xf32, #tpu.memory_space<vmem_shared>>)
      } else {
      }
      %add3A_54 = arith.constant 1 : i32
      %add3A_55 = arith.addi %add3A_43, %add3A_54 : i32
      %dma_start3A_56 = arith.constant 0 : i32
      %dma_start3A_57 = tpu.memref_slice %arg11[%add3A_55, %dma_start3A_56] : memref<100x100xi32, #tpu.memory_space<vmem>> -> memref<1x100xi32, #tpu.memory_space<vmem>>
      %dma_start3A_58 = tpu.memref_squeeze %dma_start3A_57 : memref<1x100xi32, #tpu.memory_space<vmem>> -> memref<100xi32, #tpu.memory_space<vmem>>
      %dma_start3A_59 = arith.constant 0 : i32
      %dma_start3A_60 = arith.constant 0 : i32
      %dma_start3A_61 = tpu.memref_slice %arg10[%dma_start3A_59, %dma_start3A_60] : memref<10000x64xf32, #tpu.memory_space<vmem_shared>> -> memref<10000x64xf32, #tpu.memory_space<vmem_shared>>
      tpu.enqueue_indirect_dma source(%dma_start3A_61 : memref<10000x64xf32, #tpu.memory_space<vmem_shared>>) target(%arg14 : memref<100x64xf32, #tpu.memory_space<vmem>>) offsets(%dma_start3A_58 : memref<100xi32, #tpu.memory_space<vmem>>) semaphore(%arg16 : memref<!tpu.dma_semaphore, #tpu.memory_space<semaphore_mem>>)
      %scan3A_62 = arith.constant 0 : i32
      %scan3A_63 = arith.constant 0 : i32
      %scan3A_64 = arith.constant 10 : i32
      %scan3A_65 = arith.addi %scan3A_63, %scan3A_64 : i32
      %scan3A_66 = arith.constant 1 : i32
      scf.for %scan3A_107 = %scan3A_63 to %scan3A_65 step %scan3A_66  : i32 {
        %mul3A_108 = arith.constant 100 : i32
        %mul3A_109 = arith.muli %add3A_43, %mul3A_108 : i32
        %mul3A_110 = arith.constant 10 : i32
        %mul3A_111 = arith.muli %scan3A_107, %mul3A_110 : i32
        %add3A_112 = arith.addi %mul3A_109, %mul3A_111 : i32
        %get3A = arith.index_cast %add3A_112 : i32 to index
        %get3A_113 = tpu.vector_load %arg19[%get3A] {strides = array<i32>} : memref<10016xf32, #tpu.memory_space<vmem>>, vector<16xf32>,
        %get3A_114 = vector.shape_cast %get3A_113 : vector<16xf32> to vector<16xf32>
        %slice3A = vector.extract_strided_slice %get3A_114 {offsets = [0], sizes = [1], strides = [1]} : vector<16xf32> to vector<1xf32>
        %squeeze3A = vector.extract %slice3A[0] : f32 from vector<1xf32>
        %mul3A_115 = arith.constant 10 : i32
        %mul3A_116 = arith.muli %scan3A_107, %mul3A_115 : i32
        %add3A_117 = arith.constant 0 : i32
        %add3A_118 = arith.addi %mul3A_116, %add3A_117 : i32
        %get3A_119 = arith.index_cast %add3A_118 : i32 to index
        %get3A_120 = arith.constant 0 : index
        %get3A_121 = tpu.vector_load %arg13[%get3A_119, %get3A_120] {strides = array<i32>} : memref<100x64xf32, #tpu.memory_space<vmem>>, vector<1x16xf32>,
        %get3A_122 = vector.shape_cast %get3A_121 : vector<1x16xf32> to vector<16xf32>
        %mul3A_123 = vector.broadcast %squeeze3A : f32 to vector<16xf32>
        %mul3A_124 = arith.mulf %get3A_122, %mul3A_123 : vector<16xf32>
        %mul3A_125 = arith.constant 10 : i32
        %mul3A_126 = arith.muli %scan3A_107, %mul3A_125 : i32
        %add3A_127 = arith.constant 0 : i32
        %add3A_128 = arith.addi %mul3A_126, %add3A_127 : i32
        %swap3A = arith.index_cast %add3A_128 : i32 to index
        %swap3A_129 = arith.constant 0 : index
        %swap3A_130 = tpu.vector_load %arg13[%swap3A, %swap3A_129] {strides = array<i32>} : memref<100x64xf32, #tpu.memory_space<vmem>>, vector<1x16xf32>,
        %swap3A_131 = vector.shape_cast %swap3A_130 : vector<1x16xf32> to vector<16xf32>
        %swap3A_132 = vector.shape_cast %mul3A_124 : vector<16xf32> to vector<1x16xf32>
        tpu.vector_store %arg13[%swap3A, %swap3A_129], %swap3A_132 {strides = array<i32>} : memref<100x64xf32, #tpu.memory_space<vmem>>, vector<1x16xf32>,
        %mul3A_133 = arith.constant 10 : i32
        %mul3A_134 = arith.muli %scan3A_107, %mul3A_133 : i32
        %add3A_135 = arith.constant 0 : i32
        %add3A_136 = arith.addi %mul3A_134, %add3A_135 : i32
        %get3A_137 = arith.index_cast %add3A_136 : i32 to index
        %get3A_138 = arith.constant 16 : index
        %get3A_139 = tpu.vector_load %arg13[%get3A_137, %get3A_138] {strides = array<i32>} : memref<100x64xf32, #tpu.memory_space<vmem>>, vector<1x16xf32>,
        %get3A_140 = vector.shape_cast %get3A_139 : vector<1x16xf32> to vector<16xf32>
        %mul3A_141 = vector.broadcast %squeeze3A : f32 to vector<16xf32>
        %mul3A_142 = arith.mulf %get3A_140, %mul3A_141 : vector<16xf32>
        %mul3A_143 = arith.constant 10 : i32
        %mul3A_144 = arith.muli %scan3A_107, %mul3A_143 : i32
        %add3A_145 = arith.constant 0 : i32
        %add3A_146 = arith.addi %mul3A_144, %add3A_145 : i32
        %swap3A_147 = arith.index_cast %add3A_146 : i32 to index
        %swap3A_148 = arith.constant 16 : index
        %swap3A_149 = tpu.vector_load %arg13[%swap3A_147, %swap3A_148] {strides = array<i32>} : memref<100x64xf32, #tpu.memory_space<vmem>>, vector<1x16xf32>,
        %swap3A_150 = vector.shape_cast %swap3A_149 : vector<1x16xf32> to vector<16xf32>
        %swap3A_151 = vector.shape_cast %mul3A_142 : vector<16xf32> to vector<1x16xf32>
        tpu.vector_store %arg13[%swap3A_147, %swap3A_148], %swap3A_151 {strides = array<i32>} : memref<100x64xf32, #tpu.memory_space<vmem>>, vector<1x16xf32>,
        %mul3A_152 = arith.constant 10 : i32
        %mul3A_153 = arith.muli %scan3A_107, %mul3A_152 : i32
        %add3A_154 = arith.constant 0 : i32
        %add3A_155 = arith.addi %mul3A_153, %add3A_154 : i32
        %get3A_156 = arith.index_cast %add3A_155 : i32 to index
        %get3A_157 = arith.constant 32 : index
        %get3A_158 = tpu.vector_load %arg13[%get3A_156, %get3A_157] {strides = array<i32>} : memref<100x64xf32, #tpu.memory_space<vmem>>, vector<1x16xf32>,
        %get3A_159 = vector.shape_cast %get3A_158 : vector<1x16xf32> to vector<16xf32>
        %mul3A_160 = vector.broadcast %squeeze3A : f32 to vector<16xf32>
        %mul3A_161 = arith.mulf %get3A_159, %mul3A_160 : vector<16xf32>
        %mul3A_162 = arith.constant 10 : i32
        %mul3A_163 = arith.muli %scan3A_107, %mul3A_162 : i32
        %add3A_164 = arith.constant 0 : i32
        %add3A_165 = arith.addi %mul3A_163, %add3A_164 : i32
        %swap3A_166 = arith.index_cast %add3A_165 : i32 to index
        %swap3A_167 = arith.constant 32 : index
        %swap3A_168 = tpu.vector_load %arg13[%swap3A_166, %swap3A_167] {strides = array<i32>} : memref<100x64xf32, #tpu.memory_space<vmem>>, vector<1x16xf32>,
        %swap3A_169 = vector.shape_cast %swap3A_168 : vector<1x16xf32> to vector<16xf32>
        %swap3A_170 = vector.shape_cast %mul3A_161 : vector<16xf32> to vector<1x16xf32>
        tpu.vector_store %arg13[%swap3A_166, %swap3A_167], %swap3A_170 {strides = array<i32>} : memref<100x64xf32, #tpu.memory_space<vmem>>, vector<1x16xf32>,
        %mul3A_171 = arith.constant 10 : i32
        %mul3A_172 = arith.muli %scan3A_107, %mul3A_171 : i32
        %add3A_173 = arith.constant 0 : i32
        %add3A_174 = arith.addi %mul3A_172, %add3A_173 : i32
        %get3A_175 = arith.index_cast %add3A_174 : i32 to index
        %get3A_176 = arith.constant 48 : index
        %get3A_177 = tpu.vector_load %arg13[%get3A_175, %get3A_176] {strides = array<i32>} : memref<100x64xf32, #tpu.memory_space<vmem>>, vector<1x16xf32>,
        %get3A_178 = vector.shape_cast %get3A_177 : vector<1x16xf32> to vector<16xf32>
        %mul3A_179 = vector.broadcast %squeeze3A : f32 to vector<16xf32>
        %mul3A_180 = arith.mulf %get3A_178, %mul3A_179 : vector<16xf32>
        %mul3A_181 = arith.constant 10 : i32
        %mul3A_182 = arith.muli %scan3A_107, %mul3A_181 : i32
        %add3A_183 = arith.constant 0 : i32
        %add3A_184 = arith.addi %mul3A_182, %add3A_183 : i32
        %swap3A_185 = arith.index_cast %add3A_184 : i32 to index
        %swap3A_186 = arith.constant 48 : index
        %swap3A_187 = tpu.vector_load %arg13[%swap3A_185, %swap3A_186] {strides = array<i32>} : memref<100x64xf32, #tpu.memory_space<vmem>>, vector<1x16xf32>,
        %swap3A_188 = vector.shape_cast %swap3A_187 : vector<1x16xf32> to vector<16xf32>
        %swap3A_189 = vector.shape_cast %mul3A_180 : vector<16xf32> to vector<1x16xf32>
        tpu.vector_store %arg13[%swap3A_185, %swap3A_186], %swap3A_189 {strides = array<i32>} : memref<100x64xf32, #tpu.memory_space<vmem>>, vector<1x16xf32>,
        %slice3A_190 = vector.extract_strided_slice %get3A_114 {offsets = [1], sizes = [1], strides = [1]} : vector<16xf32> to vector<1xf32>
        %squeeze3A_191 = vector.extract %slice3A_190[0] : f32 from vector<1xf32>
        %mul3A_192 = arith.constant 10 : i32
        %mul3A_193 = arith.muli %scan3A_107, %mul3A_192 : i32
        %add3A_194 = arith.constant 1 : i32
        %add3A_195 = arith.addi %mul3A_193, %add3A_194 : i32
        %get3A_196 = arith.index_cast %add3A_195 : i32 to index
        %get3A_197 = arith.constant 0 : index
        %get3A_198 = tpu.vector_load %arg13[%get3A_196, %get3A_197] {strides = array<i32>} : memref<100x64xf32, #tpu.memory_space<vmem>>, vector<1x16xf32>,
        %get3A_199 = vector.shape_cast %get3A_198 : vector<1x16xf32> to vector<16xf32>
        %mul3A_200 = vector.broadcast %squeeze3A_191 : f32 to vector<16xf32>
        %mul3A_201 = arith.mulf %get3A_199, %mul3A_200 : vector<16xf32>
        %mul3A_202 = arith.constant 10 : i32
        %mul3A_203 = arith.muli %scan3A_107, %mul3A_202 : i32
        %add3A_204 = arith.constant 1 : i32
        %add3A_205 = arith.addi %mul3A_203, %add3A_204 : i32
        %swap3A_206 = arith.index_cast %add3A_205 : i32 to index
        %swap3A_207 = arith.constant 0 : index
        %swap3A_208 = tpu.vector_load %arg13[%swap3A_206, %swap3A_207] {strides = array<i32>} : memref<100x64xf32, #tpu.memory_space<vmem>>, vector<1x16xf32>,
        %swap3A_209 = vector.shape_cast %swap3A_208 : vector<1x16xf32> to vector<16xf32>
        %swap3A_210 = vector.shape_cast %mul3A_201 : vector<16xf32> to vector<1x16xf32>
        tpu.vector_store %arg13[%swap3A_206, %swap3A_207], %swap3A_210 {strides = array<i32>} : memref<100x64xf32, #tpu.memory_space<vmem>>, vector<1x16xf32>,
        %mul3A_211 = arith.constant 10 : i32
        %mul3A_212 = arith.muli %scan3A_107, %mul3A_211 : i32
        %add3A_213 = arith.constant 1 : i32
        %add3A_214 = arith.addi %mul3A_212, %add3A_213 : i32
        %get3A_215 = arith.index_cast %add3A_214 : i32 to index
        %get3A_216 = arith.constant 16 : index
        %get3A_217 = tpu.vector_load %arg13[%get3A_215, %get3A_216] {strides = array<i32>} : memref<100x64xf32, #tpu.memory_space<vmem>>, vector<1x16xf32>,
        %get3A_218 = vector.shape_cast %get3A_217 : vector<1x16xf32> to vector<16xf32>
        %mul3A_219 = vector.broadcast %squeeze3A_191 : f32 to vector<16xf32>
        %mul3A_220 = arith.mulf %get3A_218, %mul3A_219 : vector<16xf32>
        %mul3A_221 = arith.constant 10 : i32
        %mul3A_222 = arith.muli %scan3A_107, %mul3A_221 : i32
        %add3A_223 = arith.constant 1 : i32
        %add3A_224 = arith.addi %mul3A_222, %add3A_223 : i32
        %swap3A_225 = arith.index_cast %add3A_224 : i32 to index
        %swap3A_226 = arith.constant 16 : index
        %swap3A_227 = tpu.vector_load %arg13[%swap3A_225, %swap3A_226] {strides = array<i32>} : memref<100x64xf32, #tpu.memory_space<vmem>>, vector<1x16xf32>,
        %swap3A_228 = vector.shape_cast %swap3A_227 : vector<1x16xf32> to vector<16xf32>
        %swap3A_229 = vector.shape_cast %mul3A_220 : vector<16xf32> to vector<1x16xf32>
        tpu.vector_store %arg13[%swap3A_225, %swap3A_226], %swap3A_229 {strides = array<i32>} : memref<100x64xf32, #tpu.memory_space<vmem>>, vector<1x16xf32>,
        %mul3A_230 = arith.constant 10 : i32
        %mul3A_231 = arith.muli %scan3A_107, %mul3A_230 : i32
        %add3A_232 = arith.constant 1 : i32
        %add3A_233 = arith.addi %mul3A_231, %add3A_232 : i32
        %get3A_234 = arith.index_cast %add3A_233 : i32 to index
        %get3A_235 = arith.constant 32 : index
        %get3A_236 = tpu.vector_load %arg13[%get3A_234, %get3A_235] {strides = array<i32>} : memref<100x64xf32, #tpu.memory_space<vmem>>, vector<1x16xf32>,
        %get3A_237 = vector.shape_cast %get3A_236 : vector<1x16xf32> to vector<16xf32>
        %mul3A_238 = vector.broadcast %squeeze3A_191 : f32 to vector<16xf32>
        %mul3A_239 = arith.mulf %get3A_237, %mul3A_238 : vector<16xf32>
        %mul3A_240 = arith.constant 10 : i32
        %mul3A_241 = arith.muli %scan3A_107, %mul3A_240 : i32
        %add3A_242 = arith.constant 1 : i32
        %add3A_243 = arith.addi %mul3A_241, %add3A_242 : i32
        %swap3A_244 = arith.index_cast %add3A_243 : i32 to index
        %swap3A_245 = arith.constant 32 : index
        %swap3A_246 = tpu.vector_load %arg13[%swap3A_244, %swap3A_245] {strides = array<i32>} : memref<100x64xf32, #tpu.memory_space<vmem>>, vector<1x16xf32>,
        %swap3A_247 = vector.shape_cast %swap3A_246 : vector<1x16xf32> to vector<16xf32>
        %swap3A_248 = vector.shape_cast %mul3A_239 : vector<16xf32> to vector<1x16xf32>
        tpu.vector_store %arg13[%swap3A_244, %swap3A_245], %swap3A_248 {strides = array<i32>} : memref<100x64xf32, #tpu.memory_space<vmem>>, vector<1x16xf32>,
        %mul3A_249 = arith.constant 10 : i32
        %mul3A_250 = arith.muli %scan3A_107, %mul3A_249 : i32
        %add3A_251 = arith.constant 1 : i32
        %add3A_252 = arith.addi %mul3A_250, %add3A_251 : i32
        %get3A_253 = arith.index_cast %add3A_252 : i32 to index
        %get3A_254 = arith.constant 48 : index
        %get3A_255 = tpu.vector_load %arg13[%get3A_253, %get3A_254] {strides = array<i32>} : memref<100x64xf32, #tpu.memory_space<vmem>>, vector<1x16xf32>,
        %get3A_256 = vector.shape_cast %get3A_255 : vector<1x16xf32> to vector<16xf32>
        %mul3A_257 = vector.broadcast %squeeze3A_191 : f32 to vector<16xf32>
        %mul3A_258 = arith.mulf %get3A_256, %mul3A_257 : vector<16xf32>
        %mul3A_259 = arith.constant 10 : i32
        %mul3A_260 = arith.muli %scan3A_107, %mul3A_259 : i32
        %add3A_261 = arith.constant 1 : i32
        %add3A_262 = arith.addi %mul3A_260, %add3A_261 : i32
        %swap3A_263 = arith.index_cast %add3A_262 : i32 to index
        %swap3A_264 = arith.constant 48 : index
        %swap3A_265 = tpu.vector_load %arg13[%swap3A_263, %swap3A_264] {strides = array<i32>} : memref<100x64xf32, #tpu.memory_space<vmem>>, vector<1x16xf32>,
        %swap3A_266 = vector.shape_cast %swap3A_265 : vector<1x16xf32> to vector<16xf32>
        %swap3A_267 = vector.shape_cast %mul3A_258 : vector<16xf32> to vector<1x16xf32>
        tpu.vector_store %arg13[%swap3A_263, %swap3A_264], %swap3A_267 {strides = array<i32>} : memref<100x64xf32, #tpu.memory_space<vmem>>, vector<1x16xf32>,
        %slice3A_268 = vector.extract_strided_slice %get3A_114 {offsets = [2], sizes = [1], strides = [1]} : vector<16xf32> to vector<1xf32>
        %squeeze3A_269 = vector.extract %slice3A_268[0] : f32 from vector<1xf32>
        %mul3A_270 = arith.constant 10 : i32
        %mul3A_271 = arith.muli %scan3A_107, %mul3A_270 : i32
        %add3A_272 = arith.constant 2 : i32
        %add3A_273 = arith.addi %mul3A_271, %add3A_272 : i32
        %get3A_274 = arith.index_cast %add3A_273 : i32 to index
        %get3A_275 = arith.constant 0 : index
        %get3A_276 = tpu.vector_load %arg13[%get3A_274, %get3A_275] {strides = array<i32>} : memref<100x64xf32, #tpu.memory_space<vmem>>, vector<1x16xf32>,
        %get3A_277 = vector.shape_cast %get3A_276 : vector<1x16xf32> to vector<16xf32>
        %mul3A_278 = vector.broadcast %squeeze3A_269 : f32 to vector<16xf32>
        %mul3A_279 = arith.mulf %get3A_277, %mul3A_278 : vector<16xf32>
        %mul3A_280 = arith.constant 10 : i32
        %mul3A_281 = arith.muli %scan3A_107, %mul3A_280 : i32
        %add3A_282 = arith.constant 2 : i32
        %add3A_283 = arith.addi %mul3A_281, %add3A_282 : i32
        %swap3A_284 = arith.index_cast %add3A_283 : i32 to index
        %swap3A_285 = arith.constant 0 : index
        %swap3A_286 = tpu.vector_load %arg13[%swap3A_284, %swap3A_285] {strides = array<i32>} : memref<100x64xf32, #tpu.memory_space<vmem>>, vector<1x16xf32>,
        %swap3A_287 = vector.shape_cast %swap3A_286 : vector<1x16xf32> to vector<16xf32>
        %swap3A_288 = vector.shape_cast %mul3A_279 : vector<16xf32> to vector<1x16xf32>
        tpu.vector_store %arg13[%swap3A_284, %swap3A_285], %swap3A_288 {strides = array<i32>} : memref<100x64xf32, #tpu.memory_space<vmem>>, vector<1x16xf32>,
        %mul3A_289 = arith.constant 10 : i32
        %mul3A_290 = arith.muli %scan3A_107, %mul3A_289 : i32
        %add3A_291 = arith.constant 2 : i32
        %add3A_292 = arith.addi %mul3A_290, %add3A_291 : i32
        %get3A_293 = arith.index_cast %add3A_292 : i32 to index
        %get3A_294 = arith.constant 16 : index
        %get3A_295 = tpu.vector_load %arg13[%get3A_293, %get3A_294] {strides = array<i32>} : memref<100x64xf32, #tpu.memory_space<vmem>>, vector<1x16xf32>,
        %get3A_296 = vector.shape_cast %get3A_295 : vector<1x16xf32> to vector<16xf32>
        %mul3A_297 = vector.broadcast %squeeze3A_269 : f32 to vector<16xf32>
        %mul3A_298 = arith.mulf %get3A_296, %mul3A_297 : vector<16xf32>
        %mul3A_299 = arith.constant 10 : i32
        %mul3A_300 = arith.muli %scan3A_107, %mul3A_299 : i32
        %add3A_301 = arith.constant 2 : i32
        %add3A_302 = arith.addi %mul3A_300, %add3A_301 : i32
        %swap3A_303 = arith.index_cast %add3A_302 : i32 to index
        %swap3A_304 = arith.constant 16 : index
        %swap3A_305 = tpu.vector_load %arg13[%swap3A_303, %swap3A_304] {strides = array<i32>} : memref<100x64xf32, #tpu.memory_space<vmem>>, vector<1x16xf32>,
        %swap3A_306 = vector.shape_cast %swap3A_305 : vector<1x16xf32> to vector<16xf32>
        %swap3A_307 = vector.shape_cast %mul3A_298 : vector<16xf32> to vector<1x16xf32>
        tpu.vector_store %arg13[%swap3A_303, %swap3A_304], %swap3A_307 {strides = array<i32>} : memref<100x64xf32, #tpu.memory_space<vmem>>, vector<1x16xf32>,
        %mul3A_308 = arith.constant 10 : i32
        %mul3A_309 = arith.muli %scan3A_107, %mul3A_308 : i32
        %add3A_310 = arith.constant 2 : i32
        %add3A_311 = arith.addi %mul3A_309, %add3A_310 : i32
        %get3A_312 = arith.index_cast %add3A_311 : i32 to index
        %get3A_313 = arith.constant 32 : index
        %get3A_314 = tpu.vector_load %arg13[%get3A_312, %get3A_313] {strides = array<i32>} : memref<100x64xf32, #tpu.memory_space<vmem>>, vector<1x16xf32>,
        %get3A_315 = vector.shape_cast %get3A_314 : vector<1x16xf32> to vector<16xf32>
        %mul3A_316 = vector.broadcast %squeeze3A_269 : f32 to vector<16xf32>
        %mul3A_317 = arith.mulf %get3A_315, %mul3A_316 : vector<16xf32>
        %mul3A_318 = arith.constant 10 : i32
        %mul3A_319 = arith.muli %scan3A_107, %mul3A_318 : i32
        %add3A_320 = arith.constant 2 : i32
        %add3A_321 = arith.addi %mul3A_319, %add3A_320 : i32
        %swap3A_322 = arith.index_cast %add3A_321 : i32 to index
        %swap3A_323 = arith.constant 32 : index
        %swap3A_324 = tpu.vector_load %arg13[%swap3A_322, %swap3A_323] {strides = array<i32>} : memref<100x64xf32, #tpu.memory_space<vmem>>, vector<1x16xf32>,
        %swap3A_325 = vector.shape_cast %swap3A_324 : vector<1x16xf32> to vector<16xf32>
        %swap3A_326 = vector.shape_cast %mul3A_317 : vector<16xf32> to vector<1x16xf32>
        tpu.vector_store %arg13[%swap3A_322, %swap3A_323], %swap3A_326 {strides = array<i32>} : memref<100x64xf32, #tpu.memory_space<vmem>>, vector<1x16xf32>,
        %mul3A_327 = arith.constant 10 : i32
        %mul3A_328 = arith.muli %scan3A_107, %mul3A_327 : i32
        %add3A_329 = arith.constant 2 : i32
        %add3A_330 = arith.addi %mul3A_328, %add3A_329 : i32
        %get3A_331 = arith.index_cast %add3A_330 : i32 to index
        %get3A_332 = arith.constant 48 : index
        %get3A_333 = tpu.vector_load %arg13[%get3A_331, %get3A_332] {strides = array<i32>} : memref<100x64xf32, #tpu.memory_space<vmem>>, vector<1x16xf32>,
        %get3A_334 = vector.shape_cast %get3A_333 : vector<1x16xf32> to vector<16xf32>
        %mul3A_335 = vector.broadcast %squeeze3A_269 : f32 to vector<16xf32>
        %mul3A_336 = arith.mulf %get3A_334, %mul3A_335 : vector<16xf32>
        %mul3A_337 = arith.constant 10 : i32
        %mul3A_338 = arith.muli %scan3A_107, %mul3A_337 : i32
        %add3A_339 = arith.constant 2 : i32
        %add3A_340 = arith.addi %mul3A_338, %add3A_339 : i32
        %swap3A_341 = arith.index_cast %add3A_340 : i32 to index
        %swap3A_342 = arith.constant 48 : index
        %swap3A_343 = tpu.vector_load %arg13[%swap3A_341, %swap3A_342] {strides = array<i32>} : memref<100x64xf32, #tpu.memory_space<vmem>>, vector<1x16xf32>,
        %swap3A_344 = vector.shape_cast %swap3A_343 : vector<1x16xf32> to vector<16xf32>
        %swap3A_345 = vector.shape_cast %mul3A_336 : vector<16xf32> to vector<1x16xf32>
        tpu.vector_store %arg13[%swap3A_341, %swap3A_342], %swap3A_345 {strides = array<i32>} : memref<100x64xf32, #tpu.memory_space<vmem>>, vector<1x16xf32>,
        %slice3A_346 = vector.extract_strided_slice %get3A_114 {offsets = [3], sizes = [1], strides = [1]} : vector<16xf32> to vector<1xf32>
        %squeeze3A_347 = vector.extract %slice3A_346[0] : f32 from vector<1xf32>
        %mul3A_348 = arith.constant 10 : i32
        %mul3A_349 = arith.muli %scan3A_107, %mul3A_348 : i32
        %add3A_350 = arith.constant 3 : i32
        %add3A_351 = arith.addi %mul3A_349, %add3A_350 : i32
        %get3A_352 = arith.index_cast %add3A_351 : i32 to index
        %get3A_353 = arith.constant 0 : index
        %get3A_354 = tpu.vector_load %arg13[%get3A_352, %get3A_353] {strides = array<i32>} : memref<100x64xf32, #tpu.memory_space<vmem>>, vector<1x16xf32>,
        %get3A_355 = vector.shape_cast %get3A_354 : vector<1x16xf32> to vector<16xf32>
        %mul3A_356 = vector.broadcast %squeeze3A_347 : f32 to vector<16xf32>
        %mul3A_357 = arith.mulf %get3A_355, %mul3A_356 : vector<16xf32>
        %mul3A_358 = arith.constant 10 : i32
        %mul3A_359 = arith.muli %scan3A_107, %mul3A_358 : i32
        %add3A_360 = arith.constant 3 : i32
        %add3A_361 = arith.addi %mul3A_359, %add3A_360 : i32
        %swap3A_362 = arith.index_cast %add3A_361 : i32 to index
        %swap3A_363 = arith.constant 0 : index
        %swap3A_364 = tpu.vector_load %arg13[%swap3A_362, %swap3A_363] {strides = array<i32>} : memref<100x64xf32, #tpu.memory_space<vmem>>, vector<1x16xf32>,
        %swap3A_365 = vector.shape_cast %swap3A_364 : vector<1x16xf32> to vector<16xf32>
        %swap3A_366 = vector.shape_cast %mul3A_357 : vector<16xf32> to vector<1x16xf32>
        tpu.vector_store %arg13[%swap3A_362, %swap3A_363], %swap3A_366 {strides = array<i32>} : memref<100x64xf32, #tpu.memory_space<vmem>>, vector<1x16xf32>,
        %mul3A_367 = arith.constant 10 : i32
        %mul3A_368 = arith.muli %scan3A_107, %mul3A_367 : i32
        %add3A_369 = arith.constant 3 : i32
        %add3A_370 = arith.addi %mul3A_368, %add3A_369 : i32
        %get3A_371 = arith.index_cast %add3A_370 : i32 to index
        %get3A_372 = arith.constant 16 : index
        %get3A_373 = tpu.vector_load %arg13[%get3A_371, %get3A_372] {strides = array<i32>} : memref<100x64xf32, #tpu.memory_space<vmem>>, vector<1x16xf32>,
        %get3A_374 = vector.shape_cast %get3A_373 : vector<1x16xf32> to vector<16xf32>
        %mul3A_375 = vector.broadcast %squeeze3A_347 : f32 to vector<16xf32>
        %mul3A_376 = arith.mulf %get3A_374, %mul3A_375 : vector<16xf32>
        %mul3A_377 = arith.constant 10 : i32
        %mul3A_378 = arith.muli %scan3A_107, %mul3A_377 : i32
        %add3A_379 = arith.constant 3 : i32
        %add3A_380 = arith.addi %mul3A_378, %add3A_379 : i32
        %swap3A_381 = arith.index_cast %add3A_380 : i32 to index
        %swap3A_382 = arith.constant 16 : index
        %swap3A_383 = tpu.vector_load %arg13[%swap3A_381, %swap3A_382] {strides = array<i32>} : memref<100x64xf32, #tpu.memory_space<vmem>>, vector<1x16xf32>,
        %swap3A_384 = vector.shape_cast %swap3A_383 : vector<1x16xf32> to vector<16xf32>
        %swap3A_385 = vector.shape_cast %mul3A_376 : vector<16xf32> to vector<1x16xf32>
        tpu.vector_store %arg13[%swap3A_381, %swap3A_382], %swap3A_385 {strides = array<i32>} : memref<100x64xf32, #tpu.memory_space<vmem>>, vector<1x16xf32>,
        %mul3A_386 = arith.constant 10 : i32
        %mul3A_387 = arith.muli %scan3A_107, %mul3A_386 : i32
        %add3A_388 = arith.constant 3 : i32
        %add3A_389 = arith.addi %mul3A_387, %add3A_388 : i32
        %get3A_390 = arith.index_cast %add3A_389 : i32 to index
        %get3A_391 = arith.constant 32 : index
        %get3A_392 = tpu.vector_load %arg13[%get3A_390, %get3A_391] {strides = array<i32>} : memref<100x64xf32, #tpu.memory_space<vmem>>, vector<1x16xf32>,
        %get3A_393 = vector.shape_cast %get3A_392 : vector<1x16xf32> to vector<16xf32>
        %mul3A_394 = vector.broadcast %squeeze3A_347 : f32 to vector<16xf32>
        %mul3A_395 = arith.mulf %get3A_393, %mul3A_394 : vector<16xf32>
        %mul3A_396 = arith.constant 10 : i32
        %mul3A_397 = arith.muli %scan3A_107, %mul3A_396 : i32
        %add3A_398 = arith.constant 3 : i32
        %add3A_399 = arith.addi %mul3A_397, %add3A_398 : i32
        %swap3A_400 = arith.index_cast %add3A_399 : i32 to index
        %swap3A_401 = arith.constant 32 : index
        %swap3A_402 = tpu.vector_load %arg13[%swap3A_400, %swap3A_401] {strides = array<i32>} : memref<100x64xf32, #tpu.memory_space<vmem>>, vector<1x16xf32>,
        %swap3A_403 = vector.shape_cast %swap3A_402 : vector<1x16xf32> to vector<16xf32>
        %swap3A_404 = vector.shape_cast %mul3A_395 : vector<16xf32> to vector<1x16xf32>
        tpu.vector_store %arg13[%swap3A_400, %swap3A_401], %swap3A_404 {strides = array<i32>} : memref<100x64xf32, #tpu.memory_space<vmem>>, vector<1x16xf32>,
        %mul3A_405 = arith.constant 10 : i32
        %mul3A_406 = arith.muli %scan3A_107, %mul3A_405 : i32
        %add3A_407 = arith.constant 3 : i32
        %add3A_408 = arith.addi %mul3A_406, %add3A_407 : i32
        %get3A_409 = arith.index_cast %add3A_408 : i32 to index
        %get3A_410 = arith.constant 48 : index
        %get3A_411 = tpu.vector_load %arg13[%get3A_409, %get3A_410] {strides = array<i32>} : memref<100x64xf32, #tpu.memory_space<vmem>>, vector<1x16xf32>,
        %get3A_412 = vector.shape_cast %get3A_411 : vector<1x16xf32> to vector<16xf32>
        %mul3A_413 = vector.broadcast %squeeze3A_347 : f32 to vector<16xf32>
        %mul3A_414 = arith.mulf %get3A_412, %mul3A_413 : vector<16xf32>
        %mul3A_415 = arith.constant 10 : i32
        %mul3A_416 = arith.muli %scan3A_107, %mul3A_415 : i32
        %add3A_417 = arith.constant 3 : i32
        %add3A_418 = arith.addi %mul3A_416, %add3A_417 : i32
        %swap3A_419 = arith.index_cast %add3A_418 : i32 to index
        %swap3A_420 = arith.constant 48 : index
        %swap3A_421 = tpu.vector_load %arg13[%swap3A_419, %swap3A_420] {strides = array<i32>} : memref<100x64xf32, #tpu.memory_space<vmem>>, vector<1x16xf32>,
        %swap3A_422 = vector.shape_cast %swap3A_421 : vector<1x16xf32> to vector<16xf32>
        %swap3A_423 = vector.shape_cast %mul3A_414 : vector<16xf32> to vector<1x16xf32>
        tpu.vector_store %arg13[%swap3A_419, %swap3A_420], %swap3A_423 {strides = array<i32>} : memref<100x64xf32, #tpu.memory_space<vmem>>, vector<1x16xf32>,
        %slice3A_424 = vector.extract_strided_slice %get3A_114 {offsets = [4], sizes = [1], strides = [1]} : vector<16xf32> to vector<1xf32>
        %squeeze3A_425 = vector.extract %slice3A_424[0] : f32 from vector<1xf32>
        %mul3A_426 = arith.constant 10 : i32
        %mul3A_427 = arith.muli %scan3A_107, %mul3A_426 : i32
        %add3A_428 = arith.constant 4 : i32
        %add3A_429 = arith.addi %mul3A_427, %add3A_428 : i32
        %get3A_430 = arith.index_cast %add3A_429 : i32 to index
        %get3A_431 = arith.constant 0 : index
        %get3A_432 = tpu.vector_load %arg13[%get3A_430, %get3A_431] {strides = array<i32>} : memref<100x64xf32, #tpu.memory_space<vmem>>, vector<1x16xf32>,
        %get3A_433 = vector.shape_cast %get3A_432 : vector<1x16xf32> to vector<16xf32>
        %mul3A_434 = vector.broadcast %squeeze3A_425 : f32 to vector<16xf32>
        %mul3A_435 = arith.mulf %get3A_433, %mul3A_434 : vector<16xf32>
        %mul3A_436 = arith.constant 10 : i32
        %mul3A_437 = arith.muli %scan3A_107, %mul3A_436 : i32
        %add3A_438 = arith.constant 4 : i32
        %add3A_439 = arith.addi %mul3A_437, %add3A_438 : i32
        %swap3A_440 = arith.index_cast %add3A_439 : i32 to index
        %swap3A_441 = arith.constant 0 : index
        %swap3A_442 = tpu.vector_load %arg13[%swap3A_440, %swap3A_441] {strides = array<i32>} : memref<100x64xf32, #tpu.memory_space<vmem>>, vector<1x16xf32>,
        %swap3A_443 = vector.shape_cast %swap3A_442 : vector<1x16xf32> to vector<16xf32>
        %swap3A_444 = vector.shape_cast %mul3A_435 : vector<16xf32> to vector<1x16xf32>
        tpu.vector_store %arg13[%swap3A_440, %swap3A_441], %swap3A_444 {strides = array<i32>} : memref<100x64xf32, #tpu.memory_space<vmem>>, vector<1x16xf32>,
        %mul3A_445 = arith.constant 10 : i32
        %mul3A_446 = arith.muli %scan3A_107, %mul3A_445 : i32
        %add3A_447 = arith.constant 4 : i32
        %add3A_448 = arith.addi %mul3A_446, %add3A_447 : i32
        %get3A_449 = arith.index_cast %add3A_448 : i32 to index
        %get3A_450 = arith.constant 16 : index
        %get3A_451 = tpu.vector_load %arg13[%get3A_449, %get3A_450] {strides = array<i32>} : memref<100x64xf32, #tpu.memory_space<vmem>>, vector<1x16xf32>,
        %get3A_452 = vector.shape_cast %get3A_451 : vector<1x16xf32> to vector<16xf32>
        %mul3A_453 = vector.broadcast %squeeze3A_425 : f32 to vector<16xf32>
        %mul3A_454 = arith.mulf %get3A_452, %mul3A_453 : vector<16xf32>
        %mul3A_455 = arith.constant 10 : i32
        %mul3A_456 = arith.muli %scan3A_107, %mul3A_455 : i32
        %add3A_457 = arith.constant 4 : i32
        %add3A_458 = arith.addi %mul3A_456, %add3A_457 : i32
        %swap3A_459 = arith.index_cast %add3A_458 : i32 to index
        %swap3A_460 = arith.constant 16 : index
        %swap3A_461 = tpu.vector_load %arg13[%swap3A_459, %swap3A_460] {strides = array<i32>} : memref<100x64xf32, #tpu.memory_space<vmem>>, vector<1x16xf32>,
        %swap3A_462 = vector.shape_cast %swap3A_461 : vector<1x16xf32> to vector<16xf32>
        %swap3A_463 = vector.shape_cast %mul3A_454 : vector<16xf32> to vector<1x16xf32>
        tpu.vector_store %arg13[%swap3A_459, %swap3A_460], %swap3A_463 {strides = array<i32>} : memref<100x64xf32, #tpu.memory_space<vmem>>, vector<1x16xf32>,
        %mul3A_464 = arith.constant 10 : i32
        %mul3A_465 = arith.muli %scan3A_107, %mul3A_464 : i32
        %add3A_466 = arith.constant 4 : i32
        %add3A_467 = arith.addi %mul3A_465, %add3A_466 : i32
        %get3A_468 = arith.index_cast %add3A_467 : i32 to index
        %get3A_469 = arith.constant 32 : index
        %get3A_470 = tpu.vector_load %arg13[%get3A_468, %get3A_469] {strides = array<i32>} : memref<100x64xf32, #tpu.memory_space<vmem>>, vector<1x16xf32>,
        %get3A_471 = vector.shape_cast %get3A_470 : vector<1x16xf32> to vector<16xf32>
        %mul3A_472 = vector.broadcast %squeeze3A_425 : f32 to vector<16xf32>
        %mul3A_473 = arith.mulf %get3A_471, %mul3A_472 : vector<16xf32>
        %mul3A_474 = arith.constant 10 : i32
        %mul3A_475 = arith.muli %scan3A_107, %mul3A_474 : i32
        %add3A_476 = arith.constant 4 : i32
        %add3A_477 = arith.addi %mul3A_475, %add3A_476 : i32
        %swap3A_478 = arith.index_cast %add3A_477 : i32 to index
        %swap3A_479 = arith.constant 32 : index
        %swap3A_480 = tpu.vector_load %arg13[%swap3A_478, %swap3A_479] {strides = array<i32>} : memref<100x64xf32, #tpu.memory_space<vmem>>, vector<1x16xf32>,
        %swap3A_481 = vector.shape_cast %swap3A_480 : vector<1x16xf32> to vector<16xf32>
        %swap3A_482 = vector.shape_cast %mul3A_473 : vector<16xf32> to vector<1x16xf32>
        tpu.vector_store %arg13[%swap3A_478, %swap3A_479], %swap3A_482 {strides = array<i32>} : memref<100x64xf32, #tpu.memory_space<vmem>>, vector<1x16xf32>,
        %mul3A_483 = arith.constant 10 : i32
        %mul3A_484 = arith.muli %scan3A_107, %mul3A_483 : i32
        %add3A_485 = arith.constant 4 : i32
        %add3A_486 = arith.addi %mul3A_484, %add3A_485 : i32
        %get3A_487 = arith.index_cast %add3A_486 : i32 to index
        %get3A_488 = arith.constant 48 : index
        %get3A_489 = tpu.vector_load %arg13[%get3A_487, %get3A_488] {strides = array<i32>} : memref<100x64xf32, #tpu.memory_space<vmem>>, vector<1x16xf32>,
        %get3A_490 = vector.shape_cast %get3A_489 : vector<1x16xf32> to vector<16xf32>
        %mul3A_491 = vector.broadcast %squeeze3A_425 : f32 to vector<16xf32>
        %mul3A_492 = arith.mulf %get3A_490, %mul3A_491 : vector<16xf32>
        %mul3A_493 = arith.constant 10 : i32
        %mul3A_494 = arith.muli %scan3A_107, %mul3A_493 : i32
        %add3A_495 = arith.constant 4 : i32
        %add3A_496 = arith.addi %mul3A_494, %add3A_495 : i32
        %swap3A_497 = arith.index_cast %add3A_496 : i32 to index
        %swap3A_498 = arith.constant 48 : index
        %swap3A_499 = tpu.vector_load %arg13[%swap3A_497, %swap3A_498] {strides = array<i32>} : memref<100x64xf32, #tpu.memory_space<vmem>>, vector<1x16xf32>,
        %swap3A_500 = vector.shape_cast %swap3A_499 : vector<1x16xf32> to vector<16xf32>
        %swap3A_501 = vector.shape_cast %mul3A_492 : vector<16xf32> to vector<1x16xf32>
        tpu.vector_store %arg13[%swap3A_497, %swap3A_498], %swap3A_501 {strides = array<i32>} : memref<100x64xf32, #tpu.memory_space<vmem>>, vector<1x16xf32>,
        %slice3A_502 = vector.extract_strided_slice %get3A_114 {offsets = [5], sizes = [1], strides = [1]} : vector<16xf32> to vector<1xf32>
        %squeeze3A_503 = vector.extract %slice3A_502[0] : f32 from vector<1xf32>
        %mul3A_504 = arith.constant 10 : i32
        %mul3A_505 = arith.muli %scan3A_107, %mul3A_504 : i32
        %add3A_506 = arith.constant 5 : i32
        %add3A_507 = arith.addi %mul3A_505, %add3A_506 : i32
        %get3A_508 = arith.index_cast %add3A_507 : i32 to index
        %get3A_509 = arith.constant 0 : index
        %get3A_510 = tpu.vector_load %arg13[%get3A_508, %get3A_509] {strides = array<i32>} : memref<100x64xf32, #tpu.memory_space<vmem>>, vector<1x16xf32>,
        %get3A_511 = vector.shape_cast %get3A_510 : vector<1x16xf32> to vector<16xf32>
        %mul3A_512 = vector.broadcast %squeeze3A_503 : f32 to vector<16xf32>
        %mul3A_513 = arith.mulf %get3A_511, %mul3A_512 : vector<16xf32>
        %mul3A_514 = arith.constant 10 : i32
        %mul3A_515 = arith.muli %scan3A_107, %mul3A_514 : i32
        %add3A_516 = arith.constant 5 : i32
        %add3A_517 = arith.addi %mul3A_515, %add3A_516 : i32
        %swap3A_518 = arith.index_cast %add3A_517 : i32 to index
        %swap3A_519 = arith.constant 0 : index
        %swap3A_520 = tpu.vector_load %arg13[%swap3A_518, %swap3A_519] {strides = array<i32>} : memref<100x64xf32, #tpu.memory_space<vmem>>, vector<1x16xf32>,
        %swap3A_521 = vector.shape_cast %swap3A_520 : vector<1x16xf32> to vector<16xf32>
        %swap3A_522 = vector.shape_cast %mul3A_513 : vector<16xf32> to vector<1x16xf32>
        tpu.vector_store %arg13[%swap3A_518, %swap3A_519], %swap3A_522 {strides = array<i32>} : memref<100x64xf32, #tpu.memory_space<vmem>>, vector<1x16xf32>,
        %mul3A_523 = arith.constant 10 : i32
        %mul3A_524 = arith.muli %scan3A_107, %mul3A_523 : i32
        %add3A_525 = arith.constant 5 : i32
        %add3A_526 = arith.addi %mul3A_524, %add3A_525 : i32
        %get3A_527 = arith.index_cast %add3A_526 : i32 to index
        %get3A_528 = arith.constant 16 : index
        %get3A_529 = tpu.vector_load %arg13[%get3A_527, %get3A_528] {strides = array<i32>} : memref<100x64xf32, #tpu.memory_space<vmem>>, vector<1x16xf32>,
        %get3A_530 = vector.shape_cast %get3A_529 : vector<1x16xf32> to vector<16xf32>
        %mul3A_531 = vector.broadcast %squeeze3A_503 : f32 to vector<16xf32>
        %mul3A_532 = arith.mulf %get3A_530, %mul3A_531 : vector<16xf32>
        %mul3A_533 = arith.constant 10 : i32
        %mul3A_534 = arith.muli %scan3A_107, %mul3A_533 : i32
        %add3A_535 = arith.constant 5 : i32
        %add3A_536 = arith.addi %mul3A_534, %add3A_535 : i32
        %swap3A_537 = arith.index_cast %add3A_536 : i32 to index
        %swap3A_538 = arith.constant 16 : index
        %swap3A_539 = tpu.vector_load %arg13[%swap3A_537, %swap3A_538] {strides = array<i32>} : memref<100x64xf32, #tpu.memory_space<vmem>>, vector<1x16xf32>,
        %swap3A_540 = vector.shape_cast %swap3A_539 : vector<1x16xf32> to vector<16xf32>
        %swap3A_541 = vector.shape_cast %mul3A_532 : vector<16xf32> to vector<1x16xf32>
        tpu.vector_store %arg13[%swap3A_537, %swap3A_538], %swap3A_541 {strides = array<i32>} : memref<100x64xf32, #tpu.memory_space<vmem>>, vector<1x16xf32>,
        %mul3A_542 = arith.constant 10 : i32
        %mul3A_543 = arith.muli %scan3A_107, %mul3A_542 : i32
        %add3A_544 = arith.constant 5 : i32
        %add3A_545 = arith.addi %mul3A_543, %add3A_544 : i32
        %get3A_546 = arith.index_cast %add3A_545 : i32 to index
        %get3A_547 = arith.constant 32 : index
        %get3A_548 = tpu.vector_load %arg13[%get3A_546, %get3A_547] {strides = array<i32>} : memref<100x64xf32, #tpu.memory_space<vmem>>, vector<1x16xf32>,
        %get3A_549 = vector.shape_cast %get3A_548 : vector<1x16xf32> to vector<16xf32>
        %mul3A_550 = vector.broadcast %squeeze3A_503 : f32 to vector<16xf32>
        %mul3A_551 = arith.mulf %get3A_549, %mul3A_550 : vector<16xf32>
        %mul3A_552 = arith.constant 10 : i32
        %mul3A_553 = arith.muli %scan3A_107, %mul3A_552 : i32
        %add3A_554 = arith.constant 5 : i32
        %add3A_555 = arith.addi %mul3A_553, %add3A_554 : i32
        %swap3A_556 = arith.index_cast %add3A_555 : i32 to index
        %swap3A_557 = arith.constant 32 : index
        %swap3A_558 = tpu.vector_load %arg13[%swap3A_556, %swap3A_557] {strides = array<i32>} : memref<100x64xf32, #tpu.memory_space<vmem>>, vector<1x16xf32>,
        %swap3A_559 = vector.shape_cast %swap3A_558 : vector<1x16xf32> to vector<16xf32>
        %swap3A_560 = vector.shape_cast %mul3A_551 : vector<16xf32> to vector<1x16xf32>
        tpu.vector_store %arg13[%swap3A_556, %swap3A_557], %swap3A_560 {strides = array<i32>} : memref<100x64xf32, #tpu.memory_space<vmem>>, vector<1x16xf32>,
        %mul3A_561 = arith.constant 10 : i32
        %mul3A_562 = arith.muli %scan3A_107, %mul3A_561 : i32
        %add3A_563 = arith.constant 5 : i32
        %add3A_564 = arith.addi %mul3A_562, %add3A_563 : i32
        %get3A_565 = arith.index_cast %add3A_564 : i32 to index
        %get3A_566 = arith.constant 48 : index
        %get3A_567 = tpu.vector_load %arg13[%get3A_565, %get3A_566] {strides = array<i32>} : memref<100x64xf32, #tpu.memory_space<vmem>>, vector<1x16xf32>,
        %get3A_568 = vector.shape_cast %get3A_567 : vector<1x16xf32> to vector<16xf32>
        %mul3A_569 = vector.broadcast %squeeze3A_503 : f32 to vector<16xf32>
        %mul3A_570 = arith.mulf %get3A_568, %mul3A_569 : vector<16xf32>
        %mul3A_571 = arith.constant 10 : i32
        %mul3A_572 = arith.muli %scan3A_107, %mul3A_571 : i32
        %add3A_573 = arith.constant 5 : i32
        %add3A_574 = arith.addi %mul3A_572, %add3A_573 : i32
        %swap3A_575 = arith.index_cast %add3A_574 : i32 to index
        %swap3A_576 = arith.constant 48 : index
        %swap3A_577 = tpu.vector_load %arg13[%swap3A_575, %swap3A_576] {strides = array<i32>} : memref<100x64xf32, #tpu.memory_space<vmem>>, vector<1x16xf32>,
        %swap3A_578 = vector.shape_cast %swap3A_577 : vector<1x16xf32> to vector<16xf32>
        %swap3A_579 = vector.shape_cast %mul3A_570 : vector<16xf32> to vector<1x16xf32>
        tpu.vector_store %arg13[%swap3A_575, %swap3A_576], %swap3A_579 {strides = array<i32>} : memref<100x64xf32, #tpu.memory_space<vmem>>, vector<1x16xf32>,
        %slice3A_580 = vector.extract_strided_slice %get3A_114 {offsets = [6], sizes = [1], strides = [1]} : vector<16xf32> to vector<1xf32>
        %squeeze3A_581 = vector.extract %slice3A_580[0] : f32 from vector<1xf32>
        %mul3A_582 = arith.constant 10 : i32
        %mul3A_583 = arith.muli %scan3A_107, %mul3A_582 : i32
        %add3A_584 = arith.constant 6 : i32
        %add3A_585 = arith.addi %mul3A_583, %add3A_584 : i32
        %get3A_586 = arith.index_cast %add3A_585 : i32 to index
        %get3A_587 = arith.constant 0 : index
        %get3A_588 = tpu.vector_load %arg13[%get3A_586, %get3A_587] {strides = array<i32>} : memref<100x64xf32, #tpu.memory_space<vmem>>, vector<1x16xf32>,
        %get3A_589 = vector.shape_cast %get3A_588 : vector<1x16xf32> to vector<16xf32>
        %mul3A_590 = vector.broadcast %squeeze3A_581 : f32 to vector<16xf32>
        %mul3A_591 = arith.mulf %get3A_589, %mul3A_590 : vector<16xf32>
        %mul3A_592 = arith.constant 10 : i32
        %mul3A_593 = arith.muli %scan3A_107, %mul3A_592 : i32
        %add3A_594 = arith.constant 6 : i32
        %add3A_595 = arith.addi %mul3A_593, %add3A_594 : i32
        %swap3A_596 = arith.index_cast %add3A_595 : i32 to index
        %swap3A_597 = arith.constant 0 : index
        %swap3A_598 = tpu.vector_load %arg13[%swap3A_596, %swap3A_597] {strides = array<i32>} : memref<100x64xf32, #tpu.memory_space<vmem>>, vector<1x16xf32>,
        %swap3A_599 = vector.shape_cast %swap3A_598 : vector<1x16xf32> to vector<16xf32>
        %swap3A_600 = vector.shape_cast %mul3A_591 : vector<16xf32> to vector<1x16xf32>
        tpu.vector_store %arg13[%swap3A_596, %swap3A_597], %swap3A_600 {strides = array<i32>} : memref<100x64xf32, #tpu.memory_space<vmem>>, vector<1x16xf32>,
        %mul3A_601 = arith.constant 10 : i32
        %mul3A_602 = arith.muli %scan3A_107, %mul3A_601 : i32
        %add3A_603 = arith.constant 6 : i32
        %add3A_604 = arith.addi %mul3A_602, %add3A_603 : i32
        %get3A_605 = arith.index_cast %add3A_604 : i32 to index
        %get3A_606 = arith.constant 16 : index
        %get3A_607 = tpu.vector_load %arg13[%get3A_605, %get3A_606] {strides = array<i32>} : memref<100x64xf32, #tpu.memory_space<vmem>>, vector<1x16xf32>,
        %get3A_608 = vector.shape_cast %get3A_607 : vector<1x16xf32> to vector<16xf32>
        %mul3A_609 = vector.broadcast %squeeze3A_581 : f32 to vector<16xf32>
        %mul3A_610 = arith.mulf %get3A_608, %mul3A_609 : vector<16xf32>
        %mul3A_611 = arith.constant 10 : i32
        %mul3A_612 = arith.muli %scan3A_107, %mul3A_611 : i32
        %add3A_613 = arith.constant 6 : i32
        %add3A_614 = arith.addi %mul3A_612, %add3A_613 : i32
        %swap3A_615 = arith.index_cast %add3A_614 : i32 to index
        %swap3A_616 = arith.constant 16 : index
        %swap3A_617 = tpu.vector_load %arg13[%swap3A_615, %swap3A_616] {strides = array<i32>} : memref<100x64xf32, #tpu.memory_space<vmem>>, vector<1x16xf32>,
        %swap3A_618 = vector.shape_cast %swap3A_617 : vector<1x16xf32> to vector<16xf32>
        %swap3A_619 = vector.shape_cast %mul3A_610 : vector<16xf32> to vector<1x16xf32>
        tpu.vector_store %arg13[%swap3A_615, %swap3A_616], %swap3A_619 {strides = array<i32>} : memref<100x64xf32, #tpu.memory_space<vmem>>, vector<1x16xf32>,
        %mul3A_620 = arith.constant 10 : i32
        %mul3A_621 = arith.muli %scan3A_107, %mul3A_620 : i32
        %add3A_622 = arith.constant 6 : i32
        %add3A_623 = arith.addi %mul3A_621, %add3A_622 : i32
        %get3A_624 = arith.index_cast %add3A_623 : i32 to index
        %get3A_625 = arith.constant 32 : index
        %get3A_626 = tpu.vector_load %arg13[%get3A_624, %get3A_625] {strides = array<i32>} : memref<100x64xf32, #tpu.memory_space<vmem>>, vector<1x16xf32>,
        %get3A_627 = vector.shape_cast %get3A_626 : vector<1x16xf32> to vector<16xf32>
        %mul3A_628 = vector.broadcast %squeeze3A_581 : f32 to vector<16xf32>
        %mul3A_629 = arith.mulf %get3A_627, %mul3A_628 : vector<16xf32>
        %mul3A_630 = arith.constant 10 : i32
        %mul3A_631 = arith.muli %scan3A_107, %mul3A_630 : i32
        %add3A_632 = arith.constant 6 : i32
        %add3A_633 = arith.addi %mul3A_631, %add3A_632 : i32
        %swap3A_634 = arith.index_cast %add3A_633 : i32 to index
        %swap3A_635 = arith.constant 32 : index
        %swap3A_636 = tpu.vector_load %arg13[%swap3A_634, %swap3A_635] {strides = array<i32>} : memref<100x64xf32, #tpu.memory_space<vmem>>, vector<1x16xf32>,
        %swap3A_637 = vector.shape_cast %swap3A_636 : vector<1x16xf32> to vector<16xf32>
        %swap3A_638 = vector.shape_cast %mul3A_629 : vector<16xf32> to vector<1x16xf32>
        tpu.vector_store %arg13[%swap3A_634, %swap3A_635], %swap3A_638 {strides = array<i32>} : memref<100x64xf32, #tpu.memory_space<vmem>>, vector<1x16xf32>,
        %mul3A_639 = arith.constant 10 : i32
        %mul3A_640 = arith.muli %scan3A_107, %mul3A_639 : i32
        %add3A_641 = arith.constant 6 : i32
        %add3A_642 = arith.addi %mul3A_640, %add3A_641 : i32
        %get3A_643 = arith.index_cast %add3A_642 : i32 to index
        %get3A_644 = arith.constant 48 : index
        %get3A_645 = tpu.vector_load %arg13[%get3A_643, %get3A_644] {strides = array<i32>} : memref<100x64xf32, #tpu.memory_space<vmem>>, vector<1x16xf32>,
        %get3A_646 = vector.shape_cast %get3A_645 : vector<1x16xf32> to vector<16xf32>
        %mul3A_647 = vector.broadcast %squeeze3A_581 : f32 to vector<16xf32>
        %mul3A_648 = arith.mulf %get3A_646, %mul3A_647 : vector<16xf32>
        %mul3A_649 = arith.constant 10 : i32
        %mul3A_650 = arith.muli %scan3A_107, %mul3A_649 : i32
        %add3A_651 = arith.constant 6 : i32
        %add3A_652 = arith.addi %mul3A_650, %add3A_651 : i32
        %swap3A_653 = arith.index_cast %add3A_652 : i32 to index
        %swap3A_654 = arith.constant 48 : index
        %swap3A_655 = tpu.vector_load %arg13[%swap3A_653, %swap3A_654] {strides = array<i32>} : memref<100x64xf32, #tpu.memory_space<vmem>>, vector<1x16xf32>,
        %swap3A_656 = vector.shape_cast %swap3A_655 : vector<1x16xf32> to vector<16xf32>
        %swap3A_657 = vector.shape_cast %mul3A_648 : vector<16xf32> to vector<1x16xf32>
        tpu.vector_store %arg13[%swap3A_653, %swap3A_654], %swap3A_657 {strides = array<i32>} : memref<100x64xf32, #tpu.memory_space<vmem>>, vector<1x16xf32>,
        %slice3A_658 = vector.extract_strided_slice %get3A_114 {offsets = [7], sizes = [1], strides = [1]} : vector<16xf32> to vector<1xf32>
        %squeeze3A_659 = vector.extract %slice3A_658[0] : f32 from vector<1xf32>
        %mul3A_660 = arith.constant 10 : i32
        %mul3A_661 = arith.muli %scan3A_107, %mul3A_660 : i32
        %add3A_662 = arith.constant 7 : i32
        %add3A_663 = arith.addi %mul3A_661, %add3A_662 : i32
        %get3A_664 = arith.index_cast %add3A_663 : i32 to index
        %get3A_665 = arith.constant 0 : index
        %get3A_666 = tpu.vector_load %arg13[%get3A_664, %get3A_665] {strides = array<i32>} : memref<100x64xf32, #tpu.memory_space<vmem>>, vector<1x16xf32>,
        %get3A_667 = vector.shape_cast %get3A_666 : vector<1x16xf32> to vector<16xf32>
        %mul3A_668 = vector.broadcast %squeeze3A_659 : f32 to vector<16xf32>
        %mul3A_669 = arith.mulf %get3A_667, %mul3A_668 : vector<16xf32>
        %mul3A_670 = arith.constant 10 : i32
        %mul3A_671 = arith.muli %scan3A_107, %mul3A_670 : i32
        %add3A_672 = arith.constant 7 : i32
        %add3A_673 = arith.addi %mul3A_671, %add3A_672 : i32
        %swap3A_674 = arith.index_cast %add3A_673 : i32 to index
        %swap3A_675 = arith.constant 0 : index
        %swap3A_676 = tpu.vector_load %arg13[%swap3A_674, %swap3A_675] {strides = array<i32>} : memref<100x64xf32, #tpu.memory_space<vmem>>, vector<1x16xf32>,
        %swap3A_677 = vector.shape_cast %swap3A_676 : vector<1x16xf32> to vector<16xf32>
        %swap3A_678 = vector.shape_cast %mul3A_669 : vector<16xf32> to vector<1x16xf32>
        tpu.vector_store %arg13[%swap3A_674, %swap3A_675], %swap3A_678 {strides = array<i32>} : memref<100x64xf32, #tpu.memory_space<vmem>>, vector<1x16xf32>,
        %mul3A_679 = arith.constant 10 : i32
        %mul3A_680 = arith.muli %scan3A_107, %mul3A_679 : i32
        %add3A_681 = arith.constant 7 : i32
        %add3A_682 = arith.addi %mul3A_680, %add3A_681 : i32
        %get3A_683 = arith.index_cast %add3A_682 : i32 to index
        %get3A_684 = arith.constant 16 : index
        %get3A_685 = tpu.vector_load %arg13[%get3A_683, %get3A_684] {strides = array<i32>} : memref<100x64xf32, #tpu.memory_space<vmem>>, vector<1x16xf32>,
        %get3A_686 = vector.shape_cast %get3A_685 : vector<1x16xf32> to vector<16xf32>
        %mul3A_687 = vector.broadcast %squeeze3A_659 : f32 to vector<16xf32>
        %mul3A_688 = arith.mulf %get3A_686, %mul3A_687 : vector<16xf32>
        %mul3A_689 = arith.constant 10 : i32
        %mul3A_690 = arith.muli %scan3A_107, %mul3A_689 : i32
        %add3A_691 = arith.constant 7 : i32
        %add3A_692 = arith.addi %mul3A_690, %add3A_691 : i32
        %swap3A_693 = arith.index_cast %add3A_692 : i32 to index
        %swap3A_694 = arith.constant 16 : index
        %swap3A_695 = tpu.vector_load %arg13[%swap3A_693, %swap3A_694] {strides = array<i32>} : memref<100x64xf32, #tpu.memory_space<vmem>>, vector<1x16xf32>,
        %swap3A_696 = vector.shape_cast %swap3A_695 : vector<1x16xf32> to vector<16xf32>
        %swap3A_697 = vector.shape_cast %mul3A_688 : vector<16xf32> to vector<1x16xf32>
        tpu.vector_store %arg13[%swap3A_693, %swap3A_694], %swap3A_697 {strides = array<i32>} : memref<100x64xf32, #tpu.memory_space<vmem>>, vector<1x16xf32>,
        %mul3A_698 = arith.constant 10 : i32
        %mul3A_699 = arith.muli %scan3A_107, %mul3A_698 : i32
        %add3A_700 = arith.constant 7 : i32
        %add3A_701 = arith.addi %mul3A_699, %add3A_700 : i32
        %get3A_702 = arith.index_cast %add3A_701 : i32 to index
        %get3A_703 = arith.constant 32 : index
        %get3A_704 = tpu.vector_load %arg13[%get3A_702, %get3A_703] {strides = array<i32>} : memref<100x64xf32, #tpu.memory_space<vmem>>, vector<1x16xf32>,
        %get3A_705 = vector.shape_cast %get3A_704 : vector<1x16xf32> to vector<16xf32>
        %mul3A_706 = vector.broadcast %squeeze3A_659 : f32 to vector<16xf32>
        %mul3A_707 = arith.mulf %get3A_705, %mul3A_706 : vector<16xf32>
        %mul3A_708 = arith.constant 10 : i32
        %mul3A_709 = arith.muli %scan3A_107, %mul3A_708 : i32
        %add3A_710 = arith.constant 7 : i32
        %add3A_711 = arith.addi %mul3A_709, %add3A_710 : i32
        %swap3A_712 = arith.index_cast %add3A_711 : i32 to index
        %swap3A_713 = arith.constant 32 : index
        %swap3A_714 = tpu.vector_load %arg13[%swap3A_712, %swap3A_713] {strides = array<i32>} : memref<100x64xf32, #tpu.memory_space<vmem>>, vector<1x16xf32>,
        %swap3A_715 = vector.shape_cast %swap3A_714 : vector<1x16xf32> to vector<16xf32>
        %swap3A_716 = vector.shape_cast %mul3A_707 : vector<16xf32> to vector<1x16xf32>
        tpu.vector_store %arg13[%swap3A_712, %swap3A_713], %swap3A_716 {strides = array<i32>} : memref<100x64xf32, #tpu.memory_space<vmem>>, vector<1x16xf32>,
        %mul3A_717 = arith.constant 10 : i32
        %mul3A_718 = arith.muli %scan3A_107, %mul3A_717 : i32
        %add3A_719 = arith.constant 7 : i32
        %add3A_720 = arith.addi %mul3A_718, %add3A_719 : i32
        %get3A_721 = arith.index_cast %add3A_720 : i32 to index
        %get3A_722 = arith.constant 48 : index
        %get3A_723 = tpu.vector_load %arg13[%get3A_721, %get3A_722] {strides = array<i32>} : memref<100x64xf32, #tpu.memory_space<vmem>>, vector<1x16xf32>,
        %get3A_724 = vector.shape_cast %get3A_723 : vector<1x16xf32> to vector<16xf32>
        %mul3A_725 = vector.broadcast %squeeze3A_659 : f32 to vector<16xf32>
        %mul3A_726 = arith.mulf %get3A_724, %mul3A_725 : vector<16xf32>
        %mul3A_727 = arith.constant 10 : i32
        %mul3A_728 = arith.muli %scan3A_107, %mul3A_727 : i32
        %add3A_729 = arith.constant 7 : i32
        %add3A_730 = arith.addi %mul3A_728, %add3A_729 : i32
        %swap3A_731 = arith.index_cast %add3A_730 : i32 to index
        %swap3A_732 = arith.constant 48 : index
        %swap3A_733 = tpu.vector_load %arg13[%swap3A_731, %swap3A_732] {strides = array<i32>} : memref<100x64xf32, #tpu.memory_space<vmem>>, vector<1x16xf32>,
        %swap3A_734 = vector.shape_cast %swap3A_733 : vector<1x16xf32> to vector<16xf32>
        %swap3A_735 = vector.shape_cast %mul3A_726 : vector<16xf32> to vector<1x16xf32>
        tpu.vector_store %arg13[%swap3A_731, %swap3A_732], %swap3A_735 {strides = array<i32>} : memref<100x64xf32, #tpu.memory_space<vmem>>, vector<1x16xf32>,
        %slice3A_736 = vector.extract_strided_slice %get3A_114 {offsets = [8], sizes = [1], strides = [1]} : vector<16xf32> to vector<1xf32>
        %squeeze3A_737 = vector.extract %slice3A_736[0] : f32 from vector<1xf32>
        %mul3A_738 = arith.constant 10 : i32
        %mul3A_739 = arith.muli %scan3A_107, %mul3A_738 : i32
        %add3A_740 = arith.constant 8 : i32
        %add3A_741 = arith.addi %mul3A_739, %add3A_740 : i32
        %get3A_742 = arith.index_cast %add3A_741 : i32 to index
        %get3A_743 = arith.constant 0 : index
        %get3A_744 = tpu.vector_load %arg13[%get3A_742, %get3A_743] {strides = array<i32>} : memref<100x64xf32, #tpu.memory_space<vmem>>, vector<1x16xf32>,
        %get3A_745 = vector.shape_cast %get3A_744 : vector<1x16xf32> to vector<16xf32>
        %mul3A_746 = vector.broadcast %squeeze3A_737 : f32 to vector<16xf32>
        %mul3A_747 = arith.mulf %get3A_745, %mul3A_746 : vector<16xf32>
        %mul3A_748 = arith.constant 10 : i32
        %mul3A_749 = arith.muli %scan3A_107, %mul3A_748 : i32
        %add3A_750 = arith.constant 8 : i32
        %add3A_751 = arith.addi %mul3A_749, %add3A_750 : i32
        %swap3A_752 = arith.index_cast %add3A_751 : i32 to index
        %swap3A_753 = arith.constant 0 : index
        %swap3A_754 = tpu.vector_load %arg13[%swap3A_752, %swap3A_753] {strides = array<i32>} : memref<100x64xf32, #tpu.memory_space<vmem>>, vector<1x16xf32>,
        %swap3A_755 = vector.shape_cast %swap3A_754 : vector<1x16xf32> to vector<16xf32>
        %swap3A_756 = vector.shape_cast %mul3A_747 : vector<16xf32> to vector<1x16xf32>
        tpu.vector_store %arg13[%swap3A_752, %swap3A_753], %swap3A_756 {strides = array<i32>} : memref<100x64xf32, #tpu.memory_space<vmem>>, vector<1x16xf32>,
        %mul3A_757 = arith.constant 10 : i32
        %mul3A_758 = arith.muli %scan3A_107, %mul3A_757 : i32
        %add3A_759 = arith.constant 8 : i32
        %add3A_760 = arith.addi %mul3A_758, %add3A_759 : i32
        %get3A_761 = arith.index_cast %add3A_760 : i32 to index
        %get3A_762 = arith.constant 16 : index
        %get3A_763 = tpu.vector_load %arg13[%get3A_761, %get3A_762] {strides = array<i32>} : memref<100x64xf32, #tpu.memory_space<vmem>>, vector<1x16xf32>,
        %get3A_764 = vector.shape_cast %get3A_763 : vector<1x16xf32> to vector<16xf32>
        %mul3A_765 = vector.broadcast %squeeze3A_737 : f32 to vector<16xf32>
        %mul3A_766 = arith.mulf %get3A_764, %mul3A_765 : vector<16xf32>
        %mul3A_767 = arith.constant 10 : i32
        %mul3A_768 = arith.muli %scan3A_107, %mul3A_767 : i32
        %add3A_769 = arith.constant 8 : i32
        %add3A_770 = arith.addi %mul3A_768, %add3A_769 : i32
        %swap3A_771 = arith.index_cast %add3A_770 : i32 to index
        %swap3A_772 = arith.constant 16 : index
        %swap3A_773 = tpu.vector_load %arg13[%swap3A_771, %swap3A_772] {strides = array<i32>} : memref<100x64xf32, #tpu.memory_space<vmem>>, vector<1x16xf32>,
        %swap3A_774 = vector.shape_cast %swap3A_773 : vector<1x16xf32> to vector<16xf32>
        %swap3A_775 = vector.shape_cast %mul3A_766 : vector<16xf32> to vector<1x16xf32>
        tpu.vector_store %arg13[%swap3A_771, %swap3A_772], %swap3A_775 {strides = array<i32>} : memref<100x64xf32, #tpu.memory_space<vmem>>, vector<1x16xf32>,
        %mul3A_776 = arith.constant 10 : i32
        %mul3A_777 = arith.muli %scan3A_107, %mul3A_776 : i32
        %add3A_778 = arith.constant 8 : i32
        %add3A_779 = arith.addi %mul3A_777, %add3A_778 : i32
        %get3A_780 = arith.index_cast %add3A_779 : i32 to index
        %get3A_781 = arith.constant 32 : index
        %get3A_782 = tpu.vector_load %arg13[%get3A_780, %get3A_781] {strides = array<i32>} : memref<100x64xf32, #tpu.memory_space<vmem>>, vector<1x16xf32>,
        %get3A_783 = vector.shape_cast %get3A_782 : vector<1x16xf32> to vector<16xf32>
        %mul3A_784 = vector.broadcast %squeeze3A_737 : f32 to vector<16xf32>
        %mul3A_785 = arith.mulf %get3A_783, %mul3A_784 : vector<16xf32>
        %mul3A_786 = arith.constant 10 : i32
        %mul3A_787 = arith.muli %scan3A_107, %mul3A_786 : i32
        %add3A_788 = arith.constant 8 : i32
        %add3A_789 = arith.addi %mul3A_787, %add3A_788 : i32
        %swap3A_790 = arith.index_cast %add3A_789 : i32 to index
        %swap3A_791 = arith.constant 32 : index
        %swap3A_792 = tpu.vector_load %arg13[%swap3A_790, %swap3A_791] {strides = array<i32>} : memref<100x64xf32, #tpu.memory_space<vmem>>, vector<1x16xf32>,
        %swap3A_793 = vector.shape_cast %swap3A_792 : vector<1x16xf32> to vector<16xf32>
        %swap3A_794 = vector.shape_cast %mul3A_785 : vector<16xf32> to vector<1x16xf32>
        tpu.vector_store %arg13[%swap3A_790, %swap3A_791], %swap3A_794 {strides = array<i32>} : memref<100x64xf32, #tpu.memory_space<vmem>>, vector<1x16xf32>,
        %mul3A_795 = arith.constant 10 : i32
        %mul3A_796 = arith.muli %scan3A_107, %mul3A_795 : i32
        %add3A_797 = arith.constant 8 : i32
        %add3A_798 = arith.addi %mul3A_796, %add3A_797 : i32
        %get3A_799 = arith.index_cast %add3A_798 : i32 to index
        %get3A_800 = arith.constant 48 : index
        %get3A_801 = tpu.vector_load %arg13[%get3A_799, %get3A_800] {strides = array<i32>} : memref<100x64xf32, #tpu.memory_space<vmem>>, vector<1x16xf32>,
        %get3A_802 = vector.shape_cast %get3A_801 : vector<1x16xf32> to vector<16xf32>
        %mul3A_803 = vector.broadcast %squeeze3A_737 : f32 to vector<16xf32>
        %mul3A_804 = arith.mulf %get3A_802, %mul3A_803 : vector<16xf32>
        %mul3A_805 = arith.constant 10 : i32
        %mul3A_806 = arith.muli %scan3A_107, %mul3A_805 : i32
        %add3A_807 = arith.constant 8 : i32
        %add3A_808 = arith.addi %mul3A_806, %add3A_807 : i32
        %swap3A_809 = arith.index_cast %add3A_808 : i32 to index
        %swap3A_810 = arith.constant 48 : index
        %swap3A_811 = tpu.vector_load %arg13[%swap3A_809, %swap3A_810] {strides = array<i32>} : memref<100x64xf32, #tpu.memory_space<vmem>>, vector<1x16xf32>,
        %swap3A_812 = vector.shape_cast %swap3A_811 : vector<1x16xf32> to vector<16xf32>
        %swap3A_813 = vector.shape_cast %mul3A_804 : vector<16xf32> to vector<1x16xf32>
        tpu.vector_store %arg13[%swap3A_809, %swap3A_810], %swap3A_813 {strides = array<i32>} : memref<100x64xf32, #tpu.memory_space<vmem>>, vector<1x16xf32>,
        %slice3A_814 = vector.extract_strided_slice %get3A_114 {offsets = [9], sizes = [1], strides = [1]} : vector<16xf32> to vector<1xf32>
        %squeeze3A_815 = vector.extract %slice3A_814[0] : f32 from vector<1xf32>
        %mul3A_816 = arith.constant 10 : i32
        %mul3A_817 = arith.muli %scan3A_107, %mul3A_816 : i32
        %add3A_818 = arith.constant 9 : i32
        %add3A_819 = arith.addi %mul3A_817, %add3A_818 : i32
        %get3A_820 = arith.index_cast %add3A_819 : i32 to index
        %get3A_821 = arith.constant 0 : index
        %get3A_822 = tpu.vector_load %arg13[%get3A_820, %get3A_821] {strides = array<i32>} : memref<100x64xf32, #tpu.memory_space<vmem>>, vector<1x16xf32>,
        %get3A_823 = vector.shape_cast %get3A_822 : vector<1x16xf32> to vector<16xf32>
        %mul3A_824 = vector.broadcast %squeeze3A_815 : f32 to vector<16xf32>
        %mul3A_825 = arith.mulf %get3A_823, %mul3A_824 : vector<16xf32>
        %mul3A_826 = arith.constant 10 : i32
        %mul3A_827 = arith.muli %scan3A_107, %mul3A_826 : i32
        %add3A_828 = arith.constant 9 : i32
        %add3A_829 = arith.addi %mul3A_827, %add3A_828 : i32
        %swap3A_830 = arith.index_cast %add3A_829 : i32 to index
        %swap3A_831 = arith.constant 0 : index
        %swap3A_832 = tpu.vector_load %arg13[%swap3A_830, %swap3A_831] {strides = array<i32>} : memref<100x64xf32, #tpu.memory_space<vmem>>, vector<1x16xf32>,
        %swap3A_833 = vector.shape_cast %swap3A_832 : vector<1x16xf32> to vector<16xf32>
        %swap3A_834 = vector.shape_cast %mul3A_825 : vector<16xf32> to vector<1x16xf32>
        tpu.vector_store %arg13[%swap3A_830, %swap3A_831], %swap3A_834 {strides = array<i32>} : memref<100x64xf32, #tpu.memory_space<vmem>>, vector<1x16xf32>,
        %mul3A_835 = arith.constant 10 : i32
        %mul3A_836 = arith.muli %scan3A_107, %mul3A_835 : i32
        %add3A_837 = arith.constant 9 : i32
        %add3A_838 = arith.addi %mul3A_836, %add3A_837 : i32
        %get3A_839 = arith.index_cast %add3A_838 : i32 to index
        %get3A_840 = arith.constant 16 : index
        %get3A_841 = tpu.vector_load %arg13[%get3A_839, %get3A_840] {strides = array<i32>} : memref<100x64xf32, #tpu.memory_space<vmem>>, vector<1x16xf32>,
        %get3A_842 = vector.shape_cast %get3A_841 : vector<1x16xf32> to vector<16xf32>
        %mul3A_843 = vector.broadcast %squeeze3A_815 : f32 to vector<16xf32>
        %mul3A_844 = arith.mulf %get3A_842, %mul3A_843 : vector<16xf32>
        %mul3A_845 = arith.constant 10 : i32
        %mul3A_846 = arith.muli %scan3A_107, %mul3A_845 : i32
        %add3A_847 = arith.constant 9 : i32
        %add3A_848 = arith.addi %mul3A_846, %add3A_847 : i32
        %swap3A_849 = arith.index_cast %add3A_848 : i32 to index
        %swap3A_850 = arith.constant 16 : index
        %swap3A_851 = tpu.vector_load %arg13[%swap3A_849, %swap3A_850] {strides = array<i32>} : memref<100x64xf32, #tpu.memory_space<vmem>>, vector<1x16xf32>,
        %swap3A_852 = vector.shape_cast %swap3A_851 : vector<1x16xf32> to vector<16xf32>
        %swap3A_853 = vector.shape_cast %mul3A_844 : vector<16xf32> to vector<1x16xf32>
        tpu.vector_store %arg13[%swap3A_849, %swap3A_850], %swap3A_853 {strides = array<i32>} : memref<100x64xf32, #tpu.memory_space<vmem>>, vector<1x16xf32>,
        %mul3A_854 = arith.constant 10 : i32
        %mul3A_855 = arith.muli %scan3A_107, %mul3A_854 : i32
        %add3A_856 = arith.constant 9 : i32
        %add3A_857 = arith.addi %mul3A_855, %add3A_856 : i32
        %get3A_858 = arith.index_cast %add3A_857 : i32 to index
        %get3A_859 = arith.constant 32 : index
        %get3A_860 = tpu.vector_load %arg13[%get3A_858, %get3A_859] {strides = array<i32>} : memref<100x64xf32, #tpu.memory_space<vmem>>, vector<1x16xf32>,
        %get3A_861 = vector.shape_cast %get3A_860 : vector<1x16xf32> to vector<16xf32>
        %mul3A_862 = vector.broadcast %squeeze3A_815 : f32 to vector<16xf32>
        %mul3A_863 = arith.mulf %get3A_861, %mul3A_862 : vector<16xf32>
        %mul3A_864 = arith.constant 10 : i32
        %mul3A_865 = arith.muli %scan3A_107, %mul3A_864 : i32
        %add3A_866 = arith.constant 9 : i32
        %add3A_867 = arith.addi %mul3A_865, %add3A_866 : i32
        %swap3A_868 = arith.index_cast %add3A_867 : i32 to index
        %swap3A_869 = arith.constant 32 : index
        %swap3A_870 = tpu.vector_load %arg13[%swap3A_868, %swap3A_869] {strides = array<i32>} : memref<100x64xf32, #tpu.memory_space<vmem>>, vector<1x16xf32>,
        %swap3A_871 = vector.shape_cast %swap3A_870 : vector<1x16xf32> to vector<16xf32>
        %swap3A_872 = vector.shape_cast %mul3A_863 : vector<16xf32> to vector<1x16xf32>
        tpu.vector_store %arg13[%swap3A_868, %swap3A_869], %swap3A_872 {strides = array<i32>} : memref<100x64xf32, #tpu.memory_space<vmem>>, vector<1x16xf32>,
        %mul3A_873 = arith.constant 10 : i32
        %mul3A_874 = arith.muli %scan3A_107, %mul3A_873 : i32
        %add3A_875 = arith.constant 9 : i32
        %add3A_876 = arith.addi %mul3A_874, %add3A_875 : i32
        %get3A_877 = arith.index_cast %add3A_876 : i32 to index
        %get3A_878 = arith.constant 48 : index
        %get3A_879 = tpu.vector_load %arg13[%get3A_877, %get3A_878] {strides = array<i32>} : memref<100x64xf32, #tpu.memory_space<vmem>>, vector<1x16xf32>,
        %get3A_880 = vector.shape_cast %get3A_879 : vector<1x16xf32> to vector<16xf32>
        %mul3A_881 = vector.broadcast %squeeze3A_815 : f32 to vector<16xf32>
        %mul3A_882 = arith.mulf %get3A_880, %mul3A_881 : vector<16xf32>
        %mul3A_883 = arith.constant 10 : i32
        %mul3A_884 = arith.muli %scan3A_107, %mul3A_883 : i32
        %add3A_885 = arith.constant 9 : i32
        %add3A_886 = arith.addi %mul3A_884, %add3A_885 : i32
        %swap3A_887 = arith.index_cast %add3A_886 : i32 to index
        %swap3A_888 = arith.constant 48 : index
        %swap3A_889 = tpu.vector_load %arg13[%swap3A_887, %swap3A_888] {strides = array<i32>} : memref<100x64xf32, #tpu.memory_space<vmem>>, vector<1x16xf32>,
        %swap3A_890 = vector.shape_cast %swap3A_889 : vector<1x16xf32> to vector<16xf32>
        %swap3A_891 = vector.shape_cast %mul3A_882 : vector<16xf32> to vector<1x16xf32>
        tpu.vector_store %arg13[%swap3A_887, %swap3A_888], %swap3A_891 {strides = array<i32>} : memref<100x64xf32, #tpu.memory_space<vmem>>, vector<1x16xf32>,
      }
      %scan3A_67 = arith.constant 10 : i32
      %dma_start3A_68 = arith.constant 0 : i32
      %dma_start3A_69 = tpu.memref_slice %arg12[%add3A_43, %dma_start3A_68] : memref<100x100xi32, #tpu.memory_space<vmem>> -> memref<1x100xi32, #tpu.memory_space<vmem>>
      %dma_start3A_70 = tpu.memref_squeeze %dma_start3A_69 : memref<1x100xi32, #tpu.memory_space<vmem>> -> memref<100xi32, #tpu.memory_space<vmem>>
      %dma_start3A_71 = arith.constant 0 : i32
      %dma_start3A_72 = arith.constant 0 : i32
      %dma_start3A_73 = tpu.memref_slice %arg9[%dma_start3A_71, %dma_start3A_72] : memref<10000x64xf32, #tpu.memory_space<vmem_shared>> -> memref<10000x64xf32, #tpu.memory_space<vmem_shared>>
      tpu.enqueue_indirect_dma source(%arg13 : memref<100x64xf32, #tpu.memory_space<vmem>>) target(%dma_start3A_73 : memref<10000x64xf32, #tpu.memory_space<vmem_shared>>) offsets(%dma_start3A_70 : memref<100xi32, #tpu.memory_space<vmem>>) semaphore(%arg17 : memref<!tpu.dma_semaphore, #tpu.memory_space<semaphore_mem>>) {add = true}
      %mul3A_74 = arith.constant 2 : i32
      %mul3A_75 = arith.muli %mul3A_74, %scan3A_39 : i32
      %add3A_76 = arith.constant 1 : i32
      %add3A_77 = arith.addi %mul3A_75, %add3A_76 : i32
      %dma_wait3A_78 = arith.constant 0 : i32
      %dma_wait3A_79 = tpu.memref_slice %arg11[%add3A_77, %dma_wait3A_78] : memref<100x100xi32, #tpu.memory_space<vmem>> -> memref<1x100xi32, #tpu.memory_space<vmem>>
      %dma_wait3A_80 = tpu.memref_squeeze %dma_wait3A_79 : memref<1x100xi32, #tpu.memory_space<vmem>> -> memref<100xi32, #tpu.memory_space<vmem>>
      %dma_wait3A_81 = arith.constant 0 : i32
      %dma_wait3A_82 = arith.constant 0 : i32
      %dma_wait3A_83 = tpu.memref_slice %arg10[%dma_wait3A_81, %dma_wait3A_82] : memref<10000x64xf32, #tpu.memory_space<vmem_shared>> -> memref<10000x64xf32, #tpu.memory_space<vmem_shared>>
      tpu.wait_indirect_dma semaphore(%arg16 : memref<!tpu.dma_semaphore, #tpu.memory_space<semaphore_mem>>) src(%dma_wait3A_83 : memref<10000x64xf32, #tpu.memory_space<vmem_shared>>) dst(%arg14 : memref<100x64xf32, #tpu.memory_space<vmem>>)
      %sub3A = arith.constant 1 : i32
      %sub3A_84 = arith.subi %add3A_77, %sub3A : i32
      %dma_wait3A_85 = arith.constant 0 : i32
      %dma_wait3A_86 = tpu.memref_slice %arg12[%sub3A_84, %dma_wait3A_85] : memref<100x100xi32, #tpu.memory_space<vmem>> -> memref<1x100xi32, #tpu.memory_space<vmem>>
      %dma_wait3A_87 = tpu.memref_squeeze %dma_wait3A_86 : memref<1x100xi32, #tpu.memory_space<vmem>> -> memref<100xi32, #tpu.memory_space<vmem>>
      %dma_wait3A_88 = arith.constant 0 : i32
      %dma_wait3A_89 = arith.constant 0 : i32
      %dma_wait3A_90 = tpu.memref_slice %arg9[%dma_wait3A_88, %dma_wait3A_89] : memref<10000x64xf32, #tpu.memory_space<vmem_shared>> -> memref<10000x64xf32, #tpu.memory_space<vmem_shared>>
      tpu.wait_indirect_dma semaphore(%arg17 : memref<!tpu.dma_semaphore, #tpu.memory_space<semaphore_mem>>) src(%arg13 : memref<100x64xf32, #tpu.memory_space<vmem>>) dst(%dma_wait3A_90 : memref<10000x64xf32, #tpu.memory_space<vmem_shared>>)
      %lt3A = arith.constant 49 : i32
      %lt3A_91 = arith.cmpi slt, %scan3A_39, %lt3A : i32
      %convert_element_type3A_92 = arith.extui %lt3A_91 : i1 to i32
      %cond3A_93 = arith.constant 0 : i32
      %cond3A_94 = arith.cmpi ne, %convert_element_type3A_92, %cond3A_93 : i32
      scf.if %cond3A_94 {
        %add3A_107 = arith.constant 1 : i32
        %add3A_108 = arith.addi %add3A_77, %add3A_107 : i32
        %dma_start3A_109 = arith.constant 0 : i32
        %dma_start3A_110 = tpu.memref_slice %arg11[%add3A_108, %dma_start3A_109] : memref<100x100xi32, #tpu.memory_space<vmem>> -> memref<1x100xi32, #tpu.memory_space<vmem>>
        %dma_start3A_111 = tpu.memref_squeeze %dma_start3A_110 : memref<1x100xi32, #tpu.memory_space<vmem>> -> memref<100xi32, #tpu.memory_space<vmem>>
        %dma_start3A_112 = arith.constant 0 : i32
        %dma_start3A_113 = arith.constant 0 : i32
        %dma_start3A_114 = tpu.memref_slice %arg10[%dma_start3A_112, %dma_start3A_113] : memref<10000x64xf32, #tpu.memory_space<vmem_shared>> -> memref<10000x64xf32, #tpu.memory_space<vmem_shared>>
        tpu.enqueue_indirect_dma source(%dma_start3A_114 : memref<10000x64xf32, #tpu.memory_space<vmem_shared>>) target(%arg13 : memref<100x64xf32, #tpu.memory_space<vmem>>) offsets(%dma_start3A_111 : memref<100xi32, #tpu.memory_space<vmem>>) semaphore(%arg15 : memref<!tpu.dma_semaphore, #tpu.memory_space<semaphore_mem>>)
      } else {
      }
      %scan3A_95 = arith.constant 0 : i32
      %scan3A_96 = arith.constant 0 : i32
      %scan3A_97 = arith.constant 10 : i32
      %scan3A_98 = arith.addi %scan3A_96, %scan3A_97 : i32
      %scan3A_99 = arith.constant 1 : i32
      scf.for %scan3A_107 = %scan3A_96 to %scan3A_98 step %scan3A_99  : i32 {
        %mul3A_108 = arith.constant 100 : i32
        %mul3A_109 = arith.muli %add3A_77, %mul3A_108 : i32
        %mul3A_110 = arith.constant 10 : i32
        %mul3A_111 = arith.muli %scan3A_107, %mul3A_110 : i32
        %add3A_112 = arith.addi %mul3A_109, %mul3A_111 : i32
        %get3A = arith.index_cast %add3A_112 : i32 to index
        %get3A_113 = tpu.vector_load %arg19[%get3A] {strides = array<i32>} : memref<10016xf32, #tpu.memory_space<vmem>>, vector<16xf32>,
        %get3A_114 = vector.shape_cast %get3A_113 : vector<16xf32> to vector<16xf32>
        %slice3A = vector.extract_strided_slice %get3A_114 {offsets = [0], sizes = [1], strides = [1]} : vector<16xf32> to vector<1xf32>
        %squeeze3A = vector.extract %slice3A[0] : f32 from vector<1xf32>
        %mul3A_115 = arith.constant 10 : i32
        %mul3A_116 = arith.muli %scan3A_107, %mul3A_115 : i32
        %add3A_117 = arith.constant 0 : i32
        %add3A_118 = arith.addi %mul3A_116, %add3A_117 : i32
        %get3A_119 = arith.index_cast %add3A_118 : i32 to index
        %get3A_120 = arith.constant 0 : index
        %get3A_121 = tpu.vector_load %arg14[%get3A_119, %get3A_120] {strides = array<i32>} : memref<100x64xf32, #tpu.memory_space<vmem>>, vector<1x16xf32>,
        %get3A_122 = vector.shape_cast %get3A_121 : vector<1x16xf32> to vector<16xf32>
        %mul3A_123 = vector.broadcast %squeeze3A : f32 to vector<16xf32>
        %mul3A_124 = arith.mulf %get3A_122, %mul3A_123 : vector<16xf32>
        %mul3A_125 = arith.constant 10 : i32
        %mul3A_126 = arith.muli %scan3A_107, %mul3A_125 : i32
        %add3A_127 = arith.constant 0 : i32
        %add3A_128 = arith.addi %mul3A_126, %add3A_127 : i32
        %swap3A = arith.index_cast %add3A_128 : i32 to index
        %swap3A_129 = arith.constant 0 : index
        %swap3A_130 = tpu.vector_load %arg14[%swap3A, %swap3A_129] {strides = array<i32>} : memref<100x64xf32, #tpu.memory_space<vmem>>, vector<1x16xf32>,
        %swap3A_131 = vector.shape_cast %swap3A_130 : vector<1x16xf32> to vector<16xf32>
        %swap3A_132 = vector.shape_cast %mul3A_124 : vector<16xf32> to vector<1x16xf32>
        tpu.vector_store %arg14[%swap3A, %swap3A_129], %swap3A_132 {strides = array<i32>} : memref<100x64xf32, #tpu.memory_space<vmem>>, vector<1x16xf32>,
        %mul3A_133 = arith.constant 10 : i32
        %mul3A_134 = arith.muli %scan3A_107, %mul3A_133 : i32
        %add3A_135 = arith.constant 0 : i32
        %add3A_136 = arith.addi %mul3A_134, %add3A_135 : i32
        %get3A_137 = arith.index_cast %add3A_136 : i32 to index
        %get3A_138 = arith.constant 16 : index
        %get3A_139 = tpu.vector_load %arg14[%get3A_137, %get3A_138] {strides = array<i32>} : memref<100x64xf32, #tpu.memory_space<vmem>>, vector<1x16xf32>,
        %get3A_140 = vector.shape_cast %get3A_139 : vector<1x16xf32> to vector<16xf32>
        %mul3A_141 = vector.broadcast %squeeze3A : f32 to vector<16xf32>
        %mul3A_142 = arith.mulf %get3A_140, %mul3A_141 : vector<16xf32>
        %mul3A_143 = arith.constant 10 : i32
        %mul3A_144 = arith.muli %scan3A_107, %mul3A_143 : i32
        %add3A_145 = arith.constant 0 : i32
        %add3A_146 = arith.addi %mul3A_144, %add3A_145 : i32
        %swap3A_147 = arith.index_cast %add3A_146 : i32 to index
        %swap3A_148 = arith.constant 16 : index
        %swap3A_149 = tpu.vector_load %arg14[%swap3A_147, %swap3A_148] {strides = array<i32>} : memref<100x64xf32, #tpu.memory_space<vmem>>, vector<1x16xf32>,
        %swap3A_150 = vector.shape_cast %swap3A_149 : vector<1x16xf32> to vector<16xf32>
        %swap3A_151 = vector.shape_cast %mul3A_142 : vector<16xf32> to vector<1x16xf32>
        tpu.vector_store %arg14[%swap3A_147, %swap3A_148], %swap3A_151 {strides = array<i32>} : memref<100x64xf32, #tpu.memory_space<vmem>>, vector<1x16xf32>,
        %mul3A_152 = arith.constant 10 : i32
        %mul3A_153 = arith.muli %scan3A_107, %mul3A_152 : i32
        %add3A_154 = arith.constant 0 : i32
        %add3A_155 = arith.addi %mul3A_153, %add3A_154 : i32
        %get3A_156 = arith.index_cast %add3A_155 : i32 to index
        %get3A_157 = arith.constant 32 : index
        %get3A_158 = tpu.vector_load %arg14[%get3A_156, %get3A_157] {strides = array<i32>} : memref<100x64xf32, #tpu.memory_space<vmem>>, vector<1x16xf32>,
        %get3A_159 = vector.shape_cast %get3A_158 : vector<1x16xf32> to vector<16xf32>
        %mul3A_160 = vector.broadcast %squeeze3A : f32 to vector<16xf32>
        %mul3A_161 = arith.mulf %get3A_159, %mul3A_160 : vector<16xf32>
        %mul3A_162 = arith.constant 10 : i32
        %mul3A_163 = arith.muli %scan3A_107, %mul3A_162 : i32
        %add3A_164 = arith.constant 0 : i32
        %add3A_165 = arith.addi %mul3A_163, %add3A_164 : i32
        %swap3A_166 = arith.index_cast %add3A_165 : i32 to index
        %swap3A_167 = arith.constant 32 : index
        %swap3A_168 = tpu.vector_load %arg14[%swap3A_166, %swap3A_167] {strides = array<i32>} : memref<100x64xf32, #tpu.memory_space<vmem>>, vector<1x16xf32>,
        %swap3A_169 = vector.shape_cast %swap3A_168 : vector<1x16xf32> to vector<16xf32>
        %swap3A_170 = vector.shape_cast %mul3A_161 : vector<16xf32> to vector<1x16xf32>
        tpu.vector_store %arg14[%swap3A_166, %swap3A_167], %swap3A_170 {strides = array<i32>} : memref<100x64xf32, #tpu.memory_space<vmem>>, vector<1x16xf32>,
        %mul3A_171 = arith.constant 10 : i32
        %mul3A_172 = arith.muli %scan3A_107, %mul3A_171 : i32
        %add3A_173 = arith.constant 0 : i32
        %add3A_174 = arith.addi %mul3A_172, %add3A_173 : i32
        %get3A_175 = arith.index_cast %add3A_174 : i32 to index
        %get3A_176 = arith.constant 48 : index
        %get3A_177 = tpu.vector_load %arg14[%get3A_175, %get3A_176] {strides = array<i32>} : memref<100x64xf32, #tpu.memory_space<vmem>>, vector<1x16xf32>,
        %get3A_178 = vector.shape_cast %get3A_177 : vector<1x16xf32> to vector<16xf32>
        %mul3A_179 = vector.broadcast %squeeze3A : f32 to vector<16xf32>
        %mul3A_180 = arith.mulf %get3A_178, %mul3A_179 : vector<16xf32>
        %mul3A_181 = arith.constant 10 : i32
        %mul3A_182 = arith.muli %scan3A_107, %mul3A_181 : i32
        %add3A_183 = arith.constant 0 : i32
        %add3A_184 = arith.addi %mul3A_182, %add3A_183 : i32
        %swap3A_185 = arith.index_cast %add3A_184 : i32 to index
        %swap3A_186 = arith.constant 48 : index
        %swap3A_187 = tpu.vector_load %arg14[%swap3A_185, %swap3A_186] {strides = array<i32>} : memref<100x64xf32, #tpu.memory_space<vmem>>, vector<1x16xf32>,
        %swap3A_188 = vector.shape_cast %swap3A_187 : vector<1x16xf32> to vector<16xf32>
        %swap3A_189 = vector.shape_cast %mul3A_180 : vector<16xf32> to vector<1x16xf32>
        tpu.vector_store %arg14[%swap3A_185, %swap3A_186], %swap3A_189 {strides = array<i32>} : memref<100x64xf32, #tpu.memory_space<vmem>>, vector<1x16xf32>,
        %slice3A_190 = vector.extract_strided_slice %get3A_114 {offsets = [1], sizes = [1], strides = [1]} : vector<16xf32> to vector<1xf32>
        %squeeze3A_191 = vector.extract %slice3A_190[0] : f32 from vector<1xf32>
        %mul3A_192 = arith.constant 10 : i32
        %mul3A_193 = arith.muli %scan3A_107, %mul3A_192 : i32
        %add3A_194 = arith.constant 1 : i32
        %add3A_195 = arith.addi %mul3A_193, %add3A_194 : i32
        %get3A_196 = arith.index_cast %add3A_195 : i32 to index
        %get3A_197 = arith.constant 0 : index
        %get3A_198 = tpu.vector_load %arg14[%get3A_196, %get3A_197] {strides = array<i32>} : memref<100x64xf32, #tpu.memory_space<vmem>>, vector<1x16xf32>,
        %get3A_199 = vector.shape_cast %get3A_198 : vector<1x16xf32> to vector<16xf32>
        %mul3A_200 = vector.broadcast %squeeze3A_191 : f32 to vector<16xf32>
        %mul3A_201 = arith.mulf %get3A_199, %mul3A_200 : vector<16xf32>
        %mul3A_202 = arith.constant 10 : i32
        %mul3A_203 = arith.muli %scan3A_107, %mul3A_202 : i32
        %add3A_204 = arith.constant 1 : i32
        %add3A_205 = arith.addi %mul3A_203, %add3A_204 : i32
        %swap3A_206 = arith.index_cast %add3A_205 : i32 to index
        %swap3A_207 = arith.constant 0 : index
        %swap3A_208 = tpu.vector_load %arg14[%swap3A_206, %swap3A_207] {strides = array<i32>} : memref<100x64xf32, #tpu.memory_space<vmem>>, vector<1x16xf32>,
        %swap3A_209 = vector.shape_cast %swap3A_208 : vector<1x16xf32> to vector<16xf32>
        %swap3A_210 = vector.shape_cast %mul3A_201 : vector<16xf32> to vector<1x16xf32>
        tpu.vector_store %arg14[%swap3A_206, %swap3A_207], %swap3A_210 {strides = array<i32>} : memref<100x64xf32, #tpu.memory_space<vmem>>, vector<1x16xf32>,
        %mul3A_211 = arith.constant 10 : i32
        %mul3A_212 = arith.muli %scan3A_107, %mul3A_211 : i32
        %add3A_213 = arith.constant 1 : i32
        %add3A_214 = arith.addi %mul3A_212, %add3A_213 : i32
        %get3A_215 = arith.index_cast %add3A_214 : i32 to index
        %get3A_216 = arith.constant 16 : index
        %get3A_217 = tpu.vector_load %arg14[%get3A_215, %get3A_216] {strides = array<i32>} : memref<100x64xf32, #tpu.memory_space<vmem>>, vector<1x16xf32>,
        %get3A_218 = vector.shape_cast %get3A_217 : vector<1x16xf32> to vector<16xf32>
        %mul3A_219 = vector.broadcast %squeeze3A_191 : f32 to vector<16xf32>
        %mul3A_220 = arith.mulf %get3A_218, %mul3A_219 : vector<16xf32>
        %mul3A_221 = arith.constant 10 : i32
        %mul3A_222 = arith.muli %scan3A_107, %mul3A_221 : i32
        %add3A_223 = arith.constant 1 : i32
        %add3A_224 = arith.addi %mul3A_222, %add3A_223 : i32
        %swap3A_225 = arith.index_cast %add3A_224 : i32 to index
        %swap3A_226 = arith.constant 16 : index
        %swap3A_227 = tpu.vector_load %arg14[%swap3A_225, %swap3A_226] {strides = array<i32>} : memref<100x64xf32, #tpu.memory_space<vmem>>, vector<1x16xf32>,
        %swap3A_228 = vector.shape_cast %swap3A_227 : vector<1x16xf32> to vector<16xf32>
        %swap3A_229 = vector.shape_cast %mul3A_220 : vector<16xf32> to vector<1x16xf32>
        tpu.vector_store %arg14[%swap3A_225, %swap3A_226], %swap3A_229 {strides = array<i32>} : memref<100x64xf32, #tpu.memory_space<vmem>>, vector<1x16xf32>,
        %mul3A_230 = arith.constant 10 : i32
        %mul3A_231 = arith.muli %scan3A_107, %mul3A_230 : i32
        %add3A_232 = arith.constant 1 : i32
        %add3A_233 = arith.addi %mul3A_231, %add3A_232 : i32
        %get3A_234 = arith.index_cast %add3A_233 : i32 to index
        %get3A_235 = arith.constant 32 : index
        %get3A_236 = tpu.vector_load %arg14[%get3A_234, %get3A_235] {strides = array<i32>} : memref<100x64xf32, #tpu.memory_space<vmem>>, vector<1x16xf32>,
        %get3A_237 = vector.shape_cast %get3A_236 : vector<1x16xf32> to vector<16xf32>
        %mul3A_238 = vector.broadcast %squeeze3A_191 : f32 to vector<16xf32>
        %mul3A_239 = arith.mulf %get3A_237, %mul3A_238 : vector<16xf32>
        %mul3A_240 = arith.constant 10 : i32
        %mul3A_241 = arith.muli %scan3A_107, %mul3A_240 : i32
        %add3A_242 = arith.constant 1 : i32
        %add3A_243 = arith.addi %mul3A_241, %add3A_242 : i32
        %swap3A_244 = arith.index_cast %add3A_243 : i32 to index
        %swap3A_245 = arith.constant 32 : index
        %swap3A_246 = tpu.vector_load %arg14[%swap3A_244, %swap3A_245] {strides = array<i32>} : memref<100x64xf32, #tpu.memory_space<vmem>>, vector<1x16xf32>,
        %swap3A_247 = vector.shape_cast %swap3A_246 : vector<1x16xf32> to vector<16xf32>
        %swap3A_248 = vector.shape_cast %mul3A_239 : vector<16xf32> to vector<1x16xf32>
        tpu.vector_store %arg14[%swap3A_244, %swap3A_245], %swap3A_248 {strides = array<i32>} : memref<100x64xf32, #tpu.memory_space<vmem>>, vector<1x16xf32>,
        %mul3A_249 = arith.constant 10 : i32
        %mul3A_250 = arith.muli %scan3A_107, %mul3A_249 : i32
        %add3A_251 = arith.constant 1 : i32
        %add3A_252 = arith.addi %mul3A_250, %add3A_251 : i32
        %get3A_253 = arith.index_cast %add3A_252 : i32 to index
        %get3A_254 = arith.constant 48 : index
        %get3A_255 = tpu.vector_load %arg14[%get3A_253, %get3A_254] {strides = array<i32>} : memref<100x64xf32, #tpu.memory_space<vmem>>, vector<1x16xf32>,
        %get3A_256 = vector.shape_cast %get3A_255 : vector<1x16xf32> to vector<16xf32>
        %mul3A_257 = vector.broadcast %squeeze3A_191 : f32 to vector<16xf32>
        %mul3A_258 = arith.mulf %get3A_256, %mul3A_257 : vector<16xf32>
        %mul3A_259 = arith.constant 10 : i32
        %mul3A_260 = arith.muli %scan3A_107, %mul3A_259 : i32
        %add3A_261 = arith.constant 1 : i32
        %add3A_262 = arith.addi %mul3A_260, %add3A_261 : i32
        %swap3A_263 = arith.index_cast %add3A_262 : i32 to index
        %swap3A_264 = arith.constant 48 : index
        %swap3A_265 = tpu.vector_load %arg14[%swap3A_263, %swap3A_264] {strides = array<i32>} : memref<100x64xf32, #tpu.memory_space<vmem>>, vector<1x16xf32>,
        %swap3A_266 = vector.shape_cast %swap3A_265 : vector<1x16xf32> to vector<16xf32>
        %swap3A_267 = vector.shape_cast %mul3A_258 : vector<16xf32> to vector<1x16xf32>
        tpu.vector_store %arg14[%swap3A_263, %swap3A_264], %swap3A_267 {strides = array<i32>} : memref<100x64xf32, #tpu.memory_space<vmem>>, vector<1x16xf32>,
        %slice3A_268 = vector.extract_strided_slice %get3A_114 {offsets = [2], sizes = [1], strides = [1]} : vector<16xf32> to vector<1xf32>
        %squeeze3A_269 = vector.extract %slice3A_268[0] : f32 from vector<1xf32>
        %mul3A_270 = arith.constant 10 : i32
        %mul3A_271 = arith.muli %scan3A_107, %mul3A_270 : i32
        %add3A_272 = arith.constant 2 : i32
        %add3A_273 = arith.addi %mul3A_271, %add3A_272 : i32
        %get3A_274 = arith.index_cast %add3A_273 : i32 to index
        %get3A_275 = arith.constant 0 : index
        %get3A_276 = tpu.vector_load %arg14[%get3A_274, %get3A_275] {strides = array<i32>} : memref<100x64xf32, #tpu.memory_space<vmem>>, vector<1x16xf32>,
        %get3A_277 = vector.shape_cast %get3A_276 : vector<1x16xf32> to vector<16xf32>
        %mul3A_278 = vector.broadcast %squeeze3A_269 : f32 to vector<16xf32>
        %mul3A_279 = arith.mulf %get3A_277, %mul3A_278 : vector<16xf32>
        %mul3A_280 = arith.constant 10 : i32
        %mul3A_281 = arith.muli %scan3A_107, %mul3A_280 : i32
        %add3A_282 = arith.constant 2 : i32
        %add3A_283 = arith.addi %mul3A_281, %add3A_282 : i32
        %swap3A_284 = arith.index_cast %add3A_283 : i32 to index
        %swap3A_285 = arith.constant 0 : index
        %swap3A_286 = tpu.vector_load %arg14[%swap3A_284, %swap3A_285] {strides = array<i32>} : memref<100x64xf32, #tpu.memory_space<vmem>>, vector<1x16xf32>,
        %swap3A_287 = vector.shape_cast %swap3A_286 : vector<1x16xf32> to vector<16xf32>
        %swap3A_288 = vector.shape_cast %mul3A_279 : vector<16xf32> to vector<1x16xf32>
        tpu.vector_store %arg14[%swap3A_284, %swap3A_285], %swap3A_288 {strides = array<i32>} : memref<100x64xf32, #tpu.memory_space<vmem>>, vector<1x16xf32>,
        %mul3A_289 = arith.constant 10 : i32
        %mul3A_290 = arith.muli %scan3A_107, %mul3A_289 : i32
        %add3A_291 = arith.constant 2 : i32
        %add3A_292 = arith.addi %mul3A_290, %add3A_291 : i32
        %get3A_293 = arith.index_cast %add3A_292 : i32 to index
        %get3A_294 = arith.constant 16 : index
        %get3A_295 = tpu.vector_load %arg14[%get3A_293, %get3A_294] {strides = array<i32>} : memref<100x64xf32, #tpu.memory_space<vmem>>, vector<1x16xf32>,
        %get3A_296 = vector.shape_cast %get3A_295 : vector<1x16xf32> to vector<16xf32>
        %mul3A_297 = vector.broadcast %squeeze3A_269 : f32 to vector<16xf32>
        %mul3A_298 = arith.mulf %get3A_296, %mul3A_297 : vector<16xf32>
        %mul3A_299 = arith.constant 10 : i32
        %mul3A_300 = arith.muli %scan3A_107, %mul3A_299 : i32
        %add3A_301 = arith.constant 2 : i32
        %add3A_302 = arith.addi %mul3A_300, %add3A_301 : i32
        %swap3A_303 = arith.index_cast %add3A_302 : i32 to index
        %swap3A_304 = arith.constant 16 : index
        %swap3A_305 = tpu.vector_load %arg14[%swap3A_303, %swap3A_304] {strides = array<i32>} : memref<100x64xf32, #tpu.memory_space<vmem>>, vector<1x16xf32>,
        %swap3A_306 = vector.shape_cast %swap3A_305 : vector<1x16xf32> to vector<16xf32>
        %swap3A_307 = vector.shape_cast %mul3A_298 : vector<16xf32> to vector<1x16xf32>
        tpu.vector_store %arg14[%swap3A_303, %swap3A_304], %swap3A_307 {strides = array<i32>} : memref<100x64xf32, #tpu.memory_space<vmem>>, vector<1x16xf32>,
        %mul3A_308 = arith.constant 10 : i32
        %mul3A_309 = arith.muli %scan3A_107, %mul3A_308 : i32
        %add3A_310 = arith.constant 2 : i32
        %add3A_311 = arith.addi %mul3A_309, %add3A_310 : i32
        %get3A_312 = arith.index_cast %add3A_311 : i32 to index
        %get3A_313 = arith.constant 32 : index
        %get3A_314 = tpu.vector_load %arg14[%get3A_312, %get3A_313] {strides = array<i32>} : memref<100x64xf32, #tpu.memory_space<vmem>>, vector<1x16xf32>,
        %get3A_315 = vector.shape_cast %get3A_314 : vector<1x16xf32> to vector<16xf32>
        %mul3A_316 = vector.broadcast %squeeze3A_269 : f32 to vector<16xf32>
        %mul3A_317 = arith.mulf %get3A_315, %mul3A_316 : vector<16xf32>
        %mul3A_318 = arith.constant 10 : i32
        %mul3A_319 = arith.muli %scan3A_107, %mul3A_318 : i32
        %add3A_320 = arith.constant 2 : i32
        %add3A_321 = arith.addi %mul3A_319, %add3A_320 : i32
        %swap3A_322 = arith.index_cast %add3A_321 : i32 to index
        %swap3A_323 = arith.constant 32 : index
        %swap3A_324 = tpu.vector_load %arg14[%swap3A_322, %swap3A_323] {strides = array<i32>} : memref<100x64xf32, #tpu.memory_space<vmem>>, vector<1x16xf32>,
        %swap3A_325 = vector.shape_cast %swap3A_324 : vector<1x16xf32> to vector<16xf32>
        %swap3A_326 = vector.shape_cast %mul3A_317 : vector<16xf32> to vector<1x16xf32>
        tpu.vector_store %arg14[%swap3A_322, %swap3A_323], %swap3A_326 {strides = array<i32>} : memref<100x64xf32, #tpu.memory_space<vmem>>, vector<1x16xf32>,
        %mul3A_327 = arith.constant 10 : i32
        %mul3A_328 = arith.muli %scan3A_107, %mul3A_327 : i32
        %add3A_329 = arith.constant 2 : i32
        %add3A_330 = arith.addi %mul3A_328, %add3A_329 : i32
        %get3A_331 = arith.index_cast %add3A_330 : i32 to index
        %get3A_332 = arith.constant 48 : index
        %get3A_333 = tpu.vector_load %arg14[%get3A_331, %get3A_332] {strides = array<i32>} : memref<100x64xf32, #tpu.memory_space<vmem>>, vector<1x16xf32>,
        %get3A_334 = vector.shape_cast %get3A_333 : vector<1x16xf32> to vector<16xf32>
        %mul3A_335 = vector.broadcast %squeeze3A_269 : f32 to vector<16xf32>
        %mul3A_336 = arith.mulf %get3A_334, %mul3A_335 : vector<16xf32>
        %mul3A_337 = arith.constant 10 : i32
        %mul3A_338 = arith.muli %scan3A_107, %mul3A_337 : i32
        %add3A_339 = arith.constant 2 : i32
        %add3A_340 = arith.addi %mul3A_338, %add3A_339 : i32
        %swap3A_341 = arith.index_cast %add3A_340 : i32 to index
        %swap3A_342 = arith.constant 48 : index
        %swap3A_343 = tpu.vector_load %arg14[%swap3A_341, %swap3A_342] {strides = array<i32>} : memref<100x64xf32, #tpu.memory_space<vmem>>, vector<1x16xf32>,
        %swap3A_344 = vector.shape_cast %swap3A_343 : vector<1x16xf32> to vector<16xf32>
        %swap3A_345 = vector.shape_cast %mul3A_336 : vector<16xf32> to vector<1x16xf32>
        tpu.vector_store %arg14[%swap3A_341, %swap3A_342], %swap3A_345 {strides = array<i32>} : memref<100x64xf32, #tpu.memory_space<vmem>>, vector<1x16xf32>,
        %slice3A_346 = vector.extract_strided_slice %get3A_114 {offsets = [3], sizes = [1], strides = [1]} : vector<16xf32> to vector<1xf32>
        %squeeze3A_347 = vector.extract %slice3A_346[0] : f32 from vector<1xf32>
        %mul3A_348 = arith.constant 10 : i32
        %mul3A_349 = arith.muli %scan3A_107, %mul3A_348 : i32
        %add3A_350 = arith.constant 3 : i32
        %add3A_351 = arith.addi %mul3A_349, %add3A_350 : i32
        %get3A_352 = arith.index_cast %add3A_351 : i32 to index
        %get3A_353 = arith.constant 0 : index
        %get3A_354 = tpu.vector_load %arg14[%get3A_352, %get3A_353] {strides = array<i32>} : memref<100x64xf32, #tpu.memory_space<vmem>>, vector<1x16xf32>,
        %get3A_355 = vector.shape_cast %get3A_354 : vector<1x16xf32> to vector<16xf32>
        %mul3A_356 = vector.broadcast %squeeze3A_347 : f32 to vector<16xf32>
        %mul3A_357 = arith.mulf %get3A_355, %mul3A_356 : vector<16xf32>
        %mul3A_358 = arith.constant 10 : i32
        %mul3A_359 = arith.muli %scan3A_107, %mul3A_358 : i32
        %add3A_360 = arith.constant 3 : i32
        %add3A_361 = arith.addi %mul3A_359, %add3A_360 : i32
        %swap3A_362 = arith.index_cast %add3A_361 : i32 to index
        %swap3A_363 = arith.constant 0 : index
        %swap3A_364 = tpu.vector_load %arg14[%swap3A_362, %swap3A_363] {strides = array<i32>} : memref<100x64xf32, #tpu.memory_space<vmem>>, vector<1x16xf32>,
        %swap3A_365 = vector.shape_cast %swap3A_364 : vector<1x16xf32> to vector<16xf32>
        %swap3A_366 = vector.shape_cast %mul3A_357 : vector<16xf32> to vector<1x16xf32>
        tpu.vector_store %arg14[%swap3A_362, %swap3A_363], %swap3A_366 {strides = array<i32>} : memref<100x64xf32, #tpu.memory_space<vmem>>, vector<1x16xf32>,
        %mul3A_367 = arith.constant 10 : i32
        %mul3A_368 = arith.muli %scan3A_107, %mul3A_367 : i32
        %add3A_369 = arith.constant 3 : i32
        %add3A_370 = arith.addi %mul3A_368, %add3A_369 : i32
        %get3A_371 = arith.index_cast %add3A_370 : i32 to index
        %get3A_372 = arith.constant 16 : index
        %get3A_373 = tpu.vector_load %arg14[%get3A_371, %get3A_372] {strides = array<i32>} : memref<100x64xf32, #tpu.memory_space<vmem>>, vector<1x16xf32>,
        %get3A_374 = vector.shape_cast %get3A_373 : vector<1x16xf32> to vector<16xf32>
        %mul3A_375 = vector.broadcast %squeeze3A_347 : f32 to vector<16xf32>
        %mul3A_376 = arith.mulf %get3A_374, %mul3A_375 : vector<16xf32>
        %mul3A_377 = arith.constant 10 : i32
        %mul3A_378 = arith.muli %scan3A_107, %mul3A_377 : i32
        %add3A_379 = arith.constant 3 : i32
        %add3A_380 = arith.addi %mul3A_378, %add3A_379 : i32
        %swap3A_381 = arith.index_cast %add3A_380 : i32 to index
        %swap3A_382 = arith.constant 16 : index
        %swap3A_383 = tpu.vector_load %arg14[%swap3A_381, %swap3A_382] {strides = array<i32>} : memref<100x64xf32, #tpu.memory_space<vmem>>, vector<1x16xf32>,
        %swap3A_384 = vector.shape_cast %swap3A_383 : vector<1x16xf32> to vector<16xf32>
        %swap3A_385 = vector.shape_cast %mul3A_376 : vector<16xf32> to vector<1x16xf32>
        tpu.vector_store %arg14[%swap3A_381, %swap3A_382], %swap3A_385 {strides = array<i32>} : memref<100x64xf32, #tpu.memory_space<vmem>>, vector<1x16xf32>,
        %mul3A_386 = arith.constant 10 : i32
        %mul3A_387 = arith.muli %scan3A_107, %mul3A_386 : i32
        %add3A_388 = arith.constant 3 : i32
        %add3A_389 = arith.addi %mul3A_387, %add3A_388 : i32
        %get3A_390 = arith.index_cast %add3A_389 : i32 to index
        %get3A_391 = arith.constant 32 : index
        %get3A_392 = tpu.vector_load %arg14[%get3A_390, %get3A_391] {strides = array<i32>} : memref<100x64xf32, #tpu.memory_space<vmem>>, vector<1x16xf32>,
        %get3A_393 = vector.shape_cast %get3A_392 : vector<1x16xf32> to vector<16xf32>
        %mul3A_394 = vector.broadcast %squeeze3A_347 : f32 to vector<16xf32>
        %mul3A_395 = arith.mulf %get3A_393, %mul3A_394 : vector<16xf32>
        %mul3A_396 = arith.constant 10 : i32
        %mul3A_397 = arith.muli %scan3A_107, %mul3A_396 : i32
        %add3A_398 = arith.constant 3 : i32
        %add3A_399 = arith.addi %mul3A_397, %add3A_398 : i32
        %swap3A_400 = arith.index_cast %add3A_399 : i32 to index
        %swap3A_401 = arith.constant 32 : index
        %swap3A_402 = tpu.vector_load %arg14[%swap3A_400, %swap3A_401] {strides = array<i32>} : memref<100x64xf32, #tpu.memory_space<vmem>>, vector<1x16xf32>,
        %swap3A_403 = vector.shape_cast %swap3A_402 : vector<1x16xf32> to vector<16xf32>
        %swap3A_404 = vector.shape_cast %mul3A_395 : vector<16xf32> to vector<1x16xf32>
        tpu.vector_store %arg14[%swap3A_400, %swap3A_401], %swap3A_404 {strides = array<i32>} : memref<100x64xf32, #tpu.memory_space<vmem>>, vector<1x16xf32>,
        %mul3A_405 = arith.constant 10 : i32
        %mul3A_406 = arith.muli %scan3A_107, %mul3A_405 : i32
        %add3A_407 = arith.constant 3 : i32
        %add3A_408 = arith.addi %mul3A_406, %add3A_407 : i32
        %get3A_409 = arith.index_cast %add3A_408 : i32 to index
        %get3A_410 = arith.constant 48 : index
        %get3A_411 = tpu.vector_load %arg14[%get3A_409, %get3A_410] {strides = array<i32>} : memref<100x64xf32, #tpu.memory_space<vmem>>, vector<1x16xf32>,
        %get3A_412 = vector.shape_cast %get3A_411 : vector<1x16xf32> to vector<16xf32>
        %mul3A_413 = vector.broadcast %squeeze3A_347 : f32 to vector<16xf32>
        %mul3A_414 = arith.mulf %get3A_412, %mul3A_413 : vector<16xf32>
        %mul3A_415 = arith.constant 10 : i32
        %mul3A_416 = arith.muli %scan3A_107, %mul3A_415 : i32
        %add3A_417 = arith.constant 3 : i32
        %add3A_418 = arith.addi %mul3A_416, %add3A_417 : i32
        %swap3A_419 = arith.index_cast %add3A_418 : i32 to index
        %swap3A_420 = arith.constant 48 : index
        %swap3A_421 = tpu.vector_load %arg14[%swap3A_419, %swap3A_420] {strides = array<i32>} : memref<100x64xf32, #tpu.memory_space<vmem>>, vector<1x16xf32>,
        %swap3A_422 = vector.shape_cast %swap3A_421 : vector<1x16xf32> to vector<16xf32>
        %swap3A_423 = vector.shape_cast %mul3A_414 : vector<16xf32> to vector<1x16xf32>
        tpu.vector_store %arg14[%swap3A_419, %swap3A_420], %swap3A_423 {strides = array<i32>} : memref<100x64xf32, #tpu.memory_space<vmem>>, vector<1x16xf32>,
        %slice3A_424 = vector.extract_strided_slice %get3A_114 {offsets = [4], sizes = [1], strides = [1]} : vector<16xf32> to vector<1xf32>
        %squeeze3A_425 = vector.extract %slice3A_424[0] : f32 from vector<1xf32>
        %mul3A_426 = arith.constant 10 : i32
        %mul3A_427 = arith.muli %scan3A_107, %mul3A_426 : i32
        %add3A_428 = arith.constant 4 : i32
        %add3A_429 = arith.addi %mul3A_427, %add3A_428 : i32
        %get3A_430 = arith.index_cast %add3A_429 : i32 to index
        %get3A_431 = arith.constant 0 : index
        %get3A_432 = tpu.vector_load %arg14[%get3A_430, %get3A_431] {strides = array<i32>} : memref<100x64xf32, #tpu.memory_space<vmem>>, vector<1x16xf32>,
        %get3A_433 = vector.shape_cast %get3A_432 : vector<1x16xf32> to vector<16xf32>
        %mul3A_434 = vector.broadcast %squeeze3A_425 : f32 to vector<16xf32>
        %mul3A_435 = arith.mulf %get3A_433, %mul3A_434 : vector<16xf32>
        %mul3A_436 = arith.constant 10 : i32
        %mul3A_437 = arith.muli %scan3A_107, %mul3A_436 : i32
        %add3A_438 = arith.constant 4 : i32
        %add3A_439 = arith.addi %mul3A_437, %add3A_438 : i32
        %swap3A_440 = arith.index_cast %add3A_439 : i32 to index
        %swap3A_441 = arith.constant 0 : index
        %swap3A_442 = tpu.vector_load %arg14[%swap3A_440, %swap3A_441] {strides = array<i32>} : memref<100x64xf32, #tpu.memory_space<vmem>>, vector<1x16xf32>,
        %swap3A_443 = vector.shape_cast %swap3A_442 : vector<1x16xf32> to vector<16xf32>
        %swap3A_444 = vector.shape_cast %mul3A_435 : vector<16xf32> to vector<1x16xf32>
        tpu.vector_store %arg14[%swap3A_440, %swap3A_441], %swap3A_444 {strides = array<i32>} : memref<100x64xf32, #tpu.memory_space<vmem>>, vector<1x16xf32>,
        %mul3A_445 = arith.constant 10 : i32
        %mul3A_446 = arith.muli %scan3A_107, %mul3A_445 : i32
        %add3A_447 = arith.constant 4 : i32
        %add3A_448 = arith.addi %mul3A_446, %add3A_447 : i32
        %get3A_449 = arith.index_cast %add3A_448 : i32 to index
        %get3A_450 = arith.constant 16 : index
        %get3A_451 = tpu.vector_load %arg14[%get3A_449, %get3A_450] {strides = array<i32>} : memref<100x64xf32, #tpu.memory_space<vmem>>, vector<1x16xf32>,
        %get3A_452 = vector.shape_cast %get3A_451 : vector<1x16xf32> to vector<16xf32>
        %mul3A_453 = vector.broadcast %squeeze3A_425 : f32 to vector<16xf32>
        %mul3A_454 = arith.mulf %get3A_452, %mul3A_453 : vector<16xf32>
        %mul3A_455 = arith.constant 10 : i32
        %mul3A_456 = arith.muli %scan3A_107, %mul3A_455 : i32
        %add3A_457 = arith.constant 4 : i32
        %add3A_458 = arith.addi %mul3A_456, %add3A_457 : i32
        %swap3A_459 = arith.index_cast %add3A_458 : i32 to index
        %swap3A_460 = arith.constant 16 : index
        %swap3A_461 = tpu.vector_load %arg14[%swap3A_459, %swap3A_460] {strides = array<i32>} : memref<100x64xf32, #tpu.memory_space<vmem>>, vector<1x16xf32>,
        %swap3A_462 = vector.shape_cast %swap3A_461 : vector<1x16xf32> to vector<16xf32>
        %swap3A_463 = vector.shape_cast %mul3A_454 : vector<16xf32> to vector<1x16xf32>
        tpu.vector_store %arg14[%swap3A_459, %swap3A_460], %swap3A_463 {strides = array<i32>} : memref<100x64xf32, #tpu.memory_space<vmem>>, vector<1x16xf32>,
        %mul3A_464 = arith.constant 10 : i32
        %mul3A_465 = arith.muli %scan3A_107, %mul3A_464 : i32
        %add3A_466 = arith.constant 4 : i32
        %add3A_467 = arith.addi %mul3A_465, %add3A_466 : i32
        %get3A_468 = arith.index_cast %add3A_467 : i32 to index
        %get3A_469 = arith.constant 32 : index
        %get3A_470 = tpu.vector_load %arg14[%get3A_468, %get3A_469] {strides = array<i32>} : memref<100x64xf32, #tpu.memory_space<vmem>>, vector<1x16xf32>,
        %get3A_471 = vector.shape_cast %get3A_470 : vector<1x16xf32> to vector<16xf32>
        %mul3A_472 = vector.broadcast %squeeze3A_425 : f32 to vector<16xf32>
        %mul3A_473 = arith.mulf %get3A_471, %mul3A_472 : vector<16xf32>
        %mul3A_474 = arith.constant 10 : i32
        %mul3A_475 = arith.muli %scan3A_107, %mul3A_474 : i32
        %add3A_476 = arith.constant 4 : i32
        %add3A_477 = arith.addi %mul3A_475, %add3A_476 : i32
        %swap3A_478 = arith.index_cast %add3A_477 : i32 to index
        %swap3A_479 = arith.constant 32 : index
        %swap3A_480 = tpu.vector_load %arg14[%swap3A_478, %swap3A_479] {strides = array<i32>} : memref<100x64xf32, #tpu.memory_space<vmem>>, vector<1x16xf32>,
        %swap3A_481 = vector.shape_cast %swap3A_480 : vector<1x16xf32> to vector<16xf32>
        %swap3A_482 = vector.shape_cast %mul3A_473 : vector<16xf32> to vector<1x16xf32>
        tpu.vector_store %arg14[%swap3A_478, %swap3A_479], %swap3A_482 {strides = array<i32>} : memref<100x64xf32, #tpu.memory_space<vmem>>, vector<1x16xf32>,
        %mul3A_483 = arith.constant 10 : i32
        %mul3A_484 = arith.muli %scan3A_107, %mul3A_483 : i32
        %add3A_485 = arith.constant 4 : i32
        %add3A_486 = arith.addi %mul3A_484, %add3A_485 : i32
        %get3A_487 = arith.index_cast %add3A_486 : i32 to index
        %get3A_488 = arith.constant 48 : index
        %get3A_489 = tpu.vector_load %arg14[%get3A_487, %get3A_488] {strides = array<i32>} : memref<100x64xf32, #tpu.memory_space<vmem>>, vector<1x16xf32>,
        %get3A_490 = vector.shape_cast %get3A_489 : vector<1x16xf32> to vector<16xf32>
        %mul3A_491 = vector.broadcast %squeeze3A_425 : f32 to vector<16xf32>
        %mul3A_492 = arith.mulf %get3A_490, %mul3A_491 : vector<16xf32>
        %mul3A_493 = arith.constant 10 : i32
        %mul3A_494 = arith.muli %scan3A_107, %mul3A_493 : i32
        %add3A_495 = arith.constant 4 : i32
        %add3A_496 = arith.addi %mul3A_494, %add3A_495 : i32
        %swap3A_497 = arith.index_cast %add3A_496 : i32 to index
        %swap3A_498 = arith.constant 48 : index
        %swap3A_499 = tpu.vector_load %arg14[%swap3A_497, %swap3A_498] {strides = array<i32>} : memref<100x64xf32, #tpu.memory_space<vmem>>, vector<1x16xf32>,
        %swap3A_500 = vector.shape_cast %swap3A_499 : vector<1x16xf32> to vector<16xf32>
        %swap3A_501 = vector.shape_cast %mul3A_492 : vector<16xf32> to vector<1x16xf32>
        tpu.vector_store %arg14[%swap3A_497, %swap3A_498], %swap3A_501 {strides = array<i32>} : memref<100x64xf32, #tpu.memory_space<vmem>>, vector<1x16xf32>,
        %slice3A_502 = vector.extract_strided_slice %get3A_114 {offsets = [5], sizes = [1], strides = [1]} : vector<16xf32> to vector<1xf32>
        %squeeze3A_503 = vector.extract %slice3A_502[0] : f32 from vector<1xf32>
        %mul3A_504 = arith.constant 10 : i32
        %mul3A_505 = arith.muli %scan3A_107, %mul3A_504 : i32
        %add3A_506 = arith.constant 5 : i32
        %add3A_507 = arith.addi %mul3A_505, %add3A_506 : i32
        %get3A_508 = arith.index_cast %add3A_507 : i32 to index
        %get3A_509 = arith.constant 0 : index
        %get3A_510 = tpu.vector_load %arg14[%get3A_508, %get3A_509] {strides = array<i32>} : memref<100x64xf32, #tpu.memory_space<vmem>>, vector<1x16xf32>,
        %get3A_511 = vector.shape_cast %get3A_510 : vector<1x16xf32> to vector<16xf32>
        %mul3A_512 = vector.broadcast %squeeze3A_503 : f32 to vector<16xf32>
        %mul3A_513 = arith.mulf %get3A_511, %mul3A_512 : vector<16xf32>
        %mul3A_514 = arith.constant 10 : i32
        %mul3A_515 = arith.muli %scan3A_107, %mul3A_514 : i32
        %add3A_516 = arith.constant 5 : i32
        %add3A_517 = arith.addi %mul3A_515, %add3A_516 : i32
        %swap3A_518 = arith.index_cast %add3A_517 : i32 to index
        %swap3A_519 = arith.constant 0 : index
        %swap3A_520 = tpu.vector_load %arg14[%swap3A_518, %swap3A_519] {strides = array<i32>} : memref<100x64xf32, #tpu.memory_space<vmem>>, vector<1x16xf32>,
        %swap3A_521 = vector.shape_cast %swap3A_520 : vector<1x16xf32> to vector<16xf32>
        %swap3A_522 = vector.shape_cast %mul3A_513 : vector<16xf32> to vector<1x16xf32>
        tpu.vector_store %arg14[%swap3A_518, %swap3A_519], %swap3A_522 {strides = array<i32>} : memref<100x64xf32, #tpu.memory_space<vmem>>, vector<1x16xf32>,
        %mul3A_523 = arith.constant 10 : i32
        %mul3A_524 = arith.muli %scan3A_107, %mul3A_523 : i32
        %add3A_525 = arith.constant 5 : i32
        %add3A_526 = arith.addi %mul3A_524, %add3A_525 : i32
        %get3A_527 = arith.index_cast %add3A_526 : i32 to index
        %get3A_528 = arith.constant 16 : index
        %get3A_529 = tpu.vector_load %arg14[%get3A_527, %get3A_528] {strides = array<i32>} : memref<100x64xf32, #tpu.memory_space<vmem>>, vector<1x16xf32>,
        %get3A_530 = vector.shape_cast %get3A_529 : vector<1x16xf32> to vector<16xf32>
        %mul3A_531 = vector.broadcast %squeeze3A_503 : f32 to vector<16xf32>
        %mul3A_532 = arith.mulf %get3A_530, %mul3A_531 : vector<16xf32>
        %mul3A_533 = arith.constant 10 : i32
        %mul3A_534 = arith.muli %scan3A_107, %mul3A_533 : i32
        %add3A_535 = arith.constant 5 : i32
        %add3A_536 = arith.addi %mul3A_534, %add3A_535 : i32
        %swap3A_537 = arith.index_cast %add3A_536 : i32 to index
        %swap3A_538 = arith.constant 16 : index
        %swap3A_539 = tpu.vector_load %arg14[%swap3A_537, %swap3A_538] {strides = array<i32>} : memref<100x64xf32, #tpu.memory_space<vmem>>, vector<1x16xf32>,
        %swap3A_540 = vector.shape_cast %swap3A_539 : vector<1x16xf32> to vector<16xf32>
        %swap3A_541 = vector.shape_cast %mul3A_532 : vector<16xf32> to vector<1x16xf32>
        tpu.vector_store %arg14[%swap3A_537, %swap3A_538], %swap3A_541 {strides = array<i32>} : memref<100x64xf32, #tpu.memory_space<vmem>>, vector<1x16xf32>,
        %mul3A_542 = arith.constant 10 : i32
        %mul3A_543 = arith.muli %scan3A_107, %mul3A_542 : i32
        %add3A_544 = arith.constant 5 : i32
        %add3A_545 = arith.addi %mul3A_543, %add3A_544 : i32
        %get3A_546 = arith.index_cast %add3A_545 : i32 to index
        %get3A_547 = arith.constant 32 : index
        %get3A_548 = tpu.vector_load %arg14[%get3A_546, %get3A_547] {strides = array<i32>} : memref<100x64xf32, #tpu.memory_space<vmem>>, vector<1x16xf32>,
        %get3A_549 = vector.shape_cast %get3A_548 : vector<1x16xf32> to vector<16xf32>
        %mul3A_550 = vector.broadcast %squeeze3A_503 : f32 to vector<16xf32>
        %mul3A_551 = arith.mulf %get3A_549, %mul3A_550 : vector<16xf32>
        %mul3A_552 = arith.constant 10 : i32
        %mul3A_553 = arith.muli %scan3A_107, %mul3A_552 : i32
        %add3A_554 = arith.constant 5 : i32
        %add3A_555 = arith.addi %mul3A_553, %add3A_554 : i32
        %swap3A_556 = arith.index_cast %add3A_555 : i32 to index
        %swap3A_557 = arith.constant 32 : index
        %swap3A_558 = tpu.vector_load %arg14[%swap3A_556, %swap3A_557] {strides = array<i32>} : memref<100x64xf32, #tpu.memory_space<vmem>>, vector<1x16xf32>,
        %swap3A_559 = vector.shape_cast %swap3A_558 : vector<1x16xf32> to vector<16xf32>
        %swap3A_560 = vector.shape_cast %mul3A_551 : vector<16xf32> to vector<1x16xf32>
        tpu.vector_store %arg14[%swap3A_556, %swap3A_557], %swap3A_560 {strides = array<i32>} : memref<100x64xf32, #tpu.memory_space<vmem>>, vector<1x16xf32>,
        %mul3A_561 = arith.constant 10 : i32
        %mul3A_562 = arith.muli %scan3A_107, %mul3A_561 : i32
        %add3A_563 = arith.constant 5 : i32
        %add3A_564 = arith.addi %mul3A_562, %add3A_563 : i32
        %get3A_565 = arith.index_cast %add3A_564 : i32 to index
        %get3A_566 = arith.constant 48 : index
        %get3A_567 = tpu.vector_load %arg14[%get3A_565, %get3A_566] {strides = array<i32>} : memref<100x64xf32, #tpu.memory_space<vmem>>, vector<1x16xf32>,
        %get3A_568 = vector.shape_cast %get3A_567 : vector<1x16xf32> to vector<16xf32>
        %mul3A_569 = vector.broadcast %squeeze3A_503 : f32 to vector<16xf32>
        %mul3A_570 = arith.mulf %get3A_568, %mul3A_569 : vector<16xf32>
        %mul3A_571 = arith.constant 10 : i32
        %mul3A_572 = arith.muli %scan3A_107, %mul3A_571 : i32
        %add3A_573 = arith.constant 5 : i32
        %add3A_574 = arith.addi %mul3A_572, %add3A_573 : i32
        %swap3A_575 = arith.index_cast %add3A_574 : i32 to index
        %swap3A_576 = arith.constant 48 : index
        %swap3A_577 = tpu.vector_load %arg14[%swap3A_575, %swap3A_576] {strides = array<i32>} : memref<100x64xf32, #tpu.memory_space<vmem>>, vector<1x16xf32>,
        %swap3A_578 = vector.shape_cast %swap3A_577 : vector<1x16xf32> to vector<16xf32>
        %swap3A_579 = vector.shape_cast %mul3A_570 : vector<16xf32> to vector<1x16xf32>
        tpu.vector_store %arg14[%swap3A_575, %swap3A_576], %swap3A_579 {strides = array<i32>} : memref<100x64xf32, #tpu.memory_space<vmem>>, vector<1x16xf32>,
        %slice3A_580 = vector.extract_strided_slice %get3A_114 {offsets = [6], sizes = [1], strides = [1]} : vector<16xf32> to vector<1xf32>
        %squeeze3A_581 = vector.extract %slice3A_580[0] : f32 from vector<1xf32>
        %mul3A_582 = arith.constant 10 : i32
        %mul3A_583 = arith.muli %scan3A_107, %mul3A_582 : i32
        %add3A_584 = arith.constant 6 : i32
        %add3A_585 = arith.addi %mul3A_583, %add3A_584 : i32
        %get3A_586 = arith.index_cast %add3A_585 : i32 to index
        %get3A_587 = arith.constant 0 : index
        %get3A_588 = tpu.vector_load %arg14[%get3A_586, %get3A_587] {strides = array<i32>} : memref<100x64xf32, #tpu.memory_space<vmem>>, vector<1x16xf32>,
        %get3A_589 = vector.shape_cast %get3A_588 : vector<1x16xf32> to vector<16xf32>
        %mul3A_590 = vector.broadcast %squeeze3A_581 : f32 to vector<16xf32>
        %mul3A_591 = arith.mulf %get3A_589, %mul3A_590 : vector<16xf32>
        %mul3A_592 = arith.constant 10 : i32
        %mul3A_593 = arith.muli %scan3A_107, %mul3A_592 : i32
        %add3A_594 = arith.constant 6 : i32
        %add3A_595 = arith.addi %mul3A_593, %add3A_594 : i32
        %swap3A_596 = arith.index_cast %add3A_595 : i32 to index
        %swap3A_597 = arith.constant 0 : index
        %swap3A_598 = tpu.vector_load %arg14[%swap3A_596, %swap3A_597] {strides = array<i32>} : memref<100x64xf32, #tpu.memory_space<vmem>>, vector<1x16xf32>,
        %swap3A_599 = vector.shape_cast %swap3A_598 : vector<1x16xf32> to vector<16xf32>
        %swap3A_600 = vector.shape_cast %mul3A_591 : vector<16xf32> to vector<1x16xf32>
        tpu.vector_store %arg14[%swap3A_596, %swap3A_597], %swap3A_600 {strides = array<i32>} : memref<100x64xf32, #tpu.memory_space<vmem>>, vector<1x16xf32>,
        %mul3A_601 = arith.constant 10 : i32
        %mul3A_602 = arith.muli %scan3A_107, %mul3A_601 : i32
        %add3A_603 = arith.constant 6 : i32
        %add3A_604 = arith.addi %mul3A_602, %add3A_603 : i32
        %get3A_605 = arith.index_cast %add3A_604 : i32 to index
        %get3A_606 = arith.constant 16 : index
        %get3A_607 = tpu.vector_load %arg14[%get3A_605, %get3A_606] {strides = array<i32>} : memref<100x64xf32, #tpu.memory_space<vmem>>, vector<1x16xf32>,
        %get3A_608 = vector.shape_cast %get3A_607 : vector<1x16xf32> to vector<16xf32>
        %mul3A_609 = vector.broadcast %squeeze3A_581 : f32 to vector<16xf32>
        %mul3A_610 = arith.mulf %get3A_608, %mul3A_609 : vector<16xf32>
        %mul3A_611 = arith.constant 10 : i32
        %mul3A_612 = arith.muli %scan3A_107, %mul3A_611 : i32
        %add3A_613 = arith.constant 6 : i32
        %add3A_614 = arith.addi %mul3A_612, %add3A_613 : i32
        %swap3A_615 = arith.index_cast %add3A_614 : i32 to index
        %swap3A_616 = arith.constant 16 : index
        %swap3A_617 = tpu.vector_load %arg14[%swap3A_615, %swap3A_616] {strides = array<i32>} : memref<100x64xf32, #tpu.memory_space<vmem>>, vector<1x16xf32>,
        %swap3A_618 = vector.shape_cast %swap3A_617 : vector<1x16xf32> to vector<16xf32>
        %swap3A_619 = vector.shape_cast %mul3A_610 : vector<16xf32> to vector<1x16xf32>
        tpu.vector_store %arg14[%swap3A_615, %swap3A_616], %swap3A_619 {strides = array<i32>} : memref<100x64xf32, #tpu.memory_space<vmem>>, vector<1x16xf32>,
        %mul3A_620 = arith.constant 10 : i32
        %mul3A_621 = arith.muli %scan3A_107, %mul3A_620 : i32
        %add3A_622 = arith.constant 6 : i32
        %add3A_623 = arith.addi %mul3A_621, %add3A_622 : i32
        %get3A_624 = arith.index_cast %add3A_623 : i32 to index
        %get3A_625 = arith.constant 32 : index
        %get3A_626 = tpu.vector_load %arg14[%get3A_624, %get3A_625] {strides = array<i32>} : memref<100x64xf32, #tpu.memory_space<vmem>>, vector<1x16xf32>,
        %get3A_627 = vector.shape_cast %get3A_626 : vector<1x16xf32> to vector<16xf32>
        %mul3A_628 = vector.broadcast %squeeze3A_581 : f32 to vector<16xf32>
        %mul3A_629 = arith.mulf %get3A_627, %mul3A_628 : vector<16xf32>
        %mul3A_630 = arith.constant 10 : i32
        %mul3A_631 = arith.muli %scan3A_107, %mul3A_630 : i32
        %add3A_632 = arith.constant 6 : i32
        %add3A_633 = arith.addi %mul3A_631, %add3A_632 : i32
        %swap3A_634 = arith.index_cast %add3A_633 : i32 to index
        %swap3A_635 = arith.constant 32 : index
        %swap3A_636 = tpu.vector_load %arg14[%swap3A_634, %swap3A_635] {strides = array<i32>} : memref<100x64xf32, #tpu.memory_space<vmem>>, vector<1x16xf32>,
        %swap3A_637 = vector.shape_cast %swap3A_636 : vector<1x16xf32> to vector<16xf32>
        %swap3A_638 = vector.shape_cast %mul3A_629 : vector<16xf32> to vector<1x16xf32>
        tpu.vector_store %arg14[%swap3A_634, %swap3A_635], %swap3A_638 {strides = array<i32>} : memref<100x64xf32, #tpu.memory_space<vmem>>, vector<1x16xf32>,
        %mul3A_639 = arith.constant 10 : i32
        %mul3A_640 = arith.muli %scan3A_107, %mul3A_639 : i32
        %add3A_641 = arith.constant 6 : i32
        %add3A_642 = arith.addi %mul3A_640, %add3A_641 : i32
        %get3A_643 = arith.index_cast %add3A_642 : i32 to index
        %get3A_644 = arith.constant 48 : index
        %get3A_645 = tpu.vector_load %arg14[%get3A_643, %get3A_644] {strides = array<i32>} : memref<100x64xf32, #tpu.memory_space<vmem>>, vector<1x16xf32>,
        %get3A_646 = vector.shape_cast %get3A_645 : vector<1x16xf32> to vector<16xf32>
        %mul3A_647 = vector.broadcast %squeeze3A_581 : f32 to vector<16xf32>
        %mul3A_648 = arith.mulf %get3A_646, %mul3A_647 : vector<16xf32>
        %mul3A_649 = arith.constant 10 : i32
        %mul3A_650 = arith.muli %scan3A_107, %mul3A_649 : i32
        %add3A_651 = arith.constant 6 : i32
        %add3A_652 = arith.addi %mul3A_650, %add3A_651 : i32
        %swap3A_653 = arith.index_cast %add3A_652 : i32 to index
        %swap3A_654 = arith.constant 48 : index
        %swap3A_655 = tpu.vector_load %arg14[%swap3A_653, %swap3A_654] {strides = array<i32>} : memref<100x64xf32, #tpu.memory_space<vmem>>, vector<1x16xf32>,
        %swap3A_656 = vector.shape_cast %swap3A_655 : vector<1x16xf32> to vector<16xf32>
        %swap3A_657 = vector.shape_cast %mul3A_648 : vector<16xf32> to vector<1x16xf32>
        tpu.vector_store %arg14[%swap3A_653, %swap3A_654], %swap3A_657 {strides = array<i32>} : memref<100x64xf32, #tpu.memory_space<vmem>>, vector<1x16xf32>,
        %slice3A_658 = vector.extract_strided_slice %get3A_114 {offsets = [7], sizes = [1], strides = [1]} : vector<16xf32> to vector<1xf32>
        %squeeze3A_659 = vector.extract %slice3A_658[0] : f32 from vector<1xf32>
        %mul3A_660 = arith.constant 10 : i32
        %mul3A_661 = arith.muli %scan3A_107, %mul3A_660 : i32
        %add3A_662 = arith.constant 7 : i32
        %add3A_663 = arith.addi %mul3A_661, %add3A_662 : i32
        %get3A_664 = arith.index_cast %add3A_663 : i32 to index
        %get3A_665 = arith.constant 0 : index
        %get3A_666 = tpu.vector_load %arg14[%get3A_664, %get3A_665] {strides = array<i32>} : memref<100x64xf32, #tpu.memory_space<vmem>>, vector<1x16xf32>,
        %get3A_667 = vector.shape_cast %get3A_666 : vector<1x16xf32> to vector<16xf32>
        %mul3A_668 = vector.broadcast %squeeze3A_659 : f32 to vector<16xf32>
        %mul3A_669 = arith.mulf %get3A_667, %mul3A_668 : vector<16xf32>
        %mul3A_670 = arith.constant 10 : i32
        %mul3A_671 = arith.muli %scan3A_107, %mul3A_670 : i32
        %add3A_672 = arith.constant 7 : i32
        %add3A_673 = arith.addi %mul3A_671, %add3A_672 : i32
        %swap3A_674 = arith.index_cast %add3A_673 : i32 to index
        %swap3A_675 = arith.constant 0 : index
        %swap3A_676 = tpu.vector_load %arg14[%swap3A_674, %swap3A_675] {strides = array<i32>} : memref<100x64xf32, #tpu.memory_space<vmem>>, vector<1x16xf32>,
        %swap3A_677 = vector.shape_cast %swap3A_676 : vector<1x16xf32> to vector<16xf32>
        %swap3A_678 = vector.shape_cast %mul3A_669 : vector<16xf32> to vector<1x16xf32>
        tpu.vector_store %arg14[%swap3A_674, %swap3A_675], %swap3A_678 {strides = array<i32>} : memref<100x64xf32, #tpu.memory_space<vmem>>, vector<1x16xf32>,
        %mul3A_679 = arith.constant 10 : i32
        %mul3A_680 = arith.muli %scan3A_107, %mul3A_679 : i32
        %add3A_681 = arith.constant 7 : i32
        %add3A_682 = arith.addi %mul3A_680, %add3A_681 : i32
        %get3A_683 = arith.index_cast %add3A_682 : i32 to index
        %get3A_684 = arith.constant 16 : index
        %get3A_685 = tpu.vector_load %arg14[%get3A_683, %get3A_684] {strides = array<i32>} : memref<100x64xf32, #tpu.memory_space<vmem>>, vector<1x16xf32>,
        %get3A_686 = vector.shape_cast %get3A_685 : vector<1x16xf32> to vector<16xf32>
        %mul3A_687 = vector.broadcast %squeeze3A_659 : f32 to vector<16xf32>
        %mul3A_688 = arith.mulf %get3A_686, %mul3A_687 : vector<16xf32>
        %mul3A_689 = arith.constant 10 : i32
        %mul3A_690 = arith.muli %scan3A_107, %mul3A_689 : i32
        %add3A_691 = arith.constant 7 : i32
        %add3A_692 = arith.addi %mul3A_690, %add3A_691 : i32
        %swap3A_693 = arith.index_cast %add3A_692 : i32 to index
        %swap3A_694 = arith.constant 16 : index
        %swap3A_695 = tpu.vector_load %arg14[%swap3A_693, %swap3A_694] {strides = array<i32>} : memref<100x64xf32, #tpu.memory_space<vmem>>, vector<1x16xf32>,
        %swap3A_696 = vector.shape_cast %swap3A_695 : vector<1x16xf32> to vector<16xf32>
        %swap3A_697 = vector.shape_cast %mul3A_688 : vector<16xf32> to vector<1x16xf32>
        tpu.vector_store %arg14[%swap3A_693, %swap3A_694], %swap3A_697 {strides = array<i32>} : memref<100x64xf32, #tpu.memory_space<vmem>>, vector<1x16xf32>,
        %mul3A_698 = arith.constant 10 : i32
        %mul3A_699 = arith.muli %scan3A_107, %mul3A_698 : i32
        %add3A_700 = arith.constant 7 : i32
        %add3A_701 = arith.addi %mul3A_699, %add3A_700 : i32
        %get3A_702 = arith.index_cast %add3A_701 : i32 to index
        %get3A_703 = arith.constant 32 : index
        %get3A_704 = tpu.vector_load %arg14[%get3A_702, %get3A_703] {strides = array<i32>} : memref<100x64xf32, #tpu.memory_space<vmem>>, vector<1x16xf32>,
        %get3A_705 = vector.shape_cast %get3A_704 : vector<1x16xf32> to vector<16xf32>
        %mul3A_706 = vector.broadcast %squeeze3A_659 : f32 to vector<16xf32>
        %mul3A_707 = arith.mulf %get3A_705, %mul3A_706 : vector<16xf32>
        %mul3A_708 = arith.constant 10 : i32
        %mul3A_709 = arith.muli %scan3A_107, %mul3A_708 : i32
        %add3A_710 = arith.constant 7 : i32
        %add3A_711 = arith.addi %mul3A_709, %add3A_710 : i32
        %swap3A_712 = arith.index_cast %add3A_711 : i32 to index
        %swap3A_713 = arith.constant 32 : index
        %swap3A_714 = tpu.vector_load %arg14[%swap3A_712, %swap3A_713] {strides = array<i32>} : memref<100x64xf32, #tpu.memory_space<vmem>>, vector<1x16xf32>,
        %swap3A_715 = vector.shape_cast %swap3A_714 : vector<1x16xf32> to vector<16xf32>
        %swap3A_716 = vector.shape_cast %mul3A_707 : vector<16xf32> to vector<1x16xf32>
        tpu.vector_store %arg14[%swap3A_712, %swap3A_713], %swap3A_716 {strides = array<i32>} : memref<100x64xf32, #tpu.memory_space<vmem>>, vector<1x16xf32>,
        %mul3A_717 = arith.constant 10 : i32
        %mul3A_718 = arith.muli %scan3A_107, %mul3A_717 : i32
        %add3A_719 = arith.constant 7 : i32
        %add3A_720 = arith.addi %mul3A_718, %add3A_719 : i32
        %get3A_721 = arith.index_cast %add3A_720 : i32 to index
        %get3A_722 = arith.constant 48 : index
        %get3A_723 = tpu.vector_load %arg14[%get3A_721, %get3A_722] {strides = array<i32>} : memref<100x64xf32, #tpu.memory_space<vmem>>, vector<1x16xf32>,
        %get3A_724 = vector.shape_cast %get3A_723 : vector<1x16xf32> to vector<16xf32>
        %mul3A_725 = vector.broadcast %squeeze3A_659 : f32 to vector<16xf32>
        %mul3A_726 = arith.mulf %get3A_724, %mul3A_725 : vector<16xf32>
        %mul3A_727 = arith.constant 10 : i32
        %mul3A_728 = arith.muli %scan3A_107, %mul3A_727 : i32
        %add3A_729 = arith.constant 7 : i32
        %add3A_730 = arith.addi %mul3A_728, %add3A_729 : i32
        %swap3A_731 = arith.index_cast %add3A_730 : i32 to index
        %swap3A_732 = arith.constant 48 : index
        %swap3A_733 = tpu.vector_load %arg14[%swap3A_731, %swap3A_732] {strides = array<i32>} : memref<100x64xf32, #tpu.memory_space<vmem>>, vector<1x16xf32>,
        %swap3A_734 = vector.shape_cast %swap3A_733 : vector<1x16xf32> to vector<16xf32>
        %swap3A_735 = vector.shape_cast %mul3A_726 : vector<16xf32> to vector<1x16xf32>
        tpu.vector_store %arg14[%swap3A_731, %swap3A_732], %swap3A_735 {strides = array<i32>} : memref<100x64xf32, #tpu.memory_space<vmem>>, vector<1x16xf32>,
        %slice3A_736 = vector.extract_strided_slice %get3A_114 {offsets = [8], sizes = [1], strides = [1]} : vector<16xf32> to vector<1xf32>
        %squeeze3A_737 = vector.extract %slice3A_736[0] : f32 from vector<1xf32>
        %mul3A_738 = arith.constant 10 : i32
        %mul3A_739 = arith.muli %scan3A_107, %mul3A_738 : i32
        %add3A_740 = arith.constant 8 : i32
        %add3A_741 = arith.addi %mul3A_739, %add3A_740 : i32
        %get3A_742 = arith.index_cast %add3A_741 : i32 to index
        %get3A_743 = arith.constant 0 : index
        %get3A_744 = tpu.vector_load %arg14[%get3A_742, %get3A_743] {strides = array<i32>} : memref<100x64xf32, #tpu.memory_space<vmem>>, vector<1x16xf32>,
        %get3A_745 = vector.shape_cast %get3A_744 : vector<1x16xf32> to vector<16xf32>
        %mul3A_746 = vector.broadcast %squeeze3A_737 : f32 to vector<16xf32>
        %mul3A_747 = arith.mulf %get3A_745, %mul3A_746 : vector<16xf32>
        %mul3A_748 = arith.constant 10 : i32
        %mul3A_749 = arith.muli %scan3A_107, %mul3A_748 : i32
        %add3A_750 = arith.constant 8 : i32
        %add3A_751 = arith.addi %mul3A_749, %add3A_750 : i32
        %swap3A_752 = arith.index_cast %add3A_751 : i32 to index
        %swap3A_753 = arith.constant 0 : index
        %swap3A_754 = tpu.vector_load %arg14[%swap3A_752, %swap3A_753] {strides = array<i32>} : memref<100x64xf32, #tpu.memory_space<vmem>>, vector<1x16xf32>,
        %swap3A_755 = vector.shape_cast %swap3A_754 : vector<1x16xf32> to vector<16xf32>
        %swap3A_756 = vector.shape_cast %mul3A_747 : vector<16xf32> to vector<1x16xf32>
        tpu.vector_store %arg14[%swap3A_752, %swap3A_753], %swap3A_756 {strides = array<i32>} : memref<100x64xf32, #tpu.memory_space<vmem>>, vector<1x16xf32>,
        %mul3A_757 = arith.constant 10 : i32
        %mul3A_758 = arith.muli %scan3A_107, %mul3A_757 : i32
        %add3A_759 = arith.constant 8 : i32
        %add3A_760 = arith.addi %mul3A_758, %add3A_759 : i32
        %get3A_761 = arith.index_cast %add3A_760 : i32 to index
        %get3A_762 = arith.constant 16 : index
        %get3A_763 = tpu.vector_load %arg14[%get3A_761, %get3A_762] {strides = array<i32>} : memref<100x64xf32, #tpu.memory_space<vmem>>, vector<1x16xf32>,
        %get3A_764 = vector.shape_cast %get3A_763 : vector<1x16xf32> to vector<16xf32>
        %mul3A_765 = vector.broadcast %squeeze3A_737 : f32 to vector<16xf32>
        %mul3A_766 = arith.mulf %get3A_764, %mul3A_765 : vector<16xf32>
        %mul3A_767 = arith.constant 10 : i32
        %mul3A_768 = arith.muli %scan3A_107, %mul3A_767 : i32
        %add3A_769 = arith.constant 8 : i32
        %add3A_770 = arith.addi %mul3A_768, %add3A_769 : i32
        %swap3A_771 = arith.index_cast %add3A_770 : i32 to index
        %swap3A_772 = arith.constant 16 : index
        %swap3A_773 = tpu.vector_load %arg14[%swap3A_771, %swap3A_772] {strides = array<i32>} : memref<100x64xf32, #tpu.memory_space<vmem>>, vector<1x16xf32>,
        %swap3A_774 = vector.shape_cast %swap3A_773 : vector<1x16xf32> to vector<16xf32>
        %swap3A_775 = vector.shape_cast %mul3A_766 : vector<16xf32> to vector<1x16xf32>
        tpu.vector_store %arg14[%swap3A_771, %swap3A_772], %swap3A_775 {strides = array<i32>} : memref<100x64xf32, #tpu.memory_space<vmem>>, vector<1x16xf32>,
        %mul3A_776 = arith.constant 10 : i32
        %mul3A_777 = arith.muli %scan3A_107, %mul3A_776 : i32
        %add3A_778 = arith.constant 8 : i32
        %add3A_779 = arith.addi %mul3A_777, %add3A_778 : i32
        %get3A_780 = arith.index_cast %add3A_779 : i32 to index
        %get3A_781 = arith.constant 32 : index
        %get3A_782 = tpu.vector_load %arg14[%get3A_780, %get3A_781] {strides = array<i32>} : memref<100x64xf32, #tpu.memory_space<vmem>>, vector<1x16xf32>,
        %get3A_783 = vector.shape_cast %get3A_782 : vector<1x16xf32> to vector<16xf32>
        %mul3A_784 = vector.broadcast %squeeze3A_737 : f32 to vector<16xf32>
        %mul3A_785 = arith.mulf %get3A_783, %mul3A_784 : vector<16xf32>
        %mul3A_786 = arith.constant 10 : i32
        %mul3A_787 = arith.muli %scan3A_107, %mul3A_786 : i32
        %add3A_788 = arith.constant 8 : i32
        %add3A_789 = arith.addi %mul3A_787, %add3A_788 : i32
        %swap3A_790 = arith.index_cast %add3A_789 : i32 to index
        %swap3A_791 = arith.constant 32 : index
        %swap3A_792 = tpu.vector_load %arg14[%swap3A_790, %swap3A_791] {strides = array<i32>} : memref<100x64xf32, #tpu.memory_space<vmem>>, vector<1x16xf32>,
        %swap3A_793 = vector.shape_cast %swap3A_792 : vector<1x16xf32> to vector<16xf32>
        %swap3A_794 = vector.shape_cast %mul3A_785 : vector<16xf32> to vector<1x16xf32>
        tpu.vector_store %arg14[%swap3A_790, %swap3A_791], %swap3A_794 {strides = array<i32>} : memref<100x64xf32, #tpu.memory_space<vmem>>, vector<1x16xf32>,
        %mul3A_795 = arith.constant 10 : i32
        %mul3A_796 = arith.muli %scan3A_107, %mul3A_795 : i32
        %add3A_797 = arith.constant 8 : i32
        %add3A_798 = arith.addi %mul3A_796, %add3A_797 : i32
        %get3A_799 = arith.index_cast %add3A_798 : i32 to index
        %get3A_800 = arith.constant 48 : index
        %get3A_801 = tpu.vector_load %arg14[%get3A_799, %get3A_800] {strides = array<i32>} : memref<100x64xf32, #tpu.memory_space<vmem>>, vector<1x16xf32>,
        %get3A_802 = vector.shape_cast %get3A_801 : vector<1x16xf32> to vector<16xf32>
        %mul3A_803 = vector.broadcast %squeeze3A_737 : f32 to vector<16xf32>
        %mul3A_804 = arith.mulf %get3A_802, %mul3A_803 : vector<16xf32>
        %mul3A_805 = arith.constant 10 : i32
        %mul3A_806 = arith.muli %scan3A_107, %mul3A_805 : i32
        %add3A_807 = arith.constant 8 : i32
        %add3A_808 = arith.addi %mul3A_806, %add3A_807 : i32
        %swap3A_809 = arith.index_cast %add3A_808 : i32 to index
        %swap3A_810 = arith.constant 48 : index
        %swap3A_811 = tpu.vector_load %arg14[%swap3A_809, %swap3A_810] {strides = array<i32>} : memref<100x64xf32, #tpu.memory_space<vmem>>, vector<1x16xf32>,
        %swap3A_812 = vector.shape_cast %swap3A_811 : vector<1x16xf32> to vector<16xf32>
        %swap3A_813 = vector.shape_cast %mul3A_804 : vector<16xf32> to vector<1x16xf32>
        tpu.vector_store %arg14[%swap3A_809, %swap3A_810], %swap3A_813 {strides = array<i32>} : memref<100x64xf32, #tpu.memory_space<vmem>>, vector<1x16xf32>,
        %slice3A_814 = vector.extract_strided_slice %get3A_114 {offsets = [9], sizes = [1], strides = [1]} : vector<16xf32> to vector<1xf32>
        %squeeze3A_815 = vector.extract %slice3A_814[0] : f32 from vector<1xf32>
        %mul3A_816 = arith.constant 10 : i32
        %mul3A_817 = arith.muli %scan3A_107, %mul3A_816 : i32
        %add3A_818 = arith.constant 9 : i32
        %add3A_819 = arith.addi %mul3A_817, %add3A_818 : i32
        %get3A_820 = arith.index_cast %add3A_819 : i32 to index
        %get3A_821 = arith.constant 0 : index
        %get3A_822 = tpu.vector_load %arg14[%get3A_820, %get3A_821] {strides = array<i32>} : memref<100x64xf32, #tpu.memory_space<vmem>>, vector<1x16xf32>,
        %get3A_823 = vector.shape_cast %get3A_822 : vector<1x16xf32> to vector<16xf32>
        %mul3A_824 = vector.broadcast %squeeze3A_815 : f32 to vector<16xf32>
        %mul3A_825 = arith.mulf %get3A_823, %mul3A_824 : vector<16xf32>
        %mul3A_826 = arith.constant 10 : i32
        %mul3A_827 = arith.muli %scan3A_107, %mul3A_826 : i32
        %add3A_828 = arith.constant 9 : i32
        %add3A_829 = arith.addi %mul3A_827, %add3A_828 : i32
        %swap3A_830 = arith.index_cast %add3A_829 : i32 to index
        %swap3A_831 = arith.constant 0 : index
        %swap3A_832 = tpu.vector_load %arg14[%swap3A_830, %swap3A_831] {strides = array<i32>} : memref<100x64xf32, #tpu.memory_space<vmem>>, vector<1x16xf32>,
        %swap3A_833 = vector.shape_cast %swap3A_832 : vector<1x16xf32> to vector<16xf32>
        %swap3A_834 = vector.shape_cast %mul3A_825 : vector<16xf32> to vector<1x16xf32>
        tpu.vector_store %arg14[%swap3A_830, %swap3A_831], %swap3A_834 {strides = array<i32>} : memref<100x64xf32, #tpu.memory_space<vmem>>, vector<1x16xf32>,
        %mul3A_835 = arith.constant 10 : i32
        %mul3A_836 = arith.muli %scan3A_107, %mul3A_835 : i32
        %add3A_837 = arith.constant 9 : i32
        %add3A_838 = arith.addi %mul3A_836, %add3A_837 : i32
        %get3A_839 = arith.index_cast %add3A_838 : i32 to index
        %get3A_840 = arith.constant 16 : index
        %get3A_841 = tpu.vector_load %arg14[%get3A_839, %get3A_840] {strides = array<i32>} : memref<100x64xf32, #tpu.memory_space<vmem>>, vector<1x16xf32>,
        %get3A_842 = vector.shape_cast %get3A_841 : vector<1x16xf32> to vector<16xf32>
        %mul3A_843 = vector.broadcast %squeeze3A_815 : f32 to vector<16xf32>
        %mul3A_844 = arith.mulf %get3A_842, %mul3A_843 : vector<16xf32>
        %mul3A_845 = arith.constant 10 : i32
        %mul3A_846 = arith.muli %scan3A_107, %mul3A_845 : i32
        %add3A_847 = arith.constant 9 : i32
        %add3A_848 = arith.addi %mul3A_846, %add3A_847 : i32
        %swap3A_849 = arith.index_cast %add3A_848 : i32 to index
        %swap3A_850 = arith.constant 16 : index
        %swap3A_851 = tpu.vector_load %arg14[%swap3A_849, %swap3A_850] {strides = array<i32>} : memref<100x64xf32, #tpu.memory_space<vmem>>, vector<1x16xf32>,
        %swap3A_852 = vector.shape_cast %swap3A_851 : vector<1x16xf32> to vector<16xf32>
        %swap3A_853 = vector.shape_cast %mul3A_844 : vector<16xf32> to vector<1x16xf32>
        tpu.vector_store %arg14[%swap3A_849, %swap3A_850], %swap3A_853 {strides = array<i32>} : memref<100x64xf32, #tpu.memory_space<vmem>>, vector<1x16xf32>,
        %mul3A_854 = arith.constant 10 : i32
        %mul3A_855 = arith.muli %scan3A_107, %mul3A_854 : i32
        %add3A_856 = arith.constant 9 : i32
        %add3A_857 = arith.addi %mul3A_855, %add3A_856 : i32
        %get3A_858 = arith.index_cast %add3A_857 : i32 to index
        %get3A_859 = arith.constant 32 : index
        %get3A_860 = tpu.vector_load %arg14[%get3A_858, %get3A_859] {strides = array<i32>} : memref<100x64xf32, #tpu.memory_space<vmem>>, vector<1x16xf32>,
        %get3A_861 = vector.shape_cast %get3A_860 : vector<1x16xf32> to vector<16xf32>
        %mul3A_862 = vector.broadcast %squeeze3A_815 : f32 to vector<16xf32>
        %mul3A_863 = arith.mulf %get3A_861, %mul3A_862 : vector<16xf32>
        %mul3A_864 = arith.constant 10 : i32
        %mul3A_865 = arith.muli %scan3A_107, %mul3A_864 : i32
        %add3A_866 = arith.constant 9 : i32
        %add3A_867 = arith.addi %mul3A_865, %add3A_866 : i32
        %swap3A_868 = arith.index_cast %add3A_867 : i32 to index
        %swap3A_869 = arith.constant 32 : index
        %swap3A_870 = tpu.vector_load %arg14[%swap3A_868, %swap3A_869] {strides = array<i32>} : memref<100x64xf32, #tpu.memory_space<vmem>>, vector<1x16xf32>,
        %swap3A_871 = vector.shape_cast %swap3A_870 : vector<1x16xf32> to vector<16xf32>
        %swap3A_872 = vector.shape_cast %mul3A_863 : vector<16xf32> to vector<1x16xf32>
        tpu.vector_store %arg14[%swap3A_868, %swap3A_869], %swap3A_872 {strides = array<i32>} : memref<100x64xf32, #tpu.memory_space<vmem>>, vector<1x16xf32>,
        %mul3A_873 = arith.constant 10 : i32
        %mul3A_874 = arith.muli %scan3A_107, %mul3A_873 : i32
        %add3A_875 = arith.constant 9 : i32
        %add3A_876 = arith.addi %mul3A_874, %add3A_875 : i32
        %get3A_877 = arith.index_cast %add3A_876 : i32 to index
        %get3A_878 = arith.constant 48 : index
        %get3A_879 = tpu.vector_load %arg14[%get3A_877, %get3A_878] {strides = array<i32>} : memref<100x64xf32, #tpu.memory_space<vmem>>, vector<1x16xf32>,
        %get3A_880 = vector.shape_cast %get3A_879 : vector<1x16xf32> to vector<16xf32>
        %mul3A_881 = vector.broadcast %squeeze3A_815 : f32 to vector<16xf32>
        %mul3A_882 = arith.mulf %get3A_880, %mul3A_881 : vector<16xf32>
        %mul3A_883 = arith.constant 10 : i32
        %mul3A_884 = arith.muli %scan3A_107, %mul3A_883 : i32
        %add3A_885 = arith.constant 9 : i32
        %add3A_886 = arith.addi %mul3A_884, %add3A_885 : i32
        %swap3A_887 = arith.index_cast %add3A_886 : i32 to index
        %swap3A_888 = arith.constant 48 : index
        %swap3A_889 = tpu.vector_load %arg14[%swap3A_887, %swap3A_888] {strides = array<i32>} : memref<100x64xf32, #tpu.memory_space<vmem>>, vector<1x16xf32>,
        %swap3A_890 = vector.shape_cast %swap3A_889 : vector<1x16xf32> to vector<16xf32>
        %swap3A_891 = vector.shape_cast %mul3A_882 : vector<16xf32> to vector<1x16xf32>
        tpu.vector_store %arg14[%swap3A_887, %swap3A_888], %swap3A_891 {strides = array<i32>} : memref<100x64xf32, #tpu.memory_space<vmem>>, vector<1x16xf32>,
      }
      %scan3A_100 = arith.constant 10 : i32
      %dma_start3A_101 = arith.constant 0 : i32
      %dma_start3A_102 = tpu.memref_slice %arg12[%add3A_77, %dma_start3A_101] : memref<100x100xi32, #tpu.memory_space<vmem>> -> memref<1x100xi32, #tpu.memory_space<vmem>>
      %dma_start3A_103 = tpu.memref_squeeze %dma_start3A_102 : memref<1x100xi32, #tpu.memory_space<vmem>> -> memref<100xi32, #tpu.memory_space<vmem>>
      %dma_start3A_104 = arith.constant 0 : i32
      %dma_start3A_105 = arith.constant 0 : i32
      %dma_start3A_106 = tpu.memref_slice %arg9[%dma_start3A_104, %dma_start3A_105] : memref<10000x64xf32, #tpu.memory_space<vmem_shared>> -> memref<10000x64xf32, #tpu.memory_space<vmem_shared>>
      tpu.enqueue_indirect_dma source(%arg14 : memref<100x64xf32, #tpu.memory_space<vmem>>) target(%dma_start3A_106 : memref<10000x64xf32, #tpu.memory_space<vmem_shared>>) offsets(%dma_start3A_103 : memref<100xi32, #tpu.memory_space<vmem>>) semaphore(%arg18 : memref<!tpu.dma_semaphore, #tpu.memory_space<semaphore_mem>>) {add = true}
    }
    %scan3A_21 = arith.constant 50 : i32
    %dma_wait3A = arith.constant 99 : i32
    %dma_wait3A_22 = arith.constant 0 : i32
    %dma_wait3A_23 = tpu.memref_slice %arg12[%dma_wait3A, %dma_wait3A_22] : memref<100x100xi32, #tpu.memory_space<vmem>> -> memref<1x100xi32, #tpu.memory_space<vmem>>
    %dma_wait3A_24 = tpu.memref_squeeze %dma_wait3A_23 : memref<1x100xi32, #tpu.memory_space<vmem>> -> memref<100xi32, #tpu.memory_space<vmem>>
    %dma_wait3A_25 = arith.constant 0 : i32
    %dma_wait3A_26 = arith.constant 0 : i32
    %dma_wait3A_27 = tpu.memref_slice %arg9[%dma_wait3A_25, %dma_wait3A_26] : memref<10000x64xf32, #tpu.memory_space<vmem_shared>> -> memref<10000x64xf32, #tpu.memory_space<vmem_shared>>
    tpu.wait_indirect_dma semaphore(%arg18 : memref<!tpu.dma_semaphore, #tpu.memory_space<semaphore_mem>>) src(%arg14 : memref<100x64xf32, #tpu.memory_space<vmem>>) dst(%dma_wait3A_27 : memref<10000x64xf32, #tpu.memory_space<vmem_shared>>)
    %barrier3A_28 = arith.constant 0 : index
    tpu.barrier barrier_id(%barrier3A_28)
    %eq3A_29 = arith.constant 0 : i32
    %eq3A_30 = arith.cmpi eq, %arg0, %eq3A_29 : i32
    %convert_element_type3A_31 = arith.extui %eq3A_30 : i1 to i32
    %cond3A_32 = arith.constant 0 : i32
    %cond3A_33 = arith.cmpi ne, %convert_element_type3A_31, %cond3A_32 : i32
    scf.if %cond3A_33 {
      "tpu.region"() ({
        %run_scoped3A = tpu.sem_alloc : memref<!tpu.dma_semaphore, #tpu.memory_space<semaphore_mem>>
        %dma_start3A_44 = arith.constant 0 : i32
        %dma_start3A_45 = tpu.memref_slice %arg7[%multiple_of3A, %dma_start3A_44] : memref<10000x64xf32, #tpu.memory_space<hbm>> -> memref<624x64xf32, #tpu.memory_space<hbm>>
        %dma_start3A_46 = arith.constant 0 : i32
        %dma_start3A_47 = tpu.memref_slice %arg9[%multiple_of3A, %dma_start3A_46] : memref<10000x64xf32, #tpu.memory_space<vmem_shared>> -> memref<624x64xf32, #tpu.memory_space<vmem_shared>>
        tpu.enqueue_dma source(%dma_start3A_47 : memref<624x64xf32, #tpu.memory_space<vmem_shared>>) target(%dma_start3A_45 : memref<624x64xf32, #tpu.memory_space<hbm>>) target_semaphore(%run_scoped3A : memref<!tpu.dma_semaphore, #tpu.memory_space<semaphore_mem>>)
        %dma_wait3A_48 = arith.constant 0 : i32
        %dma_wait3A_49 = tpu.memref_slice %arg7[%multiple_of3A, %dma_wait3A_48] : memref<10000x64xf32, #tpu.memory_space<hbm>> -> memref<624x64xf32, #tpu.memory_space<hbm>>
        %dma_wait3A_50 = arith.constant 0 : i32
        %dma_wait3A_51 = tpu.memref_slice %arg9[%multiple_of3A, %dma_wait3A_50] : memref<10000x64xf32, #tpu.memory_space<vmem_shared>> -> memref<624x64xf32, #tpu.memory_space<vmem_shared>>
        tpu.wait_dma2 semaphore(%run_scoped3A : memref<!tpu.dma_semaphore, #tpu.memory_space<semaphore_mem>>) src(%dma_wait3A_51 : memref<624x64xf32, #tpu.memory_space<vmem_shared>>) dst(%dma_wait3A_49 : memref<624x64xf32, #tpu.memory_space<hbm>>)
        tpu.yield
      }) : () -> ()
      %eq3A_39 = arith.constant 15 : i32
      %eq3A_40 = arith.cmpi eq, %arg1, %eq3A_39 : i32
      %convert_element_type3A_41 = arith.extui %eq3A_40 : i1 to i32
      %cond3A_42 = arith.constant 0 : i32
      %cond3A_43 = arith.cmpi ne, %convert_element_type3A_41, %cond3A_42 : i32
      scf.if %cond3A_43 {
        "tpu.region"() ({
          %run_scoped3A = tpu.sem_alloc : memref<!tpu.dma_semaphore, #tpu.memory_space<semaphore_mem>>
          %dma_start3A_44 = arith.constant 9984 : i32
          %dma_start3A_45 = arith.constant 0 : i32
          %dma_start3A_46 = tpu.memref_slice %arg7[%dma_start3A_44, %dma_start3A_45] : memref<10000x64xf32, #tpu.memory_space<hbm>> -> memref<16x64xf32, #tpu.memory_space<hbm>>
          %dma_start3A_47 = arith.constant 9984 : i32
          %dma_start3A_48 = arith.constant 0 : i32
          %dma_start3A_49 = tpu.memref_slice %arg9[%dma_start3A_47, %dma_start3A_48] : memref<10000x64xf32, #tpu.memory_space<vmem_shared>> -> memref<16x64xf32, #tpu.memory_space<vmem_shared>>
          tpu.enqueue_dma source(%dma_start3A_49 : memref<16x64xf32, #tpu.memory_space<vmem_shared>>) target(%dma_start3A_46 : memref<16x64xf32, #tpu.memory_space<hbm>>) target_semaphore(%run_scoped3A : memref<!tpu.dma_semaphore, #tpu.memory_space<semaphore_mem>>)
          %dma_wait3A_50 = arith.constant 9984 : i32
          %dma_wait3A_51 = arith.constant 0 : i32
          %dma_wait3A_52 = tpu.memref_slice %arg7[%dma_wait3A_50, %dma_wait3A_51] : memref<10000x64xf32, #tpu.memory_space<hbm>> -> memref<16x64xf32, #tpu.memory_space<hbm>>
          %dma_wait3A_53 = arith.constant 9984 : i32
          %dma_wait3A_54 = arith.constant 0 : i32
          %dma_wait3A_55 = tpu.memref_slice %arg9[%dma_wait3A_53, %dma_wait3A_54] : memref<10000x64xf32, #tpu.memory_space<vmem_shared>> -> memref<16x64xf32, #tpu.memory_space<vmem_shared>>
          tpu.wait_dma2 semaphore(%run_scoped3A : memref<!tpu.dma_semaphore, #tpu.memory_space<semaphore_mem>>) src(%dma_wait3A_55 : memref<16x64xf32, #tpu.memory_space<vmem_shared>>) dst(%dma_wait3A_52 : memref<16x64xf32, #tpu.memory_space<hbm>>)
          tpu.yield
        }) : () -> ()
      } else {
      }
    } else {
    }
    %eq3A_34 = arith.constant 1 : i32
    %eq3A_35 = arith.cmpi eq, %arg0, %eq3A_34 : i32
    %convert_element_type3A_36 = arith.extui %eq3A_35 : i1 to i32
    %cond3A_37 = arith.constant 0 : i32
    %cond3A_38 = arith.cmpi ne, %convert_element_type3A_36, %cond3A_37 : i32
    scf.if %cond3A_38 {
      "tpu.region"() ({
        %run_scoped3A = tpu.sem_alloc : memref<!tpu.dma_semaphore, #tpu.memory_space<semaphore_mem>>
        %dma_start3A_44 = arith.constant 0 : i32
        %dma_start3A_45 = tpu.memref_slice %arg8[%multiple_of3A, %dma_start3A_44] : memref<10000x64xf32, #tpu.memory_space<hbm>> -> memref<624x64xf32, #tpu.memory_space<hbm>>
        %dma_start3A_46 = arith.constant 0 : i32
        %dma_start3A_47 = tpu.memref_slice %arg9[%multiple_of3A, %dma_start3A_46] : memref<10000x64xf32, #tpu.memory_space<vmem_shared>> -> memref<624x64xf32, #tpu.memory_space<vmem_shared>>
        tpu.enqueue_dma source(%dma_start3A_47 : memref<624x64xf32, #tpu.memory_space<vmem_shared>>) target(%dma_start3A_45 : memref<624x64xf32, #tpu.memory_space<hbm>>) target_semaphore(%run_scoped3A : memref<!tpu.dma_semaphore, #tpu.memory_space<semaphore_mem>>)
        %dma_wait3A_48 = arith.constant 0 : i32
        %dma_wait3A_49 = tpu.memref_slice %arg8[%multiple_of3A, %dma_wait3A_48] : memref<10000x64xf32, #tpu.memory_space<hbm>> -> memref<624x64xf32, #tpu.memory_space<hbm>>
        %dma_wait3A_50 = arith.constant 0 : i32
        %dma_wait3A_51 = tpu.memref_slice %arg9[%multiple_of3A, %dma_wait3A_50] : memref<10000x64xf32, #tpu.memory_space<vmem_shared>> -> memref<624x64xf32, #tpu.memory_space<vmem_shared>>
        tpu.wait_dma2 semaphore(%run_scoped3A : memref<!tpu.dma_semaphore, #tpu.memory_space<semaphore_mem>>) src(%dma_wait3A_51 : memref<624x64xf32, #tpu.memory_space<vmem_shared>>) dst(%dma_wait3A_49 : memref<624x64xf32, #tpu.memory_space<hbm>>)
        tpu.yield
      }) : () -> ()
      %eq3A_39 = arith.constant 15 : i32
      %eq3A_40 = arith.cmpi eq, %arg1, %eq3A_39 : i32
      %convert_element_type3A_41 = arith.extui %eq3A_40 : i1 to i32
      %cond3A_42 = arith.constant 0 : i32
      %cond3A_43 = arith.cmpi ne, %convert_element_type3A_41, %cond3A_42 : i32
      scf.if %cond3A_43 {
        "tpu.region"() ({
          %run_scoped3A = tpu.sem_alloc : memref<!tpu.dma_semaphore, #tpu.memory_space<semaphore_mem>>
          %dma_start3A_44 = arith.constant 9984 : i32
          %dma_start3A_45 = arith.constant 0 : i32
          %dma_start3A_46 = tpu.memref_slice %arg8[%dma_start3A_44, %dma_start3A_45] : memref<10000x64xf32, #tpu.memory_space<hbm>> -> memref<16x64xf32, #tpu.memory_space<hbm>>
          %dma_start3A_47 = arith.constant 9984 : i32
          %dma_start3A_48 = arith.constant 0 : i32
          %dma_start3A_49 = tpu.memref_slice %arg9[%dma_start3A_47, %dma_start3A_48] : memref<10000x64xf32, #tpu.memory_space<vmem_shared>> -> memref<16x64xf32, #tpu.memory_space<vmem_shared>>
          tpu.enqueue_dma source(%dma_start3A_49 : memref<16x64xf32, #tpu.memory_space<vmem_shared>>) target(%dma_start3A_46 : memref<16x64xf32, #tpu.memory_space<hbm>>) target_semaphore(%run_scoped3A : memref<!tpu.dma_semaphore, #tpu.memory_space<semaphore_mem>>)
          %dma_wait3A_50 = arith.constant 9984 : i32
          %dma_wait3A_51 = arith.constant 0 : i32
          %dma_wait3A_52 = tpu.memref_slice %arg8[%dma_wait3A_50, %dma_wait3A_51] : memref<10000x64xf32, #tpu.memory_space<hbm>> -> memref<16x64xf32, #tpu.memory_space<hbm>>
          %dma_wait3A_53 = arith.constant 9984 : i32
          %dma_wait3A_54 = arith.constant 0 : i32
          %dma_wait3A_55 = tpu.memref_slice %arg9[%dma_wait3A_53, %dma_wait3A_54] : memref<10000x64xf32, #tpu.memory_space<vmem_shared>> -> memref<16x64xf32, #tpu.memory_space<vmem_shared>>
          tpu.wait_dma2 semaphore(%run_scoped3A : memref<!tpu.dma_semaphore, #tpu.memory_space<semaphore_mem>>) src(%dma_wait3A_55 : memref<16x64xf32, #tpu.memory_space<vmem_shared>>) dst(%dma_wait3A_52 : memref<16x64xf32, #tpu.memory_space<hbm>>)
          tpu.yield
        }) : () -> ()
      } else {
      }
    } else {
    }
    return
  }
}

#map = affine_map<(d0, d1) -> (0, 0)>
#map1 = affine_map<(d0, d1) -> (0)>
module attributes {stable_mosaic.version = 14 : i64} {
  func.func @sc_agg(%arg0: i32, %arg1: i32, %arg2: memref<10000x64xf32, #tpu.memory_space<hbm>>, %arg3: memref<10000x64xf32, #tpu.memory_space<hbm>>, %arg4: memref<64xf32, #tpu.memory_space<hbm>>, %arg5: memref<64xf32, #tpu.memory_space<hbm>>, %arg6: memref<3200x100xi32, #tpu.memory_space<hbm>>, %arg7: memref<3200x100xi32, #tpu.memory_space<hbm>>, %arg8: memref<10000x64xf32, #tpu.memory_space<hbm>>, %arg9: memref<10000x64xf32, #tpu.memory_space<hbm>>, %arg10: memref<10000x64xf32, #tpu.memory_space<hbm>>, %arg11: memref<10000x64xf32, #tpu.memory_space<vmem_shared>>, %arg12: memref<10000x64xf32, #tpu.memory_space<vmem_shared>>, %arg13: memref<100x100xi32, #tpu.memory_space<vmem>>, %arg14: memref<100x100xi32, #tpu.memory_space<vmem>>, %arg15: memref<100x64xf32, #tpu.memory_space<vmem>>, %arg16: memref<100x64xf32, #tpu.memory_space<vmem>>, %arg17: memref<!tpu.dma_semaphore, #tpu.memory_space<semaphore_mem>>, %arg18: memref<!tpu.dma_semaphore, #tpu.memory_space<semaphore_mem>>, %arg19: memref<!tpu.dma_semaphore, #tpu.memory_space<semaphore_mem>>, %arg20: memref<!tpu.dma_semaphore, #tpu.memory_space<semaphore_mem>>, %arg21: memref<64xf32, #tpu.memory_space<vmem>>, %arg22: memref<64xf32, #tpu.memory_space<vmem>>, %arg23: memref<78x64xf32, #tpu.memory_space<vmem>>, %arg24: memref<78x64xf32, #tpu.memory_space<vmem>>) attributes {dimension_semantics = [#tpu.dimension_semantics<core_parallel>, #tpu.dimension_semantics<subcore_parallel>], iteration_bounds = array<i64: 2, 16>, scalar_prefetch = 0 : i64, scratch_operands = 14 : i64, tpu.core_type = #tpu.core_type<sc_vector_subcore>, window_params = [{transform_indices = #map}, {transform_indices = #map}, {transform_indices = #map1}, {transform_indices = #map1}, {transform_indices = #map}, {transform_indices = #map}, {transform_indices = #map}, {transform_indices = #map}, {transform_indices = #map}]} {
    %mul3A = arith.constant 2 : i32
    %mul3A_0 = arith.muli %arg1, %mul3A : i32
    %add3A = arith.addi %mul3A_0, %arg0 : i32
    %mul3A_1 = arith.constant 624 : i32
    %mul3A_2 = arith.muli %arg1, %mul3A_1 : i32
    %multiple_of3A = tpu.assume_multiple %mul3A_2, 8 : i32
    %mul3A_3 = arith.constant 100 : i32
    %mul3A_4 = arith.muli %add3A, %mul3A_3 : i32
    "tpu.region"() ({
      %run_scoped3A = tpu.sem_alloc : memref<!tpu.dma_semaphore, #tpu.memory_space<semaphore_mem>>
      %dma_start3A_101 = arith.constant 0 : i32
      %dma_start3A_102 = tpu.memref_slice %arg6[%mul3A_4, %dma_start3A_101] : memref<3200x100xi32, #tpu.memory_space<hbm>> -> memref<100x100xi32, #tpu.memory_space<hbm>>
      %dma_start3A_103 = arith.constant 0 : i32
      %dma_start3A_104 = tpu.memref_slice %arg6[%mul3A_4, %dma_start3A_103] : memref<3200x100xi32, #tpu.memory_space<hbm>> -> memref<100x100xi32, #tpu.memory_space<hbm>>
      tpu.enqueue_dma source(%dma_start3A_104 : memref<100x100xi32, #tpu.memory_space<hbm>>) target(%arg13 : memref<100x100xi32, #tpu.memory_space<vmem>>) target_semaphore(%run_scoped3A : memref<!tpu.dma_semaphore, #tpu.memory_space<semaphore_mem>>)
      %dma_wait3A_105 = arith.constant 0 : i32
      %dma_wait3A_106 = tpu.memref_slice %arg6[%mul3A_4, %dma_wait3A_105] : memref<3200x100xi32, #tpu.memory_space<hbm>> -> memref<100x100xi32, #tpu.memory_space<hbm>>
      %dma_wait3A_107 = arith.constant 0 : i32
      %dma_wait3A_108 = tpu.memref_slice %arg6[%mul3A_4, %dma_wait3A_107] : memref<3200x100xi32, #tpu.memory_space<hbm>> -> memref<100x100xi32, #tpu.memory_space<hbm>>
      tpu.wait_dma2 semaphore(%run_scoped3A : memref<!tpu.dma_semaphore, #tpu.memory_space<semaphore_mem>>) src(%dma_wait3A_108 : memref<100x100xi32, #tpu.memory_space<hbm>>) dst(%arg13 : memref<100x100xi32, #tpu.memory_space<vmem>>)
      tpu.yield
    }) : () -> ()
    %mul3A_5 = arith.constant 100 : i32
    %mul3A_6 = arith.muli %add3A, %mul3A_5 : i32
    "tpu.region"() ({
      %run_scoped3A = tpu.sem_alloc : memref<!tpu.dma_semaphore, #tpu.memory_space<semaphore_mem>>
      %dma_start3A_101 = arith.constant 0 : i32
      %dma_start3A_102 = tpu.memref_slice %arg7[%mul3A_6, %dma_start3A_101] : memref<3200x100xi32, #tpu.memory_space<hbm>> -> memref<100x100xi32, #tpu.memory_space<hbm>>
      %dma_start3A_103 = arith.constant 0 : i32
      %dma_start3A_104 = tpu.memref_slice %arg7[%mul3A_6, %dma_start3A_103] : memref<3200x100xi32, #tpu.memory_space<hbm>> -> memref<100x100xi32, #tpu.memory_space<hbm>>
      tpu.enqueue_dma source(%dma_start3A_104 : memref<100x100xi32, #tpu.memory_space<hbm>>) target(%arg14 : memref<100x100xi32, #tpu.memory_space<vmem>>) target_semaphore(%run_scoped3A : memref<!tpu.dma_semaphore, #tpu.memory_space<semaphore_mem>>)
      %dma_wait3A_105 = arith.constant 0 : i32
      %dma_wait3A_106 = tpu.memref_slice %arg7[%mul3A_6, %dma_wait3A_105] : memref<3200x100xi32, #tpu.memory_space<hbm>> -> memref<100x100xi32, #tpu.memory_space<hbm>>
      %dma_wait3A_107 = arith.constant 0 : i32
      %dma_wait3A_108 = tpu.memref_slice %arg7[%mul3A_6, %dma_wait3A_107] : memref<3200x100xi32, #tpu.memory_space<hbm>> -> memref<100x100xi32, #tpu.memory_space<hbm>>
      tpu.wait_dma2 semaphore(%run_scoped3A : memref<!tpu.dma_semaphore, #tpu.memory_space<semaphore_mem>>) src(%dma_wait3A_108 : memref<100x100xi32, #tpu.memory_space<hbm>>) dst(%arg14 : memref<100x100xi32, #tpu.memory_space<vmem>>)
      tpu.yield
    }) : () -> ()
    "tpu.region"() ({
      %run_scoped3A = tpu.sem_alloc : memref<!tpu.dma_semaphore, #tpu.memory_space<semaphore_mem>>
      %dma_start3A_101 = arith.constant 0 : i32
      %dma_start3A_102 = tpu.memref_slice %arg11[%multiple_of3A, %dma_start3A_101] : memref<10000x64xf32, #tpu.memory_space<vmem_shared>> -> memref<624x64xf32, #tpu.memory_space<vmem_shared>>
      %dma_start3A_103 = arith.constant 0 : i32
      %dma_start3A_104 = tpu.memref_slice %arg8[%multiple_of3A, %dma_start3A_103] : memref<10000x64xf32, #tpu.memory_space<hbm>> -> memref<624x64xf32, #tpu.memory_space<hbm>>
      tpu.enqueue_dma source(%dma_start3A_104 : memref<624x64xf32, #tpu.memory_space<hbm>>) target(%dma_start3A_102 : memref<624x64xf32, #tpu.memory_space<vmem_shared>>) target_semaphore(%run_scoped3A : memref<!tpu.dma_semaphore, #tpu.memory_space<semaphore_mem>>)
      %dma_wait3A_105 = arith.constant 0 : i32
      %dma_wait3A_106 = tpu.memref_slice %arg11[%multiple_of3A, %dma_wait3A_105] : memref<10000x64xf32, #tpu.memory_space<vmem_shared>> -> memref<624x64xf32, #tpu.memory_space<vmem_shared>>
      %dma_wait3A_107 = arith.constant 0 : i32
      %dma_wait3A_108 = tpu.memref_slice %arg8[%multiple_of3A, %dma_wait3A_107] : memref<10000x64xf32, #tpu.memory_space<hbm>> -> memref<624x64xf32, #tpu.memory_space<hbm>>
      tpu.wait_dma2 semaphore(%run_scoped3A : memref<!tpu.dma_semaphore, #tpu.memory_space<semaphore_mem>>) src(%dma_wait3A_108 : memref<624x64xf32, #tpu.memory_space<hbm>>) dst(%dma_wait3A_106 : memref<624x64xf32, #tpu.memory_space<vmem_shared>>)
      tpu.yield
    }) : () -> ()
    "tpu.region"() ({
      %run_scoped3A = tpu.sem_alloc : memref<!tpu.dma_semaphore, #tpu.memory_space<semaphore_mem>>
      tpu.enqueue_dma source(%arg4 : memref<64xf32, #tpu.memory_space<hbm>>) target(%arg21 : memref<64xf32, #tpu.memory_space<vmem>>) target_semaphore(%run_scoped3A : memref<!tpu.dma_semaphore, #tpu.memory_space<semaphore_mem>>)
      tpu.wait_dma2 semaphore(%run_scoped3A : memref<!tpu.dma_semaphore, #tpu.memory_space<semaphore_mem>>) src(%arg4 : memref<64xf32, #tpu.memory_space<hbm>>) dst(%arg21 : memref<64xf32, #tpu.memory_space<vmem>>)
      tpu.yield
    }) : () -> ()
    "tpu.region"() ({
      %run_scoped3A = tpu.sem_alloc : memref<!tpu.dma_semaphore, #tpu.memory_space<semaphore_mem>>
      tpu.enqueue_dma source(%arg5 : memref<64xf32, #tpu.memory_space<hbm>>) target(%arg22 : memref<64xf32, #tpu.memory_space<vmem>>) target_semaphore(%run_scoped3A : memref<!tpu.dma_semaphore, #tpu.memory_space<semaphore_mem>>)
      tpu.wait_dma2 semaphore(%run_scoped3A : memref<!tpu.dma_semaphore, #tpu.memory_space<semaphore_mem>>) src(%arg5 : memref<64xf32, #tpu.memory_space<hbm>>) dst(%arg22 : memref<64xf32, #tpu.memory_space<vmem>>)
      tpu.yield
    }) : () -> ()
    %add3A_7 = arith.constant 0 : i32
    %add3A_8 = arith.addi %multiple_of3A, %add3A_7 : i32
    "tpu.region"() ({
      %run_scoped3A = tpu.sem_alloc : memref<!tpu.dma_semaphore, #tpu.memory_space<semaphore_mem>>
      %dma_start3A_101 = arith.constant 0 : i32
      %dma_start3A_102 = tpu.memref_slice %arg2[%add3A_8, %dma_start3A_101] : memref<10000x64xf32, #tpu.memory_space<hbm>> -> memref<78x64xf32, #tpu.memory_space<hbm>>
      %dma_start3A_103 = arith.constant 0 : i32
      %dma_start3A_104 = tpu.memref_slice %arg2[%add3A_8, %dma_start3A_103] : memref<10000x64xf32, #tpu.memory_space<hbm>> -> memref<78x64xf32, #tpu.memory_space<hbm>>
      tpu.enqueue_dma source(%dma_start3A_104 : memref<78x64xf32, #tpu.memory_space<hbm>>) target(%arg23 : memref<78x64xf32, #tpu.memory_space<vmem>>) target_semaphore(%run_scoped3A : memref<!tpu.dma_semaphore, #tpu.memory_space<semaphore_mem>>)
      %dma_wait3A_105 = arith.constant 0 : i32
      %dma_wait3A_106 = tpu.memref_slice %arg2[%add3A_8, %dma_wait3A_105] : memref<10000x64xf32, #tpu.memory_space<hbm>> -> memref<78x64xf32, #tpu.memory_space<hbm>>
      %dma_wait3A_107 = arith.constant 0 : i32
      %dma_wait3A_108 = tpu.memref_slice %arg2[%add3A_8, %dma_wait3A_107] : memref<10000x64xf32, #tpu.memory_space<hbm>> -> memref<78x64xf32, #tpu.memory_space<hbm>>
      tpu.wait_dma2 semaphore(%run_scoped3A : memref<!tpu.dma_semaphore, #tpu.memory_space<semaphore_mem>>) src(%dma_wait3A_108 : memref<78x64xf32, #tpu.memory_space<hbm>>) dst(%arg23 : memref<78x64xf32, #tpu.memory_space<vmem>>)
      tpu.yield
    }) : () -> ()
    "tpu.region"() ({
      %run_scoped3A = tpu.sem_alloc : memref<!tpu.dma_semaphore, #tpu.memory_space<semaphore_mem>>
      %dma_start3A_101 = arith.constant 0 : i32
      %dma_start3A_102 = tpu.memref_slice %arg3[%add3A_8, %dma_start3A_101] : memref<10000x64xf32, #tpu.memory_space<hbm>> -> memref<78x64xf32, #tpu.memory_space<hbm>>
      %dma_start3A_103 = arith.constant 0 : i32
      %dma_start3A_104 = tpu.memref_slice %arg3[%add3A_8, %dma_start3A_103] : memref<10000x64xf32, #tpu.memory_space<hbm>> -> memref<78x64xf32, #tpu.memory_space<hbm>>
      tpu.enqueue_dma source(%dma_start3A_104 : memref<78x64xf32, #tpu.memory_space<hbm>>) target(%arg24 : memref<78x64xf32, #tpu.memory_space<vmem>>) target_semaphore(%run_scoped3A : memref<!tpu.dma_semaphore, #tpu.memory_space<semaphore_mem>>)
      %dma_wait3A_105 = arith.constant 0 : i32
      %dma_wait3A_106 = tpu.memref_slice %arg3[%add3A_8, %dma_wait3A_105] : memref<10000x64xf32, #tpu.memory_space<hbm>> -> memref<78x64xf32, #tpu.memory_space<hbm>>
      %dma_wait3A_107 = arith.constant 0 : i32
      %dma_wait3A_108 = tpu.memref_slice %arg3[%add3A_8, %dma_wait3A_107] : memref<10000x64xf32, #tpu.memory_space<hbm>> -> memref<78x64xf32, #tpu.memory_space<hbm>>
      tpu.wait_dma2 semaphore(%run_scoped3A : memref<!tpu.dma_semaphore, #tpu.memory_space<semaphore_mem>>) src(%dma_wait3A_108 : memref<78x64xf32, #tpu.memory_space<hbm>>) dst(%arg24 : memref<78x64xf32, #tpu.memory_space<vmem>>)
      tpu.yield
    }) : () -> ()
    %scan3A = arith.constant 0 : i32
    %scan3A_9 = arith.constant 0 : i32
    %scan3A_10 = arith.constant 78 : i32
    %scan3A_11 = arith.addi %scan3A_9, %scan3A_10 : i32
    %scan3A_12 = arith.constant 1 : i32
    scf.for %scan3A_101 = %scan3A_9 to %scan3A_11 step %scan3A_12  : i32 {
      %get3A = arith.index_cast %scan3A_101 : i32 to index
      %get3A_102 = arith.constant 0 : index
      %get3A_103 = tpu.vector_load %arg23[%get3A, %get3A_102] {strides = array<i32>} : memref<78x64xf32, #tpu.memory_space<vmem>>, vector<1x16xf32>,
      %get3A_104 = vector.shape_cast %get3A_103 : vector<1x16xf32> to vector<16xf32>
      %get3A_105 = arith.index_cast %scan3A_101 : i32 to index
      %get3A_106 = arith.constant 0 : index
      %get3A_107 = tpu.vector_load %arg24[%get3A_105, %get3A_106] {strides = array<i32>} : memref<78x64xf32, #tpu.memory_space<vmem>>, vector<1x16xf32>,
      %get3A_108 = vector.shape_cast %get3A_107 : vector<1x16xf32> to vector<16xf32>
      %add3A_109 = arith.addf %get3A_104, %get3A_108 : vector<16xf32>
      %get3A_110 = arith.constant 0 : index
      %get3A_111 = tpu.vector_load %arg21[%get3A_110] {strides = array<i32>} : memref<64xf32, #tpu.memory_space<vmem>>, vector<16xf32>,
      %get3A_112 = vector.shape_cast %get3A_111 : vector<16xf32> to vector<16xf32>
      %mul3A_113 = arith.mulf %add3A_109, %get3A_112 : vector<16xf32>
      %get3A_114 = arith.constant 0 : index
      %get3A_115 = tpu.vector_load %arg22[%get3A_114] {strides = array<i32>} : memref<64xf32, #tpu.memory_space<vmem>>, vector<16xf32>,
      %get3A_116 = vector.shape_cast %get3A_115 : vector<16xf32> to vector<16xf32>
      %add3A_117 = arith.addf %mul3A_113, %get3A_116 : vector<16xf32>
      %max3A = arith.constant 0.000000e+00 : f32
      %max3A_118 = vector.broadcast %max3A : f32 to vector<16xf32>
      %max3A_119 = arith.maximumf %add3A_117, %max3A_118 : vector<16xf32>
      %swap3A = arith.index_cast %scan3A_101 : i32 to index
      %swap3A_120 = arith.constant 0 : index
      %swap3A_121 = tpu.vector_load %arg23[%swap3A, %swap3A_120] {strides = array<i32>} : memref<78x64xf32, #tpu.memory_space<vmem>>, vector<1x16xf32>,
      %swap3A_122 = vector.shape_cast %swap3A_121 : vector<1x16xf32> to vector<16xf32>
      %swap3A_123 = vector.shape_cast %max3A_119 : vector<16xf32> to vector<1x16xf32>
      tpu.vector_store %arg23[%swap3A, %swap3A_120], %swap3A_123 {strides = array<i32>} : memref<78x64xf32, #tpu.memory_space<vmem>>, vector<1x16xf32>,
      %get3A_124 = arith.index_cast %scan3A_101 : i32 to index
      %get3A_125 = arith.constant 16 : index
      %get3A_126 = tpu.vector_load %arg23[%get3A_124, %get3A_125] {strides = array<i32>} : memref<78x64xf32, #tpu.memory_space<vmem>>, vector<1x16xf32>,
      %get3A_127 = vector.shape_cast %get3A_126 : vector<1x16xf32> to vector<16xf32>
      %get3A_128 = arith.index_cast %scan3A_101 : i32 to index
      %get3A_129 = arith.constant 16 : index
      %get3A_130 = tpu.vector_load %arg24[%get3A_128, %get3A_129] {strides = array<i32>} : memref<78x64xf32, #tpu.memory_space<vmem>>, vector<1x16xf32>,
      %get3A_131 = vector.shape_cast %get3A_130 : vector<1x16xf32> to vector<16xf32>
      %add3A_132 = arith.addf %get3A_127, %get3A_131 : vector<16xf32>
      %get3A_133 = arith.constant 16 : index
      %get3A_134 = tpu.vector_load %arg21[%get3A_133] {strides = array<i32>} : memref<64xf32, #tpu.memory_space<vmem>>, vector<16xf32>,
      %get3A_135 = vector.shape_cast %get3A_134 : vector<16xf32> to vector<16xf32>
      %mul3A_136 = arith.mulf %add3A_132, %get3A_135 : vector<16xf32>
      %get3A_137 = arith.constant 16 : index
      %get3A_138 = tpu.vector_load %arg22[%get3A_137] {strides = array<i32>} : memref<64xf32, #tpu.memory_space<vmem>>, vector<16xf32>,
      %get3A_139 = vector.shape_cast %get3A_138 : vector<16xf32> to vector<16xf32>
      %add3A_140 = arith.addf %mul3A_136, %get3A_139 : vector<16xf32>
      %max3A_141 = arith.constant 0.000000e+00 : f32
      %max3A_142 = vector.broadcast %max3A_141 : f32 to vector<16xf32>
      %max3A_143 = arith.maximumf %add3A_140, %max3A_142 : vector<16xf32>
      %swap3A_144 = arith.index_cast %scan3A_101 : i32 to index
      %swap3A_145 = arith.constant 16 : index
      %swap3A_146 = tpu.vector_load %arg23[%swap3A_144, %swap3A_145] {strides = array<i32>} : memref<78x64xf32, #tpu.memory_space<vmem>>, vector<1x16xf32>,
      %swap3A_147 = vector.shape_cast %swap3A_146 : vector<1x16xf32> to vector<16xf32>
      %swap3A_148 = vector.shape_cast %max3A_143 : vector<16xf32> to vector<1x16xf32>
      tpu.vector_store %arg23[%swap3A_144, %swap3A_145], %swap3A_148 {strides = array<i32>} : memref<78x64xf32, #tpu.memory_space<vmem>>, vector<1x16xf32>,
      %get3A_149 = arith.index_cast %scan3A_101 : i32 to index
      %get3A_150 = arith.constant 32 : index
      %get3A_151 = tpu.vector_load %arg23[%get3A_149, %get3A_150] {strides = array<i32>} : memref<78x64xf32, #tpu.memory_space<vmem>>, vector<1x16xf32>,
      %get3A_152 = vector.shape_cast %get3A_151 : vector<1x16xf32> to vector<16xf32>
      %get3A_153 = arith.index_cast %scan3A_101 : i32 to index
      %get3A_154 = arith.constant 32 : index
      %get3A_155 = tpu.vector_load %arg24[%get3A_153, %get3A_154] {strides = array<i32>} : memref<78x64xf32, #tpu.memory_space<vmem>>, vector<1x16xf32>,
      %get3A_156 = vector.shape_cast %get3A_155 : vector<1x16xf32> to vector<16xf32>
      %add3A_157 = arith.addf %get3A_152, %get3A_156 : vector<16xf32>
      %get3A_158 = arith.constant 32 : index
      %get3A_159 = tpu.vector_load %arg21[%get3A_158] {strides = array<i32>} : memref<64xf32, #tpu.memory_space<vmem>>, vector<16xf32>,
      %get3A_160 = vector.shape_cast %get3A_159 : vector<16xf32> to vector<16xf32>
      %mul3A_161 = arith.mulf %add3A_157, %get3A_160 : vector<16xf32>
      %get3A_162 = arith.constant 32 : index
      %get3A_163 = tpu.vector_load %arg22[%get3A_162] {strides = array<i32>} : memref<64xf32, #tpu.memory_space<vmem>>, vector<16xf32>,
      %get3A_164 = vector.shape_cast %get3A_163 : vector<16xf32> to vector<16xf32>
      %add3A_165 = arith.addf %mul3A_161, %get3A_164 : vector<16xf32>
      %max3A_166 = arith.constant 0.000000e+00 : f32
      %max3A_167 = vector.broadcast %max3A_166 : f32 to vector<16xf32>
      %max3A_168 = arith.maximumf %add3A_165, %max3A_167 : vector<16xf32>
      %swap3A_169 = arith.index_cast %scan3A_101 : i32 to index
      %swap3A_170 = arith.constant 32 : index
      %swap3A_171 = tpu.vector_load %arg23[%swap3A_169, %swap3A_170] {strides = array<i32>} : memref<78x64xf32, #tpu.memory_space<vmem>>, vector<1x16xf32>,
      %swap3A_172 = vector.shape_cast %swap3A_171 : vector<1x16xf32> to vector<16xf32>
      %swap3A_173 = vector.shape_cast %max3A_168 : vector<16xf32> to vector<1x16xf32>
      tpu.vector_store %arg23[%swap3A_169, %swap3A_170], %swap3A_173 {strides = array<i32>} : memref<78x64xf32, #tpu.memory_space<vmem>>, vector<1x16xf32>,
      %get3A_174 = arith.index_cast %scan3A_101 : i32 to index
      %get3A_175 = arith.constant 48 : index
      %get3A_176 = tpu.vector_load %arg23[%get3A_174, %get3A_175] {strides = array<i32>} : memref<78x64xf32, #tpu.memory_space<vmem>>, vector<1x16xf32>,
      %get3A_177 = vector.shape_cast %get3A_176 : vector<1x16xf32> to vector<16xf32>
      %get3A_178 = arith.index_cast %scan3A_101 : i32 to index
      %get3A_179 = arith.constant 48 : index
      %get3A_180 = tpu.vector_load %arg24[%get3A_178, %get3A_179] {strides = array<i32>} : memref<78x64xf32, #tpu.memory_space<vmem>>, vector<1x16xf32>,
      %get3A_181 = vector.shape_cast %get3A_180 : vector<1x16xf32> to vector<16xf32>
      %add3A_182 = arith.addf %get3A_177, %get3A_181 : vector<16xf32>
      %get3A_183 = arith.constant 48 : index
      %get3A_184 = tpu.vector_load %arg21[%get3A_183] {strides = array<i32>} : memref<64xf32, #tpu.memory_space<vmem>>, vector<16xf32>,
      %get3A_185 = vector.shape_cast %get3A_184 : vector<16xf32> to vector<16xf32>
      %mul3A_186 = arith.mulf %add3A_182, %get3A_185 : vector<16xf32>
      %get3A_187 = arith.constant 48 : index
      %get3A_188 = tpu.vector_load %arg22[%get3A_187] {strides = array<i32>} : memref<64xf32, #tpu.memory_space<vmem>>, vector<16xf32>,
      %get3A_189 = vector.shape_cast %get3A_188 : vector<16xf32> to vector<16xf32>
      %add3A_190 = arith.addf %mul3A_186, %get3A_189 : vector<16xf32>
      %max3A_191 = arith.constant 0.000000e+00 : f32
      %max3A_192 = vector.broadcast %max3A_191 : f32 to vector<16xf32>
      %max3A_193 = arith.maximumf %add3A_190, %max3A_192 : vector<16xf32>
      %swap3A_194 = arith.index_cast %scan3A_101 : i32 to index
      %swap3A_195 = arith.constant 48 : index
      %swap3A_196 = tpu.vector_load %arg23[%swap3A_194, %swap3A_195] {strides = array<i32>} : memref<78x64xf32, #tpu.memory_space<vmem>>, vector<1x16xf32>,
      %swap3A_197 = vector.shape_cast %swap3A_196 : vector<1x16xf32> to vector<16xf32>
      %swap3A_198 = vector.shape_cast %max3A_193 : vector<16xf32> to vector<1x16xf32>
      tpu.vector_store %arg23[%swap3A_194, %swap3A_195], %swap3A_198 {strides = array<i32>} : memref<78x64xf32, #tpu.memory_space<vmem>>, vector<1x16xf32>,
    }
    %scan3A_13 = arith.constant 78 : i32
    "tpu.region"() ({
      %run_scoped3A = tpu.sem_alloc : memref<!tpu.dma_semaphore, #tpu.memory_space<semaphore_mem>>
      %dma_start3A_101 = arith.constant 0 : i32
      %dma_start3A_102 = tpu.memref_slice %arg12[%add3A_8, %dma_start3A_101] : memref<10000x64xf32, #tpu.memory_space<vmem_shared>> -> memref<78x64xf32, #tpu.memory_space<vmem_shared>>
      %dma_start3A_103 = arith.constant 0 : i32
      %dma_start3A_104 = tpu.memref_slice %arg12[%add3A_8, %dma_start3A_103] : memref<10000x64xf32, #tpu.memory_space<vmem_shared>> -> memref<78x64xf32, #tpu.memory_space<vmem_shared>>
      tpu.enqueue_dma source(%arg23 : memref<78x64xf32, #tpu.memory_space<vmem>>) target(%dma_start3A_104 : memref<78x64xf32, #tpu.memory_space<vmem_shared>>) target_semaphore(%run_scoped3A : memref<!tpu.dma_semaphore, #tpu.memory_space<semaphore_mem>>)
      %dma_wait3A_105 = arith.constant 0 : i32
      %dma_wait3A_106 = tpu.memref_slice %arg12[%add3A_8, %dma_wait3A_105] : memref<10000x64xf32, #tpu.memory_space<vmem_shared>> -> memref<78x64xf32, #tpu.memory_space<vmem_shared>>
      %dma_wait3A_107 = arith.constant 0 : i32
      %dma_wait3A_108 = tpu.memref_slice %arg12[%add3A_8, %dma_wait3A_107] : memref<10000x64xf32, #tpu.memory_space<vmem_shared>> -> memref<78x64xf32, #tpu.memory_space<vmem_shared>>
      tpu.wait_dma2 semaphore(%run_scoped3A : memref<!tpu.dma_semaphore, #tpu.memory_space<semaphore_mem>>) src(%arg23 : memref<78x64xf32, #tpu.memory_space<vmem>>) dst(%dma_wait3A_108 : memref<78x64xf32, #tpu.memory_space<vmem_shared>>)
      tpu.yield
    }) : () -> ()
    %add3A_14 = arith.constant 78 : i32
    %add3A_15 = arith.addi %multiple_of3A, %add3A_14 : i32
    "tpu.region"() ({
      %run_scoped3A = tpu.sem_alloc : memref<!tpu.dma_semaphore, #tpu.memory_space<semaphore_mem>>
      %dma_start3A_101 = arith.constant 0 : i32
      %dma_start3A_102 = tpu.memref_slice %arg2[%add3A_15, %dma_start3A_101] : memref<10000x64xf32, #tpu.memory_space<hbm>> -> memref<78x64xf32, #tpu.memory_space<hbm>>
      %dma_start3A_103 = arith.constant 0 : i32
      %dma_start3A_104 = tpu.memref_slice %arg2[%add3A_15, %dma_start3A_103] : memref<10000x64xf32, #tpu.memory_space<hbm>> -> memref<78x64xf32, #tpu.memory_space<hbm>>
      tpu.enqueue_dma source(%dma_start3A_104 : memref<78x64xf32, #tpu.memory_space<hbm>>) target(%arg23 : memref<78x64xf32, #tpu.memory_space<vmem>>) target_semaphore(%run_scoped3A : memref<!tpu.dma_semaphore, #tpu.memory_space<semaphore_mem>>)
      %dma_wait3A_105 = arith.constant 0 : i32
      %dma_wait3A_106 = tpu.memref_slice %arg2[%add3A_15, %dma_wait3A_105] : memref<10000x64xf32, #tpu.memory_space<hbm>> -> memref<78x64xf32, #tpu.memory_space<hbm>>
      %dma_wait3A_107 = arith.constant 0 : i32
      %dma_wait3A_108 = tpu.memref_slice %arg2[%add3A_15, %dma_wait3A_107] : memref<10000x64xf32, #tpu.memory_space<hbm>> -> memref<78x64xf32, #tpu.memory_space<hbm>>
      tpu.wait_dma2 semaphore(%run_scoped3A : memref<!tpu.dma_semaphore, #tpu.memory_space<semaphore_mem>>) src(%dma_wait3A_108 : memref<78x64xf32, #tpu.memory_space<hbm>>) dst(%arg23 : memref<78x64xf32, #tpu.memory_space<vmem>>)
      tpu.yield
    }) : () -> ()
    "tpu.region"() ({
      %run_scoped3A = tpu.sem_alloc : memref<!tpu.dma_semaphore, #tpu.memory_space<semaphore_mem>>
      %dma_start3A_101 = arith.constant 0 : i32
      %dma_start3A_102 = tpu.memref_slice %arg3[%add3A_15, %dma_start3A_101] : memref<10000x64xf32, #tpu.memory_space<hbm>> -> memref<78x64xf32, #tpu.memory_space<hbm>>
      %dma_start3A_103 = arith.constant 0 : i32
      %dma_start3A_104 = tpu.memref_slice %arg3[%add3A_15, %dma_start3A_103] : memref<10000x64xf32, #tpu.memory_space<hbm>> -> memref<78x64xf32, #tpu.memory_space<hbm>>
      tpu.enqueue_dma source(%dma_start3A_104 : memref<78x64xf32, #tpu.memory_space<hbm>>) target(%arg24 : memref<78x64xf32, #tpu.memory_space<vmem>>) target_semaphore(%run_scoped3A : memref<!tpu.dma_semaphore, #tpu.memory_space<semaphore_mem>>)
      %dma_wait3A_105 = arith.constant 0 : i32
      %dma_wait3A_106 = tpu.memref_slice %arg3[%add3A_15, %dma_wait3A_105] : memref<10000x64xf32, #tpu.memory_space<hbm>> -> memref<78x64xf32, #tpu.memory_space<hbm>>
      %dma_wait3A_107 = arith.constant 0 : i32
      %dma_wait3A_108 = tpu.memref_slice %arg3[%add3A_15, %dma_wait3A_107] : memref<10000x64xf32, #tpu.memory_space<hbm>> -> memref<78x64xf32, #tpu.memory_space<hbm>>
      tpu.wait_dma2 semaphore(%run_scoped3A : memref<!tpu.dma_semaphore, #tpu.memory_space<semaphore_mem>>) src(%dma_wait3A_108 : memref<78x64xf32, #tpu.memory_space<hbm>>) dst(%arg24 : memref<78x64xf32, #tpu.memory_space<vmem>>)
      tpu.yield
    }) : () -> ()
    %scan3A_16 = arith.constant 0 : i32
    %scan3A_17 = arith.constant 0 : i32
    %scan3A_18 = arith.constant 78 : i32
    %scan3A_19 = arith.addi %scan3A_17, %scan3A_18 : i32
    %scan3A_20 = arith.constant 1 : i32
    scf.for %scan3A_101 = %scan3A_17 to %scan3A_19 step %scan3A_20  : i32 {
      %get3A = arith.index_cast %scan3A_101 : i32 to index
      %get3A_102 = arith.constant 0 : index
      %get3A_103 = tpu.vector_load %arg23[%get3A, %get3A_102] {strides = array<i32>} : memref<78x64xf32, #tpu.memory_space<vmem>>, vector<1x16xf32>,
      %get3A_104 = vector.shape_cast %get3A_103 : vector<1x16xf32> to vector<16xf32>
      %get3A_105 = arith.index_cast %scan3A_101 : i32 to index
      %get3A_106 = arith.constant 0 : index
      %get3A_107 = tpu.vector_load %arg24[%get3A_105, %get3A_106] {strides = array<i32>} : memref<78x64xf32, #tpu.memory_space<vmem>>, vector<1x16xf32>,
      %get3A_108 = vector.shape_cast %get3A_107 : vector<1x16xf32> to vector<16xf32>
      %add3A_109 = arith.addf %get3A_104, %get3A_108 : vector<16xf32>
      %get3A_110 = arith.constant 0 : index
      %get3A_111 = tpu.vector_load %arg21[%get3A_110] {strides = array<i32>} : memref<64xf32, #tpu.memory_space<vmem>>, vector<16xf32>,
      %get3A_112 = vector.shape_cast %get3A_111 : vector<16xf32> to vector<16xf32>
      %mul3A_113 = arith.mulf %add3A_109, %get3A_112 : vector<16xf32>
      %get3A_114 = arith.constant 0 : index
      %get3A_115 = tpu.vector_load %arg22[%get3A_114] {strides = array<i32>} : memref<64xf32, #tpu.memory_space<vmem>>, vector<16xf32>,
      %get3A_116 = vector.shape_cast %get3A_115 : vector<16xf32> to vector<16xf32>
      %add3A_117 = arith.addf %mul3A_113, %get3A_116 : vector<16xf32>
      %max3A = arith.constant 0.000000e+00 : f32
      %max3A_118 = vector.broadcast %max3A : f32 to vector<16xf32>
      %max3A_119 = arith.maximumf %add3A_117, %max3A_118 : vector<16xf32>
      %swap3A = arith.index_cast %scan3A_101 : i32 to index
      %swap3A_120 = arith.constant 0 : index
      %swap3A_121 = tpu.vector_load %arg23[%swap3A, %swap3A_120] {strides = array<i32>} : memref<78x64xf32, #tpu.memory_space<vmem>>, vector<1x16xf32>,
      %swap3A_122 = vector.shape_cast %swap3A_121 : vector<1x16xf32> to vector<16xf32>
      %swap3A_123 = vector.shape_cast %max3A_119 : vector<16xf32> to vector<1x16xf32>
      tpu.vector_store %arg23[%swap3A, %swap3A_120], %swap3A_123 {strides = array<i32>} : memref<78x64xf32, #tpu.memory_space<vmem>>, vector<1x16xf32>,
      %get3A_124 = arith.index_cast %scan3A_101 : i32 to index
      %get3A_125 = arith.constant 16 : index
      %get3A_126 = tpu.vector_load %arg23[%get3A_124, %get3A_125] {strides = array<i32>} : memref<78x64xf32, #tpu.memory_space<vmem>>, vector<1x16xf32>,
      %get3A_127 = vector.shape_cast %get3A_126 : vector<1x16xf32> to vector<16xf32>
      %get3A_128 = arith.index_cast %scan3A_101 : i32 to index
      %get3A_129 = arith.constant 16 : index
      %get3A_130 = tpu.vector_load %arg24[%get3A_128, %get3A_129] {strides = array<i32>} : memref<78x64xf32, #tpu.memory_space<vmem>>, vector<1x16xf32>,
      %get3A_131 = vector.shape_cast %get3A_130 : vector<1x16xf32> to vector<16xf32>
      %add3A_132 = arith.addf %get3A_127, %get3A_131 : vector<16xf32>
      %get3A_133 = arith.constant 16 : index
      %get3A_134 = tpu.vector_load %arg21[%get3A_133] {strides = array<i32>} : memref<64xf32, #tpu.memory_space<vmem>>, vector<16xf32>,
      %get3A_135 = vector.shape_cast %get3A_134 : vector<16xf32> to vector<16xf32>
      %mul3A_136 = arith.mulf %add3A_132, %get3A_135 : vector<16xf32>
      %get3A_137 = arith.constant 16 : index
      %get3A_138 = tpu.vector_load %arg22[%get3A_137] {strides = array<i32>} : memref<64xf32, #tpu.memory_space<vmem>>, vector<16xf32>,
      %get3A_139 = vector.shape_cast %get3A_138 : vector<16xf32> to vector<16xf32>
      %add3A_140 = arith.addf %mul3A_136, %get3A_139 : vector<16xf32>
      %max3A_141 = arith.constant 0.000000e+00 : f32
      %max3A_142 = vector.broadcast %max3A_141 : f32 to vector<16xf32>
      %max3A_143 = arith.maximumf %add3A_140, %max3A_142 : vector<16xf32>
      %swap3A_144 = arith.index_cast %scan3A_101 : i32 to index
      %swap3A_145 = arith.constant 16 : index
      %swap3A_146 = tpu.vector_load %arg23[%swap3A_144, %swap3A_145] {strides = array<i32>} : memref<78x64xf32, #tpu.memory_space<vmem>>, vector<1x16xf32>,
      %swap3A_147 = vector.shape_cast %swap3A_146 : vector<1x16xf32> to vector<16xf32>
      %swap3A_148 = vector.shape_cast %max3A_143 : vector<16xf32> to vector<1x16xf32>
      tpu.vector_store %arg23[%swap3A_144, %swap3A_145], %swap3A_148 {strides = array<i32>} : memref<78x64xf32, #tpu.memory_space<vmem>>, vector<1x16xf32>,
      %get3A_149 = arith.index_cast %scan3A_101 : i32 to index
      %get3A_150 = arith.constant 32 : index
      %get3A_151 = tpu.vector_load %arg23[%get3A_149, %get3A_150] {strides = array<i32>} : memref<78x64xf32, #tpu.memory_space<vmem>>, vector<1x16xf32>,
      %get3A_152 = vector.shape_cast %get3A_151 : vector<1x16xf32> to vector<16xf32>
      %get3A_153 = arith.index_cast %scan3A_101 : i32 to index
      %get3A_154 = arith.constant 32 : index
      %get3A_155 = tpu.vector_load %arg24[%get3A_153, %get3A_154] {strides = array<i32>} : memref<78x64xf32, #tpu.memory_space<vmem>>, vector<1x16xf32>,
      %get3A_156 = vector.shape_cast %get3A_155 : vector<1x16xf32> to vector<16xf32>
      %add3A_157 = arith.addf %get3A_152, %get3A_156 : vector<16xf32>
      %get3A_158 = arith.constant 32 : index
      %get3A_159 = tpu.vector_load %arg21[%get3A_158] {strides = array<i32>} : memref<64xf32, #tpu.memory_space<vmem>>, vector<16xf32>,
      %get3A_160 = vector.shape_cast %get3A_159 : vector<16xf32> to vector<16xf32>
      %mul3A_161 = arith.mulf %add3A_157, %get3A_160 : vector<16xf32>
      %get3A_162 = arith.constant 32 : index
      %get3A_163 = tpu.vector_load %arg22[%get3A_162] {strides = array<i32>} : memref<64xf32, #tpu.memory_space<vmem>>, vector<16xf32>,
      %get3A_164 = vector.shape_cast %get3A_163 : vector<16xf32> to vector<16xf32>
      %add3A_165 = arith.addf %mul3A_161, %get3A_164 : vector<16xf32>
      %max3A_166 = arith.constant 0.000000e+00 : f32
      %max3A_167 = vector.broadcast %max3A_166 : f32 to vector<16xf32>
      %max3A_168 = arith.maximumf %add3A_165, %max3A_167 : vector<16xf32>
      %swap3A_169 = arith.index_cast %scan3A_101 : i32 to index
      %swap3A_170 = arith.constant 32 : index
      %swap3A_171 = tpu.vector_load %arg23[%swap3A_169, %swap3A_170] {strides = array<i32>} : memref<78x64xf32, #tpu.memory_space<vmem>>, vector<1x16xf32>,
      %swap3A_172 = vector.shape_cast %swap3A_171 : vector<1x16xf32> to vector<16xf32>
      %swap3A_173 = vector.shape_cast %max3A_168 : vector<16xf32> to vector<1x16xf32>
      tpu.vector_store %arg23[%swap3A_169, %swap3A_170], %swap3A_173 {strides = array<i32>} : memref<78x64xf32, #tpu.memory_space<vmem>>, vector<1x16xf32>,
      %get3A_174 = arith.index_cast %scan3A_101 : i32 to index
      %get3A_175 = arith.constant 48 : index
      %get3A_176 = tpu.vector_load %arg23[%get3A_174, %get3A_175] {strides = array<i32>} : memref<78x64xf32, #tpu.memory_space<vmem>>, vector<1x16xf32>,
      %get3A_177 = vector.shape_cast %get3A_176 : vector<1x16xf32> to vector<16xf32>
      %get3A_178 = arith.index_cast %scan3A_101 : i32 to index
      %get3A_179 = arith.constant 48 : index
      %get3A_180 = tpu.vector_load %arg24[%get3A_178, %get3A_179] {strides = array<i32>} : memref<78x64xf32, #tpu.memory_space<vmem>>, vector<1x16xf32>,
      %get3A_181 = vector.shape_cast %get3A_180 : vector<1x16xf32> to vector<16xf32>
      %add3A_182 = arith.addf %get3A_177, %get3A_181 : vector<16xf32>
      %get3A_183 = arith.constant 48 : index
      %get3A_184 = tpu.vector_load %arg21[%get3A_183] {strides = array<i32>} : memref<64xf32, #tpu.memory_space<vmem>>, vector<16xf32>,
      %get3A_185 = vector.shape_cast %get3A_184 : vector<16xf32> to vector<16xf32>
      %mul3A_186 = arith.mulf %add3A_182, %get3A_185 : vector<16xf32>
      %get3A_187 = arith.constant 48 : index
      %get3A_188 = tpu.vector_load %arg22[%get3A_187] {strides = array<i32>} : memref<64xf32, #tpu.memory_space<vmem>>, vector<16xf32>,
      %get3A_189 = vector.shape_cast %get3A_188 : vector<16xf32> to vector<16xf32>
      %add3A_190 = arith.addf %mul3A_186, %get3A_189 : vector<16xf32>
      %max3A_191 = arith.constant 0.000000e+00 : f32
      %max3A_192 = vector.broadcast %max3A_191 : f32 to vector<16xf32>
      %max3A_193 = arith.maximumf %add3A_190, %max3A_192 : vector<16xf32>
      %swap3A_194 = arith.index_cast %scan3A_101 : i32 to index
      %swap3A_195 = arith.constant 48 : index
      %swap3A_196 = tpu.vector_load %arg23[%swap3A_194, %swap3A_195] {strides = array<i32>} : memref<78x64xf32, #tpu.memory_space<vmem>>, vector<1x16xf32>,
      %swap3A_197 = vector.shape_cast %swap3A_196 : vector<1x16xf32> to vector<16xf32>
      %swap3A_198 = vector.shape_cast %max3A_193 : vector<16xf32> to vector<1x16xf32>
      tpu.vector_store %arg23[%swap3A_194, %swap3A_195], %swap3A_198 {strides = array<i32>} : memref<78x64xf32, #tpu.memory_space<vmem>>, vector<1x16xf32>,
    }
    %scan3A_21 = arith.constant 78 : i32
    "tpu.region"() ({
      %run_scoped3A = tpu.sem_alloc : memref<!tpu.dma_semaphore, #tpu.memory_space<semaphore_mem>>
      %dma_start3A_101 = arith.constant 0 : i32
      %dma_start3A_102 = tpu.memref_slice %arg12[%add3A_15, %dma_start3A_101] : memref<10000x64xf32, #tpu.memory_space<vmem_shared>> -> memref<78x64xf32, #tpu.memory_space<vmem_shared>>
      %dma_start3A_103 = arith.constant 0 : i32
      %dma_start3A_104 = tpu.memref_slice %arg12[%add3A_15, %dma_start3A_103] : memref<10000x64xf32, #tpu.memory_space<vmem_shared>> -> memref<78x64xf32, #tpu.memory_space<vmem_shared>>
      tpu.enqueue_dma source(%arg23 : memref<78x64xf32, #tpu.memory_space<vmem>>) target(%dma_start3A_104 : memref<78x64xf32, #tpu.memory_space<vmem_shared>>) target_semaphore(%run_scoped3A : memref<!tpu.dma_semaphore, #tpu.memory_space<semaphore_mem>>)
      %dma_wait3A_105 = arith.constant 0 : i32
      %dma_wait3A_106 = tpu.memref_slice %arg12[%add3A_15, %dma_wait3A_105] : memref<10000x64xf32, #tpu.memory_space<vmem_shared>> -> memref<78x64xf32, #tpu.memory_space<vmem_shared>>
      %dma_wait3A_107 = arith.constant 0 : i32
      %dma_wait3A_108 = tpu.memref_slice %arg12[%add3A_15, %dma_wait3A_107] : memref<10000x64xf32, #tpu.memory_space<vmem_shared>> -> memref<78x64xf32, #tpu.memory_space<vmem_shared>>
      tpu.wait_dma2 semaphore(%run_scoped3A : memref<!tpu.dma_semaphore, #tpu.memory_space<semaphore_mem>>) src(%arg23 : memref<78x64xf32, #tpu.memory_space<vmem>>) dst(%dma_wait3A_108 : memref<78x64xf32, #tpu.memory_space<vmem_shared>>)
      tpu.yield
    }) : () -> ()
    %add3A_22 = arith.constant 156 : i32
    %add3A_23 = arith.addi %multiple_of3A, %add3A_22 : i32
    "tpu.region"() ({
      %run_scoped3A = tpu.sem_alloc : memref<!tpu.dma_semaphore, #tpu.memory_space<semaphore_mem>>
      %dma_start3A_101 = arith.constant 0 : i32
      %dma_start3A_102 = tpu.memref_slice %arg2[%add3A_23, %dma_start3A_101] : memref<10000x64xf32, #tpu.memory_space<hbm>> -> memref<78x64xf32, #tpu.memory_space<hbm>>
      %dma_start3A_103 = arith.constant 0 : i32
      %dma_start3A_104 = tpu.memref_slice %arg2[%add3A_23, %dma_start3A_103] : memref<10000x64xf32, #tpu.memory_space<hbm>> -> memref<78x64xf32, #tpu.memory_space<hbm>>
      tpu.enqueue_dma source(%dma_start3A_104 : memref<78x64xf32, #tpu.memory_space<hbm>>) target(%arg23 : memref<78x64xf32, #tpu.memory_space<vmem>>) target_semaphore(%run_scoped3A : memref<!tpu.dma_semaphore, #tpu.memory_space<semaphore_mem>>)
      %dma_wait3A_105 = arith.constant 0 : i32
      %dma_wait3A_106 = tpu.memref_slice %arg2[%add3A_23, %dma_wait3A_105] : memref<10000x64xf32, #tpu.memory_space<hbm>> -> memref<78x64xf32, #tpu.memory_space<hbm>>
      %dma_wait3A_107 = arith.constant 0 : i32
      %dma_wait3A_108 = tpu.memref_slice %arg2[%add3A_23, %dma_wait3A_107] : memref<10000x64xf32, #tpu.memory_space<hbm>> -> memref<78x64xf32, #tpu.memory_space<hbm>>
      tpu.wait_dma2 semaphore(%run_scoped3A : memref<!tpu.dma_semaphore, #tpu.memory_space<semaphore_mem>>) src(%dma_wait3A_108 : memref<78x64xf32, #tpu.memory_space<hbm>>) dst(%arg23 : memref<78x64xf32, #tpu.memory_space<vmem>>)
      tpu.yield
    }) : () -> ()
    "tpu.region"() ({
      %run_scoped3A = tpu.sem_alloc : memref<!tpu.dma_semaphore, #tpu.memory_space<semaphore_mem>>
      %dma_start3A_101 = arith.constant 0 : i32
      %dma_start3A_102 = tpu.memref_slice %arg3[%add3A_23, %dma_start3A_101] : memref<10000x64xf32, #tpu.memory_space<hbm>> -> memref<78x64xf32, #tpu.memory_space<hbm>>
      %dma_start3A_103 = arith.constant 0 : i32
      %dma_start3A_104 = tpu.memref_slice %arg3[%add3A_23, %dma_start3A_103] : memref<10000x64xf32, #tpu.memory_space<hbm>> -> memref<78x64xf32, #tpu.memory_space<hbm>>
      tpu.enqueue_dma source(%dma_start3A_104 : memref<78x64xf32, #tpu.memory_space<hbm>>) target(%arg24 : memref<78x64xf32, #tpu.memory_space<vmem>>) target_semaphore(%run_scoped3A : memref<!tpu.dma_semaphore, #tpu.memory_space<semaphore_mem>>)
      %dma_wait3A_105 = arith.constant 0 : i32
      %dma_wait3A_106 = tpu.memref_slice %arg3[%add3A_23, %dma_wait3A_105] : memref<10000x64xf32, #tpu.memory_space<hbm>> -> memref<78x64xf32, #tpu.memory_space<hbm>>
      %dma_wait3A_107 = arith.constant 0 : i32
      %dma_wait3A_108 = tpu.memref_slice %arg3[%add3A_23, %dma_wait3A_107] : memref<10000x64xf32, #tpu.memory_space<hbm>> -> memref<78x64xf32, #tpu.memory_space<hbm>>
      tpu.wait_dma2 semaphore(%run_scoped3A : memref<!tpu.dma_semaphore, #tpu.memory_space<semaphore_mem>>) src(%dma_wait3A_108 : memref<78x64xf32, #tpu.memory_space<hbm>>) dst(%arg24 : memref<78x64xf32, #tpu.memory_space<vmem>>)
      tpu.yield
    }) : () -> ()
    %scan3A_24 = arith.constant 0 : i32
    %scan3A_25 = arith.constant 0 : i32
    %scan3A_26 = arith.constant 78 : i32
    %scan3A_27 = arith.addi %scan3A_25, %scan3A_26 : i32
    %scan3A_28 = arith.constant 1 : i32
    scf.for %scan3A_101 = %scan3A_25 to %scan3A_27 step %scan3A_28  : i32 {
      %get3A = arith.index_cast %scan3A_101 : i32 to index
      %get3A_102 = arith.constant 0 : index
      %get3A_103 = tpu.vector_load %arg23[%get3A, %get3A_102] {strides = array<i32>} : memref<78x64xf32, #tpu.memory_space<vmem>>, vector<1x16xf32>,
      %get3A_104 = vector.shape_cast %get3A_103 : vector<1x16xf32> to vector<16xf32>
      %get3A_105 = arith.index_cast %scan3A_101 : i32 to index
      %get3A_106 = arith.constant 0 : index
      %get3A_107 = tpu.vector_load %arg24[%get3A_105, %get3A_106] {strides = array<i32>} : memref<78x64xf32, #tpu.memory_space<vmem>>, vector<1x16xf32>,
      %get3A_108 = vector.shape_cast %get3A_107 : vector<1x16xf32> to vector<16xf32>
      %add3A_109 = arith.addf %get3A_104, %get3A_108 : vector<16xf32>
      %get3A_110 = arith.constant 0 : index
      %get3A_111 = tpu.vector_load %arg21[%get3A_110] {strides = array<i32>} : memref<64xf32, #tpu.memory_space<vmem>>, vector<16xf32>,
      %get3A_112 = vector.shape_cast %get3A_111 : vector<16xf32> to vector<16xf32>
      %mul3A_113 = arith.mulf %add3A_109, %get3A_112 : vector<16xf32>
      %get3A_114 = arith.constant 0 : index
      %get3A_115 = tpu.vector_load %arg22[%get3A_114] {strides = array<i32>} : memref<64xf32, #tpu.memory_space<vmem>>, vector<16xf32>,
      %get3A_116 = vector.shape_cast %get3A_115 : vector<16xf32> to vector<16xf32>
      %add3A_117 = arith.addf %mul3A_113, %get3A_116 : vector<16xf32>
      %max3A = arith.constant 0.000000e+00 : f32
      %max3A_118 = vector.broadcast %max3A : f32 to vector<16xf32>
      %max3A_119 = arith.maximumf %add3A_117, %max3A_118 : vector<16xf32>
      %swap3A = arith.index_cast %scan3A_101 : i32 to index
      %swap3A_120 = arith.constant 0 : index
      %swap3A_121 = tpu.vector_load %arg23[%swap3A, %swap3A_120] {strides = array<i32>} : memref<78x64xf32, #tpu.memory_space<vmem>>, vector<1x16xf32>,
      %swap3A_122 = vector.shape_cast %swap3A_121 : vector<1x16xf32> to vector<16xf32>
      %swap3A_123 = vector.shape_cast %max3A_119 : vector<16xf32> to vector<1x16xf32>
      tpu.vector_store %arg23[%swap3A, %swap3A_120], %swap3A_123 {strides = array<i32>} : memref<78x64xf32, #tpu.memory_space<vmem>>, vector<1x16xf32>,
      %get3A_124 = arith.index_cast %scan3A_101 : i32 to index
      %get3A_125 = arith.constant 16 : index
      %get3A_126 = tpu.vector_load %arg23[%get3A_124, %get3A_125] {strides = array<i32>} : memref<78x64xf32, #tpu.memory_space<vmem>>, vector<1x16xf32>,
      %get3A_127 = vector.shape_cast %get3A_126 : vector<1x16xf32> to vector<16xf32>
      %get3A_128 = arith.index_cast %scan3A_101 : i32 to index
      %get3A_129 = arith.constant 16 : index
      %get3A_130 = tpu.vector_load %arg24[%get3A_128, %get3A_129] {strides = array<i32>} : memref<78x64xf32, #tpu.memory_space<vmem>>, vector<1x16xf32>,
      %get3A_131 = vector.shape_cast %get3A_130 : vector<1x16xf32> to vector<16xf32>
      %add3A_132 = arith.addf %get3A_127, %get3A_131 : vector<16xf32>
      %get3A_133 = arith.constant 16 : index
      %get3A_134 = tpu.vector_load %arg21[%get3A_133] {strides = array<i32>} : memref<64xf32, #tpu.memory_space<vmem>>, vector<16xf32>,
      %get3A_135 = vector.shape_cast %get3A_134 : vector<16xf32> to vector<16xf32>
      %mul3A_136 = arith.mulf %add3A_132, %get3A_135 : vector<16xf32>
      %get3A_137 = arith.constant 16 : index
      %get3A_138 = tpu.vector_load %arg22[%get3A_137] {strides = array<i32>} : memref<64xf32, #tpu.memory_space<vmem>>, vector<16xf32>,
      %get3A_139 = vector.shape_cast %get3A_138 : vector<16xf32> to vector<16xf32>
      %add3A_140 = arith.addf %mul3A_136, %get3A_139 : vector<16xf32>
      %max3A_141 = arith.constant 0.000000e+00 : f32
      %max3A_142 = vector.broadcast %max3A_141 : f32 to vector<16xf32>
      %max3A_143 = arith.maximumf %add3A_140, %max3A_142 : vector<16xf32>
      %swap3A_144 = arith.index_cast %scan3A_101 : i32 to index
      %swap3A_145 = arith.constant 16 : index
      %swap3A_146 = tpu.vector_load %arg23[%swap3A_144, %swap3A_145] {strides = array<i32>} : memref<78x64xf32, #tpu.memory_space<vmem>>, vector<1x16xf32>,
      %swap3A_147 = vector.shape_cast %swap3A_146 : vector<1x16xf32> to vector<16xf32>
      %swap3A_148 = vector.shape_cast %max3A_143 : vector<16xf32> to vector<1x16xf32>
      tpu.vector_store %arg23[%swap3A_144, %swap3A_145], %swap3A_148 {strides = array<i32>} : memref<78x64xf32, #tpu.memory_space<vmem>>, vector<1x16xf32>,
      %get3A_149 = arith.index_cast %scan3A_101 : i32 to index
      %get3A_150 = arith.constant 32 : index
      %get3A_151 = tpu.vector_load %arg23[%get3A_149, %get3A_150] {strides = array<i32>} : memref<78x64xf32, #tpu.memory_space<vmem>>, vector<1x16xf32>,
      %get3A_152 = vector.shape_cast %get3A_151 : vector<1x16xf32> to vector<16xf32>
      %get3A_153 = arith.index_cast %scan3A_101 : i32 to index
      %get3A_154 = arith.constant 32 : index
      %get3A_155 = tpu.vector_load %arg24[%get3A_153, %get3A_154] {strides = array<i32>} : memref<78x64xf32, #tpu.memory_space<vmem>>, vector<1x16xf32>,
      %get3A_156 = vector.shape_cast %get3A_155 : vector<1x16xf32> to vector<16xf32>
      %add3A_157 = arith.addf %get3A_152, %get3A_156 : vector<16xf32>
      %get3A_158 = arith.constant 32 : index
      %get3A_159 = tpu.vector_load %arg21[%get3A_158] {strides = array<i32>} : memref<64xf32, #tpu.memory_space<vmem>>, vector<16xf32>,
      %get3A_160 = vector.shape_cast %get3A_159 : vector<16xf32> to vector<16xf32>
      %mul3A_161 = arith.mulf %add3A_157, %get3A_160 : vector<16xf32>
      %get3A_162 = arith.constant 32 : index
      %get3A_163 = tpu.vector_load %arg22[%get3A_162] {strides = array<i32>} : memref<64xf32, #tpu.memory_space<vmem>>, vector<16xf32>,
      %get3A_164 = vector.shape_cast %get3A_163 : vector<16xf32> to vector<16xf32>
      %add3A_165 = arith.addf %mul3A_161, %get3A_164 : vector<16xf32>
      %max3A_166 = arith.constant 0.000000e+00 : f32
      %max3A_167 = vector.broadcast %max3A_166 : f32 to vector<16xf32>
      %max3A_168 = arith.maximumf %add3A_165, %max3A_167 : vector<16xf32>
      %swap3A_169 = arith.index_cast %scan3A_101 : i32 to index
      %swap3A_170 = arith.constant 32 : index
      %swap3A_171 = tpu.vector_load %arg23[%swap3A_169, %swap3A_170] {strides = array<i32>} : memref<78x64xf32, #tpu.memory_space<vmem>>, vector<1x16xf32>,
      %swap3A_172 = vector.shape_cast %swap3A_171 : vector<1x16xf32> to vector<16xf32>
      %swap3A_173 = vector.shape_cast %max3A_168 : vector<16xf32> to vector<1x16xf32>
      tpu.vector_store %arg23[%swap3A_169, %swap3A_170], %swap3A_173 {strides = array<i32>} : memref<78x64xf32, #tpu.memory_space<vmem>>, vector<1x16xf32>,
      %get3A_174 = arith.index_cast %scan3A_101 : i32 to index
      %get3A_175 = arith.constant 48 : index
      %get3A_176 = tpu.vector_load %arg23[%get3A_174, %get3A_175] {strides = array<i32>} : memref<78x64xf32, #tpu.memory_space<vmem>>, vector<1x16xf32>,
      %get3A_177 = vector.shape_cast %get3A_176 : vector<1x16xf32> to vector<16xf32>
      %get3A_178 = arith.index_cast %scan3A_101 : i32 to index
      %get3A_179 = arith.constant 48 : index
      %get3A_180 = tpu.vector_load %arg24[%get3A_178, %get3A_179] {strides = array<i32>} : memref<78x64xf32, #tpu.memory_space<vmem>>, vector<1x16xf32>,
      %get3A_181 = vector.shape_cast %get3A_180 : vector<1x16xf32> to vector<16xf32>
      %add3A_182 = arith.addf %get3A_177, %get3A_181 : vector<16xf32>
      %get3A_183 = arith.constant 48 : index
      %get3A_184 = tpu.vector_load %arg21[%get3A_183] {strides = array<i32>} : memref<64xf32, #tpu.memory_space<vmem>>, vector<16xf32>,
      %get3A_185 = vector.shape_cast %get3A_184 : vector<16xf32> to vector<16xf32>
      %mul3A_186 = arith.mulf %add3A_182, %get3A_185 : vector<16xf32>
      %get3A_187 = arith.constant 48 : index
      %get3A_188 = tpu.vector_load %arg22[%get3A_187] {strides = array<i32>} : memref<64xf32, #tpu.memory_space<vmem>>, vector<16xf32>,
      %get3A_189 = vector.shape_cast %get3A_188 : vector<16xf32> to vector<16xf32>
      %add3A_190 = arith.addf %mul3A_186, %get3A_189 : vector<16xf32>
      %max3A_191 = arith.constant 0.000000e+00 : f32
      %max3A_192 = vector.broadcast %max3A_191 : f32 to vector<16xf32>
      %max3A_193 = arith.maximumf %add3A_190, %max3A_192 : vector<16xf32>
      %swap3A_194 = arith.index_cast %scan3A_101 : i32 to index
      %swap3A_195 = arith.constant 48 : index
      %swap3A_196 = tpu.vector_load %arg23[%swap3A_194, %swap3A_195] {strides = array<i32>} : memref<78x64xf32, #tpu.memory_space<vmem>>, vector<1x16xf32>,
      %swap3A_197 = vector.shape_cast %swap3A_196 : vector<1x16xf32> to vector<16xf32>
      %swap3A_198 = vector.shape_cast %max3A_193 : vector<16xf32> to vector<1x16xf32>
      tpu.vector_store %arg23[%swap3A_194, %swap3A_195], %swap3A_198 {strides = array<i32>} : memref<78x64xf32, #tpu.memory_space<vmem>>, vector<1x16xf32>,
    }
    %scan3A_29 = arith.constant 78 : i32
    "tpu.region"() ({
      %run_scoped3A = tpu.sem_alloc : memref<!tpu.dma_semaphore, #tpu.memory_space<semaphore_mem>>
      %dma_start3A_101 = arith.constant 0 : i32
      %dma_start3A_102 = tpu.memref_slice %arg12[%add3A_23, %dma_start3A_101] : memref<10000x64xf32, #tpu.memory_space<vmem_shared>> -> memref<78x64xf32, #tpu.memory_space<vmem_shared>>
      %dma_start3A_103 = arith.constant 0 : i32
      %dma_start3A_104 = tpu.memref_slice %arg12[%add3A_23, %dma_start3A_103] : memref<10000x64xf32, #tpu.memory_space<vmem_shared>> -> memref<78x64xf32, #tpu.memory_space<vmem_shared>>
      tpu.enqueue_dma source(%arg23 : memref<78x64xf32, #tpu.memory_space<vmem>>) target(%dma_start3A_104 : memref<78x64xf32, #tpu.memory_space<vmem_shared>>) target_semaphore(%run_scoped3A : memref<!tpu.dma_semaphore, #tpu.memory_space<semaphore_mem>>)
      %dma_wait3A_105 = arith.constant 0 : i32
      %dma_wait3A_106 = tpu.memref_slice %arg12[%add3A_23, %dma_wait3A_105] : memref<10000x64xf32, #tpu.memory_space<vmem_shared>> -> memref<78x64xf32, #tpu.memory_space<vmem_shared>>
      %dma_wait3A_107 = arith.constant 0 : i32
      %dma_wait3A_108 = tpu.memref_slice %arg12[%add3A_23, %dma_wait3A_107] : memref<10000x64xf32, #tpu.memory_space<vmem_shared>> -> memref<78x64xf32, #tpu.memory_space<vmem_shared>>
      tpu.wait_dma2 semaphore(%run_scoped3A : memref<!tpu.dma_semaphore, #tpu.memory_space<semaphore_mem>>) src(%arg23 : memref<78x64xf32, #tpu.memory_space<vmem>>) dst(%dma_wait3A_108 : memref<78x64xf32, #tpu.memory_space<vmem_shared>>)
      tpu.yield
    }) : () -> ()
    %add3A_30 = arith.constant 234 : i32
    %add3A_31 = arith.addi %multiple_of3A, %add3A_30 : i32
    "tpu.region"() ({
      %run_scoped3A = tpu.sem_alloc : memref<!tpu.dma_semaphore, #tpu.memory_space<semaphore_mem>>
      %dma_start3A_101 = arith.constant 0 : i32
      %dma_start3A_102 = tpu.memref_slice %arg2[%add3A_31, %dma_start3A_101] : memref<10000x64xf32, #tpu.memory_space<hbm>> -> memref<78x64xf32, #tpu.memory_space<hbm>>
      %dma_start3A_103 = arith.constant 0 : i32
      %dma_start3A_104 = tpu.memref_slice %arg2[%add3A_31, %dma_start3A_103] : memref<10000x64xf32, #tpu.memory_space<hbm>> -> memref<78x64xf32, #tpu.memory_space<hbm>>
      tpu.enqueue_dma source(%dma_start3A_104 : memref<78x64xf32, #tpu.memory_space<hbm>>) target(%arg23 : memref<78x64xf32, #tpu.memory_space<vmem>>) target_semaphore(%run_scoped3A : memref<!tpu.dma_semaphore, #tpu.memory_space<semaphore_mem>>)
      %dma_wait3A_105 = arith.constant 0 : i32
      %dma_wait3A_106 = tpu.memref_slice %arg2[%add3A_31, %dma_wait3A_105] : memref<10000x64xf32, #tpu.memory_space<hbm>> -> memref<78x64xf32, #tpu.memory_space<hbm>>
      %dma_wait3A_107 = arith.constant 0 : i32
      %dma_wait3A_108 = tpu.memref_slice %arg2[%add3A_31, %dma_wait3A_107] : memref<10000x64xf32, #tpu.memory_space<hbm>> -> memref<78x64xf32, #tpu.memory_space<hbm>>
      tpu.wait_dma2 semaphore(%run_scoped3A : memref<!tpu.dma_semaphore, #tpu.memory_space<semaphore_mem>>) src(%dma_wait3A_108 : memref<78x64xf32, #tpu.memory_space<hbm>>) dst(%arg23 : memref<78x64xf32, #tpu.memory_space<vmem>>)
      tpu.yield
    }) : () -> ()
    "tpu.region"() ({
      %run_scoped3A = tpu.sem_alloc : memref<!tpu.dma_semaphore, #tpu.memory_space<semaphore_mem>>
      %dma_start3A_101 = arith.constant 0 : i32
      %dma_start3A_102 = tpu.memref_slice %arg3[%add3A_31, %dma_start3A_101] : memref<10000x64xf32, #tpu.memory_space<hbm>> -> memref<78x64xf32, #tpu.memory_space<hbm>>
      %dma_start3A_103 = arith.constant 0 : i32
      %dma_start3A_104 = tpu.memref_slice %arg3[%add3A_31, %dma_start3A_103] : memref<10000x64xf32, #tpu.memory_space<hbm>> -> memref<78x64xf32, #tpu.memory_space<hbm>>
      tpu.enqueue_dma source(%dma_start3A_104 : memref<78x64xf32, #tpu.memory_space<hbm>>) target(%arg24 : memref<78x64xf32, #tpu.memory_space<vmem>>) target_semaphore(%run_scoped3A : memref<!tpu.dma_semaphore, #tpu.memory_space<semaphore_mem>>)
      %dma_wait3A_105 = arith.constant 0 : i32
      %dma_wait3A_106 = tpu.memref_slice %arg3[%add3A_31, %dma_wait3A_105] : memref<10000x64xf32, #tpu.memory_space<hbm>> -> memref<78x64xf32, #tpu.memory_space<hbm>>
      %dma_wait3A_107 = arith.constant 0 : i32
      %dma_wait3A_108 = tpu.memref_slice %arg3[%add3A_31, %dma_wait3A_107] : memref<10000x64xf32, #tpu.memory_space<hbm>> -> memref<78x64xf32, #tpu.memory_space<hbm>>
      tpu.wait_dma2 semaphore(%run_scoped3A : memref<!tpu.dma_semaphore, #tpu.memory_space<semaphore_mem>>) src(%dma_wait3A_108 : memref<78x64xf32, #tpu.memory_space<hbm>>) dst(%arg24 : memref<78x64xf32, #tpu.memory_space<vmem>>)
      tpu.yield
    }) : () -> ()
    %scan3A_32 = arith.constant 0 : i32
    %scan3A_33 = arith.constant 0 : i32
    %scan3A_34 = arith.constant 78 : i32
    %scan3A_35 = arith.addi %scan3A_33, %scan3A_34 : i32
    %scan3A_36 = arith.constant 1 : i32
    scf.for %scan3A_101 = %scan3A_33 to %scan3A_35 step %scan3A_36  : i32 {
      %get3A = arith.index_cast %scan3A_101 : i32 to index
      %get3A_102 = arith.constant 0 : index
      %get3A_103 = tpu.vector_load %arg23[%get3A, %get3A_102] {strides = array<i32>} : memref<78x64xf32, #tpu.memory_space<vmem>>, vector<1x16xf32>,
      %get3A_104 = vector.shape_cast %get3A_103 : vector<1x16xf32> to vector<16xf32>
      %get3A_105 = arith.index_cast %scan3A_101 : i32 to index
      %get3A_106 = arith.constant 0 : index
      %get3A_107 = tpu.vector_load %arg24[%get3A_105, %get3A_106] {strides = array<i32>} : memref<78x64xf32, #tpu.memory_space<vmem>>, vector<1x16xf32>,
      %get3A_108 = vector.shape_cast %get3A_107 : vector<1x16xf32> to vector<16xf32>
      %add3A_109 = arith.addf %get3A_104, %get3A_108 : vector<16xf32>
      %get3A_110 = arith.constant 0 : index
      %get3A_111 = tpu.vector_load %arg21[%get3A_110] {strides = array<i32>} : memref<64xf32, #tpu.memory_space<vmem>>, vector<16xf32>,
      %get3A_112 = vector.shape_cast %get3A_111 : vector<16xf32> to vector<16xf32>
      %mul3A_113 = arith.mulf %add3A_109, %get3A_112 : vector<16xf32>
      %get3A_114 = arith.constant 0 : index
      %get3A_115 = tpu.vector_load %arg22[%get3A_114] {strides = array<i32>} : memref<64xf32, #tpu.memory_space<vmem>>, vector<16xf32>,
      %get3A_116 = vector.shape_cast %get3A_115 : vector<16xf32> to vector<16xf32>
      %add3A_117 = arith.addf %mul3A_113, %get3A_116 : vector<16xf32>
      %max3A = arith.constant 0.000000e+00 : f32
      %max3A_118 = vector.broadcast %max3A : f32 to vector<16xf32>
      %max3A_119 = arith.maximumf %add3A_117, %max3A_118 : vector<16xf32>
      %swap3A = arith.index_cast %scan3A_101 : i32 to index
      %swap3A_120 = arith.constant 0 : index
      %swap3A_121 = tpu.vector_load %arg23[%swap3A, %swap3A_120] {strides = array<i32>} : memref<78x64xf32, #tpu.memory_space<vmem>>, vector<1x16xf32>,
      %swap3A_122 = vector.shape_cast %swap3A_121 : vector<1x16xf32> to vector<16xf32>
      %swap3A_123 = vector.shape_cast %max3A_119 : vector<16xf32> to vector<1x16xf32>
      tpu.vector_store %arg23[%swap3A, %swap3A_120], %swap3A_123 {strides = array<i32>} : memref<78x64xf32, #tpu.memory_space<vmem>>, vector<1x16xf32>,
      %get3A_124 = arith.index_cast %scan3A_101 : i32 to index
      %get3A_125 = arith.constant 16 : index
      %get3A_126 = tpu.vector_load %arg23[%get3A_124, %get3A_125] {strides = array<i32>} : memref<78x64xf32, #tpu.memory_space<vmem>>, vector<1x16xf32>,
      %get3A_127 = vector.shape_cast %get3A_126 : vector<1x16xf32> to vector<16xf32>
      %get3A_128 = arith.index_cast %scan3A_101 : i32 to index
      %get3A_129 = arith.constant 16 : index
      %get3A_130 = tpu.vector_load %arg24[%get3A_128, %get3A_129] {strides = array<i32>} : memref<78x64xf32, #tpu.memory_space<vmem>>, vector<1x16xf32>,
      %get3A_131 = vector.shape_cast %get3A_130 : vector<1x16xf32> to vector<16xf32>
      %add3A_132 = arith.addf %get3A_127, %get3A_131 : vector<16xf32>
      %get3A_133 = arith.constant 16 : index
      %get3A_134 = tpu.vector_load %arg21[%get3A_133] {strides = array<i32>} : memref<64xf32, #tpu.memory_space<vmem>>, vector<16xf32>,
      %get3A_135 = vector.shape_cast %get3A_134 : vector<16xf32> to vector<16xf32>
      %mul3A_136 = arith.mulf %add3A_132, %get3A_135 : vector<16xf32>
      %get3A_137 = arith.constant 16 : index
      %get3A_138 = tpu.vector_load %arg22[%get3A_137] {strides = array<i32>} : memref<64xf32, #tpu.memory_space<vmem>>, vector<16xf32>,
      %get3A_139 = vector.shape_cast %get3A_138 : vector<16xf32> to vector<16xf32>
      %add3A_140 = arith.addf %mul3A_136, %get3A_139 : vector<16xf32>
      %max3A_141 = arith.constant 0.000000e+00 : f32
      %max3A_142 = vector.broadcast %max3A_141 : f32 to vector<16xf32>
      %max3A_143 = arith.maximumf %add3A_140, %max3A_142 : vector<16xf32>
      %swap3A_144 = arith.index_cast %scan3A_101 : i32 to index
      %swap3A_145 = arith.constant 16 : index
      %swap3A_146 = tpu.vector_load %arg23[%swap3A_144, %swap3A_145] {strides = array<i32>} : memref<78x64xf32, #tpu.memory_space<vmem>>, vector<1x16xf32>,
      %swap3A_147 = vector.shape_cast %swap3A_146 : vector<1x16xf32> to vector<16xf32>
      %swap3A_148 = vector.shape_cast %max3A_143 : vector<16xf32> to vector<1x16xf32>
      tpu.vector_store %arg23[%swap3A_144, %swap3A_145], %swap3A_148 {strides = array<i32>} : memref<78x64xf32, #tpu.memory_space<vmem>>, vector<1x16xf32>,
      %get3A_149 = arith.index_cast %scan3A_101 : i32 to index
      %get3A_150 = arith.constant 32 : index
      %get3A_151 = tpu.vector_load %arg23[%get3A_149, %get3A_150] {strides = array<i32>} : memref<78x64xf32, #tpu.memory_space<vmem>>, vector<1x16xf32>,
      %get3A_152 = vector.shape_cast %get3A_151 : vector<1x16xf32> to vector<16xf32>
      %get3A_153 = arith.index_cast %scan3A_101 : i32 to index
      %get3A_154 = arith.constant 32 : index
      %get3A_155 = tpu.vector_load %arg24[%get3A_153, %get3A_154] {strides = array<i32>} : memref<78x64xf32, #tpu.memory_space<vmem>>, vector<1x16xf32>,
      %get3A_156 = vector.shape_cast %get3A_155 : vector<1x16xf32> to vector<16xf32>
      %add3A_157 = arith.addf %get3A_152, %get3A_156 : vector<16xf32>
      %get3A_158 = arith.constant 32 : index
      %get3A_159 = tpu.vector_load %arg21[%get3A_158] {strides = array<i32>} : memref<64xf32, #tpu.memory_space<vmem>>, vector<16xf32>,
      %get3A_160 = vector.shape_cast %get3A_159 : vector<16xf32> to vector<16xf32>
      %mul3A_161 = arith.mulf %add3A_157, %get3A_160 : vector<16xf32>
      %get3A_162 = arith.constant 32 : index
      %get3A_163 = tpu.vector_load %arg22[%get3A_162] {strides = array<i32>} : memref<64xf32, #tpu.memory_space<vmem>>, vector<16xf32>,
      %get3A_164 = vector.shape_cast %get3A_163 : vector<16xf32> to vector<16xf32>
      %add3A_165 = arith.addf %mul3A_161, %get3A_164 : vector<16xf32>
      %max3A_166 = arith.constant 0.000000e+00 : f32
      %max3A_167 = vector.broadcast %max3A_166 : f32 to vector<16xf32>
      %max3A_168 = arith.maximumf %add3A_165, %max3A_167 : vector<16xf32>
      %swap3A_169 = arith.index_cast %scan3A_101 : i32 to index
      %swap3A_170 = arith.constant 32 : index
      %swap3A_171 = tpu.vector_load %arg23[%swap3A_169, %swap3A_170] {strides = array<i32>} : memref<78x64xf32, #tpu.memory_space<vmem>>, vector<1x16xf32>,
      %swap3A_172 = vector.shape_cast %swap3A_171 : vector<1x16xf32> to vector<16xf32>
      %swap3A_173 = vector.shape_cast %max3A_168 : vector<16xf32> to vector<1x16xf32>
      tpu.vector_store %arg23[%swap3A_169, %swap3A_170], %swap3A_173 {strides = array<i32>} : memref<78x64xf32, #tpu.memory_space<vmem>>, vector<1x16xf32>,
      %get3A_174 = arith.index_cast %scan3A_101 : i32 to index
      %get3A_175 = arith.constant 48 : index
      %get3A_176 = tpu.vector_load %arg23[%get3A_174, %get3A_175] {strides = array<i32>} : memref<78x64xf32, #tpu.memory_space<vmem>>, vector<1x16xf32>,
      %get3A_177 = vector.shape_cast %get3A_176 : vector<1x16xf32> to vector<16xf32>
      %get3A_178 = arith.index_cast %scan3A_101 : i32 to index
      %get3A_179 = arith.constant 48 : index
      %get3A_180 = tpu.vector_load %arg24[%get3A_178, %get3A_179] {strides = array<i32>} : memref<78x64xf32, #tpu.memory_space<vmem>>, vector<1x16xf32>,
      %get3A_181 = vector.shape_cast %get3A_180 : vector<1x16xf32> to vector<16xf32>
      %add3A_182 = arith.addf %get3A_177, %get3A_181 : vector<16xf32>
      %get3A_183 = arith.constant 48 : index
      %get3A_184 = tpu.vector_load %arg21[%get3A_183] {strides = array<i32>} : memref<64xf32, #tpu.memory_space<vmem>>, vector<16xf32>,
      %get3A_185 = vector.shape_cast %get3A_184 : vector<16xf32> to vector<16xf32>
      %mul3A_186 = arith.mulf %add3A_182, %get3A_185 : vector<16xf32>
      %get3A_187 = arith.constant 48 : index
      %get3A_188 = tpu.vector_load %arg22[%get3A_187] {strides = array<i32>} : memref<64xf32, #tpu.memory_space<vmem>>, vector<16xf32>,
      %get3A_189 = vector.shape_cast %get3A_188 : vector<16xf32> to vector<16xf32>
      %add3A_190 = arith.addf %mul3A_186, %get3A_189 : vector<16xf32>
      %max3A_191 = arith.constant 0.000000e+00 : f32
      %max3A_192 = vector.broadcast %max3A_191 : f32 to vector<16xf32>
      %max3A_193 = arith.maximumf %add3A_190, %max3A_192 : vector<16xf32>
      %swap3A_194 = arith.index_cast %scan3A_101 : i32 to index
      %swap3A_195 = arith.constant 48 : index
      %swap3A_196 = tpu.vector_load %arg23[%swap3A_194, %swap3A_195] {strides = array<i32>} : memref<78x64xf32, #tpu.memory_space<vmem>>, vector<1x16xf32>,
      %swap3A_197 = vector.shape_cast %swap3A_196 : vector<1x16xf32> to vector<16xf32>
      %swap3A_198 = vector.shape_cast %max3A_193 : vector<16xf32> to vector<1x16xf32>
      tpu.vector_store %arg23[%swap3A_194, %swap3A_195], %swap3A_198 {strides = array<i32>} : memref<78x64xf32, #tpu.memory_space<vmem>>, vector<1x16xf32>,
    }
    %scan3A_37 = arith.constant 78 : i32
    "tpu.region"() ({
      %run_scoped3A = tpu.sem_alloc : memref<!tpu.dma_semaphore, #tpu.memory_space<semaphore_mem>>
      %dma_start3A_101 = arith.constant 0 : i32
      %dma_start3A_102 = tpu.memref_slice %arg12[%add3A_31, %dma_start3A_101] : memref<10000x64xf32, #tpu.memory_space<vmem_shared>> -> memref<78x64xf32, #tpu.memory_space<vmem_shared>>
      %dma_start3A_103 = arith.constant 0 : i32
      %dma_start3A_104 = tpu.memref_slice %arg12[%add3A_31, %dma_start3A_103] : memref<10000x64xf32, #tpu.memory_space<vmem_shared>> -> memref<78x64xf32, #tpu.memory_space<vmem_shared>>
      tpu.enqueue_dma source(%arg23 : memref<78x64xf32, #tpu.memory_space<vmem>>) target(%dma_start3A_104 : memref<78x64xf32, #tpu.memory_space<vmem_shared>>) target_semaphore(%run_scoped3A : memref<!tpu.dma_semaphore, #tpu.memory_space<semaphore_mem>>)
      %dma_wait3A_105 = arith.constant 0 : i32
      %dma_wait3A_106 = tpu.memref_slice %arg12[%add3A_31, %dma_wait3A_105] : memref<10000x64xf32, #tpu.memory_space<vmem_shared>> -> memref<78x64xf32, #tpu.memory_space<vmem_shared>>
      %dma_wait3A_107 = arith.constant 0 : i32
      %dma_wait3A_108 = tpu.memref_slice %arg12[%add3A_31, %dma_wait3A_107] : memref<10000x64xf32, #tpu.memory_space<vmem_shared>> -> memref<78x64xf32, #tpu.memory_space<vmem_shared>>
      tpu.wait_dma2 semaphore(%run_scoped3A : memref<!tpu.dma_semaphore, #tpu.memory_space<semaphore_mem>>) src(%arg23 : memref<78x64xf32, #tpu.memory_space<vmem>>) dst(%dma_wait3A_108 : memref<78x64xf32, #tpu.memory_space<vmem_shared>>)
      tpu.yield
    }) : () -> ()
    %add3A_38 = arith.constant 312 : i32
    %add3A_39 = arith.addi %multiple_of3A, %add3A_38 : i32
    "tpu.region"() ({
      %run_scoped3A = tpu.sem_alloc : memref<!tpu.dma_semaphore, #tpu.memory_space<semaphore_mem>>
      %dma_start3A_101 = arith.constant 0 : i32
      %dma_start3A_102 = tpu.memref_slice %arg2[%add3A_39, %dma_start3A_101] : memref<10000x64xf32, #tpu.memory_space<hbm>> -> memref<78x64xf32, #tpu.memory_space<hbm>>
      %dma_start3A_103 = arith.constant 0 : i32
      %dma_start3A_104 = tpu.memref_slice %arg2[%add3A_39, %dma_start3A_103] : memref<10000x64xf32, #tpu.memory_space<hbm>> -> memref<78x64xf32, #tpu.memory_space<hbm>>
      tpu.enqueue_dma source(%dma_start3A_104 : memref<78x64xf32, #tpu.memory_space<hbm>>) target(%arg23 : memref<78x64xf32, #tpu.memory_space<vmem>>) target_semaphore(%run_scoped3A : memref<!tpu.dma_semaphore, #tpu.memory_space<semaphore_mem>>)
      %dma_wait3A_105 = arith.constant 0 : i32
      %dma_wait3A_106 = tpu.memref_slice %arg2[%add3A_39, %dma_wait3A_105] : memref<10000x64xf32, #tpu.memory_space<hbm>> -> memref<78x64xf32, #tpu.memory_space<hbm>>
      %dma_wait3A_107 = arith.constant 0 : i32
      %dma_wait3A_108 = tpu.memref_slice %arg2[%add3A_39, %dma_wait3A_107] : memref<10000x64xf32, #tpu.memory_space<hbm>> -> memref<78x64xf32, #tpu.memory_space<hbm>>
      tpu.wait_dma2 semaphore(%run_scoped3A : memref<!tpu.dma_semaphore, #tpu.memory_space<semaphore_mem>>) src(%dma_wait3A_108 : memref<78x64xf32, #tpu.memory_space<hbm>>) dst(%arg23 : memref<78x64xf32, #tpu.memory_space<vmem>>)
      tpu.yield
    }) : () -> ()
    "tpu.region"() ({
      %run_scoped3A = tpu.sem_alloc : memref<!tpu.dma_semaphore, #tpu.memory_space<semaphore_mem>>
      %dma_start3A_101 = arith.constant 0 : i32
      %dma_start3A_102 = tpu.memref_slice %arg3[%add3A_39, %dma_start3A_101] : memref<10000x64xf32, #tpu.memory_space<hbm>> -> memref<78x64xf32, #tpu.memory_space<hbm>>
      %dma_start3A_103 = arith.constant 0 : i32
      %dma_start3A_104 = tpu.memref_slice %arg3[%add3A_39, %dma_start3A_103] : memref<10000x64xf32, #tpu.memory_space<hbm>> -> memref<78x64xf32, #tpu.memory_space<hbm>>
      tpu.enqueue_dma source(%dma_start3A_104 : memref<78x64xf32, #tpu.memory_space<hbm>>) target(%arg24 : memref<78x64xf32, #tpu.memory_space<vmem>>) target_semaphore(%run_scoped3A : memref<!tpu.dma_semaphore, #tpu.memory_space<semaphore_mem>>)
      %dma_wait3A_105 = arith.constant 0 : i32
      %dma_wait3A_106 = tpu.memref_slice %arg3[%add3A_39, %dma_wait3A_105] : memref<10000x64xf32, #tpu.memory_space<hbm>> -> memref<78x64xf32, #tpu.memory_space<hbm>>
      %dma_wait3A_107 = arith.constant 0 : i32
      %dma_wait3A_108 = tpu.memref_slice %arg3[%add3A_39, %dma_wait3A_107] : memref<10000x64xf32, #tpu.memory_space<hbm>> -> memref<78x64xf32, #tpu.memory_space<hbm>>
      tpu.wait_dma2 semaphore(%run_scoped3A : memref<!tpu.dma_semaphore, #tpu.memory_space<semaphore_mem>>) src(%dma_wait3A_108 : memref<78x64xf32, #tpu.memory_space<hbm>>) dst(%arg24 : memref<78x64xf32, #tpu.memory_space<vmem>>)
      tpu.yield
    }) : () -> ()
    %scan3A_40 = arith.constant 0 : i32
    %scan3A_41 = arith.constant 0 : i32
    %scan3A_42 = arith.constant 78 : i32
    %scan3A_43 = arith.addi %scan3A_41, %scan3A_42 : i32
    %scan3A_44 = arith.constant 1 : i32
    scf.for %scan3A_101 = %scan3A_41 to %scan3A_43 step %scan3A_44  : i32 {
      %get3A = arith.index_cast %scan3A_101 : i32 to index
      %get3A_102 = arith.constant 0 : index
      %get3A_103 = tpu.vector_load %arg23[%get3A, %get3A_102] {strides = array<i32>} : memref<78x64xf32, #tpu.memory_space<vmem>>, vector<1x16xf32>,
      %get3A_104 = vector.shape_cast %get3A_103 : vector<1x16xf32> to vector<16xf32>
      %get3A_105 = arith.index_cast %scan3A_101 : i32 to index
      %get3A_106 = arith.constant 0 : index
      %get3A_107 = tpu.vector_load %arg24[%get3A_105, %get3A_106] {strides = array<i32>} : memref<78x64xf32, #tpu.memory_space<vmem>>, vector<1x16xf32>,
      %get3A_108 = vector.shape_cast %get3A_107 : vector<1x16xf32> to vector<16xf32>
      %add3A_109 = arith.addf %get3A_104, %get3A_108 : vector<16xf32>
      %get3A_110 = arith.constant 0 : index
      %get3A_111 = tpu.vector_load %arg21[%get3A_110] {strides = array<i32>} : memref<64xf32, #tpu.memory_space<vmem>>, vector<16xf32>,
      %get3A_112 = vector.shape_cast %get3A_111 : vector<16xf32> to vector<16xf32>
      %mul3A_113 = arith.mulf %add3A_109, %get3A_112 : vector<16xf32>
      %get3A_114 = arith.constant 0 : index
      %get3A_115 = tpu.vector_load %arg22[%get3A_114] {strides = array<i32>} : memref<64xf32, #tpu.memory_space<vmem>>, vector<16xf32>,
      %get3A_116 = vector.shape_cast %get3A_115 : vector<16xf32> to vector<16xf32>
      %add3A_117 = arith.addf %mul3A_113, %get3A_116 : vector<16xf32>
      %max3A = arith.constant 0.000000e+00 : f32
      %max3A_118 = vector.broadcast %max3A : f32 to vector<16xf32>
      %max3A_119 = arith.maximumf %add3A_117, %max3A_118 : vector<16xf32>
      %swap3A = arith.index_cast %scan3A_101 : i32 to index
      %swap3A_120 = arith.constant 0 : index
      %swap3A_121 = tpu.vector_load %arg23[%swap3A, %swap3A_120] {strides = array<i32>} : memref<78x64xf32, #tpu.memory_space<vmem>>, vector<1x16xf32>,
      %swap3A_122 = vector.shape_cast %swap3A_121 : vector<1x16xf32> to vector<16xf32>
      %swap3A_123 = vector.shape_cast %max3A_119 : vector<16xf32> to vector<1x16xf32>
      tpu.vector_store %arg23[%swap3A, %swap3A_120], %swap3A_123 {strides = array<i32>} : memref<78x64xf32, #tpu.memory_space<vmem>>, vector<1x16xf32>,
      %get3A_124 = arith.index_cast %scan3A_101 : i32 to index
      %get3A_125 = arith.constant 16 : index
      %get3A_126 = tpu.vector_load %arg23[%get3A_124, %get3A_125] {strides = array<i32>} : memref<78x64xf32, #tpu.memory_space<vmem>>, vector<1x16xf32>,
      %get3A_127 = vector.shape_cast %get3A_126 : vector<1x16xf32> to vector<16xf32>
      %get3A_128 = arith.index_cast %scan3A_101 : i32 to index
      %get3A_129 = arith.constant 16 : index
      %get3A_130 = tpu.vector_load %arg24[%get3A_128, %get3A_129] {strides = array<i32>} : memref<78x64xf32, #tpu.memory_space<vmem>>, vector<1x16xf32>,
      %get3A_131 = vector.shape_cast %get3A_130 : vector<1x16xf32> to vector<16xf32>
      %add3A_132 = arith.addf %get3A_127, %get3A_131 : vector<16xf32>
      %get3A_133 = arith.constant 16 : index
      %get3A_134 = tpu.vector_load %arg21[%get3A_133] {strides = array<i32>} : memref<64xf32, #tpu.memory_space<vmem>>, vector<16xf32>,
      %get3A_135 = vector.shape_cast %get3A_134 : vector<16xf32> to vector<16xf32>
      %mul3A_136 = arith.mulf %add3A_132, %get3A_135 : vector<16xf32>
      %get3A_137 = arith.constant 16 : index
      %get3A_138 = tpu.vector_load %arg22[%get3A_137] {strides = array<i32>} : memref<64xf32, #tpu.memory_space<vmem>>, vector<16xf32>,
      %get3A_139 = vector.shape_cast %get3A_138 : vector<16xf32> to vector<16xf32>
      %add3A_140 = arith.addf %mul3A_136, %get3A_139 : vector<16xf32>
      %max3A_141 = arith.constant 0.000000e+00 : f32
      %max3A_142 = vector.broadcast %max3A_141 : f32 to vector<16xf32>
      %max3A_143 = arith.maximumf %add3A_140, %max3A_142 : vector<16xf32>
      %swap3A_144 = arith.index_cast %scan3A_101 : i32 to index
      %swap3A_145 = arith.constant 16 : index
      %swap3A_146 = tpu.vector_load %arg23[%swap3A_144, %swap3A_145] {strides = array<i32>} : memref<78x64xf32, #tpu.memory_space<vmem>>, vector<1x16xf32>,
      %swap3A_147 = vector.shape_cast %swap3A_146 : vector<1x16xf32> to vector<16xf32>
      %swap3A_148 = vector.shape_cast %max3A_143 : vector<16xf32> to vector<1x16xf32>
      tpu.vector_store %arg23[%swap3A_144, %swap3A_145], %swap3A_148 {strides = array<i32>} : memref<78x64xf32, #tpu.memory_space<vmem>>, vector<1x16xf32>,
      %get3A_149 = arith.index_cast %scan3A_101 : i32 to index
      %get3A_150 = arith.constant 32 : index
      %get3A_151 = tpu.vector_load %arg23[%get3A_149, %get3A_150] {strides = array<i32>} : memref<78x64xf32, #tpu.memory_space<vmem>>, vector<1x16xf32>,
      %get3A_152 = vector.shape_cast %get3A_151 : vector<1x16xf32> to vector<16xf32>
      %get3A_153 = arith.index_cast %scan3A_101 : i32 to index
      %get3A_154 = arith.constant 32 : index
      %get3A_155 = tpu.vector_load %arg24[%get3A_153, %get3A_154] {strides = array<i32>} : memref<78x64xf32, #tpu.memory_space<vmem>>, vector<1x16xf32>,
      %get3A_156 = vector.shape_cast %get3A_155 : vector<1x16xf32> to vector<16xf32>
      %add3A_157 = arith.addf %get3A_152, %get3A_156 : vector<16xf32>
      %get3A_158 = arith.constant 32 : index
      %get3A_159 = tpu.vector_load %arg21[%get3A_158] {strides = array<i32>} : memref<64xf32, #tpu.memory_space<vmem>>, vector<16xf32>,
      %get3A_160 = vector.shape_cast %get3A_159 : vector<16xf32> to vector<16xf32>
      %mul3A_161 = arith.mulf %add3A_157, %get3A_160 : vector<16xf32>
      %get3A_162 = arith.constant 32 : index
      %get3A_163 = tpu.vector_load %arg22[%get3A_162] {strides = array<i32>} : memref<64xf32, #tpu.memory_space<vmem>>, vector<16xf32>,
      %get3A_164 = vector.shape_cast %get3A_163 : vector<16xf32> to vector<16xf32>
      %add3A_165 = arith.addf %mul3A_161, %get3A_164 : vector<16xf32>
      %max3A_166 = arith.constant 0.000000e+00 : f32
      %max3A_167 = vector.broadcast %max3A_166 : f32 to vector<16xf32>
      %max3A_168 = arith.maximumf %add3A_165, %max3A_167 : vector<16xf32>
      %swap3A_169 = arith.index_cast %scan3A_101 : i32 to index
      %swap3A_170 = arith.constant 32 : index
      %swap3A_171 = tpu.vector_load %arg23[%swap3A_169, %swap3A_170] {strides = array<i32>} : memref<78x64xf32, #tpu.memory_space<vmem>>, vector<1x16xf32>,
      %swap3A_172 = vector.shape_cast %swap3A_171 : vector<1x16xf32> to vector<16xf32>
      %swap3A_173 = vector.shape_cast %max3A_168 : vector<16xf32> to vector<1x16xf32>
      tpu.vector_store %arg23[%swap3A_169, %swap3A_170], %swap3A_173 {strides = array<i32>} : memref<78x64xf32, #tpu.memory_space<vmem>>, vector<1x16xf32>,
      %get3A_174 = arith.index_cast %scan3A_101 : i32 to index
      %get3A_175 = arith.constant 48 : index
      %get3A_176 = tpu.vector_load %arg23[%get3A_174, %get3A_175] {strides = array<i32>} : memref<78x64xf32, #tpu.memory_space<vmem>>, vector<1x16xf32>,
      %get3A_177 = vector.shape_cast %get3A_176 : vector<1x16xf32> to vector<16xf32>
      %get3A_178 = arith.index_cast %scan3A_101 : i32 to index
      %get3A_179 = arith.constant 48 : index
      %get3A_180 = tpu.vector_load %arg24[%get3A_178, %get3A_179] {strides = array<i32>} : memref<78x64xf32, #tpu.memory_space<vmem>>, vector<1x16xf32>,
      %get3A_181 = vector.shape_cast %get3A_180 : vector<1x16xf32> to vector<16xf32>
      %add3A_182 = arith.addf %get3A_177, %get3A_181 : vector<16xf32>
      %get3A_183 = arith.constant 48 : index
      %get3A_184 = tpu.vector_load %arg21[%get3A_183] {strides = array<i32>} : memref<64xf32, #tpu.memory_space<vmem>>, vector<16xf32>,
      %get3A_185 = vector.shape_cast %get3A_184 : vector<16xf32> to vector<16xf32>
      %mul3A_186 = arith.mulf %add3A_182, %get3A_185 : vector<16xf32>
      %get3A_187 = arith.constant 48 : index
      %get3A_188 = tpu.vector_load %arg22[%get3A_187] {strides = array<i32>} : memref<64xf32, #tpu.memory_space<vmem>>, vector<16xf32>,
      %get3A_189 = vector.shape_cast %get3A_188 : vector<16xf32> to vector<16xf32>
      %add3A_190 = arith.addf %mul3A_186, %get3A_189 : vector<16xf32>
      %max3A_191 = arith.constant 0.000000e+00 : f32
      %max3A_192 = vector.broadcast %max3A_191 : f32 to vector<16xf32>
      %max3A_193 = arith.maximumf %add3A_190, %max3A_192 : vector<16xf32>
      %swap3A_194 = arith.index_cast %scan3A_101 : i32 to index
      %swap3A_195 = arith.constant 48 : index
      %swap3A_196 = tpu.vector_load %arg23[%swap3A_194, %swap3A_195] {strides = array<i32>} : memref<78x64xf32, #tpu.memory_space<vmem>>, vector<1x16xf32>,
      %swap3A_197 = vector.shape_cast %swap3A_196 : vector<1x16xf32> to vector<16xf32>
      %swap3A_198 = vector.shape_cast %max3A_193 : vector<16xf32> to vector<1x16xf32>
      tpu.vector_store %arg23[%swap3A_194, %swap3A_195], %swap3A_198 {strides = array<i32>} : memref<78x64xf32, #tpu.memory_space<vmem>>, vector<1x16xf32>,
    }
    %scan3A_45 = arith.constant 78 : i32
    "tpu.region"() ({
      %run_scoped3A = tpu.sem_alloc : memref<!tpu.dma_semaphore, #tpu.memory_space<semaphore_mem>>
      %dma_start3A_101 = arith.constant 0 : i32
      %dma_start3A_102 = tpu.memref_slice %arg12[%add3A_39, %dma_start3A_101] : memref<10000x64xf32, #tpu.memory_space<vmem_shared>> -> memref<78x64xf32, #tpu.memory_space<vmem_shared>>
      %dma_start3A_103 = arith.constant 0 : i32
      %dma_start3A_104 = tpu.memref_slice %arg12[%add3A_39, %dma_start3A_103] : memref<10000x64xf32, #tpu.memory_space<vmem_shared>> -> memref<78x64xf32, #tpu.memory_space<vmem_shared>>
      tpu.enqueue_dma source(%arg23 : memref<78x64xf32, #tpu.memory_space<vmem>>) target(%dma_start3A_104 : memref<78x64xf32, #tpu.memory_space<vmem_shared>>) target_semaphore(%run_scoped3A : memref<!tpu.dma_semaphore, #tpu.memory_space<semaphore_mem>>)
      %dma_wait3A_105 = arith.constant 0 : i32
      %dma_wait3A_106 = tpu.memref_slice %arg12[%add3A_39, %dma_wait3A_105] : memref<10000x64xf32, #tpu.memory_space<vmem_shared>> -> memref<78x64xf32, #tpu.memory_space<vmem_shared>>
      %dma_wait3A_107 = arith.constant 0 : i32
      %dma_wait3A_108 = tpu.memref_slice %arg12[%add3A_39, %dma_wait3A_107] : memref<10000x64xf32, #tpu.memory_space<vmem_shared>> -> memref<78x64xf32, #tpu.memory_space<vmem_shared>>
      tpu.wait_dma2 semaphore(%run_scoped3A : memref<!tpu.dma_semaphore, #tpu.memory_space<semaphore_mem>>) src(%arg23 : memref<78x64xf32, #tpu.memory_space<vmem>>) dst(%dma_wait3A_108 : memref<78x64xf32, #tpu.memory_space<vmem_shared>>)
      tpu.yield
    }) : () -> ()
    %add3A_46 = arith.constant 390 : i32
    %add3A_47 = arith.addi %multiple_of3A, %add3A_46 : i32
    "tpu.region"() ({
      %run_scoped3A = tpu.sem_alloc : memref<!tpu.dma_semaphore, #tpu.memory_space<semaphore_mem>>
      %dma_start3A_101 = arith.constant 0 : i32
      %dma_start3A_102 = tpu.memref_slice %arg2[%add3A_47, %dma_start3A_101] : memref<10000x64xf32, #tpu.memory_space<hbm>> -> memref<78x64xf32, #tpu.memory_space<hbm>>
      %dma_start3A_103 = arith.constant 0 : i32
      %dma_start3A_104 = tpu.memref_slice %arg2[%add3A_47, %dma_start3A_103] : memref<10000x64xf32, #tpu.memory_space<hbm>> -> memref<78x64xf32, #tpu.memory_space<hbm>>
      tpu.enqueue_dma source(%dma_start3A_104 : memref<78x64xf32, #tpu.memory_space<hbm>>) target(%arg23 : memref<78x64xf32, #tpu.memory_space<vmem>>) target_semaphore(%run_scoped3A : memref<!tpu.dma_semaphore, #tpu.memory_space<semaphore_mem>>)
      %dma_wait3A_105 = arith.constant 0 : i32
      %dma_wait3A_106 = tpu.memref_slice %arg2[%add3A_47, %dma_wait3A_105] : memref<10000x64xf32, #tpu.memory_space<hbm>> -> memref<78x64xf32, #tpu.memory_space<hbm>>
      %dma_wait3A_107 = arith.constant 0 : i32
      %dma_wait3A_108 = tpu.memref_slice %arg2[%add3A_47, %dma_wait3A_107] : memref<10000x64xf32, #tpu.memory_space<hbm>> -> memref<78x64xf32, #tpu.memory_space<hbm>>
      tpu.wait_dma2 semaphore(%run_scoped3A : memref<!tpu.dma_semaphore, #tpu.memory_space<semaphore_mem>>) src(%dma_wait3A_108 : memref<78x64xf32, #tpu.memory_space<hbm>>) dst(%arg23 : memref<78x64xf32, #tpu.memory_space<vmem>>)
      tpu.yield
    }) : () -> ()
    "tpu.region"() ({
      %run_scoped3A = tpu.sem_alloc : memref<!tpu.dma_semaphore, #tpu.memory_space<semaphore_mem>>
      %dma_start3A_101 = arith.constant 0 : i32
      %dma_start3A_102 = tpu.memref_slice %arg3[%add3A_47, %dma_start3A_101] : memref<10000x64xf32, #tpu.memory_space<hbm>> -> memref<78x64xf32, #tpu.memory_space<hbm>>
      %dma_start3A_103 = arith.constant 0 : i32
      %dma_start3A_104 = tpu.memref_slice %arg3[%add3A_47, %dma_start3A_103] : memref<10000x64xf32, #tpu.memory_space<hbm>> -> memref<78x64xf32, #tpu.memory_space<hbm>>
      tpu.enqueue_dma source(%dma_start3A_104 : memref<78x64xf32, #tpu.memory_space<hbm>>) target(%arg24 : memref<78x64xf32, #tpu.memory_space<vmem>>) target_semaphore(%run_scoped3A : memref<!tpu.dma_semaphore, #tpu.memory_space<semaphore_mem>>)
      %dma_wait3A_105 = arith.constant 0 : i32
      %dma_wait3A_106 = tpu.memref_slice %arg3[%add3A_47, %dma_wait3A_105] : memref<10000x64xf32, #tpu.memory_space<hbm>> -> memref<78x64xf32, #tpu.memory_space<hbm>>
      %dma_wait3A_107 = arith.constant 0 : i32
      %dma_wait3A_108 = tpu.memref_slice %arg3[%add3A_47, %dma_wait3A_107] : memref<10000x64xf32, #tpu.memory_space<hbm>> -> memref<78x64xf32, #tpu.memory_space<hbm>>
      tpu.wait_dma2 semaphore(%run_scoped3A : memref<!tpu.dma_semaphore, #tpu.memory_space<semaphore_mem>>) src(%dma_wait3A_108 : memref<78x64xf32, #tpu.memory_space<hbm>>) dst(%arg24 : memref<78x64xf32, #tpu.memory_space<vmem>>)
      tpu.yield
    }) : () -> ()
    %scan3A_48 = arith.constant 0 : i32
    %scan3A_49 = arith.constant 0 : i32
    %scan3A_50 = arith.constant 78 : i32
    %scan3A_51 = arith.addi %scan3A_49, %scan3A_50 : i32
    %scan3A_52 = arith.constant 1 : i32
    scf.for %scan3A_101 = %scan3A_49 to %scan3A_51 step %scan3A_52  : i32 {
      %get3A = arith.index_cast %scan3A_101 : i32 to index
      %get3A_102 = arith.constant 0 : index
      %get3A_103 = tpu.vector_load %arg23[%get3A, %get3A_102] {strides = array<i32>} : memref<78x64xf32, #tpu.memory_space<vmem>>, vector<1x16xf32>,
      %get3A_104 = vector.shape_cast %get3A_103 : vector<1x16xf32> to vector<16xf32>
      %get3A_105 = arith.index_cast %scan3A_101 : i32 to index
      %get3A_106 = arith.constant 0 : index
      %get3A_107 = tpu.vector_load %arg24[%get3A_105, %get3A_106] {strides = array<i32>} : memref<78x64xf32, #tpu.memory_space<vmem>>, vector<1x16xf32>,
      %get3A_108 = vector.shape_cast %get3A_107 : vector<1x16xf32> to vector<16xf32>
      %add3A_109 = arith.addf %get3A_104, %get3A_108 : vector<16xf32>
      %get3A_110 = arith.constant 0 : index
      %get3A_111 = tpu.vector_load %arg21[%get3A_110] {strides = array<i32>} : memref<64xf32, #tpu.memory_space<vmem>>, vector<16xf32>,
      %get3A_112 = vector.shape_cast %get3A_111 : vector<16xf32> to vector<16xf32>
      %mul3A_113 = arith.mulf %add3A_109, %get3A_112 : vector<16xf32>
      %get3A_114 = arith.constant 0 : index
      %get3A_115 = tpu.vector_load %arg22[%get3A_114] {strides = array<i32>} : memref<64xf32, #tpu.memory_space<vmem>>, vector<16xf32>,
      %get3A_116 = vector.shape_cast %get3A_115 : vector<16xf32> to vector<16xf32>
      %add3A_117 = arith.addf %mul3A_113, %get3A_116 : vector<16xf32>
      %max3A = arith.constant 0.000000e+00 : f32
      %max3A_118 = vector.broadcast %max3A : f32 to vector<16xf32>
      %max3A_119 = arith.maximumf %add3A_117, %max3A_118 : vector<16xf32>
      %swap3A = arith.index_cast %scan3A_101 : i32 to index
      %swap3A_120 = arith.constant 0 : index
      %swap3A_121 = tpu.vector_load %arg23[%swap3A, %swap3A_120] {strides = array<i32>} : memref<78x64xf32, #tpu.memory_space<vmem>>, vector<1x16xf32>,
      %swap3A_122 = vector.shape_cast %swap3A_121 : vector<1x16xf32> to vector<16xf32>
      %swap3A_123 = vector.shape_cast %max3A_119 : vector<16xf32> to vector<1x16xf32>
      tpu.vector_store %arg23[%swap3A, %swap3A_120], %swap3A_123 {strides = array<i32>} : memref<78x64xf32, #tpu.memory_space<vmem>>, vector<1x16xf32>,
      %get3A_124 = arith.index_cast %scan3A_101 : i32 to index
      %get3A_125 = arith.constant 16 : index
      %get3A_126 = tpu.vector_load %arg23[%get3A_124, %get3A_125] {strides = array<i32>} : memref<78x64xf32, #tpu.memory_space<vmem>>, vector<1x16xf32>,
      %get3A_127 = vector.shape_cast %get3A_126 : vector<1x16xf32> to vector<16xf32>
      %get3A_128 = arith.index_cast %scan3A_101 : i32 to index
      %get3A_129 = arith.constant 16 : index
      %get3A_130 = tpu.vector_load %arg24[%get3A_128, %get3A_129] {strides = array<i32>} : memref<78x64xf32, #tpu.memory_space<vmem>>, vector<1x16xf32>,
      %get3A_131 = vector.shape_cast %get3A_130 : vector<1x16xf32> to vector<16xf32>
      %add3A_132 = arith.addf %get3A_127, %get3A_131 : vector<16xf32>
      %get3A_133 = arith.constant 16 : index
      %get3A_134 = tpu.vector_load %arg21[%get3A_133] {strides = array<i32>} : memref<64xf32, #tpu.memory_space<vmem>>, vector<16xf32>,
      %get3A_135 = vector.shape_cast %get3A_134 : vector<16xf32> to vector<16xf32>
      %mul3A_136 = arith.mulf %add3A_132, %get3A_135 : vector<16xf32>
      %get3A_137 = arith.constant 16 : index
      %get3A_138 = tpu.vector_load %arg22[%get3A_137] {strides = array<i32>} : memref<64xf32, #tpu.memory_space<vmem>>, vector<16xf32>,
      %get3A_139 = vector.shape_cast %get3A_138 : vector<16xf32> to vector<16xf32>
      %add3A_140 = arith.addf %mul3A_136, %get3A_139 : vector<16xf32>
      %max3A_141 = arith.constant 0.000000e+00 : f32
      %max3A_142 = vector.broadcast %max3A_141 : f32 to vector<16xf32>
      %max3A_143 = arith.maximumf %add3A_140, %max3A_142 : vector<16xf32>
      %swap3A_144 = arith.index_cast %scan3A_101 : i32 to index
      %swap3A_145 = arith.constant 16 : index
      %swap3A_146 = tpu.vector_load %arg23[%swap3A_144, %swap3A_145] {strides = array<i32>} : memref<78x64xf32, #tpu.memory_space<vmem>>, vector<1x16xf32>,
      %swap3A_147 = vector.shape_cast %swap3A_146 : vector<1x16xf32> to vector<16xf32>
      %swap3A_148 = vector.shape_cast %max3A_143 : vector<16xf32> to vector<1x16xf32>
      tpu.vector_store %arg23[%swap3A_144, %swap3A_145], %swap3A_148 {strides = array<i32>} : memref<78x64xf32, #tpu.memory_space<vmem>>, vector<1x16xf32>,
      %get3A_149 = arith.index_cast %scan3A_101 : i32 to index
      %get3A_150 = arith.constant 32 : index
      %get3A_151 = tpu.vector_load %arg23[%get3A_149, %get3A_150] {strides = array<i32>} : memref<78x64xf32, #tpu.memory_space<vmem>>, vector<1x16xf32>,
      %get3A_152 = vector.shape_cast %get3A_151 : vector<1x16xf32> to vector<16xf32>
      %get3A_153 = arith.index_cast %scan3A_101 : i32 to index
      %get3A_154 = arith.constant 32 : index
      %get3A_155 = tpu.vector_load %arg24[%get3A_153, %get3A_154] {strides = array<i32>} : memref<78x64xf32, #tpu.memory_space<vmem>>, vector<1x16xf32>,
      %get3A_156 = vector.shape_cast %get3A_155 : vector<1x16xf32> to vector<16xf32>
      %add3A_157 = arith.addf %get3A_152, %get3A_156 : vector<16xf32>
      %get3A_158 = arith.constant 32 : index
      %get3A_159 = tpu.vector_load %arg21[%get3A_158] {strides = array<i32>} : memref<64xf32, #tpu.memory_space<vmem>>, vector<16xf32>,
      %get3A_160 = vector.shape_cast %get3A_159 : vector<16xf32> to vector<16xf32>
      %mul3A_161 = arith.mulf %add3A_157, %get3A_160 : vector<16xf32>
      %get3A_162 = arith.constant 32 : index
      %get3A_163 = tpu.vector_load %arg22[%get3A_162] {strides = array<i32>} : memref<64xf32, #tpu.memory_space<vmem>>, vector<16xf32>,
      %get3A_164 = vector.shape_cast %get3A_163 : vector<16xf32> to vector<16xf32>
      %add3A_165 = arith.addf %mul3A_161, %get3A_164 : vector<16xf32>
      %max3A_166 = arith.constant 0.000000e+00 : f32
      %max3A_167 = vector.broadcast %max3A_166 : f32 to vector<16xf32>
      %max3A_168 = arith.maximumf %add3A_165, %max3A_167 : vector<16xf32>
      %swap3A_169 = arith.index_cast %scan3A_101 : i32 to index
      %swap3A_170 = arith.constant 32 : index
      %swap3A_171 = tpu.vector_load %arg23[%swap3A_169, %swap3A_170] {strides = array<i32>} : memref<78x64xf32, #tpu.memory_space<vmem>>, vector<1x16xf32>,
      %swap3A_172 = vector.shape_cast %swap3A_171 : vector<1x16xf32> to vector<16xf32>
      %swap3A_173 = vector.shape_cast %max3A_168 : vector<16xf32> to vector<1x16xf32>
      tpu.vector_store %arg23[%swap3A_169, %swap3A_170], %swap3A_173 {strides = array<i32>} : memref<78x64xf32, #tpu.memory_space<vmem>>, vector<1x16xf32>,
      %get3A_174 = arith.index_cast %scan3A_101 : i32 to index
      %get3A_175 = arith.constant 48 : index
      %get3A_176 = tpu.vector_load %arg23[%get3A_174, %get3A_175] {strides = array<i32>} : memref<78x64xf32, #tpu.memory_space<vmem>>, vector<1x16xf32>,
      %get3A_177 = vector.shape_cast %get3A_176 : vector<1x16xf32> to vector<16xf32>
      %get3A_178 = arith.index_cast %scan3A_101 : i32 to index
      %get3A_179 = arith.constant 48 : index
      %get3A_180 = tpu.vector_load %arg24[%get3A_178, %get3A_179] {strides = array<i32>} : memref<78x64xf32, #tpu.memory_space<vmem>>, vector<1x16xf32>,
      %get3A_181 = vector.shape_cast %get3A_180 : vector<1x16xf32> to vector<16xf32>
      %add3A_182 = arith.addf %get3A_177, %get3A_181 : vector<16xf32>
      %get3A_183 = arith.constant 48 : index
      %get3A_184 = tpu.vector_load %arg21[%get3A_183] {strides = array<i32>} : memref<64xf32, #tpu.memory_space<vmem>>, vector<16xf32>,
      %get3A_185 = vector.shape_cast %get3A_184 : vector<16xf32> to vector<16xf32>
      %mul3A_186 = arith.mulf %add3A_182, %get3A_185 : vector<16xf32>
      %get3A_187 = arith.constant 48 : index
      %get3A_188 = tpu.vector_load %arg22[%get3A_187] {strides = array<i32>} : memref<64xf32, #tpu.memory_space<vmem>>, vector<16xf32>,
      %get3A_189 = vector.shape_cast %get3A_188 : vector<16xf32> to vector<16xf32>
      %add3A_190 = arith.addf %mul3A_186, %get3A_189 : vector<16xf32>
      %max3A_191 = arith.constant 0.000000e+00 : f32
      %max3A_192 = vector.broadcast %max3A_191 : f32 to vector<16xf32>
      %max3A_193 = arith.maximumf %add3A_190, %max3A_192 : vector<16xf32>
      %swap3A_194 = arith.index_cast %scan3A_101 : i32 to index
      %swap3A_195 = arith.constant 48 : index
      %swap3A_196 = tpu.vector_load %arg23[%swap3A_194, %swap3A_195] {strides = array<i32>} : memref<78x64xf32, #tpu.memory_space<vmem>>, vector<1x16xf32>,
      %swap3A_197 = vector.shape_cast %swap3A_196 : vector<1x16xf32> to vector<16xf32>
      %swap3A_198 = vector.shape_cast %max3A_193 : vector<16xf32> to vector<1x16xf32>
      tpu.vector_store %arg23[%swap3A_194, %swap3A_195], %swap3A_198 {strides = array<i32>} : memref<78x64xf32, #tpu.memory_space<vmem>>, vector<1x16xf32>,
    }
    %scan3A_53 = arith.constant 78 : i32
    "tpu.region"() ({
      %run_scoped3A = tpu.sem_alloc : memref<!tpu.dma_semaphore, #tpu.memory_space<semaphore_mem>>
      %dma_start3A_101 = arith.constant 0 : i32
      %dma_start3A_102 = tpu.memref_slice %arg12[%add3A_47, %dma_start3A_101] : memref<10000x64xf32, #tpu.memory_space<vmem_shared>> -> memref<78x64xf32, #tpu.memory_space<vmem_shared>>
      %dma_start3A_103 = arith.constant 0 : i32
      %dma_start3A_104 = tpu.memref_slice %arg12[%add3A_47, %dma_start3A_103] : memref<10000x64xf32, #tpu.memory_space<vmem_shared>> -> memref<78x64xf32, #tpu.memory_space<vmem_shared>>
      tpu.enqueue_dma source(%arg23 : memref<78x64xf32, #tpu.memory_space<vmem>>) target(%dma_start3A_104 : memref<78x64xf32, #tpu.memory_space<vmem_shared>>) target_semaphore(%run_scoped3A : memref<!tpu.dma_semaphore, #tpu.memory_space<semaphore_mem>>)
      %dma_wait3A_105 = arith.constant 0 : i32
      %dma_wait3A_106 = tpu.memref_slice %arg12[%add3A_47, %dma_wait3A_105] : memref<10000x64xf32, #tpu.memory_space<vmem_shared>> -> memref<78x64xf32, #tpu.memory_space<vmem_shared>>
      %dma_wait3A_107 = arith.constant 0 : i32
      %dma_wait3A_108 = tpu.memref_slice %arg12[%add3A_47, %dma_wait3A_107] : memref<10000x64xf32, #tpu.memory_space<vmem_shared>> -> memref<78x64xf32, #tpu.memory_space<vmem_shared>>
      tpu.wait_dma2 semaphore(%run_scoped3A : memref<!tpu.dma_semaphore, #tpu.memory_space<semaphore_mem>>) src(%arg23 : memref<78x64xf32, #tpu.memory_space<vmem>>) dst(%dma_wait3A_108 : memref<78x64xf32, #tpu.memory_space<vmem_shared>>)
      tpu.yield
    }) : () -> ()
    %add3A_54 = arith.constant 468 : i32
    %add3A_55 = arith.addi %multiple_of3A, %add3A_54 : i32
    "tpu.region"() ({
      %run_scoped3A = tpu.sem_alloc : memref<!tpu.dma_semaphore, #tpu.memory_space<semaphore_mem>>
      %dma_start3A_101 = arith.constant 0 : i32
      %dma_start3A_102 = tpu.memref_slice %arg2[%add3A_55, %dma_start3A_101] : memref<10000x64xf32, #tpu.memory_space<hbm>> -> memref<78x64xf32, #tpu.memory_space<hbm>>
      %dma_start3A_103 = arith.constant 0 : i32
      %dma_start3A_104 = tpu.memref_slice %arg2[%add3A_55, %dma_start3A_103] : memref<10000x64xf32, #tpu.memory_space<hbm>> -> memref<78x64xf32, #tpu.memory_space<hbm>>
      tpu.enqueue_dma source(%dma_start3A_104 : memref<78x64xf32, #tpu.memory_space<hbm>>) target(%arg23 : memref<78x64xf32, #tpu.memory_space<vmem>>) target_semaphore(%run_scoped3A : memref<!tpu.dma_semaphore, #tpu.memory_space<semaphore_mem>>)
      %dma_wait3A_105 = arith.constant 0 : i32
      %dma_wait3A_106 = tpu.memref_slice %arg2[%add3A_55, %dma_wait3A_105] : memref<10000x64xf32, #tpu.memory_space<hbm>> -> memref<78x64xf32, #tpu.memory_space<hbm>>
      %dma_wait3A_107 = arith.constant 0 : i32
      %dma_wait3A_108 = tpu.memref_slice %arg2[%add3A_55, %dma_wait3A_107] : memref<10000x64xf32, #tpu.memory_space<hbm>> -> memref<78x64xf32, #tpu.memory_space<hbm>>
      tpu.wait_dma2 semaphore(%run_scoped3A : memref<!tpu.dma_semaphore, #tpu.memory_space<semaphore_mem>>) src(%dma_wait3A_108 : memref<78x64xf32, #tpu.memory_space<hbm>>) dst(%arg23 : memref<78x64xf32, #tpu.memory_space<vmem>>)
      tpu.yield
    }) : () -> ()
    "tpu.region"() ({
      %run_scoped3A = tpu.sem_alloc : memref<!tpu.dma_semaphore, #tpu.memory_space<semaphore_mem>>
      %dma_start3A_101 = arith.constant 0 : i32
      %dma_start3A_102 = tpu.memref_slice %arg3[%add3A_55, %dma_start3A_101] : memref<10000x64xf32, #tpu.memory_space<hbm>> -> memref<78x64xf32, #tpu.memory_space<hbm>>
      %dma_start3A_103 = arith.constant 0 : i32
      %dma_start3A_104 = tpu.memref_slice %arg3[%add3A_55, %dma_start3A_103] : memref<10000x64xf32, #tpu.memory_space<hbm>> -> memref<78x64xf32, #tpu.memory_space<hbm>>
      tpu.enqueue_dma source(%dma_start3A_104 : memref<78x64xf32, #tpu.memory_space<hbm>>) target(%arg24 : memref<78x64xf32, #tpu.memory_space<vmem>>) target_semaphore(%run_scoped3A : memref<!tpu.dma_semaphore, #tpu.memory_space<semaphore_mem>>)
      %dma_wait3A_105 = arith.constant 0 : i32
      %dma_wait3A_106 = tpu.memref_slice %arg3[%add3A_55, %dma_wait3A_105] : memref<10000x64xf32, #tpu.memory_space<hbm>> -> memref<78x64xf32, #tpu.memory_space<hbm>>
      %dma_wait3A_107 = arith.constant 0 : i32
      %dma_wait3A_108 = tpu.memref_slice %arg3[%add3A_55, %dma_wait3A_107] : memref<10000x64xf32, #tpu.memory_space<hbm>> -> memref<78x64xf32, #tpu.memory_space<hbm>>
      tpu.wait_dma2 semaphore(%run_scoped3A : memref<!tpu.dma_semaphore, #tpu.memory_space<semaphore_mem>>) src(%dma_wait3A_108 : memref<78x64xf32, #tpu.memory_space<hbm>>) dst(%arg24 : memref<78x64xf32, #tpu.memory_space<vmem>>)
      tpu.yield
    }) : () -> ()
    %scan3A_56 = arith.constant 0 : i32
    %scan3A_57 = arith.constant 0 : i32
    %scan3A_58 = arith.constant 78 : i32
    %scan3A_59 = arith.addi %scan3A_57, %scan3A_58 : i32
    %scan3A_60 = arith.constant 1 : i32
    scf.for %scan3A_101 = %scan3A_57 to %scan3A_59 step %scan3A_60  : i32 {
      %get3A = arith.index_cast %scan3A_101 : i32 to index
      %get3A_102 = arith.constant 0 : index
      %get3A_103 = tpu.vector_load %arg23[%get3A, %get3A_102] {strides = array<i32>} : memref<78x64xf32, #tpu.memory_space<vmem>>, vector<1x16xf32>,
      %get3A_104 = vector.shape_cast %get3A_103 : vector<1x16xf32> to vector<16xf32>
      %get3A_105 = arith.index_cast %scan3A_101 : i32 to index
      %get3A_106 = arith.constant 0 : index
      %get3A_107 = tpu.vector_load %arg24[%get3A_105, %get3A_106] {strides = array<i32>} : memref<78x64xf32, #tpu.memory_space<vmem>>, vector<1x16xf32>,
      %get3A_108 = vector.shape_cast %get3A_107 : vector<1x16xf32> to vector<16xf32>
      %add3A_109 = arith.addf %get3A_104, %get3A_108 : vector<16xf32>
      %get3A_110 = arith.constant 0 : index
      %get3A_111 = tpu.vector_load %arg21[%get3A_110] {strides = array<i32>} : memref<64xf32, #tpu.memory_space<vmem>>, vector<16xf32>,
      %get3A_112 = vector.shape_cast %get3A_111 : vector<16xf32> to vector<16xf32>
      %mul3A_113 = arith.mulf %add3A_109, %get3A_112 : vector<16xf32>
      %get3A_114 = arith.constant 0 : index
      %get3A_115 = tpu.vector_load %arg22[%get3A_114] {strides = array<i32>} : memref<64xf32, #tpu.memory_space<vmem>>, vector<16xf32>,
      %get3A_116 = vector.shape_cast %get3A_115 : vector<16xf32> to vector<16xf32>
      %add3A_117 = arith.addf %mul3A_113, %get3A_116 : vector<16xf32>
      %max3A = arith.constant 0.000000e+00 : f32
      %max3A_118 = vector.broadcast %max3A : f32 to vector<16xf32>
      %max3A_119 = arith.maximumf %add3A_117, %max3A_118 : vector<16xf32>
      %swap3A = arith.index_cast %scan3A_101 : i32 to index
      %swap3A_120 = arith.constant 0 : index
      %swap3A_121 = tpu.vector_load %arg23[%swap3A, %swap3A_120] {strides = array<i32>} : memref<78x64xf32, #tpu.memory_space<vmem>>, vector<1x16xf32>,
      %swap3A_122 = vector.shape_cast %swap3A_121 : vector<1x16xf32> to vector<16xf32>
      %swap3A_123 = vector.shape_cast %max3A_119 : vector<16xf32> to vector<1x16xf32>
      tpu.vector_store %arg23[%swap3A, %swap3A_120], %swap3A_123 {strides = array<i32>} : memref<78x64xf32, #tpu.memory_space<vmem>>, vector<1x16xf32>,
      %get3A_124 = arith.index_cast %scan3A_101 : i32 to index
      %get3A_125 = arith.constant 16 : index
      %get3A_126 = tpu.vector_load %arg23[%get3A_124, %get3A_125] {strides = array<i32>} : memref<78x64xf32, #tpu.memory_space<vmem>>, vector<1x16xf32>,
      %get3A_127 = vector.shape_cast %get3A_126 : vector<1x16xf32> to vector<16xf32>
      %get3A_128 = arith.index_cast %scan3A_101 : i32 to index
      %get3A_129 = arith.constant 16 : index
      %get3A_130 = tpu.vector_load %arg24[%get3A_128, %get3A_129] {strides = array<i32>} : memref<78x64xf32, #tpu.memory_space<vmem>>, vector<1x16xf32>,
      %get3A_131 = vector.shape_cast %get3A_130 : vector<1x16xf32> to vector<16xf32>
      %add3A_132 = arith.addf %get3A_127, %get3A_131 : vector<16xf32>
      %get3A_133 = arith.constant 16 : index
      %get3A_134 = tpu.vector_load %arg21[%get3A_133] {strides = array<i32>} : memref<64xf32, #tpu.memory_space<vmem>>, vector<16xf32>,
      %get3A_135 = vector.shape_cast %get3A_134 : vector<16xf32> to vector<16xf32>
      %mul3A_136 = arith.mulf %add3A_132, %get3A_135 : vector<16xf32>
      %get3A_137 = arith.constant 16 : index
      %get3A_138 = tpu.vector_load %arg22[%get3A_137] {strides = array<i32>} : memref<64xf32, #tpu.memory_space<vmem>>, vector<16xf32>,
      %get3A_139 = vector.shape_cast %get3A_138 : vector<16xf32> to vector<16xf32>
      %add3A_140 = arith.addf %mul3A_136, %get3A_139 : vector<16xf32>
      %max3A_141 = arith.constant 0.000000e+00 : f32
      %max3A_142 = vector.broadcast %max3A_141 : f32 to vector<16xf32>
      %max3A_143 = arith.maximumf %add3A_140, %max3A_142 : vector<16xf32>
      %swap3A_144 = arith.index_cast %scan3A_101 : i32 to index
      %swap3A_145 = arith.constant 16 : index
      %swap3A_146 = tpu.vector_load %arg23[%swap3A_144, %swap3A_145] {strides = array<i32>} : memref<78x64xf32, #tpu.memory_space<vmem>>, vector<1x16xf32>,
      %swap3A_147 = vector.shape_cast %swap3A_146 : vector<1x16xf32> to vector<16xf32>
      %swap3A_148 = vector.shape_cast %max3A_143 : vector<16xf32> to vector<1x16xf32>
      tpu.vector_store %arg23[%swap3A_144, %swap3A_145], %swap3A_148 {strides = array<i32>} : memref<78x64xf32, #tpu.memory_space<vmem>>, vector<1x16xf32>,
      %get3A_149 = arith.index_cast %scan3A_101 : i32 to index
      %get3A_150 = arith.constant 32 : index
      %get3A_151 = tpu.vector_load %arg23[%get3A_149, %get3A_150] {strides = array<i32>} : memref<78x64xf32, #tpu.memory_space<vmem>>, vector<1x16xf32>,
      %get3A_152 = vector.shape_cast %get3A_151 : vector<1x16xf32> to vector<16xf32>
      %get3A_153 = arith.index_cast %scan3A_101 : i32 to index
      %get3A_154 = arith.constant 32 : index
      %get3A_155 = tpu.vector_load %arg24[%get3A_153, %get3A_154] {strides = array<i32>} : memref<78x64xf32, #tpu.memory_space<vmem>>, vector<1x16xf32>,
      %get3A_156 = vector.shape_cast %get3A_155 : vector<1x16xf32> to vector<16xf32>
      %add3A_157 = arith.addf %get3A_152, %get3A_156 : vector<16xf32>
      %get3A_158 = arith.constant 32 : index
      %get3A_159 = tpu.vector_load %arg21[%get3A_158] {strides = array<i32>} : memref<64xf32, #tpu.memory_space<vmem>>, vector<16xf32>,
      %get3A_160 = vector.shape_cast %get3A_159 : vector<16xf32> to vector<16xf32>
      %mul3A_161 = arith.mulf %add3A_157, %get3A_160 : vector<16xf32>
      %get3A_162 = arith.constant 32 : index
      %get3A_163 = tpu.vector_load %arg22[%get3A_162] {strides = array<i32>} : memref<64xf32, #tpu.memory_space<vmem>>, vector<16xf32>,
      %get3A_164 = vector.shape_cast %get3A_163 : vector<16xf32> to vector<16xf32>
      %add3A_165 = arith.addf %mul3A_161, %get3A_164 : vector<16xf32>
      %max3A_166 = arith.constant 0.000000e+00 : f32
      %max3A_167 = vector.broadcast %max3A_166 : f32 to vector<16xf32>
      %max3A_168 = arith.maximumf %add3A_165, %max3A_167 : vector<16xf32>
      %swap3A_169 = arith.index_cast %scan3A_101 : i32 to index
      %swap3A_170 = arith.constant 32 : index
      %swap3A_171 = tpu.vector_load %arg23[%swap3A_169, %swap3A_170] {strides = array<i32>} : memref<78x64xf32, #tpu.memory_space<vmem>>, vector<1x16xf32>,
      %swap3A_172 = vector.shape_cast %swap3A_171 : vector<1x16xf32> to vector<16xf32>
      %swap3A_173 = vector.shape_cast %max3A_168 : vector<16xf32> to vector<1x16xf32>
      tpu.vector_store %arg23[%swap3A_169, %swap3A_170], %swap3A_173 {strides = array<i32>} : memref<78x64xf32, #tpu.memory_space<vmem>>, vector<1x16xf32>,
      %get3A_174 = arith.index_cast %scan3A_101 : i32 to index
      %get3A_175 = arith.constant 48 : index
      %get3A_176 = tpu.vector_load %arg23[%get3A_174, %get3A_175] {strides = array<i32>} : memref<78x64xf32, #tpu.memory_space<vmem>>, vector<1x16xf32>,
      %get3A_177 = vector.shape_cast %get3A_176 : vector<1x16xf32> to vector<16xf32>
      %get3A_178 = arith.index_cast %scan3A_101 : i32 to index
      %get3A_179 = arith.constant 48 : index
      %get3A_180 = tpu.vector_load %arg24[%get3A_178, %get3A_179] {strides = array<i32>} : memref<78x64xf32, #tpu.memory_space<vmem>>, vector<1x16xf32>,
      %get3A_181 = vector.shape_cast %get3A_180 : vector<1x16xf32> to vector<16xf32>
      %add3A_182 = arith.addf %get3A_177, %get3A_181 : vector<16xf32>
      %get3A_183 = arith.constant 48 : index
      %get3A_184 = tpu.vector_load %arg21[%get3A_183] {strides = array<i32>} : memref<64xf32, #tpu.memory_space<vmem>>, vector<16xf32>,
      %get3A_185 = vector.shape_cast %get3A_184 : vector<16xf32> to vector<16xf32>
      %mul3A_186 = arith.mulf %add3A_182, %get3A_185 : vector<16xf32>
      %get3A_187 = arith.constant 48 : index
      %get3A_188 = tpu.vector_load %arg22[%get3A_187] {strides = array<i32>} : memref<64xf32, #tpu.memory_space<vmem>>, vector<16xf32>,
      %get3A_189 = vector.shape_cast %get3A_188 : vector<16xf32> to vector<16xf32>
      %add3A_190 = arith.addf %mul3A_186, %get3A_189 : vector<16xf32>
      %max3A_191 = arith.constant 0.000000e+00 : f32
      %max3A_192 = vector.broadcast %max3A_191 : f32 to vector<16xf32>
      %max3A_193 = arith.maximumf %add3A_190, %max3A_192 : vector<16xf32>
      %swap3A_194 = arith.index_cast %scan3A_101 : i32 to index
      %swap3A_195 = arith.constant 48 : index
      %swap3A_196 = tpu.vector_load %arg23[%swap3A_194, %swap3A_195] {strides = array<i32>} : memref<78x64xf32, #tpu.memory_space<vmem>>, vector<1x16xf32>,
      %swap3A_197 = vector.shape_cast %swap3A_196 : vector<1x16xf32> to vector<16xf32>
      %swap3A_198 = vector.shape_cast %max3A_193 : vector<16xf32> to vector<1x16xf32>
      tpu.vector_store %arg23[%swap3A_194, %swap3A_195], %swap3A_198 {strides = array<i32>} : memref<78x64xf32, #tpu.memory_space<vmem>>, vector<1x16xf32>,
    }
    %scan3A_61 = arith.constant 78 : i32
    "tpu.region"() ({
      %run_scoped3A = tpu.sem_alloc : memref<!tpu.dma_semaphore, #tpu.memory_space<semaphore_mem>>
      %dma_start3A_101 = arith.constant 0 : i32
      %dma_start3A_102 = tpu.memref_slice %arg12[%add3A_55, %dma_start3A_101] : memref<10000x64xf32, #tpu.memory_space<vmem_shared>> -> memref<78x64xf32, #tpu.memory_space<vmem_shared>>
      %dma_start3A_103 = arith.constant 0 : i32
      %dma_start3A_104 = tpu.memref_slice %arg12[%add3A_55, %dma_start3A_103] : memref<10000x64xf32, #tpu.memory_space<vmem_shared>> -> memref<78x64xf32, #tpu.memory_space<vmem_shared>>
      tpu.enqueue_dma source(%arg23 : memref<78x64xf32, #tpu.memory_space<vmem>>) target(%dma_start3A_104 : memref<78x64xf32, #tpu.memory_space<vmem_shared>>) target_semaphore(%run_scoped3A : memref<!tpu.dma_semaphore, #tpu.memory_space<semaphore_mem>>)
      %dma_wait3A_105 = arith.constant 0 : i32
      %dma_wait3A_106 = tpu.memref_slice %arg12[%add3A_55, %dma_wait3A_105] : memref<10000x64xf32, #tpu.memory_space<vmem_shared>> -> memref<78x64xf32, #tpu.memory_space<vmem_shared>>
      %dma_wait3A_107 = arith.constant 0 : i32
      %dma_wait3A_108 = tpu.memref_slice %arg12[%add3A_55, %dma_wait3A_107] : memref<10000x64xf32, #tpu.memory_space<vmem_shared>> -> memref<78x64xf32, #tpu.memory_space<vmem_shared>>
      tpu.wait_dma2 semaphore(%run_scoped3A : memref<!tpu.dma_semaphore, #tpu.memory_space<semaphore_mem>>) src(%arg23 : memref<78x64xf32, #tpu.memory_space<vmem>>) dst(%dma_wait3A_108 : memref<78x64xf32, #tpu.memory_space<vmem_shared>>)
      tpu.yield
    }) : () -> ()
    %add3A_62 = arith.constant 546 : i32
    %add3A_63 = arith.addi %multiple_of3A, %add3A_62 : i32
    "tpu.region"() ({
      %run_scoped3A = tpu.sem_alloc : memref<!tpu.dma_semaphore, #tpu.memory_space<semaphore_mem>>
      %dma_start3A_101 = arith.constant 0 : i32
      %dma_start3A_102 = tpu.memref_slice %arg2[%add3A_63, %dma_start3A_101] : memref<10000x64xf32, #tpu.memory_space<hbm>> -> memref<78x64xf32, #tpu.memory_space<hbm>>
      %dma_start3A_103 = arith.constant 0 : i32
      %dma_start3A_104 = tpu.memref_slice %arg2[%add3A_63, %dma_start3A_103] : memref<10000x64xf32, #tpu.memory_space<hbm>> -> memref<78x64xf32, #tpu.memory_space<hbm>>
      tpu.enqueue_dma source(%dma_start3A_104 : memref<78x64xf32, #tpu.memory_space<hbm>>) target(%arg23 : memref<78x64xf32, #tpu.memory_space<vmem>>) target_semaphore(%run_scoped3A : memref<!tpu.dma_semaphore, #tpu.memory_space<semaphore_mem>>)
      %dma_wait3A_105 = arith.constant 0 : i32
      %dma_wait3A_106 = tpu.memref_slice %arg2[%add3A_63, %dma_wait3A_105] : memref<10000x64xf32, #tpu.memory_space<hbm>> -> memref<78x64xf32, #tpu.memory_space<hbm>>
      %dma_wait3A_107 = arith.constant 0 : i32
      %dma_wait3A_108 = tpu.memref_slice %arg2[%add3A_63, %dma_wait3A_107] : memref<10000x64xf32, #tpu.memory_space<hbm>> -> memref<78x64xf32, #tpu.memory_space<hbm>>
      tpu.wait_dma2 semaphore(%run_scoped3A : memref<!tpu.dma_semaphore, #tpu.memory_space<semaphore_mem>>) src(%dma_wait3A_108 : memref<78x64xf32, #tpu.memory_space<hbm>>) dst(%arg23 : memref<78x64xf32, #tpu.memory_space<vmem>>)
      tpu.yield
    }) : () -> ()
    "tpu.region"() ({
      %run_scoped3A = tpu.sem_alloc : memref<!tpu.dma_semaphore, #tpu.memory_space<semaphore_mem>>
      %dma_start3A_101 = arith.constant 0 : i32
      %dma_start3A_102 = tpu.memref_slice %arg3[%add3A_63, %dma_start3A_101] : memref<10000x64xf32, #tpu.memory_space<hbm>> -> memref<78x64xf32, #tpu.memory_space<hbm>>
      %dma_start3A_103 = arith.constant 0 : i32
      %dma_start3A_104 = tpu.memref_slice %arg3[%add3A_63, %dma_start3A_103] : memref<10000x64xf32, #tpu.memory_space<hbm>> -> memref<78x64xf32, #tpu.memory_space<hbm>>
      tpu.enqueue_dma source(%dma_start3A_104 : memref<78x64xf32, #tpu.memory_space<hbm>>) target(%arg24 : memref<78x64xf32, #tpu.memory_space<vmem>>) target_semaphore(%run_scoped3A : memref<!tpu.dma_semaphore, #tpu.memory_space<semaphore_mem>>)
      %dma_wait3A_105 = arith.constant 0 : i32
      %dma_wait3A_106 = tpu.memref_slice %arg3[%add3A_63, %dma_wait3A_105] : memref<10000x64xf32, #tpu.memory_space<hbm>> -> memref<78x64xf32, #tpu.memory_space<hbm>>
      %dma_wait3A_107 = arith.constant 0 : i32
      %dma_wait3A_108 = tpu.memref_slice %arg3[%add3A_63, %dma_wait3A_107] : memref<10000x64xf32, #tpu.memory_space<hbm>> -> memref<78x64xf32, #tpu.memory_space<hbm>>
      tpu.wait_dma2 semaphore(%run_scoped3A : memref<!tpu.dma_semaphore, #tpu.memory_space<semaphore_mem>>) src(%dma_wait3A_108 : memref<78x64xf32, #tpu.memory_space<hbm>>) dst(%arg24 : memref<78x64xf32, #tpu.memory_space<vmem>>)
      tpu.yield
    }) : () -> ()
    %scan3A_64 = arith.constant 0 : i32
    %scan3A_65 = arith.constant 0 : i32
    %scan3A_66 = arith.constant 78 : i32
    %scan3A_67 = arith.addi %scan3A_65, %scan3A_66 : i32
    %scan3A_68 = arith.constant 1 : i32
    scf.for %scan3A_101 = %scan3A_65 to %scan3A_67 step %scan3A_68  : i32 {
      %get3A = arith.index_cast %scan3A_101 : i32 to index
      %get3A_102 = arith.constant 0 : index
      %get3A_103 = tpu.vector_load %arg23[%get3A, %get3A_102] {strides = array<i32>} : memref<78x64xf32, #tpu.memory_space<vmem>>, vector<1x16xf32>,
      %get3A_104 = vector.shape_cast %get3A_103 : vector<1x16xf32> to vector<16xf32>
      %get3A_105 = arith.index_cast %scan3A_101 : i32 to index
      %get3A_106 = arith.constant 0 : index
      %get3A_107 = tpu.vector_load %arg24[%get3A_105, %get3A_106] {strides = array<i32>} : memref<78x64xf32, #tpu.memory_space<vmem>>, vector<1x16xf32>,
      %get3A_108 = vector.shape_cast %get3A_107 : vector<1x16xf32> to vector<16xf32>
      %add3A_109 = arith.addf %get3A_104, %get3A_108 : vector<16xf32>
      %get3A_110 = arith.constant 0 : index
      %get3A_111 = tpu.vector_load %arg21[%get3A_110] {strides = array<i32>} : memref<64xf32, #tpu.memory_space<vmem>>, vector<16xf32>,
      %get3A_112 = vector.shape_cast %get3A_111 : vector<16xf32> to vector<16xf32>
      %mul3A_113 = arith.mulf %add3A_109, %get3A_112 : vector<16xf32>
      %get3A_114 = arith.constant 0 : index
      %get3A_115 = tpu.vector_load %arg22[%get3A_114] {strides = array<i32>} : memref<64xf32, #tpu.memory_space<vmem>>, vector<16xf32>,
      %get3A_116 = vector.shape_cast %get3A_115 : vector<16xf32> to vector<16xf32>
      %add3A_117 = arith.addf %mul3A_113, %get3A_116 : vector<16xf32>
      %max3A = arith.constant 0.000000e+00 : f32
      %max3A_118 = vector.broadcast %max3A : f32 to vector<16xf32>
      %max3A_119 = arith.maximumf %add3A_117, %max3A_118 : vector<16xf32>
      %swap3A = arith.index_cast %scan3A_101 : i32 to index
      %swap3A_120 = arith.constant 0 : index
      %swap3A_121 = tpu.vector_load %arg23[%swap3A, %swap3A_120] {strides = array<i32>} : memref<78x64xf32, #tpu.memory_space<vmem>>, vector<1x16xf32>,
      %swap3A_122 = vector.shape_cast %swap3A_121 : vector<1x16xf32> to vector<16xf32>
      %swap3A_123 = vector.shape_cast %max3A_119 : vector<16xf32> to vector<1x16xf32>
      tpu.vector_store %arg23[%swap3A, %swap3A_120], %swap3A_123 {strides = array<i32>} : memref<78x64xf32, #tpu.memory_space<vmem>>, vector<1x16xf32>,
      %get3A_124 = arith.index_cast %scan3A_101 : i32 to index
      %get3A_125 = arith.constant 16 : index
      %get3A_126 = tpu.vector_load %arg23[%get3A_124, %get3A_125] {strides = array<i32>} : memref<78x64xf32, #tpu.memory_space<vmem>>, vector<1x16xf32>,
      %get3A_127 = vector.shape_cast %get3A_126 : vector<1x16xf32> to vector<16xf32>
      %get3A_128 = arith.index_cast %scan3A_101 : i32 to index
      %get3A_129 = arith.constant 16 : index
      %get3A_130 = tpu.vector_load %arg24[%get3A_128, %get3A_129] {strides = array<i32>} : memref<78x64xf32, #tpu.memory_space<vmem>>, vector<1x16xf32>,
      %get3A_131 = vector.shape_cast %get3A_130 : vector<1x16xf32> to vector<16xf32>
      %add3A_132 = arith.addf %get3A_127, %get3A_131 : vector<16xf32>
      %get3A_133 = arith.constant 16 : index
      %get3A_134 = tpu.vector_load %arg21[%get3A_133] {strides = array<i32>} : memref<64xf32, #tpu.memory_space<vmem>>, vector<16xf32>,
      %get3A_135 = vector.shape_cast %get3A_134 : vector<16xf32> to vector<16xf32>
      %mul3A_136 = arith.mulf %add3A_132, %get3A_135 : vector<16xf32>
      %get3A_137 = arith.constant 16 : index
      %get3A_138 = tpu.vector_load %arg22[%get3A_137] {strides = array<i32>} : memref<64xf32, #tpu.memory_space<vmem>>, vector<16xf32>,
      %get3A_139 = vector.shape_cast %get3A_138 : vector<16xf32> to vector<16xf32>
      %add3A_140 = arith.addf %mul3A_136, %get3A_139 : vector<16xf32>
      %max3A_141 = arith.constant 0.000000e+00 : f32
      %max3A_142 = vector.broadcast %max3A_141 : f32 to vector<16xf32>
      %max3A_143 = arith.maximumf %add3A_140, %max3A_142 : vector<16xf32>
      %swap3A_144 = arith.index_cast %scan3A_101 : i32 to index
      %swap3A_145 = arith.constant 16 : index
      %swap3A_146 = tpu.vector_load %arg23[%swap3A_144, %swap3A_145] {strides = array<i32>} : memref<78x64xf32, #tpu.memory_space<vmem>>, vector<1x16xf32>,
      %swap3A_147 = vector.shape_cast %swap3A_146 : vector<1x16xf32> to vector<16xf32>
      %swap3A_148 = vector.shape_cast %max3A_143 : vector<16xf32> to vector<1x16xf32>
      tpu.vector_store %arg23[%swap3A_144, %swap3A_145], %swap3A_148 {strides = array<i32>} : memref<78x64xf32, #tpu.memory_space<vmem>>, vector<1x16xf32>,
      %get3A_149 = arith.index_cast %scan3A_101 : i32 to index
      %get3A_150 = arith.constant 32 : index
      %get3A_151 = tpu.vector_load %arg23[%get3A_149, %get3A_150] {strides = array<i32>} : memref<78x64xf32, #tpu.memory_space<vmem>>, vector<1x16xf32>,
      %get3A_152 = vector.shape_cast %get3A_151 : vector<1x16xf32> to vector<16xf32>
      %get3A_153 = arith.index_cast %scan3A_101 : i32 to index
      %get3A_154 = arith.constant 32 : index
      %get3A_155 = tpu.vector_load %arg24[%get3A_153, %get3A_154] {strides = array<i32>} : memref<78x64xf32, #tpu.memory_space<vmem>>, vector<1x16xf32>,
      %get3A_156 = vector.shape_cast %get3A_155 : vector<1x16xf32> to vector<16xf32>
      %add3A_157 = arith.addf %get3A_152, %get3A_156 : vector<16xf32>
      %get3A_158 = arith.constant 32 : index
      %get3A_159 = tpu.vector_load %arg21[%get3A_158] {strides = array<i32>} : memref<64xf32, #tpu.memory_space<vmem>>, vector<16xf32>,
      %get3A_160 = vector.shape_cast %get3A_159 : vector<16xf32> to vector<16xf32>
      %mul3A_161 = arith.mulf %add3A_157, %get3A_160 : vector<16xf32>
      %get3A_162 = arith.constant 32 : index
      %get3A_163 = tpu.vector_load %arg22[%get3A_162] {strides = array<i32>} : memref<64xf32, #tpu.memory_space<vmem>>, vector<16xf32>,
      %get3A_164 = vector.shape_cast %get3A_163 : vector<16xf32> to vector<16xf32>
      %add3A_165 = arith.addf %mul3A_161, %get3A_164 : vector<16xf32>
      %max3A_166 = arith.constant 0.000000e+00 : f32
      %max3A_167 = vector.broadcast %max3A_166 : f32 to vector<16xf32>
      %max3A_168 = arith.maximumf %add3A_165, %max3A_167 : vector<16xf32>
      %swap3A_169 = arith.index_cast %scan3A_101 : i32 to index
      %swap3A_170 = arith.constant 32 : index
      %swap3A_171 = tpu.vector_load %arg23[%swap3A_169, %swap3A_170] {strides = array<i32>} : memref<78x64xf32, #tpu.memory_space<vmem>>, vector<1x16xf32>,
      %swap3A_172 = vector.shape_cast %swap3A_171 : vector<1x16xf32> to vector<16xf32>
      %swap3A_173 = vector.shape_cast %max3A_168 : vector<16xf32> to vector<1x16xf32>
      tpu.vector_store %arg23[%swap3A_169, %swap3A_170], %swap3A_173 {strides = array<i32>} : memref<78x64xf32, #tpu.memory_space<vmem>>, vector<1x16xf32>,
      %get3A_174 = arith.index_cast %scan3A_101 : i32 to index
      %get3A_175 = arith.constant 48 : index
      %get3A_176 = tpu.vector_load %arg23[%get3A_174, %get3A_175] {strides = array<i32>} : memref<78x64xf32, #tpu.memory_space<vmem>>, vector<1x16xf32>,
      %get3A_177 = vector.shape_cast %get3A_176 : vector<1x16xf32> to vector<16xf32>
      %get3A_178 = arith.index_cast %scan3A_101 : i32 to index
      %get3A_179 = arith.constant 48 : index
      %get3A_180 = tpu.vector_load %arg24[%get3A_178, %get3A_179] {strides = array<i32>} : memref<78x64xf32, #tpu.memory_space<vmem>>, vector<1x16xf32>,
      %get3A_181 = vector.shape_cast %get3A_180 : vector<1x16xf32> to vector<16xf32>
      %add3A_182 = arith.addf %get3A_177, %get3A_181 : vector<16xf32>
      %get3A_183 = arith.constant 48 : index
      %get3A_184 = tpu.vector_load %arg21[%get3A_183] {strides = array<i32>} : memref<64xf32, #tpu.memory_space<vmem>>, vector<16xf32>,
      %get3A_185 = vector.shape_cast %get3A_184 : vector<16xf32> to vector<16xf32>
      %mul3A_186 = arith.mulf %add3A_182, %get3A_185 : vector<16xf32>
      %get3A_187 = arith.constant 48 : index
      %get3A_188 = tpu.vector_load %arg22[%get3A_187] {strides = array<i32>} : memref<64xf32, #tpu.memory_space<vmem>>, vector<16xf32>,
      %get3A_189 = vector.shape_cast %get3A_188 : vector<16xf32> to vector<16xf32>
      %add3A_190 = arith.addf %mul3A_186, %get3A_189 : vector<16xf32>
      %max3A_191 = arith.constant 0.000000e+00 : f32
      %max3A_192 = vector.broadcast %max3A_191 : f32 to vector<16xf32>
      %max3A_193 = arith.maximumf %add3A_190, %max3A_192 : vector<16xf32>
      %swap3A_194 = arith.index_cast %scan3A_101 : i32 to index
      %swap3A_195 = arith.constant 48 : index
      %swap3A_196 = tpu.vector_load %arg23[%swap3A_194, %swap3A_195] {strides = array<i32>} : memref<78x64xf32, #tpu.memory_space<vmem>>, vector<1x16xf32>,
      %swap3A_197 = vector.shape_cast %swap3A_196 : vector<1x16xf32> to vector<16xf32>
      %swap3A_198 = vector.shape_cast %max3A_193 : vector<16xf32> to vector<1x16xf32>
      tpu.vector_store %arg23[%swap3A_194, %swap3A_195], %swap3A_198 {strides = array<i32>} : memref<78x64xf32, #tpu.memory_space<vmem>>, vector<1x16xf32>,
    }
    %scan3A_69 = arith.constant 78 : i32
    "tpu.region"() ({
      %run_scoped3A = tpu.sem_alloc : memref<!tpu.dma_semaphore, #tpu.memory_space<semaphore_mem>>
      %dma_start3A_101 = arith.constant 0 : i32
      %dma_start3A_102 = tpu.memref_slice %arg12[%add3A_63, %dma_start3A_101] : memref<10000x64xf32, #tpu.memory_space<vmem_shared>> -> memref<78x64xf32, #tpu.memory_space<vmem_shared>>
      %dma_start3A_103 = arith.constant 0 : i32
      %dma_start3A_104 = tpu.memref_slice %arg12[%add3A_63, %dma_start3A_103] : memref<10000x64xf32, #tpu.memory_space<vmem_shared>> -> memref<78x64xf32, #tpu.memory_space<vmem_shared>>
      tpu.enqueue_dma source(%arg23 : memref<78x64xf32, #tpu.memory_space<vmem>>) target(%dma_start3A_104 : memref<78x64xf32, #tpu.memory_space<vmem_shared>>) target_semaphore(%run_scoped3A : memref<!tpu.dma_semaphore, #tpu.memory_space<semaphore_mem>>)
      %dma_wait3A_105 = arith.constant 0 : i32
      %dma_wait3A_106 = tpu.memref_slice %arg12[%add3A_63, %dma_wait3A_105] : memref<10000x64xf32, #tpu.memory_space<vmem_shared>> -> memref<78x64xf32, #tpu.memory_space<vmem_shared>>
      %dma_wait3A_107 = arith.constant 0 : i32
      %dma_wait3A_108 = tpu.memref_slice %arg12[%add3A_63, %dma_wait3A_107] : memref<10000x64xf32, #tpu.memory_space<vmem_shared>> -> memref<78x64xf32, #tpu.memory_space<vmem_shared>>
      tpu.wait_dma2 semaphore(%run_scoped3A : memref<!tpu.dma_semaphore, #tpu.memory_space<semaphore_mem>>) src(%arg23 : memref<78x64xf32, #tpu.memory_space<vmem>>) dst(%dma_wait3A_108 : memref<78x64xf32, #tpu.memory_space<vmem_shared>>)
      tpu.yield
    }) : () -> ()
    %eq3A = arith.constant 15 : i32
    %eq3A_70 = arith.cmpi eq, %arg1, %eq3A : i32
    %convert_element_type3A = arith.extui %eq3A_70 : i1 to i32
    %cond3A = arith.constant 0 : i32
    %cond3A_71 = arith.cmpi ne, %convert_element_type3A, %cond3A : i32
    scf.if %cond3A_71 {
      "tpu.region"() ({
        %run_scoped3A = tpu.sem_alloc : memref<!tpu.dma_semaphore, #tpu.memory_space<semaphore_mem>>
        %dma_start3A_107 = arith.constant 9984 : i32
        %dma_start3A_108 = arith.constant 0 : i32
        %dma_start3A_109 = tpu.memref_slice %arg11[%dma_start3A_107, %dma_start3A_108] : memref<10000x64xf32, #tpu.memory_space<vmem_shared>> -> memref<16x64xf32, #tpu.memory_space<vmem_shared>>
        %dma_start3A_110 = arith.constant 9984 : i32
        %dma_start3A_111 = arith.constant 0 : i32
        %dma_start3A_112 = tpu.memref_slice %arg8[%dma_start3A_110, %dma_start3A_111] : memref<10000x64xf32, #tpu.memory_space<hbm>> -> memref<16x64xf32, #tpu.memory_space<hbm>>
        tpu.enqueue_dma source(%dma_start3A_112 : memref<16x64xf32, #tpu.memory_space<hbm>>) target(%dma_start3A_109 : memref<16x64xf32, #tpu.memory_space<vmem_shared>>) target_semaphore(%run_scoped3A : memref<!tpu.dma_semaphore, #tpu.memory_space<semaphore_mem>>)
        %dma_wait3A_113 = arith.constant 9984 : i32
        %dma_wait3A_114 = arith.constant 0 : i32
        %dma_wait3A_115 = tpu.memref_slice %arg11[%dma_wait3A_113, %dma_wait3A_114] : memref<10000x64xf32, #tpu.memory_space<vmem_shared>> -> memref<16x64xf32, #tpu.memory_space<vmem_shared>>
        %dma_wait3A_116 = arith.constant 9984 : i32
        %dma_wait3A_117 = arith.constant 0 : i32
        %dma_wait3A_118 = tpu.memref_slice %arg8[%dma_wait3A_116, %dma_wait3A_117] : memref<10000x64xf32, #tpu.memory_space<hbm>> -> memref<16x64xf32, #tpu.memory_space<hbm>>
        tpu.wait_dma2 semaphore(%run_scoped3A : memref<!tpu.dma_semaphore, #tpu.memory_space<semaphore_mem>>) src(%dma_wait3A_118 : memref<16x64xf32, #tpu.memory_space<hbm>>) dst(%dma_wait3A_115 : memref<16x64xf32, #tpu.memory_space<vmem_shared>>)
        tpu.yield
      }) : () -> ()
      "tpu.region"() ({
        %run_scoped3A = tpu.sem_alloc : memref<!tpu.dma_semaphore, #tpu.memory_space<semaphore_mem>>
        %dma_start3A_107 = arith.constant 0 : i32
        %dma_start3A_108 = arith.constant 0 : i32
        %dma_start3A_109 = tpu.memref_slice %arg23[%dma_start3A_107, %dma_start3A_108] : memref<78x64xf32, #tpu.memory_space<vmem>> -> memref<16x64xf32, #tpu.memory_space<vmem>>
        %dma_start3A_110 = arith.constant 9984 : i32
        %dma_start3A_111 = arith.constant 0 : i32
        %dma_start3A_112 = tpu.memref_slice %arg2[%dma_start3A_110, %dma_start3A_111] : memref<10000x64xf32, #tpu.memory_space<hbm>> -> memref<16x64xf32, #tpu.memory_space<hbm>>
        %dma_start3A_113 = arith.constant 0 : i32
        %dma_start3A_114 = arith.constant 0 : i32
        %dma_start3A_115 = tpu.memref_slice %arg23[%dma_start3A_113, %dma_start3A_114] : memref<78x64xf32, #tpu.memory_space<vmem>> -> memref<16x64xf32, #tpu.memory_space<vmem>>
        %dma_start3A_116 = arith.constant 9984 : i32
        %dma_start3A_117 = arith.constant 0 : i32
        %dma_start3A_118 = tpu.memref_slice %arg2[%dma_start3A_116, %dma_start3A_117] : memref<10000x64xf32, #tpu.memory_space<hbm>> -> memref<16x64xf32, #tpu.memory_space<hbm>>
        tpu.enqueue_dma source(%dma_start3A_118 : memref<16x64xf32, #tpu.memory_space<hbm>>) target(%dma_start3A_115 : memref<16x64xf32, #tpu.memory_space<vmem>>) target_semaphore(%run_scoped3A : memref<!tpu.dma_semaphore, #tpu.memory_space<semaphore_mem>>)
        %dma_wait3A_119 = arith.constant 0 : i32
        %dma_wait3A_120 = arith.constant 0 : i32
        %dma_wait3A_121 = tpu.memref_slice %arg23[%dma_wait3A_119, %dma_wait3A_120] : memref<78x64xf32, #tpu.memory_space<vmem>> -> memref<16x64xf32, #tpu.memory_space<vmem>>
        %dma_wait3A_122 = arith.constant 9984 : i32
        %dma_wait3A_123 = arith.constant 0 : i32
        %dma_wait3A_124 = tpu.memref_slice %arg2[%dma_wait3A_122, %dma_wait3A_123] : memref<10000x64xf32, #tpu.memory_space<hbm>> -> memref<16x64xf32, #tpu.memory_space<hbm>>
        %dma_wait3A_125 = arith.constant 0 : i32
        %dma_wait3A_126 = arith.constant 0 : i32
        %dma_wait3A_127 = tpu.memref_slice %arg23[%dma_wait3A_125, %dma_wait3A_126] : memref<78x64xf32, #tpu.memory_space<vmem>> -> memref<16x64xf32, #tpu.memory_space<vmem>>
        %dma_wait3A_128 = arith.constant 9984 : i32
        %dma_wait3A_129 = arith.constant 0 : i32
        %dma_wait3A_130 = tpu.memref_slice %arg2[%dma_wait3A_128, %dma_wait3A_129] : memref<10000x64xf32, #tpu.memory_space<hbm>> -> memref<16x64xf32, #tpu.memory_space<hbm>>
        tpu.wait_dma2 semaphore(%run_scoped3A : memref<!tpu.dma_semaphore, #tpu.memory_space<semaphore_mem>>) src(%dma_wait3A_130 : memref<16x64xf32, #tpu.memory_space<hbm>>) dst(%dma_wait3A_127 : memref<16x64xf32, #tpu.memory_space<vmem>>)
        tpu.yield
      }) : () -> ()
      "tpu.region"() ({
        %run_scoped3A = tpu.sem_alloc : memref<!tpu.dma_semaphore, #tpu.memory_space<semaphore_mem>>
        %dma_start3A_107 = arith.constant 0 : i32
        %dma_start3A_108 = arith.constant 0 : i32
        %dma_start3A_109 = tpu.memref_slice %arg24[%dma_start3A_107, %dma_start3A_108] : memref<78x64xf32, #tpu.memory_space<vmem>> -> memref<16x64xf32, #tpu.memory_space<vmem>>
        %dma_start3A_110 = arith.constant 9984 : i32
        %dma_start3A_111 = arith.constant 0 : i32
        %dma_start3A_112 = tpu.memref_slice %arg3[%dma_start3A_110, %dma_start3A_111] : memref<10000x64xf32, #tpu.memory_space<hbm>> -> memref<16x64xf32, #tpu.memory_space<hbm>>
        %dma_start3A_113 = arith.constant 0 : i32
        %dma_start3A_114 = arith.constant 0 : i32
        %dma_start3A_115 = tpu.memref_slice %arg24[%dma_start3A_113, %dma_start3A_114] : memref<78x64xf32, #tpu.memory_space<vmem>> -> memref<16x64xf32, #tpu.memory_space<vmem>>
        %dma_start3A_116 = arith.constant 9984 : i32
        %dma_start3A_117 = arith.constant 0 : i32
        %dma_start3A_118 = tpu.memref_slice %arg3[%dma_start3A_116, %dma_start3A_117] : memref<10000x64xf32, #tpu.memory_space<hbm>> -> memref<16x64xf32, #tpu.memory_space<hbm>>
        tpu.enqueue_dma source(%dma_start3A_118 : memref<16x64xf32, #tpu.memory_space<hbm>>) target(%dma_start3A_115 : memref<16x64xf32, #tpu.memory_space<vmem>>) target_semaphore(%run_scoped3A : memref<!tpu.dma_semaphore, #tpu.memory_space<semaphore_mem>>)
        %dma_wait3A_119 = arith.constant 0 : i32
        %dma_wait3A_120 = arith.constant 0 : i32
        %dma_wait3A_121 = tpu.memref_slice %arg24[%dma_wait3A_119, %dma_wait3A_120] : memref<78x64xf32, #tpu.memory_space<vmem>> -> memref<16x64xf32, #tpu.memory_space<vmem>>
        %dma_wait3A_122 = arith.constant 9984 : i32
        %dma_wait3A_123 = arith.constant 0 : i32
        %dma_wait3A_124 = tpu.memref_slice %arg3[%dma_wait3A_122, %dma_wait3A_123] : memref<10000x64xf32, #tpu.memory_space<hbm>> -> memref<16x64xf32, #tpu.memory_space<hbm>>
        %dma_wait3A_125 = arith.constant 0 : i32
        %dma_wait3A_126 = arith.constant 0 : i32
        %dma_wait3A_127 = tpu.memref_slice %arg24[%dma_wait3A_125, %dma_wait3A_126] : memref<78x64xf32, #tpu.memory_space<vmem>> -> memref<16x64xf32, #tpu.memory_space<vmem>>
        %dma_wait3A_128 = arith.constant 9984 : i32
        %dma_wait3A_129 = arith.constant 0 : i32
        %dma_wait3A_130 = tpu.memref_slice %arg3[%dma_wait3A_128, %dma_wait3A_129] : memref<10000x64xf32, #tpu.memory_space<hbm>> -> memref<16x64xf32, #tpu.memory_space<hbm>>
        tpu.wait_dma2 semaphore(%run_scoped3A : memref<!tpu.dma_semaphore, #tpu.memory_space<semaphore_mem>>) src(%dma_wait3A_130 : memref<16x64xf32, #tpu.memory_space<hbm>>) dst(%dma_wait3A_127 : memref<16x64xf32, #tpu.memory_space<vmem>>)
        tpu.yield
      }) : () -> ()
      %scan3A_101 = arith.constant 0 : i32
      %scan3A_102 = arith.constant 0 : i32
      %scan3A_103 = arith.constant 16 : i32
      %scan3A_104 = arith.addi %scan3A_102, %scan3A_103 : i32
      %scan3A_105 = arith.constant 1 : i32
      scf.for %scan3A_107 = %scan3A_102 to %scan3A_104 step %scan3A_105  : i32 {
        %get3A = arith.constant 0 : i32
        %get3A_108 = arith.constant 0 : i32
        %get3A_109 = tpu.memref_slice %arg23[%get3A, %get3A_108] : memref<78x64xf32, #tpu.memory_space<vmem>> -> memref<16x64xf32, #tpu.memory_space<vmem>>
        %get3A_110 = arith.index_cast %scan3A_107 : i32 to index
        %get3A_111 = arith.constant 0 : index
        %get3A_112 = tpu.vector_load %get3A_109[%get3A_110, %get3A_111] {strides = array<i32>} : memref<16x64xf32, #tpu.memory_space<vmem>>, vector<1x16xf32>,
        %get3A_113 = vector.shape_cast %get3A_112 : vector<1x16xf32> to vector<16xf32>
        %get3A_114 = arith.constant 0 : i32
        %get3A_115 = arith.constant 0 : i32
        %get3A_116 = tpu.memref_slice %arg24[%get3A_114, %get3A_115] : memref<78x64xf32, #tpu.memory_space<vmem>> -> memref<16x64xf32, #tpu.memory_space<vmem>>
        %get3A_117 = arith.index_cast %scan3A_107 : i32 to index
        %get3A_118 = arith.constant 0 : index
        %get3A_119 = tpu.vector_load %get3A_116[%get3A_117, %get3A_118] {strides = array<i32>} : memref<16x64xf32, #tpu.memory_space<vmem>>, vector<1x16xf32>,
        %get3A_120 = vector.shape_cast %get3A_119 : vector<1x16xf32> to vector<16xf32>
        %add3A_121 = arith.addf %get3A_113, %get3A_120 : vector<16xf32>
        %get3A_122 = arith.constant 0 : index
        %get3A_123 = tpu.vector_load %arg21[%get3A_122] {strides = array<i32>} : memref<64xf32, #tpu.memory_space<vmem>>, vector<16xf32>,
        %get3A_124 = vector.shape_cast %get3A_123 : vector<16xf32> to vector<16xf32>
        %mul3A_125 = arith.mulf %add3A_121, %get3A_124 : vector<16xf32>
        %get3A_126 = arith.constant 0 : index
        %get3A_127 = tpu.vector_load %arg22[%get3A_126] {strides = array<i32>} : memref<64xf32, #tpu.memory_space<vmem>>, vector<16xf32>,
        %get3A_128 = vector.shape_cast %get3A_127 : vector<16xf32> to vector<16xf32>
        %add3A_129 = arith.addf %mul3A_125, %get3A_128 : vector<16xf32>
        %max3A = arith.constant 0.000000e+00 : f32
        %max3A_130 = vector.broadcast %max3A : f32 to vector<16xf32>
        %max3A_131 = arith.maximumf %add3A_129, %max3A_130 : vector<16xf32>
        %swap3A = arith.constant 0 : i32
        %swap3A_132 = arith.constant 0 : i32
        %swap3A_133 = tpu.memref_slice %arg23[%swap3A, %swap3A_132] : memref<78x64xf32, #tpu.memory_space<vmem>> -> memref<16x64xf32, #tpu.memory_space<vmem>>
        %swap3A_134 = arith.index_cast %scan3A_107 : i32 to index
        %swap3A_135 = arith.constant 0 : index
        %swap3A_136 = tpu.vector_load %swap3A_133[%swap3A_134, %swap3A_135] {strides = array<i32>} : memref<16x64xf32, #tpu.memory_space<vmem>>, vector<1x16xf32>,
        %swap3A_137 = vector.shape_cast %swap3A_136 : vector<1x16xf32> to vector<16xf32>
        %swap3A_138 = vector.shape_cast %max3A_131 : vector<16xf32> to vector<1x16xf32>
        tpu.vector_store %swap3A_133[%swap3A_134, %swap3A_135], %swap3A_138 {strides = array<i32>} : memref<16x64xf32, #tpu.memory_space<vmem>>, vector<1x16xf32>,
        %get3A_139 = arith.constant 0 : i32
        %get3A_140 = arith.constant 0 : i32
        %get3A_141 = tpu.memref_slice %arg23[%get3A_139, %get3A_140] : memref<78x64xf32, #tpu.memory_space<vmem>> -> memref<16x64xf32, #tpu.memory_space<vmem>>
        %get3A_142 = arith.index_cast %scan3A_107 : i32 to index
        %get3A_143 = arith.constant 16 : index
        %get3A_144 = tpu.vector_load %get3A_141[%get3A_142, %get3A_143] {strides = array<i32>} : memref<16x64xf32, #tpu.memory_space<vmem>>, vector<1x16xf32>,
        %get3A_145 = vector.shape_cast %get3A_144 : vector<1x16xf32> to vector<16xf32>
        %get3A_146 = arith.constant 0 : i32
        %get3A_147 = arith.constant 0 : i32
        %get3A_148 = tpu.memref_slice %arg24[%get3A_146, %get3A_147] : memref<78x64xf32, #tpu.memory_space<vmem>> -> memref<16x64xf32, #tpu.memory_space<vmem>>
        %get3A_149 = arith.index_cast %scan3A_107 : i32 to index
        %get3A_150 = arith.constant 16 : index
        %get3A_151 = tpu.vector_load %get3A_148[%get3A_149, %get3A_150] {strides = array<i32>} : memref<16x64xf32, #tpu.memory_space<vmem>>, vector<1x16xf32>,
        %get3A_152 = vector.shape_cast %get3A_151 : vector<1x16xf32> to vector<16xf32>
        %add3A_153 = arith.addf %get3A_145, %get3A_152 : vector<16xf32>
        %get3A_154 = arith.constant 16 : index
        %get3A_155 = tpu.vector_load %arg21[%get3A_154] {strides = array<i32>} : memref<64xf32, #tpu.memory_space<vmem>>, vector<16xf32>,
        %get3A_156 = vector.shape_cast %get3A_155 : vector<16xf32> to vector<16xf32>
        %mul3A_157 = arith.mulf %add3A_153, %get3A_156 : vector<16xf32>
        %get3A_158 = arith.constant 16 : index
        %get3A_159 = tpu.vector_load %arg22[%get3A_158] {strides = array<i32>} : memref<64xf32, #tpu.memory_space<vmem>>, vector<16xf32>,
        %get3A_160 = vector.shape_cast %get3A_159 : vector<16xf32> to vector<16xf32>
        %add3A_161 = arith.addf %mul3A_157, %get3A_160 : vector<16xf32>
        %max3A_162 = arith.constant 0.000000e+00 : f32
        %max3A_163 = vector.broadcast %max3A_162 : f32 to vector<16xf32>
        %max3A_164 = arith.maximumf %add3A_161, %max3A_163 : vector<16xf32>
        %swap3A_165 = arith.constant 0 : i32
        %swap3A_166 = arith.constant 0 : i32
        %swap3A_167 = tpu.memref_slice %arg23[%swap3A_165, %swap3A_166] : memref<78x64xf32, #tpu.memory_space<vmem>> -> memref<16x64xf32, #tpu.memory_space<vmem>>
        %swap3A_168 = arith.index_cast %scan3A_107 : i32 to index
        %swap3A_169 = arith.constant 16 : index
        %swap3A_170 = tpu.vector_load %swap3A_167[%swap3A_168, %swap3A_169] {strides = array<i32>} : memref<16x64xf32, #tpu.memory_space<vmem>>, vector<1x16xf32>,
        %swap3A_171 = vector.shape_cast %swap3A_170 : vector<1x16xf32> to vector<16xf32>
        %swap3A_172 = vector.shape_cast %max3A_164 : vector<16xf32> to vector<1x16xf32>
        tpu.vector_store %swap3A_167[%swap3A_168, %swap3A_169], %swap3A_172 {strides = array<i32>} : memref<16x64xf32, #tpu.memory_space<vmem>>, vector<1x16xf32>,
        %get3A_173 = arith.constant 0 : i32
        %get3A_174 = arith.constant 0 : i32
        %get3A_175 = tpu.memref_slice %arg23[%get3A_173, %get3A_174] : memref<78x64xf32, #tpu.memory_space<vmem>> -> memref<16x64xf32, #tpu.memory_space<vmem>>
        %get3A_176 = arith.index_cast %scan3A_107 : i32 to index
        %get3A_177 = arith.constant 32 : index
        %get3A_178 = tpu.vector_load %get3A_175[%get3A_176, %get3A_177] {strides = array<i32>} : memref<16x64xf32, #tpu.memory_space<vmem>>, vector<1x16xf32>,
        %get3A_179 = vector.shape_cast %get3A_178 : vector<1x16xf32> to vector<16xf32>
        %get3A_180 = arith.constant 0 : i32
        %get3A_181 = arith.constant 0 : i32
        %get3A_182 = tpu.memref_slice %arg24[%get3A_180, %get3A_181] : memref<78x64xf32, #tpu.memory_space<vmem>> -> memref<16x64xf32, #tpu.memory_space<vmem>>
        %get3A_183 = arith.index_cast %scan3A_107 : i32 to index
        %get3A_184 = arith.constant 32 : index
        %get3A_185 = tpu.vector_load %get3A_182[%get3A_183, %get3A_184] {strides = array<i32>} : memref<16x64xf32, #tpu.memory_space<vmem>>, vector<1x16xf32>,
        %get3A_186 = vector.shape_cast %get3A_185 : vector<1x16xf32> to vector<16xf32>
        %add3A_187 = arith.addf %get3A_179, %get3A_186 : vector<16xf32>
        %get3A_188 = arith.constant 32 : index
        %get3A_189 = tpu.vector_load %arg21[%get3A_188] {strides = array<i32>} : memref<64xf32, #tpu.memory_space<vmem>>, vector<16xf32>,
        %get3A_190 = vector.shape_cast %get3A_189 : vector<16xf32> to vector<16xf32>
        %mul3A_191 = arith.mulf %add3A_187, %get3A_190 : vector<16xf32>
        %get3A_192 = arith.constant 32 : index
        %get3A_193 = tpu.vector_load %arg22[%get3A_192] {strides = array<i32>} : memref<64xf32, #tpu.memory_space<vmem>>, vector<16xf32>,
        %get3A_194 = vector.shape_cast %get3A_193 : vector<16xf32> to vector<16xf32>
        %add3A_195 = arith.addf %mul3A_191, %get3A_194 : vector<16xf32>
        %max3A_196 = arith.constant 0.000000e+00 : f32
        %max3A_197 = vector.broadcast %max3A_196 : f32 to vector<16xf32>
        %max3A_198 = arith.maximumf %add3A_195, %max3A_197 : vector<16xf32>
        %swap3A_199 = arith.constant 0 : i32
        %swap3A_200 = arith.constant 0 : i32
        %swap3A_201 = tpu.memref_slice %arg23[%swap3A_199, %swap3A_200] : memref<78x64xf32, #tpu.memory_space<vmem>> -> memref<16x64xf32, #tpu.memory_space<vmem>>
        %swap3A_202 = arith.index_cast %scan3A_107 : i32 to index
        %swap3A_203 = arith.constant 32 : index
        %swap3A_204 = tpu.vector_load %swap3A_201[%swap3A_202, %swap3A_203] {strides = array<i32>} : memref<16x64xf32, #tpu.memory_space<vmem>>, vector<1x16xf32>,
        %swap3A_205 = vector.shape_cast %swap3A_204 : vector<1x16xf32> to vector<16xf32>
        %swap3A_206 = vector.shape_cast %max3A_198 : vector<16xf32> to vector<1x16xf32>
        tpu.vector_store %swap3A_201[%swap3A_202, %swap3A_203], %swap3A_206 {strides = array<i32>} : memref<16x64xf32, #tpu.memory_space<vmem>>, vector<1x16xf32>,
        %get3A_207 = arith.constant 0 : i32
        %get3A_208 = arith.constant 0 : i32
        %get3A_209 = tpu.memref_slice %arg23[%get3A_207, %get3A_208] : memref<78x64xf32, #tpu.memory_space<vmem>> -> memref<16x64xf32, #tpu.memory_space<vmem>>
        %get3A_210 = arith.index_cast %scan3A_107 : i32 to index
        %get3A_211 = arith.constant 48 : index
        %get3A_212 = tpu.vector_load %get3A_209[%get3A_210, %get3A_211] {strides = array<i32>} : memref<16x64xf32, #tpu.memory_space<vmem>>, vector<1x16xf32>,
        %get3A_213 = vector.shape_cast %get3A_212 : vector<1x16xf32> to vector<16xf32>
        %get3A_214 = arith.constant 0 : i32
        %get3A_215 = arith.constant 0 : i32
        %get3A_216 = tpu.memref_slice %arg24[%get3A_214, %get3A_215] : memref<78x64xf32, #tpu.memory_space<vmem>> -> memref<16x64xf32, #tpu.memory_space<vmem>>
        %get3A_217 = arith.index_cast %scan3A_107 : i32 to index
        %get3A_218 = arith.constant 48 : index
        %get3A_219 = tpu.vector_load %get3A_216[%get3A_217, %get3A_218] {strides = array<i32>} : memref<16x64xf32, #tpu.memory_space<vmem>>, vector<1x16xf32>,
        %get3A_220 = vector.shape_cast %get3A_219 : vector<1x16xf32> to vector<16xf32>
        %add3A_221 = arith.addf %get3A_213, %get3A_220 : vector<16xf32>
        %get3A_222 = arith.constant 48 : index
        %get3A_223 = tpu.vector_load %arg21[%get3A_222] {strides = array<i32>} : memref<64xf32, #tpu.memory_space<vmem>>, vector<16xf32>,
        %get3A_224 = vector.shape_cast %get3A_223 : vector<16xf32> to vector<16xf32>
        %mul3A_225 = arith.mulf %add3A_221, %get3A_224 : vector<16xf32>
        %get3A_226 = arith.constant 48 : index
        %get3A_227 = tpu.vector_load %arg22[%get3A_226] {strides = array<i32>} : memref<64xf32, #tpu.memory_space<vmem>>, vector<16xf32>,
        %get3A_228 = vector.shape_cast %get3A_227 : vector<16xf32> to vector<16xf32>
        %add3A_229 = arith.addf %mul3A_225, %get3A_228 : vector<16xf32>
        %max3A_230 = arith.constant 0.000000e+00 : f32
        %max3A_231 = vector.broadcast %max3A_230 : f32 to vector<16xf32>
        %max3A_232 = arith.maximumf %add3A_229, %max3A_231 : vector<16xf32>
        %swap3A_233 = arith.constant 0 : i32
        %swap3A_234 = arith.constant 0 : i32
        %swap3A_235 = tpu.memref_slice %arg23[%swap3A_233, %swap3A_234] : memref<78x64xf32, #tpu.memory_space<vmem>> -> memref<16x64xf32, #tpu.memory_space<vmem>>
        %swap3A_236 = arith.index_cast %scan3A_107 : i32 to index
        %swap3A_237 = arith.constant 48 : index
        %swap3A_238 = tpu.vector_load %swap3A_235[%swap3A_236, %swap3A_237] {strides = array<i32>} : memref<16x64xf32, #tpu.memory_space<vmem>>, vector<1x16xf32>,
        %swap3A_239 = vector.shape_cast %swap3A_238 : vector<1x16xf32> to vector<16xf32>
        %swap3A_240 = vector.shape_cast %max3A_232 : vector<16xf32> to vector<1x16xf32>
        tpu.vector_store %swap3A_235[%swap3A_236, %swap3A_237], %swap3A_240 {strides = array<i32>} : memref<16x64xf32, #tpu.memory_space<vmem>>, vector<1x16xf32>,
      }
      %scan3A_106 = arith.constant 16 : i32
      "tpu.region"() ({
        %run_scoped3A = tpu.sem_alloc : memref<!tpu.dma_semaphore, #tpu.memory_space<semaphore_mem>>
        %dma_start3A_107 = arith.constant 0 : i32
        %dma_start3A_108 = arith.constant 0 : i32
        %dma_start3A_109 = tpu.memref_slice %arg23[%dma_start3A_107, %dma_start3A_108] : memref<78x64xf32, #tpu.memory_space<vmem>> -> memref<16x64xf32, #tpu.memory_space<vmem>>
        %dma_start3A_110 = arith.constant 9984 : i32
        %dma_start3A_111 = arith.constant 0 : i32
        %dma_start3A_112 = tpu.memref_slice %arg12[%dma_start3A_110, %dma_start3A_111] : memref<10000x64xf32, #tpu.memory_space<vmem_shared>> -> memref<16x64xf32, #tpu.memory_space<vmem_shared>>
        %dma_start3A_113 = arith.constant 9984 : i32
        %dma_start3A_114 = arith.constant 0 : i32
        %dma_start3A_115 = tpu.memref_slice %arg12[%dma_start3A_113, %dma_start3A_114] : memref<10000x64xf32, #tpu.memory_space<vmem_shared>> -> memref<16x64xf32, #tpu.memory_space<vmem_shared>>
        %dma_start3A_116 = arith.constant 0 : i32
        %dma_start3A_117 = arith.constant 0 : i32
        %dma_start3A_118 = tpu.memref_slice %arg23[%dma_start3A_116, %dma_start3A_117] : memref<78x64xf32, #tpu.memory_space<vmem>> -> memref<16x64xf32, #tpu.memory_space<vmem>>
        tpu.enqueue_dma source(%dma_start3A_118 : memref<16x64xf32, #tpu.memory_space<vmem>>) target(%dma_start3A_115 : memref<16x64xf32, #tpu.memory_space<vmem_shared>>) target_semaphore(%run_scoped3A : memref<!tpu.dma_semaphore, #tpu.memory_space<semaphore_mem>>)
        %dma_wait3A_119 = arith.constant 0 : i32
        %dma_wait3A_120 = arith.constant 0 : i32
        %dma_wait3A_121 = tpu.memref_slice %arg23[%dma_wait3A_119, %dma_wait3A_120] : memref<78x64xf32, #tpu.memory_space<vmem>> -> memref<16x64xf32, #tpu.memory_space<vmem>>
        %dma_wait3A_122 = arith.constant 9984 : i32
        %dma_wait3A_123 = arith.constant 0 : i32
        %dma_wait3A_124 = tpu.memref_slice %arg12[%dma_wait3A_122, %dma_wait3A_123] : memref<10000x64xf32, #tpu.memory_space<vmem_shared>> -> memref<16x64xf32, #tpu.memory_space<vmem_shared>>
        %dma_wait3A_125 = arith.constant 9984 : i32
        %dma_wait3A_126 = arith.constant 0 : i32
        %dma_wait3A_127 = tpu.memref_slice %arg12[%dma_wait3A_125, %dma_wait3A_126] : memref<10000x64xf32, #tpu.memory_space<vmem_shared>> -> memref<16x64xf32, #tpu.memory_space<vmem_shared>>
        %dma_wait3A_128 = arith.constant 0 : i32
        %dma_wait3A_129 = arith.constant 0 : i32
        %dma_wait3A_130 = tpu.memref_slice %arg23[%dma_wait3A_128, %dma_wait3A_129] : memref<78x64xf32, #tpu.memory_space<vmem>> -> memref<16x64xf32, #tpu.memory_space<vmem>>
        tpu.wait_dma2 semaphore(%run_scoped3A : memref<!tpu.dma_semaphore, #tpu.memory_space<semaphore_mem>>) src(%dma_wait3A_130 : memref<16x64xf32, #tpu.memory_space<vmem>>) dst(%dma_wait3A_127 : memref<16x64xf32, #tpu.memory_space<vmem_shared>>)
        tpu.yield
      }) : () -> ()
    } else {
    }
    %barrier3A = arith.constant 0 : index
    tpu.barrier barrier_id(%barrier3A)
    %dma_start3A = arith.constant 0 : i32
    %dma_start3A_72 = arith.constant 0 : i32
    %dma_start3A_73 = tpu.memref_slice %arg13[%dma_start3A, %dma_start3A_72] : memref<100x100xi32, #tpu.memory_space<vmem>> -> memref<1x100xi32, #tpu.memory_space<vmem>>
    %dma_start3A_74 = tpu.memref_squeeze %dma_start3A_73 : memref<1x100xi32, #tpu.memory_space<vmem>> -> memref<100xi32, #tpu.memory_space<vmem>>
    %dma_start3A_75 = arith.constant 0 : i32
    %dma_start3A_76 = arith.constant 0 : i32
    %dma_start3A_77 = tpu.memref_slice %arg12[%dma_start3A_75, %dma_start3A_76] : memref<10000x64xf32, #tpu.memory_space<vmem_shared>> -> memref<10000x64xf32, #tpu.memory_space<vmem_shared>>
    tpu.enqueue_indirect_dma source(%dma_start3A_77 : memref<10000x64xf32, #tpu.memory_space<vmem_shared>>) target(%arg15 : memref<100x64xf32, #tpu.memory_space<vmem>>) offsets(%dma_start3A_74 : memref<100xi32, #tpu.memory_space<vmem>>) semaphore(%arg17 : memref<!tpu.dma_semaphore, #tpu.memory_space<semaphore_mem>>)
    %scan3A_78 = arith.constant 0 : i32
    %scan3A_79 = arith.constant 0 : i32
    %scan3A_80 = arith.constant 50 : i32
    %scan3A_81 = arith.addi %scan3A_79, %scan3A_80 : i32
    %scan3A_82 = arith.constant 1 : i32
    scf.for %scan3A_101 = %scan3A_79 to %scan3A_81 step %scan3A_82  : i32 {
      %mul3A_102 = arith.constant 2 : i32
      %mul3A_103 = arith.muli %mul3A_102, %scan3A_101 : i32
      %add3A_104 = arith.constant 0 : i32
      %add3A_105 = arith.addi %mul3A_103, %add3A_104 : i32
      %dma_wait3A_106 = arith.constant 0 : i32
      %dma_wait3A_107 = tpu.memref_slice %arg13[%add3A_105, %dma_wait3A_106] : memref<100x100xi32, #tpu.memory_space<vmem>> -> memref<1x100xi32, #tpu.memory_space<vmem>>
      %dma_wait3A_108 = tpu.memref_squeeze %dma_wait3A_107 : memref<1x100xi32, #tpu.memory_space<vmem>> -> memref<100xi32, #tpu.memory_space<vmem>>
      %dma_wait3A_109 = arith.constant 0 : i32
      %dma_wait3A_110 = arith.constant 0 : i32
      %dma_wait3A_111 = tpu.memref_slice %arg12[%dma_wait3A_109, %dma_wait3A_110] : memref<10000x64xf32, #tpu.memory_space<vmem_shared>> -> memref<10000x64xf32, #tpu.memory_space<vmem_shared>>
      tpu.wait_indirect_dma semaphore(%arg17 : memref<!tpu.dma_semaphore, #tpu.memory_space<semaphore_mem>>) src(%dma_wait3A_111 : memref<10000x64xf32, #tpu.memory_space<vmem_shared>>) dst(%arg15 : memref<100x64xf32, #tpu.memory_space<vmem>>)
      %ge3A = arith.constant 1 : i32
      %ge3A_112 = arith.cmpi sge, %scan3A_101, %ge3A : i32
      %convert_element_type3A_113 = arith.extui %ge3A_112 : i1 to i32
      %cond3A_114 = arith.constant 0 : i32
      %cond3A_115 = arith.cmpi ne, %convert_element_type3A_113, %cond3A_114 : i32
      scf.if %cond3A_115 {
        %sub3A_157 = arith.constant 1 : i32
        %sub3A_158 = arith.subi %add3A_105, %sub3A_157 : i32
        %dma_wait3A_159 = arith.constant 0 : i32
        %dma_wait3A_160 = tpu.memref_slice %arg14[%sub3A_158, %dma_wait3A_159] : memref<100x100xi32, #tpu.memory_space<vmem>> -> memref<1x100xi32, #tpu.memory_space<vmem>>
        %dma_wait3A_161 = tpu.memref_squeeze %dma_wait3A_160 : memref<1x100xi32, #tpu.memory_space<vmem>> -> memref<100xi32, #tpu.memory_space<vmem>>
        %dma_wait3A_162 = arith.constant 0 : i32
        %dma_wait3A_163 = arith.constant 0 : i32
        %dma_wait3A_164 = tpu.memref_slice %arg11[%dma_wait3A_162, %dma_wait3A_163] : memref<10000x64xf32, #tpu.memory_space<vmem_shared>> -> memref<10000x64xf32, #tpu.memory_space<vmem_shared>>
        tpu.wait_indirect_dma semaphore(%arg20 : memref<!tpu.dma_semaphore, #tpu.memory_space<semaphore_mem>>) src(%arg16 : memref<100x64xf32, #tpu.memory_space<vmem>>) dst(%dma_wait3A_164 : memref<10000x64xf32, #tpu.memory_space<vmem_shared>>)
      } else {
      }
      %add3A_116 = arith.constant 1 : i32
      %add3A_117 = arith.addi %add3A_105, %add3A_116 : i32
      %dma_start3A_118 = arith.constant 0 : i32
      %dma_start3A_119 = tpu.memref_slice %arg13[%add3A_117, %dma_start3A_118] : memref<100x100xi32, #tpu.memory_space<vmem>> -> memref<1x100xi32, #tpu.memory_space<vmem>>
      %dma_start3A_120 = tpu.memref_squeeze %dma_start3A_119 : memref<1x100xi32, #tpu.memory_space<vmem>> -> memref<100xi32, #tpu.memory_space<vmem>>
      %dma_start3A_121 = arith.constant 0 : i32
      %dma_start3A_122 = arith.constant 0 : i32
      %dma_start3A_123 = tpu.memref_slice %arg12[%dma_start3A_121, %dma_start3A_122] : memref<10000x64xf32, #tpu.memory_space<vmem_shared>> -> memref<10000x64xf32, #tpu.memory_space<vmem_shared>>
      tpu.enqueue_indirect_dma source(%dma_start3A_123 : memref<10000x64xf32, #tpu.memory_space<vmem_shared>>) target(%arg16 : memref<100x64xf32, #tpu.memory_space<vmem>>) offsets(%dma_start3A_120 : memref<100xi32, #tpu.memory_space<vmem>>) semaphore(%arg18 : memref<!tpu.dma_semaphore, #tpu.memory_space<semaphore_mem>>)
      %dma_start3A_124 = arith.constant 0 : i32
      %dma_start3A_125 = tpu.memref_slice %arg14[%add3A_105, %dma_start3A_124] : memref<100x100xi32, #tpu.memory_space<vmem>> -> memref<1x100xi32, #tpu.memory_space<vmem>>
      %dma_start3A_126 = tpu.memref_squeeze %dma_start3A_125 : memref<1x100xi32, #tpu.memory_space<vmem>> -> memref<100xi32, #tpu.memory_space<vmem>>
      %dma_start3A_127 = arith.constant 0 : i32
      %dma_start3A_128 = arith.constant 0 : i32
      %dma_start3A_129 = tpu.memref_slice %arg11[%dma_start3A_127, %dma_start3A_128] : memref<10000x64xf32, #tpu.memory_space<vmem_shared>> -> memref<10000x64xf32, #tpu.memory_space<vmem_shared>>
      tpu.enqueue_indirect_dma source(%arg15 : memref<100x64xf32, #tpu.memory_space<vmem>>) target(%dma_start3A_129 : memref<10000x64xf32, #tpu.memory_space<vmem_shared>>) offsets(%dma_start3A_126 : memref<100xi32, #tpu.memory_space<vmem>>) semaphore(%arg19 : memref<!tpu.dma_semaphore, #tpu.memory_space<semaphore_mem>>) {add = true}
      %mul3A_130 = arith.constant 2 : i32
      %mul3A_131 = arith.muli %mul3A_130, %scan3A_101 : i32
      %add3A_132 = arith.constant 1 : i32
      %add3A_133 = arith.addi %mul3A_131, %add3A_132 : i32
      %dma_wait3A_134 = arith.constant 0 : i32
      %dma_wait3A_135 = tpu.memref_slice %arg13[%add3A_133, %dma_wait3A_134] : memref<100x100xi32, #tpu.memory_space<vmem>> -> memref<1x100xi32, #tpu.memory_space<vmem>>
      %dma_wait3A_136 = tpu.memref_squeeze %dma_wait3A_135 : memref<1x100xi32, #tpu.memory_space<vmem>> -> memref<100xi32, #tpu.memory_space<vmem>>
      %dma_wait3A_137 = arith.constant 0 : i32
      %dma_wait3A_138 = arith.constant 0 : i32
      %dma_wait3A_139 = tpu.memref_slice %arg12[%dma_wait3A_137, %dma_wait3A_138] : memref<10000x64xf32, #tpu.memory_space<vmem_shared>> -> memref<10000x64xf32, #tpu.memory_space<vmem_shared>>
      tpu.wait_indirect_dma semaphore(%arg18 : memref<!tpu.dma_semaphore, #tpu.memory_space<semaphore_mem>>) src(%dma_wait3A_139 : memref<10000x64xf32, #tpu.memory_space<vmem_shared>>) dst(%arg16 : memref<100x64xf32, #tpu.memory_space<vmem>>)
      %sub3A = arith.constant 1 : i32
      %sub3A_140 = arith.subi %add3A_133, %sub3A : i32
      %dma_wait3A_141 = arith.constant 0 : i32
      %dma_wait3A_142 = tpu.memref_slice %arg14[%sub3A_140, %dma_wait3A_141] : memref<100x100xi32, #tpu.memory_space<vmem>> -> memref<1x100xi32, #tpu.memory_space<vmem>>
      %dma_wait3A_143 = tpu.memref_squeeze %dma_wait3A_142 : memref<1x100xi32, #tpu.memory_space<vmem>> -> memref<100xi32, #tpu.memory_space<vmem>>
      %dma_wait3A_144 = arith.constant 0 : i32
      %dma_wait3A_145 = arith.constant 0 : i32
      %dma_wait3A_146 = tpu.memref_slice %arg11[%dma_wait3A_144, %dma_wait3A_145] : memref<10000x64xf32, #tpu.memory_space<vmem_shared>> -> memref<10000x64xf32, #tpu.memory_space<vmem_shared>>
      tpu.wait_indirect_dma semaphore(%arg19 : memref<!tpu.dma_semaphore, #tpu.memory_space<semaphore_mem>>) src(%arg15 : memref<100x64xf32, #tpu.memory_space<vmem>>) dst(%dma_wait3A_146 : memref<10000x64xf32, #tpu.memory_space<vmem_shared>>)
      %lt3A = arith.constant 49 : i32
      %lt3A_147 = arith.cmpi slt, %scan3A_101, %lt3A : i32
      %convert_element_type3A_148 = arith.extui %lt3A_147 : i1 to i32
      %cond3A_149 = arith.constant 0 : i32
      %cond3A_150 = arith.cmpi ne, %convert_element_type3A_148, %cond3A_149 : i32
      scf.if %cond3A_150 {
        %add3A_157 = arith.constant 1 : i32
        %add3A_158 = arith.addi %add3A_133, %add3A_157 : i32
        %dma_start3A_159 = arith.constant 0 : i32
        %dma_start3A_160 = tpu.memref_slice %arg13[%add3A_158, %dma_start3A_159] : memref<100x100xi32, #tpu.memory_space<vmem>> -> memref<1x100xi32, #tpu.memory_space<vmem>>
        %dma_start3A_161 = tpu.memref_squeeze %dma_start3A_160 : memref<1x100xi32, #tpu.memory_space<vmem>> -> memref<100xi32, #tpu.memory_space<vmem>>
        %dma_start3A_162 = arith.constant 0 : i32
        %dma_start3A_163 = arith.constant 0 : i32
        %dma_start3A_164 = tpu.memref_slice %arg12[%dma_start3A_162, %dma_start3A_163] : memref<10000x64xf32, #tpu.memory_space<vmem_shared>> -> memref<10000x64xf32, #tpu.memory_space<vmem_shared>>
        tpu.enqueue_indirect_dma source(%dma_start3A_164 : memref<10000x64xf32, #tpu.memory_space<vmem_shared>>) target(%arg15 : memref<100x64xf32, #tpu.memory_space<vmem>>) offsets(%dma_start3A_161 : memref<100xi32, #tpu.memory_space<vmem>>) semaphore(%arg17 : memref<!tpu.dma_semaphore, #tpu.memory_space<semaphore_mem>>)
      } else {
      }
      %dma_start3A_151 = arith.constant 0 : i32
      %dma_start3A_152 = tpu.memref_slice %arg14[%add3A_133, %dma_start3A_151] : memref<100x100xi32, #tpu.memory_space<vmem>> -> memref<1x100xi32, #tpu.memory_space<vmem>>
      %dma_start3A_153 = tpu.memref_squeeze %dma_start3A_152 : memref<1x100xi32, #tpu.memory_space<vmem>> -> memref<100xi32, #tpu.memory_space<vmem>>
      %dma_start3A_154 = arith.constant 0 : i32
      %dma_start3A_155 = arith.constant 0 : i32
      %dma_start3A_156 = tpu.memref_slice %arg11[%dma_start3A_154, %dma_start3A_155] : memref<10000x64xf32, #tpu.memory_space<vmem_shared>> -> memref<10000x64xf32, #tpu.memory_space<vmem_shared>>
      tpu.enqueue_indirect_dma source(%arg16 : memref<100x64xf32, #tpu.memory_space<vmem>>) target(%dma_start3A_156 : memref<10000x64xf32, #tpu.memory_space<vmem_shared>>) offsets(%dma_start3A_153 : memref<100xi32, #tpu.memory_space<vmem>>) semaphore(%arg20 : memref<!tpu.dma_semaphore, #tpu.memory_space<semaphore_mem>>) {add = true}
    }
    %scan3A_83 = arith.constant 50 : i32
    %dma_wait3A = arith.constant 99 : i32
    %dma_wait3A_84 = arith.constant 0 : i32
    %dma_wait3A_85 = tpu.memref_slice %arg14[%dma_wait3A, %dma_wait3A_84] : memref<100x100xi32, #tpu.memory_space<vmem>> -> memref<1x100xi32, #tpu.memory_space<vmem>>
    %dma_wait3A_86 = tpu.memref_squeeze %dma_wait3A_85 : memref<1x100xi32, #tpu.memory_space<vmem>> -> memref<100xi32, #tpu.memory_space<vmem>>
    %dma_wait3A_87 = arith.constant 0 : i32
    %dma_wait3A_88 = arith.constant 0 : i32
    %dma_wait3A_89 = tpu.memref_slice %arg11[%dma_wait3A_87, %dma_wait3A_88] : memref<10000x64xf32, #tpu.memory_space<vmem_shared>> -> memref<10000x64xf32, #tpu.memory_space<vmem_shared>>
    tpu.wait_indirect_dma semaphore(%arg20 : memref<!tpu.dma_semaphore, #tpu.memory_space<semaphore_mem>>) src(%arg16 : memref<100x64xf32, #tpu.memory_space<vmem>>) dst(%dma_wait3A_89 : memref<10000x64xf32, #tpu.memory_space<vmem_shared>>)
    %barrier3A_90 = arith.constant 0 : index
    tpu.barrier barrier_id(%barrier3A_90)
    %eq3A_91 = arith.constant 0 : i32
    %eq3A_92 = arith.cmpi eq, %arg0, %eq3A_91 : i32
    %convert_element_type3A_93 = arith.extui %eq3A_92 : i1 to i32
    %cond3A_94 = arith.constant 0 : i32
    %cond3A_95 = arith.cmpi ne, %convert_element_type3A_93, %cond3A_94 : i32
    scf.if %cond3A_95 {
      "tpu.region"() ({
        %run_scoped3A = tpu.sem_alloc : memref<!tpu.dma_semaphore, #tpu.memory_space<semaphore_mem>>
        %dma_start3A_106 = arith.constant 0 : i32
        %dma_start3A_107 = tpu.memref_slice %arg9[%multiple_of3A, %dma_start3A_106] : memref<10000x64xf32, #tpu.memory_space<hbm>> -> memref<624x64xf32, #tpu.memory_space<hbm>>
        %dma_start3A_108 = arith.constant 0 : i32
        %dma_start3A_109 = tpu.memref_slice %arg11[%multiple_of3A, %dma_start3A_108] : memref<10000x64xf32, #tpu.memory_space<vmem_shared>> -> memref<624x64xf32, #tpu.memory_space<vmem_shared>>
        tpu.enqueue_dma source(%dma_start3A_109 : memref<624x64xf32, #tpu.memory_space<vmem_shared>>) target(%dma_start3A_107 : memref<624x64xf32, #tpu.memory_space<hbm>>) target_semaphore(%run_scoped3A : memref<!tpu.dma_semaphore, #tpu.memory_space<semaphore_mem>>)
        %dma_wait3A_110 = arith.constant 0 : i32
        %dma_wait3A_111 = tpu.memref_slice %arg9[%multiple_of3A, %dma_wait3A_110] : memref<10000x64xf32, #tpu.memory_space<hbm>> -> memref<624x64xf32, #tpu.memory_space<hbm>>
        %dma_wait3A_112 = arith.constant 0 : i32
        %dma_wait3A_113 = tpu.memref_slice %arg11[%multiple_of3A, %dma_wait3A_112] : memref<10000x64xf32, #tpu.memory_space<vmem_shared>> -> memref<624x64xf32, #tpu.memory_space<vmem_shared>>
        tpu.wait_dma2 semaphore(%run_scoped3A : memref<!tpu.dma_semaphore, #tpu.memory_space<semaphore_mem>>) src(%dma_wait3A_113 : memref<624x64xf32, #tpu.memory_space<vmem_shared>>) dst(%dma_wait3A_111 : memref<624x64xf32, #tpu.memory_space<hbm>>)
        tpu.yield
      }) : () -> ()
      %eq3A_101 = arith.constant 15 : i32
      %eq3A_102 = arith.cmpi eq, %arg1, %eq3A_101 : i32
      %convert_element_type3A_103 = arith.extui %eq3A_102 : i1 to i32
      %cond3A_104 = arith.constant 0 : i32
      %cond3A_105 = arith.cmpi ne, %convert_element_type3A_103, %cond3A_104 : i32
      scf.if %cond3A_105 {
        "tpu.region"() ({
          %run_scoped3A = tpu.sem_alloc : memref<!tpu.dma_semaphore, #tpu.memory_space<semaphore_mem>>
          %dma_start3A_106 = arith.constant 9984 : i32
          %dma_start3A_107 = arith.constant 0 : i32
          %dma_start3A_108 = tpu.memref_slice %arg9[%dma_start3A_106, %dma_start3A_107] : memref<10000x64xf32, #tpu.memory_space<hbm>> -> memref<16x64xf32, #tpu.memory_space<hbm>>
          %dma_start3A_109 = arith.constant 9984 : i32
          %dma_start3A_110 = arith.constant 0 : i32
          %dma_start3A_111 = tpu.memref_slice %arg11[%dma_start3A_109, %dma_start3A_110] : memref<10000x64xf32, #tpu.memory_space<vmem_shared>> -> memref<16x64xf32, #tpu.memory_space<vmem_shared>>
          tpu.enqueue_dma source(%dma_start3A_111 : memref<16x64xf32, #tpu.memory_space<vmem_shared>>) target(%dma_start3A_108 : memref<16x64xf32, #tpu.memory_space<hbm>>) target_semaphore(%run_scoped3A : memref<!tpu.dma_semaphore, #tpu.memory_space<semaphore_mem>>)
          %dma_wait3A_112 = arith.constant 9984 : i32
          %dma_wait3A_113 = arith.constant 0 : i32
          %dma_wait3A_114 = tpu.memref_slice %arg9[%dma_wait3A_112, %dma_wait3A_113] : memref<10000x64xf32, #tpu.memory_space<hbm>> -> memref<16x64xf32, #tpu.memory_space<hbm>>
          %dma_wait3A_115 = arith.constant 9984 : i32
          %dma_wait3A_116 = arith.constant 0 : i32
          %dma_wait3A_117 = tpu.memref_slice %arg11[%dma_wait3A_115, %dma_wait3A_116] : memref<10000x64xf32, #tpu.memory_space<vmem_shared>> -> memref<16x64xf32, #tpu.memory_space<vmem_shared>>
          tpu.wait_dma2 semaphore(%run_scoped3A : memref<!tpu.dma_semaphore, #tpu.memory_space<semaphore_mem>>) src(%dma_wait3A_117 : memref<16x64xf32, #tpu.memory_space<vmem_shared>>) dst(%dma_wait3A_114 : memref<16x64xf32, #tpu.memory_space<hbm>>)
          tpu.yield
        }) : () -> ()
      } else {
      }
    } else {
    }
    %eq3A_96 = arith.constant 1 : i32
    %eq3A_97 = arith.cmpi eq, %arg0, %eq3A_96 : i32
    %convert_element_type3A_98 = arith.extui %eq3A_97 : i1 to i32
    %cond3A_99 = arith.constant 0 : i32
    %cond3A_100 = arith.cmpi ne, %convert_element_type3A_98, %cond3A_99 : i32
    scf.if %cond3A_100 {
      "tpu.region"() ({
        %run_scoped3A = tpu.sem_alloc : memref<!tpu.dma_semaphore, #tpu.memory_space<semaphore_mem>>
        %dma_start3A_106 = arith.constant 0 : i32
        %dma_start3A_107 = tpu.memref_slice %arg10[%multiple_of3A, %dma_start3A_106] : memref<10000x64xf32, #tpu.memory_space<hbm>> -> memref<624x64xf32, #tpu.memory_space<hbm>>
        %dma_start3A_108 = arith.constant 0 : i32
        %dma_start3A_109 = tpu.memref_slice %arg11[%multiple_of3A, %dma_start3A_108] : memref<10000x64xf32, #tpu.memory_space<vmem_shared>> -> memref<624x64xf32, #tpu.memory_space<vmem_shared>>
        tpu.enqueue_dma source(%dma_start3A_109 : memref<624x64xf32, #tpu.memory_space<vmem_shared>>) target(%dma_start3A_107 : memref<624x64xf32, #tpu.memory_space<hbm>>) target_semaphore(%run_scoped3A : memref<!tpu.dma_semaphore, #tpu.memory_space<semaphore_mem>>)
        %dma_wait3A_110 = arith.constant 0 : i32
        %dma_wait3A_111 = tpu.memref_slice %arg10[%multiple_of3A, %dma_wait3A_110] : memref<10000x64xf32, #tpu.memory_space<hbm>> -> memref<624x64xf32, #tpu.memory_space<hbm>>
        %dma_wait3A_112 = arith.constant 0 : i32
        %dma_wait3A_113 = tpu.memref_slice %arg11[%multiple_of3A, %dma_wait3A_112] : memref<10000x64xf32, #tpu.memory_space<vmem_shared>> -> memref<624x64xf32, #tpu.memory_space<vmem_shared>>
        tpu.wait_dma2 semaphore(%run_scoped3A : memref<!tpu.dma_semaphore, #tpu.memory_space<semaphore_mem>>) src(%dma_wait3A_113 : memref<624x64xf32, #tpu.memory_space<vmem_shared>>) dst(%dma_wait3A_111 : memref<624x64xf32, #tpu.memory_space<hbm>>)
        tpu.yield
      }) : () -> ()
      %eq3A_101 = arith.constant 15 : i32
      %eq3A_102 = arith.cmpi eq, %arg1, %eq3A_101 : i32
      %convert_element_type3A_103 = arith.extui %eq3A_102 : i1 to i32
      %cond3A_104 = arith.constant 0 : i32
      %cond3A_105 = arith.cmpi ne, %convert_element_type3A_103, %cond3A_104 : i32
      scf.if %cond3A_105 {
        "tpu.region"() ({
          %run_scoped3A = tpu.sem_alloc : memref<!tpu.dma_semaphore, #tpu.memory_space<semaphore_mem>>
          %dma_start3A_106 = arith.constant 9984 : i32
          %dma_start3A_107 = arith.constant 0 : i32
          %dma_start3A_108 = tpu.memref_slice %arg10[%dma_start3A_106, %dma_start3A_107] : memref<10000x64xf32, #tpu.memory_space<hbm>> -> memref<16x64xf32, #tpu.memory_space<hbm>>
          %dma_start3A_109 = arith.constant 9984 : i32
          %dma_start3A_110 = arith.constant 0 : i32
          %dma_start3A_111 = tpu.memref_slice %arg11[%dma_start3A_109, %dma_start3A_110] : memref<10000x64xf32, #tpu.memory_space<vmem_shared>> -> memref<16x64xf32, #tpu.memory_space<vmem_shared>>
          tpu.enqueue_dma source(%dma_start3A_111 : memref<16x64xf32, #tpu.memory_space<vmem_shared>>) target(%dma_start3A_108 : memref<16x64xf32, #tpu.memory_space<hbm>>) target_semaphore(%run_scoped3A : memref<!tpu.dma_semaphore, #tpu.memory_space<semaphore_mem>>)
          %dma_wait3A_112 = arith.constant 9984 : i32
          %dma_wait3A_113 = arith.constant 0 : i32
          %dma_wait3A_114 = tpu.memref_slice %arg10[%dma_wait3A_112, %dma_wait3A_113] : memref<10000x64xf32, #tpu.memory_space<hbm>> -> memref<16x64xf32, #tpu.memory_space<hbm>>
          %dma_wait3A_115 = arith.constant 9984 : i32
          %dma_wait3A_116 = arith.constant 0 : i32
          %dma_wait3A_117 = tpu.memref_slice %arg11[%dma_wait3A_115, %dma_wait3A_116] : memref<10000x64xf32, #tpu.memory_space<vmem_shared>> -> memref<16x64xf32, #tpu.memory_space<vmem_shared>>
          tpu.wait_dma2 semaphore(%run_scoped3A : memref<!tpu.dma_semaphore, #tpu.memory_space<semaphore_mem>>) src(%dma_wait3A_117 : memref<16x64xf32, #tpu.memory_space<vmem_shared>>) dst(%dma_wait3A_114 : memref<16x64xf32, #tpu.memory_space<hbm>>)
          tpu.yield
        }) : () -> ()
      } else {
      }
    } else {
    }
    return
  }
}

module attributes {stable_mosaic.version = 14 : i64} {
  func.func @_mm_body(%arg0: i32, %arg1: memref<1000x128xf32, #tpu.memory_space<vmem>>, %arg2: memref<128x64xf32, #tpu.memory_space<vmem>>, %arg3: memref<1000x64xf32, #tpu.memory_space<vmem>>) attributes {dimension_semantics = [#tpu.dimension_semantics<arbitrary>], iteration_bounds = array<i64: 10>, scalar_prefetch = 0 : i64, scratch_operands = 0 : i64, tpu.core_type = #tpu.core_type<tc>, window_params = [{transform_indices = @transform_0, window_bounds = array<i64: 1000, 128>}, {pipeline_mode = #tpu.pipeline_mode<synchronous>, transform_indices = @transform_1, window_bounds = array<i64: 128, 64>}, {transform_indices = @transform_2, window_bounds = array<i64: 1000, 64>}]} {
    %get3A = arith.constant 0 : index
    %get3A_0 = arith.constant 0 : index
    %get3A_1 = vector.load %arg1[%get3A, %get3A_0] : memref<1000x128xf32, #tpu.memory_space<vmem>>, vector<1000x128xf32>
    %get3A_2 = arith.constant 0 : index
    %get3A_3 = arith.constant 0 : index
    %get3A_4 = vector.load %arg2[%get3A_2, %get3A_3] : memref<128x64xf32, #tpu.memory_space<vmem>>, vector<128x64xf32>
    %dot_general3A = arith.constant dense<0.000000e+00> : vector<1000x64xf32>
    %dot_general3A_5 = tpu.matmul %get3A_1, %get3A_4, %dot_general3A {dimension_numbers = #tpu.dot_dimension_numbers<[1], [0], [0], [1], [0, 0, 1, 1], [], []>, transpose_lhs_hint = false} : vector<1000x128xf32>, vector<128x64xf32>, vector<1000x64xf32> -> vector<1000x64xf32>
    %swap3A = arith.constant 0 : index
    %swap3A_6 = arith.constant 0 : index
    %swap3A_7 = vector.load %arg3[%swap3A, %swap3A_6] : memref<1000x64xf32, #tpu.memory_space<vmem>>, vector<1000x64xf32>
    tpu.vector_store %arg3[%swap3A, %swap3A_6], %dot_general3A_5 {strides = array<i32>} : memref<1000x64xf32, #tpu.memory_space<vmem>>, vector<1000x64xf32>,
    return
  }
  func.func @transform_0(%arg0: i32) -> (i32, i32) {
    %c0_i32 = arith.constant 0 : i32
    %c0_i32_0 = arith.constant 0 : i32
    return %arg0, %c0_i32 : i32, i32
  }
  func.func @transform_1(%arg0: i32) -> (i32, i32) {
    %c0_i32 = arith.constant 0 : i32
    %c0_i32_0 = arith.constant 0 : i32
    %c0_i32_1 = arith.constant 0 : i32
    return %c0_i32, %c0_i32_0 : i32, i32
  }
  func.func @transform_2(%arg0: i32) -> (i32, i32) {
    %c0_i32 = arith.constant 0 : i32
    %c0_i32_0 = arith.constant 0 : i32
    return %arg0, %c0_i32 : i32, i32
  }
}

module attributes {stable_mosaic.version = 14 : i64} {
  func.func @_ew_body(%arg0: memref<2500x128xf32, #tpu.memory_space<vmem>>, %arg1: memref<2500x128xf32, #tpu.memory_space<vmem>>, %arg2: memref<2500x128xf32, #tpu.memory_space<vmem>>, %arg3: memref<2500x128xf32, #tpu.memory_space<vmem>>, %arg4: memref<1x64xf32, #tpu.memory_space<vmem>>, %arg5: memref<1x64xf32, #tpu.memory_space<vmem>>, %arg6: memref<1x64xf32, #tpu.memory_space<vmem>>, %arg7: memref<1x64xf32, #tpu.memory_space<vmem>>, %arg8: memref<1x64xf32, #tpu.memory_space<vmem>>, %arg9: memref<2500x128xf32, #tpu.memory_space<vmem>>, %arg10: memref<1x64xf32, #tpu.memory_space<vmem>>, %arg11: memref<1x64xf32, #tpu.memory_space<vmem>>) attributes {dimension_semantics = [], scalar_prefetch = 0 : i64, scratch_operands = 0 : i64, tpu.core_type = #tpu.core_type<tc>} {
    %get3A = arith.constant 0 : index
    %get3A_0 = arith.constant 0 : index
    %get3A_1 = vector.load %arg0[%get3A, %get3A_0] : memref<2500x128xf32, #tpu.memory_space<vmem>>, vector<2500x128xf32>
    %get3A_2 = arith.constant 0 : index
    %get3A_3 = arith.constant 0 : index
    %get3A_4 = vector.load %arg1[%get3A_2, %get3A_3] : memref<2500x128xf32, #tpu.memory_space<vmem>>, vector<2500x128xf32>
    %add3A = arith.addf %get3A_1, %get3A_4 : vector<2500x128xf32>
    %get3A_5 = arith.constant 0 : index
    %get3A_6 = arith.constant 0 : index
    %get3A_7 = vector.load %arg2[%get3A_5, %get3A_6] : memref<2500x128xf32, #tpu.memory_space<vmem>>, vector<2500x128xf32>
    %add3A_8 = arith.addf %add3A, %get3A_7 : vector<2500x128xf32>
    %get3A_9 = arith.constant 0 : index
    %get3A_10 = arith.constant 0 : index
    %get3A_11 = vector.load %arg3[%get3A_9, %get3A_10] : memref<2500x128xf32, #tpu.memory_space<vmem>>, vector<2500x128xf32>
    %add3A_12 = arith.addf %add3A_8, %get3A_11 : vector<2500x128xf32>
    %mul3A = arith.constant 2.500000e-01 : f32
    %mul3A_13 = vector.broadcast %mul3A : f32 to vector<2500x128xf32>
    %mul3A_14 = arith.mulf %add3A_12, %mul3A_13 : vector<2500x128xf32>
    %swap3A = arith.constant 0 : index
    %swap3A_15 = arith.constant 0 : index
    %swap3A_16 = vector.load %arg9[%swap3A, %swap3A_15] : memref<2500x128xf32, #tpu.memory_space<vmem>>, vector<2500x128xf32>
    tpu.vector_store %arg9[%swap3A, %swap3A_15], %mul3A_14 {strides = array<i32>} : memref<2500x128xf32, #tpu.memory_space<vmem>>, vector<2500x128xf32>,
    %get3A_17 = arith.constant 0 : index
    %get3A_18 = arith.constant 0 : index
    %get3A_19 = vector.load %arg5[%get3A_17, %get3A_18] : memref<1x64xf32, #tpu.memory_space<vmem>>, vector<1x64xf32>
    %get3A_20 = arith.constant 0 : index
    %get3A_21 = arith.constant 0 : index
    %get3A_22 = vector.load %arg8[%get3A_20, %get3A_21] : memref<1x64xf32, #tpu.memory_space<vmem>>, vector<1x64xf32>
    %add3A_23 = arith.constant 9.99999974E-6 : f32
    %add3A_24 = vector.broadcast %add3A_23 : f32 to vector<1x64xf32>
    %add3A_25 = arith.addf %get3A_22, %add3A_24 : vector<1x64xf32>
    %rsqrt3A = math.rsqrt %add3A_25 : vector<1x64xf32>
    %mul3A_26 = arith.mulf %get3A_19, %rsqrt3A : vector<1x64xf32>
    %swap3A_27 = arith.constant 0 : index
    %swap3A_28 = arith.constant 0 : index
    %swap3A_29 = vector.load %arg10[%swap3A_27, %swap3A_28] : memref<1x64xf32, #tpu.memory_space<vmem>>, vector<1x64xf32>
    tpu.vector_store %arg10[%swap3A_27, %swap3A_28], %mul3A_26 {strides = array<i32>} : memref<1x64xf32, #tpu.memory_space<vmem>>, vector<1x64xf32>,
    %get3A_30 = arith.constant 0 : index
    %get3A_31 = arith.constant 0 : index
    %get3A_32 = vector.load %arg6[%get3A_30, %get3A_31] : memref<1x64xf32, #tpu.memory_space<vmem>>, vector<1x64xf32>
    %get3A_33 = arith.constant 0 : index
    %get3A_34 = arith.constant 0 : index
    %get3A_35 = vector.load %arg4[%get3A_33, %get3A_34] : memref<1x64xf32, #tpu.memory_space<vmem>>, vector<1x64xf32>
    %get3A_36 = arith.constant 0 : index
    %get3A_37 = arith.constant 0 : index
    %get3A_38 = vector.load %arg7[%get3A_36, %get3A_37] : memref<1x64xf32, #tpu.memory_space<vmem>>, vector<1x64xf32>
    %sub3A = arith.subf %get3A_35, %get3A_38 : vector<1x64xf32>
    %mul3A_39 = arith.mulf %sub3A, %mul3A_26 : vector<1x64xf32>
    %add3A_40 = arith.addf %get3A_32, %mul3A_39 : vector<1x64xf32>
    %swap3A_41 = arith.constant 0 : index
    %swap3A_42 = arith.constant 0 : index
    %swap3A_43 = vector.load %arg11[%swap3A_41, %swap3A_42] : memref<1x64xf32, #tpu.memory_space<vmem>>, vector<1x64xf32>
    tpu.vector_store %arg11[%swap3A_41, %swap3A_42], %add3A_40 {strides = array<i32>} : memref<1x64xf32, #tpu.memory_space<vmem>>, vector<1x64xf32>,
    return
  }
}

module attributes {stable_mosaic.version = 14 : i64} {
  func.func @_mm_bias_body(%arg0: i32, %arg1: memref<1000x64xf32, #tpu.memory_space<vmem>>, %arg2: memref<1000x64xf32, #tpu.memory_space<vmem>>, %arg3: memref<64x128xf32, #tpu.memory_space<vmem>>, %arg4: memref<1x128xf32, #tpu.memory_space<vmem>>, %arg5: memref<1000x128xf32, #tpu.memory_space<vmem>>) attributes {dimension_semantics = [#tpu.dimension_semantics<arbitrary>], iteration_bounds = array<i64: 10>, scalar_prefetch = 0 : i64, scratch_operands = 0 : i64, tpu.core_type = #tpu.core_type<tc>, window_params = [{transform_indices = @transform_0, window_bounds = array<i64: 1000, 64>}, {transform_indices = @transform_1, window_bounds = array<i64: 1000, 64>}, {pipeline_mode = #tpu.pipeline_mode<synchronous>, transform_indices = @transform_2, window_bounds = array<i64: 64, 128>}, {pipeline_mode = #tpu.pipeline_mode<synchronous>, transform_indices = @transform_3, window_bounds = array<i64: 1, 128>}, {transform_indices = @transform_4, window_bounds = array<i64: 1000, 128>}]} {
    %get3A = arith.constant 0 : index
    %get3A_0 = arith.constant 0 : index
    %get3A_1 = vector.load %arg1[%get3A, %get3A_0] : memref<1000x64xf32, #tpu.memory_space<vmem>>, vector<1000x64xf32>
    %get3A_2 = arith.constant 0 : index
    %get3A_3 = arith.constant 0 : index
    %get3A_4 = vector.load %arg2[%get3A_2, %get3A_3] : memref<1000x64xf32, #tpu.memory_space<vmem>>, vector<1000x64xf32>
    %add3A = arith.addf %get3A_1, %get3A_4 : vector<1000x64xf32>
    %get3A_5 = arith.constant 0 : index
    %get3A_6 = arith.constant 0 : index
    %get3A_7 = vector.load %arg3[%get3A_5, %get3A_6] : memref<64x128xf32, #tpu.memory_space<vmem>>, vector<64x128xf32>
    %dot_general3A = arith.constant dense<0.000000e+00> : vector<1000x128xf32>
    %dot_general3A_8 = tpu.matmul %add3A, %get3A_7, %dot_general3A {dimension_numbers = #tpu.dot_dimension_numbers<[1], [0], [0], [1], [0, 0, 1, 1], [], []>, transpose_lhs_hint = false} : vector<1000x64xf32>, vector<64x128xf32>, vector<1000x128xf32> -> vector<1000x128xf32>
    %get3A_9 = arith.constant 0 : index
    %get3A_10 = arith.constant 0 : index
    %get3A_11 = vector.load %arg4[%get3A_9, %get3A_10] : memref<1x128xf32, #tpu.memory_space<vmem>>, vector<1x128xf32>
    %add3A_12 = vector.broadcast %get3A_11 : vector<1x128xf32> to vector<1000x128xf32>
    %add3A_13 = arith.addf %dot_general3A_8, %add3A_12 : vector<1000x128xf32>
    %swap3A = arith.constant 0 : index
    %swap3A_14 = arith.constant 0 : index
    %swap3A_15 = vector.load %arg5[%swap3A, %swap3A_14] : memref<1000x128xf32, #tpu.memory_space<vmem>>, vector<1000x128xf32>
    tpu.vector_store %arg5[%swap3A, %swap3A_14], %add3A_13 {strides = array<i32>} : memref<1000x128xf32, #tpu.memory_space<vmem>>, vector<1000x128xf32>,
    return
  }
  func.func @transform_0(%arg0: i32) -> (i32, i32) {
    %c0_i32 = arith.constant 0 : i32
    %c0_i32_0 = arith.constant 0 : i32
    return %arg0, %c0_i32 : i32, i32
  }
  func.func @transform_1(%arg0: i32) -> (i32, i32) {
    %c0_i32 = arith.constant 0 : i32
    %c0_i32_0 = arith.constant 0 : i32
    return %arg0, %c0_i32 : i32, i32
  }
  func.func @transform_2(%arg0: i32) -> (i32, i32) {
    %c0_i32 = arith.constant 0 : i32
    %c0_i32_0 = arith.constant 0 : i32
    %c0_i32_1 = arith.constant 0 : i32
    return %c0_i32, %c0_i32_0 : i32, i32
  }
  func.func @transform_3(%arg0: i32) -> (i32, i32) {
    %c0_i32 = arith.constant 0 : i32
    %c0_i32_0 = arith.constant 0 : i32
    %c0_i32_1 = arith.constant 0 : i32
    return %c0_i32, %c0_i32_0 : i32, i32
  }
  func.func @transform_4(%arg0: i32) -> (i32, i32) {
    %c0_i32 = arith.constant 0 : i32
    %c0_i32_0 = arith.constant 0 : i32
    return %arg0, %c0_i32 : i32, i32
  }
}

</mosaic_0001>

<sc_bundles>
// kernel: kernel.10.cloned.1.call-start
scs
__scs_entry_jumppad:
0x0: {  	(pc) =	sbr.rel $0x88, $3  }
0x1: {  	(tag) =	ssettag $0x0;
	lr =	simm.s32 $0x1  }
0x2: {  	[smem:$0x3F96] =	sst lr;
	_ =	strace $0xD0000000  }
0x3: {  	_ = 	snop  }
0x4: {  	_ = 	snop  }
0x5: {  	_ = 	snop  }
0x6: {  	_ = 	snop  }
0x7: {  	_ = 	snop  }
__scs_overlays_trampoline_lowered:
0x8: {  	[smem:$0x3FA5] =	sst s0  }
0x9: {  	[smem:$0x3FA6] =	sst s1  }
0xa: {  	[smem:$0x3FA7] =	sst s2  }
0xb: {  	[smem:$0x3FA8] =	sst s3  }
0xc: {  	[smem:$0x3FA9] =	sst s4  }
0xd: {  	[smem:$0x3FAA] =	sst s5  }
0xe: {  	[smem:$0x3FAB] =	sst s6  }
0xf: {  	[smem:$0x3FAC] =	sst s7  }
0x10: {  	[smem:$0x3FAD] =	sst s8  }
0x11: {  	[smem:$0x3FAE] =	sst s9;
	s0 =	simm.s32 @!p0 $0x0  }
0x12: {  	s1 =	sld [smem:$0x3F94];
	s0 =	simm.s32 @p0 $0x1  }
0x13: {  	[smem:$0x3FAF] =	sst s0;
	s0 =	simm.s32 @!p1 $0x0  }
0x14: {  	s2 =	sld [smem:$0x3F93];
	s0 =	simm.s32 @p1 $0x1  }
0x15: {  	[smem:$0x3FB0] =	sst s0;
	s0 =	simm.s32 @!p2 $0x0  }
0x16: {  	s3 =	sld [smem:$0x3FDB];
	s0 =	simm.s32 @p2 $0x1  }
0x17: {  	s4 =	simm.s32 $0x1BF5;
	[smem:$0x3FB2] =	sst s0  }
0x18: {  	s0 =	sld [smem:$0x3F95];
	_ =	swait.ge [sflag:s4], $0x0  }
0x19: {  	s7 =	sld [smem:$0x3F96]  }
0x1a: {  	s8 =	sadd.s32 $0xFFFFE003, lr  }
0x1b: {  	s9 =	sadd.s32 $0xFFFFFEF7, lr;
	s5 =	simm.s32 $0xFFFFFFFF;
	p2 =	slt.u32 s8, $0xFFFFF086  }
0x1c: {  	p1 =	slt.u32 s9, $0xF7A;
	s5 =	simm.s32 @!p2 $0x0  }
0x1d: {  	s5 =	simm.s32 @p1 $0x1;
	p0 =	seq.s32 s7, s2  }
0x1e: {  	s7 =	smul.u32 @!p0 $0xF7A, s2;
	p2 =	seq.s32 @!p0 s5, $0x0  }
0x1f: {  	s9 =	smul.u32 $0xF7A, s1;
	s8 =	simm.s32 @!p0 $0x1BF5;
	p2 =	por !p2, p0  }
0x20: {  	[sflag:s8] =	ssyncset.s32 @!p0 $0xFFFFF086;
	s6 =	sadd.s32 @!p0 s3, s7;
	s7 =	simm.s32 @!p0 $0x108  }
0x21: {  	s3 =	sadd.s32 s3, s9;
	s6 =	sadd.s32 @!p0 $0x88, s6;
	s7 =	simm.s32 @p2 $0x1082  }
0x22: {  	[simem:s7], [sflag:s8] =	dma.local @!p0 [hbm:s6], $0xF7A  }
0x23: {  	s9 =	sor.u32 $0xD0000000, s2;
	s6 =	simm.s32 $0x108;
	_ =	swait.ge @!p0 [sflag:s8], $0x0  }
0x24: {  	s3 =	sadd.s32 $0x88, s3;
	s6 =	simm.s32 @!p1 $0x1082;
	[sflag:s4] =	ssyncset.s32 $0xFFFFF086  }
0x25: {  	[simem:s6], [sflag:s4] =	dma.local [hbm:s3], $0xF7A  }
0x26: {  	[smem:$0x3F96] =	sst s1;
	(tag) =	ssettag s2;
	_ =	strace s9  }
0x27: {  	s1 =	sld [smem:$0x3FA6]  }
0x28: {  	s2 =	sld [smem:$0x3FA7]  }
0x29: {  	s4 =	sld [smem:$0x3FA9]  }
0x2a: {  	p0 =	seq.s32 s5, $0x0;
	s5 =	sld [smem:$0x3FAA]  }
0x2b: {  	s6 =	sld [smem:$0x3FAB]  }
0x2c: {  	s7 =	sld [smem:$0x3FAC]  }
0x2d: {  	s3 =	simm.s32 $0x108;
	s8 =	sld [smem:$0x3FAD]  }
0x2e: {  	s3 =	simm.s32 @!p0 $0x1082;
	s9 =	sld [smem:$0x3FAE]  }
0x2f: {  	lr =	sadd.s32 s0, s3;
	s0 =	sld [smem:$0x3FA5]  }
0x30: {  	s3 =	sld [smem:$0x3FA8]  }
0x31: {  	[smem:$0x3FB1] =	sst s10  }
0x32: {  	s10 =	sld [smem:$0x3FAF];
	_ =	sdelay $0x3  }
0x33: {  	p0 =	seq.s32 s10, $0x1;
	s10 =	sld [smem:$0x3FB1];
	_ =	sdelay $0x3  }
0x34: {  	[smem:$0x3FB1] =	sst s10  }
0x35: {  	s10 =	sld [smem:$0x3FB0];
	_ =	sdelay $0x3  }
0x36: {  	p1 =	seq.s32 s10, $0x1;
	s10 =	sld [smem:$0x3FB1];
	_ =	sdelay $0x3  }
0x37: {  	[smem:$0x3FB1] =	sst s10  }
0x38: {  	s10 =	sld [smem:$0x3FB2]  }
0x39: {  	_ = 	snop;
	(pc) =	sbr.ind lr, $3  }
0x3a: {  	_ = 	snop  }
0x3b: {  	_ = 	snop  }
0x3c: {  	p2 =	seq.s32 s10, $0x1;
	s10 =	sld [smem:$0x3FB1]  }
0x3d: {  	_ =	shalt  }
0x3e: {  	_ =	shalt  }
0x3f: {  	_ =	shalt  }
0x40: {  	_ =	shalt  }
0x41: {  	_ =	shalt  }
0x42: {  	_ =	shalt  }
0x43: {  	_ =	shalt  }
0x44: {  	_ =	shalt  }
0x45: {  	_ =	shalt  }
0x46: {  	_ =	shalt  }
0x47: {  	_ =	shalt  }
0x48: {  	_ =	shalt  }
0x49: {  	_ =	shalt  }
0x4a: {  	_ =	shalt  }
0x4b: {  	_ =	shalt  }
0x4c: {  	_ =	shalt  }
0x4d: {  	_ =	shalt  }
0x4e: {  	_ =	shalt  }
0x4f: {  	_ =	shalt  }
0x50: {  	_ =	shalt  }
0x51: {  	_ =	shalt  }
0x52: {  	_ =	shalt  }
0x53: {  	_ =	shalt  }
0x54: {  	_ =	shalt  }
0x55: {  	_ =	shalt  }
0x56: {  	_ =	shalt  }
0x57: {  	_ =	shalt  }
0x58: {  	_ =	shalt  }
0x59: {  	_ =	shalt  }
0x5a: {  	_ =	shalt  }
0x5b: {  	_ =	shalt  }
0x5c: {  	_ =	shalt  }
0x5d: {  	_ =	shalt  }
0x5e: {  	_ =	shalt  }
0x5f: {  	_ =	shalt  }
0x60: {  	_ =	shalt  }
0x61: {  	_ =	shalt  }
0x62: {  	_ =	shalt  }
0x63: {  	_ =	shalt  }
0x64: {  	_ =	shalt  }
0x65: {  	_ =	shalt  }
0x66: {  	_ =	shalt  }
0x67: {  	_ =	shalt  }
0x68: {  	_ =	shalt  }
0x69: {  	_ =	shalt  }
0x6a: {  	_ =	shalt  }
0x6b: {  	_ =	shalt  }
0x6c: {  	_ =	shalt  }
0x6d: {  	_ =	shalt  }
0x6e: {  	_ =	shalt  }
0x6f: {  	_ =	shalt  }
0x70: {  	_ =	shalt  }
0x71: {  	_ =	shalt  }
0x72: {  	_ =	shalt  }
0x73: {  	_ =	shalt  }
0x74: {  	_ =	shalt  }
0x75: {  	_ =	shalt  }
0x76: {  	_ =	shalt  }
0x77: {  	_ =	shalt  }
0x78: {  	_ =	shalt  }
0x79: {  	_ =	shalt  }
0x7a: {  	_ =	shalt  }
0x7b: {  	_ =	shalt  }
0x7c: {  	_ =	shalt  }
0x7d: {  	_ =	shalt  }
0x7e: {  	_ =	shalt  }
0x7f: {  	_ =	shalt  }
0x80: {  	_ =	shalt  }
0x81: {  	_ =	shalt  }
0x82: {  	_ =	shalt  }
0x83: {  	_ =	shalt  }
0x84: {  	_ =	shalt  }
0x85: {  	_ =	shalt  }
0x86: {  	_ =	shalt  }
0x87: {  	_ =	shalt  }
.Lfunc_end0:
.L_simem_size_0:
called_computation.1_lowered:
.L_overlay_start_0:
0x88: {  	s2 =	sld [smem:$0x3FD9]  }
0x89: {  	s3 =	sld [smem:$0x3FFE];
	_ =	sdelay $0x1  }
0x8a: {  	s1 =	srdreg.scid  }
0x8b: {  	s0 =	sand.u32 $0x1, s1  }
0x8c: {  	s17 =	sshll.u32 s0, $0xA;
	s2 =	sadd.s32 s3, s2  }
0x8d: {  	s2 =	sadd.s32 s2, s17  }
0x8e: {  	[smem:$0x3FBD] =	sst s2  }
0x8f: {  	_ = 	snop  }
0x90: {  	s2 =	sld [smem:$0x3FD0];
	(tm) =	ssettm $0x1  }
0x91: {  	s18 =	sld [smem:$0x3FFB];
	_ =	sdelay $0x3  }
0x92: {  	_ =	strace s18  }
0x93: {  	s3 =	sld [smem:$0x3FFC];
	_ =	sdelay $0x3  }
0x94: {  	_ =	strace s3  }
0x95: {  	s3 =	sld [smem:$0x3FFD];
	_ =	sdelay $0x3  }
0x96: {  	_ =	strace s3  }
0x97: {  	_ =	strace $0x8FFFFFFF  }
0x98: {  	s19 =	sld [smem:$0x3FDB];
	_ =	sdelay $0x1  }
0x99: {  	s4 =	simm.s32 $_scs_section_size  }
0x9a: {  	s5 =	simm.s32 $_size__tile_overlayer_lowered;
	s6 =	simm.s32 $_tile_overlayer_lowered  }
0x9b: {  	s22 =	simm.s32 $0x1BFF;
	s21 =	sshll.u32 s6, $0x1;
	s3 =	sadd.s32 s4, s19  }
0x9c: {  	s7 =	simm.s32 $0x0;
	s20 =	sshll.u32 s5, $0x1;
	s5 =	sadd.s32 s21, s3  }
0x9d: {  	[timem:s7], [sflag:s22] =	dma.local [hbm:s5], s20  }
0x9e: {  	_ =	swait.ge [sflag:s22], s20  }
0x9f: {  	s4 =	ssub.s32 $0x0, s20;
	[sflag:s22] =	ssyncset.done $0x0  }
0xa0: {  	[sflag:s22] =	ssyncadd.s32 s4;
	_ =	sdelay $0x1  }
0xa1: {  	s23 =	simm.s32 $0x1B8B  }
0xa2: {  	_ =	swait.ge [sflag:s23], $0x1  }
0xa3: {  	[sflag:s23] =	ssyncset.done $0x0  }
0xa4: {  	s25 =	simm.s32 $0x1B8E;
	s24 =	sld [smem:$0x3FFE];
	[sflag:s23] =	ssyncadd.s32 $0xFFFFFFFF  }
0xa5: {  	s26 =	simm.s32 $execute0_lowered;
	[smem:$0x3FD2] =	sst s25  }
0xa6: {  	s5 =	sshll.u32 s26, $0x1;
	_ =	strace $0x80000049;
	[dreg:$0x1] =	wrdreg $0xFFFFFFFF  }
0xa7: {  	s28 =	simm.s32 $_size_execute0_lowered;
	s3 =	sadd.s32 s3, s5;
	[dreg:$0x0] =	wrdreg $0x0  }
0xa8: {  	s5 =	sshll.u32 s28, $0x1;
	[dreg:$0x2] =	wrdreg s3  }
0xa9: {  	[dreg:$0x3] =	wrdreg s5  }
0xaa: {  	[dreg:$0x4] =	wrdreg $0xC0  }
0xab: {  	_ =	task [dreg:s7], $0x5FFFF  }
0xac: {  	[dreg:$0x1] =	wrdreg $0xFFFFFFFF  }
0xad: {  	[dreg:$0x0] =	wrdreg $0x60  }
0xae: {  	[dreg:$0x2] =	wrdreg s24  }
0xaf: {  	[dreg:$0x3] =	wrdreg s2  }
0xb0: {  	[dreg:$0x4] =	wrdreg $0x0  }
0xb1: {  	[dreg:$0x5] =	wrdreg $0x9C400  }
0xb2: {  	[dreg:$0x6] =	wrdreg $0x9  }
0xb3: {  	_ =	task.clear_ibuf [dreg:s7], $0x7FFFF;
	_ =	strace $0x90000049  }
0xb4: {  	s29 =	simm.s32 $0x9;
	_ =	strace $0x8000004B  }
0xb5: {  	_ =	swait.ge [sflag:s29], $0x1  }
0xb6: {  	[sflag:s29] =	ssyncadd.s32 $0xFFFFFFFF  }
0xb7: {  	_ =	strace $0x9000004B  }
0xb8: {  	_ =	sfence  }
0xb9: {  	s30 =	sld [smem:$0x0];
	_ =	sdelay $0x2  }
0xba: {  	s31 =	sshll.u32 s1, $0xD;
	s1 =	sshrl.u32 s1, $0x2  }
0xbb: {  	s3 =	sand.u32 $0x4000, s31;
	s1 =	sadd.s32 s1, s30  }
0xbc: {  	s0 =	sor.u32 s3, s0;
	s1 =	sshll.u32 s1, $0x11  }
0xbd: {  	s0 =	sor.u32 s1, s0  }
0xbe: {  	s0 =	sadd.s32 $0x8F2B, s0  }
0xbf: {  	[sflag:s0] =	ssyncadd.remote.s32 $0x1  }
0xc0: {  	_ =	sfence.sel $0xFFFF  }
0xc1: {  	[dreg:$0x0] =	wrdreg $0xFFFFFFFF;
	(pc) =	sbr.abs _section_cstart, $3  }
0xc2: {  	[dreg:$0x1] =	wrdreg $0xFFFFFFFF  }
0xc3: {  	_ =	task.clear_ibuf [dreg:s7], $0x2FFFF;
	_ =	strace $0x9FFFFFFF  }
0xc4: {  	(tm) =	ssettm $0x7FFFFFFF  }
0xc5: {  	_ =	shalt  }
tec
execute0_lowered:
.L_overlay_start_1:
0x0: {  	(tag) =	ssettag $0x1  }
0x1: {  	s8 =	rddreg [dreg:$0x0]  }
0x2: {  	s18 =	rddreg [dreg:$0x1]  }
0x3: {  	s3 =	rddreg [dreg:$0x2]  }
0x4: {  	s4 =	rddreg [dreg:$0x3]  }
0x5: {  	s0 =	srdreg.scid;
	s19 =	stileid.u32;
	s5 =	simm.s32 $0x0  }
0x6: {  	s0 =	sand.u32 $0x1, s0;
	s1 =	sshll.u32 s19, $0x1;
	[smem:$0x7FF] =	sst s5  }
0x7: {  	s2 =	smul.u32 $0x9C00, s19;
	s6 =	sadd.s32 $0x33E00, s8;
	s7 =	sadd.s32 $0x47800, s8  }
0x8: {  	p1 =	sne.s32 s19, $0xF;
	p2 =	seq.s32 s19, $0xF;
	s19 =	simm.s32 $0x2  }
0x9: {  	s1 =	sor.u32 s0, s1;
	_ =	strace $0x8000004A;
	s10 =	ssub.s32 $0x2, s0  }
0xa: {  	p0 =	seq.s32 s0, $0x1;
	s1 =	smul.u32 $0x514, s1;
	s9 =	sshrl.u32 s2, $0x3  }
0xb: {  	s12 =	sshrl.u32 s10, $0x1;
	s13 =	sadd.s32 $0x2700, s2;
	s11 =	sadd.s32 s9, s8  }
0xc: {  	s14 =	sadd.s32 $0x4E00, s2;
	s22 =	sshrl.u32 s13, $0x3;
	s11 =	sadd.s32 $0x20400, s11  }
0xd: {  	s25 =	sshrl.u32 s14, $0x3;
	s23 =	sadd.s32 s6, s22;
	[dreg:$0x7] =	wrdreg s11  }
0xe: {  	s10 =	ssub.s32 s10, s12;
	s26 =	sadd.s32 s6, s25;
	[dreg:$0xa] =	wrdreg s23  }
0xf: {  	s1 =	sadd.s32 s1, s8;
	s0 =	sadd.s32 s7, s25;
	[dreg:$0xe] =	wrdreg s26  }
0x10: {  	s12 =	sadd.s32 $0x1380, s2;
	s17 =	sadd.s32 $0xBE00, s1;
	[dreg:$0xf] =	wrdreg s0  }
0x11: {  	s20 =	sshrl.u32 s12, $0x3;
	s1 =	sadd.s32 $0x1A00, s1;
	[dreg:$0x5] =	wrdreg s17  }
0x12: {  	s29 =	sadd.s32 s13, s4;
	s21 =	sadd.s32 s6, s20;
	[dreg:$0x6] =	wrdreg s1  }
0x13: {  	s31 =	sadd.s32 s14, s4;
	s11 =	sadd.s32 s7, s22;
	[dreg:$0x8] =	wrdreg s21  }
0x14: {  	s13 =	simm.s32 $0x1BC40;
	s26 =	sadd.s32 s6, s9;
	[dreg:$0xb] =	wrdreg s11  }
0x15: {  	s14 =	simm.s32 $0x1CFC0;
	s1 =	sadd.s32 s7, s20;
	[dreg:$0x14] =	wrdreg s26  }
0x16: {  	s22 =	sadd.s32 $0x7500, s2;
	s20 =	sadd.s32 s2, s4;
	[dreg:$0x9] =	wrdreg s1  }
0x17: {  	s26 =	sadd.s32 $0x9C000, s4;
	s1 =	sadd.s32 $0x3A80, s2;
	[dreg:$0x19] =	wrdreg s20  }
0x18: {  	s23 =	sshrl.u32 s22, $0x3;
	[smem:$0x7FD] =	sst s26;
	s24 =	sshrl.u32 s1, $0x3  }
0x19: {  	s30 =	sadd.s32 s1, s4;
	s1 =	sadd.s32 s22, s4;
	s22 =	sadd.s32 $0x33C00, s8  }
0x1a: {  	s28 =	sadd.s32 s12, s4;
	s15 =	sadd.s32 s6, s24;
	[dreg:$0x1b] =	wrdreg s22  }
0x1b: {  	s17 =	sadd.s32 $0x8880, s2;
	s11 =	sadd.s32 s7, s24;
	[dreg:$0xc] =	wrdreg s15  }
0x1c: {  	s24 =	sadd.s32 s6, s23;
	[dreg:$0xd] =	wrdreg s11;
	s15 =	sadd.s32 $0x6180, s2  }
0x1d: {  	[dreg:$0x12] =	wrdreg s24;
	s24 =	sadd.s32 s18, s9;
	s21 =	sshrl.u32 s15, $0x3  }
0x1e: {  	s25 =	sshrl.u32 s17, $0x3;
	[dreg:$0x1e] =	wrdreg s24;
	s16 =	sadd.s32 s6, s21  }
0x1f: {  	s20 =	simm.s32 $0x3;
	s0 =	sadd.s32 s7, s21;
	[dreg:$0x10] =	wrdreg s16  }
0x20: {  	s11 =	simm.s32 $0x5;
	s6 =	sadd.s32 s6, s25;
	[dreg:$0x11] =	wrdreg s0  }
0x21: {  	s18 =	simm.s32 $0x1A2C0;
	s21 =	sadd.s32 $0x5B200, s8;
	[dreg:$0x15] =	wrdreg s6  }
0x22: {  	s16 =	sadd.s32 s7, s23;
	s0 =	sadd.s32 s7, s25;
	[dreg:$0x1a] =	wrdreg s21  }
0x23: {  	s7 =	sadd.s32 s7, s9;
	s6 =	sadd.s32 $0x20000, s8;
	[dreg:$0x13] =	wrdreg s16  }
0x24: {  	s23 =	sadd.s32 $0x47600, s8;
	s25 =	sadd.s32 s21, s9;
	[dreg:$0x16] =	wrdreg s0  }
0x25: {  	s9 =	sadd.s32 $0x9C000, s3;
	s21 =	simm.s32 $0x0;
	[dreg:$0x17] =	wrdreg s7  }
.Ltmp0:
0x26: {  	s16 =	sadd.s32 s2, s3;
	[dreg:$0x1c] =	wrdreg s23;
	(pc) =	sbr.rel .LBB2_1-.Ltmp0, $4  }
0x27: {  	s0 =	sadd.s32 s15, s4;
	s2 =	sadd.s32 s17, s4;
	[dreg:$0x1f] =	wrdreg s25  }
0x28: {  	s7 =	sadd.s32 $0x20200, s8;
	s8 =	sadd.s32 $0x5B000, s8;
	[dreg:$0x18] =	wrdreg s16  }
0x29: {  	s15 =	simm.s32 $0x64;
	s17 =	simm.s32 $0x1;
	[dreg:$0x1d] =	wrdreg s8  }
0x2a: {  	s8 =	smax.u32 s10, $0x1;
	s16 =	simm.s32 $0x189C0;
	s10 =	simm.s32 $0x4  }
.LBB2_27:
0x2b: {  	s12 =	sadd.s32 $0x13800, s12  }
0x2c: {  	[hbm:s12], [sflag:s22] =	dma.local [spmem:s23], $0x80  }
0x2d: {  	_ =	swait.ge [sflag:s11], $0x80  }
0x2e: {  	[sflag:s11] =	ssyncset.done $0x0  }
0x2f: {  	[sflag:s11] =	ssyncadd.s32 $0xFFFFFF80  }
.LBB2_28:
0x30: {  	s21 =	sadd.s32 $0x1, s21  }
0x31: {  	p3 =	sne.s32 s21, s8  }
.Ltmp1:
0x32: {  	_ = 	snop;
	(pc) =	sbr.rel @!p3 .LBB2_29-.Ltmp1, $1  }
0x33: {  	_ =	sdelay $0x3  }
.LBB2_1:
0x34: {  	s12 =	rddreg [dreg:$0x5];
	s22 =	simm.s32 $0x13880  }
0x35: {  	[tilespmem:s22], [sflag:$0x5] =	stream.linear.gather [hbm4b:s12+s5], $0x28A0, $0x38;
	[tilespmem:$0x1E340] =	vst v63  }
0x36: {  	_ =	swait.ge [sflag:s11], $0x28A0  }
0x37: {  	s23 =	simm.s32 $0x16120;
	[sflag:s11] =	ssyncset.done $0x0  }
0x38: {  	s24 =	stileid.u32;
	s22 =	rddreg [dreg:$0x6];
	[sflag:s11] =	ssyncadd.s32 $0xFFFFD760  }
0x39: {  	[tilespmem:s23], [sflag:$0x5] =	stream.linear.gather [hbm4b:s22+s5], $0x28A0, $0x38;
	[tilespmem:$0x1E340] =	vst v63  }
0x3a: {  	s12 =	sshll.u32 s24, $0x6;
	_ =	swait.ge [sflag:s11], $0x28A0  }
0x3b: {  	s22 =	sor.u32 $0x1C05, s12;
	[sflag:s11] =	ssyncset.done $0x0;
	s25 =	rddreg [dreg:$0x18]  }
0x3c: {  	s23 =	rddreg [dreg:$0x7];
	[sflag:s11] =	ssyncadd.s32 $0xFFFFD760;
	s12 =	sshrl.u32 s25, $0x3  }
0x3d: {  	[spmem:s12], [sflag:s22] =	dma.local [hbm:s23], $0x1380  }
0x3e: {  	_ =	swait.ge [sflag:s11], $0x1380  }
0x3f: {  	[sflag:s11] =	ssyncset.done $0x0  }
0x40: {  	s26 =	simm.s32 $0x1BBC0;
	[sflag:s11] =	ssyncadd.s32 $0xFFFFEC80  }
0x41: {  	[tilespmem:s26], [sflag:$0x5] =	stream.linear.gather [hbm4b:s6+s5], $0x40, $0x38;
	[tilespmem:$0x1E340] =	vst v63  }
0x42: {  	_ =	swait.ge [sflag:s11], $0x40  }
0x43: {  	[sflag:s11] =	ssyncset.done $0x0  }
0x44: {  	s24 =	simm.s32 $0x1BC00;
	[sflag:s11] =	ssyncadd.s32 $0xFFFFFFC0  }
0x45: {  	[tilespmem:s24], [sflag:$0x5] =	stream.linear.gather [hbm4b:s7+s5], $0x40, $0x38;
	[tilespmem:$0x1E340] =	vst v63  }
0x46: {  	_ =	swait.ge [sflag:s11], $0x40  }
0x47: {  	[sflag:s11] =	ssyncset.done $0x0  }
0x48: {  	s25 =	rddreg [dreg:$0x14];
	[sflag:s11] =	ssyncadd.s32 $0xFFFFFFC0  }
0x49: {  	[tilespmem:s13], [sflag:$0x5] =	stream.linear.gather [hbm4b:s25+s5], $0x1380, $0x38;
	[tilespmem:$0x1E340] =	vst v63  }
0x4a: {  	_ =	swait.ge [sflag:s11], $0x1380  }
0x4b: {  	[sflag:s11] =	ssyncset.done $0x0  }
0x4c: {  	s26 =	rddreg [dreg:$0x17];
	[sflag:s11] =	ssyncadd.s32 $0xFFFFEC80  }
0x4d: {  	[tilespmem:s14], [sflag:$0x5] =	stream.linear.gather [hbm4b:s26+s5], $0x1380, $0x38;
	[tilespmem:$0x1E340] =	vst v63  }
0x4e: {  	_ =	swait.ge [sflag:s11], $0x1380  }
0x4f: {  	[sflag:s11] =	ssyncset.done $0x0  }
0x50: {  	s23 =	simm.s32 $0x0;
	[sflag:s11] =	ssyncadd.s32 $0xFFFFEC80  }
0x51: {  	v0 =	vld [tilespmem:s23+$0x1CFC0]  }
0x52: {  	v1 =	vld [tilespmem:s23+$0x1BC40];
	_ =	sdelay $0x1  }
0x53: {  	v2 =	vld [tilespmem:$0x1BBC0];
	_ =	sdelay $0x1  }
0x54: {  	v3 =	vld [tilespmem:$0x1BC00]  }
0x55: {  	v0 =	vadd.f32 v0, v1;
	_ =	sdelay $0x1  }
0x56: {  	v0 =	vmul.f32 v2, v0;
	_ =	sdelay $0x1  }
0x57: {  	v0 =	vadd.f32 v3, v0  }
0x58: {  	v1 =	vld [tilespmem:s23+$0x1CFD0]  }
0x59: {  	v2 =	vld [tilespmem:s23+$0x1BC50];
	v0 =	vmax.f32 v0, $0.0e+00  }
0x5a: {  	[tilespmem:s23+$0x1BC40] =	vst v0  }
0x5b: {  	v0 =	vld [tilespmem:$0x1BBD0];
	_ =	sdelay $0x1  }
0x5c: {  	v3 =	vld [tilespmem:$0x1BC10]  }
0x5d: {  	v1 =	vadd.f32 v1, v2;
	_ =	sdelay $0x1  }
0x5e: {  	v0 =	vmul.f32 v0, v1;
	_ =	sdelay $0x1  }
0x5f: {  	v0 =	vadd.f32 v3, v0  }
0x60: {  	v2 =	vld [tilespmem:s23+$0x1BC60]  }
0x61: {  	v1 =	vld [tilespmem:s23+$0x1CFE0];
	v0 =	vmax.f32 v0, $0.0e+00  }
0x62: {  	[tilespmem:s23+$0x1BC50] =	vst v0  }
0x63: {  	v0 =	vld [tilespmem:$0x1BBE0];
	_ =	sdelay $0x1  }
0x64: {  	v3 =	vld [tilespmem:$0x1BC20]  }
0x65: {  	v1 =	vadd.f32 v1, v2;
	_ =	sdelay $0x1  }
0x66: {  	v0 =	vmul.f32 v0, v1;
	_ =	sdelay $0x1  }
0x67: {  	v0 =	vadd.f32 v3, v0  }
0x68: {  	v2 =	vld [tilespmem:s23+$0x1BC70]  }
0x69: {  	v1 =	vld [tilespmem:s23+$0x1CFF0];
	v0 =	vmax.f32 v0, $0.0e+00  }
0x6a: {  	[tilespmem:s23+$0x1BC60] =	vst v0  }
0x6b: {  	v0 =	vld [tilespmem:$0x1BBF0];
	_ =	sdelay $0x1  }
0x6c: {  	v3 =	vld [tilespmem:$0x1BC30]  }
0x6d: {  	v1 =	vadd.f32 v1, v2;
	_ =	sdelay $0x1  }
0x6e: {  	v0 =	vmul.f32 v0, v1;
	_ =	sdelay $0x1  }
0x6f: {  	s25 =	simm.s32 $0x40;
	v1 =	vadd.f32 v3, v0  }
0x70: {  	s24 =	simm.s32 $0x200;
	v0 =	vld [tilespmem:s25+$0x1CFC0]  }
.LBB2_2:
0x71: {  	p3 =	sne.s32 s24, $0x4D00;
	v2 =	vld [tilespmem:s25+$0x1BC40];
	v1 =	vmax.f32 v1, $0.0e+00  }
0x72: {  	[tilespmem:s23+$0x1BC70] =	vst v1;
	s23 =	smov.u32 s25  }
0x73: {  	v1 =	vld [tilespmem:$0x1BBC0]  }
0x74: {  	v3 =	vld [tilespmem:$0x1BC00];
	_ =	sdelay $0x1  }
0x75: {  	v0 =	vadd.f32 v0, v2;
	_ =	sdelay $0x1  }
0x76: {  	v0 =	vmul.f32 v1, v0;
	_ =	sdelay $0x1  }
0x77: {  	v0 =	vadd.f32 v3, v0  }
0x78: {  	v1 =	vld [tilespmem:s23+$0x1CFD0]  }
0x79: {  	v0 =	vmax.f32 v0, $0.0e+00;
	v2 =	vld [tilespmem:s23+$0x1BC50]  }
0x7a: {  	[tilespmem:s23+$0x1BC40] =	vst v0  }
0x7b: {  	v0 =	vld [tilespmem:$0x1BBD0];
	_ =	sdelay $0x1  }
0x7c: {  	v3 =	vld [tilespmem:$0x1BC10]  }
0x7d: {  	v1 =	vadd.f32 v1, v2;
	_ =	sdelay $0x1  }
0x7e: {  	v0 =	vmul.f32 v0, v1;
	_ =	sdelay $0x1  }
0x7f: {  	v0 =	vadd.f32 v3, v0  }
0x80: {  	v1 =	vld [tilespmem:s23+$0x1CFE0]  }
0x81: {  	v0 =	vmax.f32 v0, $0.0e+00;
	v2 =	vld [tilespmem:s23+$0x1BC60]  }
0x82: {  	[tilespmem:s23+$0x1BC50] =	vst v0  }
0x83: {  	v0 =	vld [tilespmem:$0x1BBE0];
	_ =	sdelay $0x1  }
0x84: {  	v3 =	vld [tilespmem:$0x1BC20]  }
0x85: {  	v1 =	vadd.f32 v1, v2;
	_ =	sdelay $0x1  }
0x86: {  	v0 =	vmul.f32 v0, v1;
	_ =	sdelay $0x1  }
0x87: {  	v0 =	vadd.f32 v3, v0  }
0x88: {  	v1 =	vld [tilespmem:s23+$0x1CFF0]  }
0x89: {  	v0 =	vmax.f32 v0, $0.0e+00;
	v2 =	vld [tilespmem:s23+$0x1BC70]  }
0x8a: {  	[tilespmem:s23+$0x1BC60] =	vst v0  }
0x8b: {  	v0 =	vld [tilespmem:$0x1BBF0]  }
0x8c: {  	v3 =	vld [tilespmem:$0x1BC30];
	_ =	sdelay $0x1  }
0x8d: {  	v1 =	vadd.f32 v1, v2  }
.Ltmp2:
0x8e: {  	(pc) =	sbr.rel @p3 .LBB2_2-.Ltmp2, $3  }
0x8f: {  	v0 =	vmul.f32 v0, v1;
	_ =	sdelay $0x1  }
0x90: {  	s25 =	sshra.s32 s24, $0x2;
	v1 =	vadd.f32 v3, v0  }
0x91: {  	s24 =	sadd.s32 $0x100, s24;
	v0 =	vld [tilespmem:s25+$0x1CFC0]  }
0x92: {  	v2 =	vld [tilespmem:s25+$0x1BC40];
	v1 =	vmax.f32 v1, $0.0e+00  }
0x93: {  	[tilespmem:s23+$0x1BC70] =	vst v1  }
0x94: {  	v1 =	vld [tilespmem:$0x1BBC0];
	_ =	sdelay $0x1  }
0x95: {  	v3 =	vld [tilespmem:$0x1BC00]  }
0x96: {  	v0 =	vadd.f32 v0, v2;
	_ =	sdelay $0x1  }
0x97: {  	v0 =	vmul.f32 v1, v0;
	_ =	sdelay $0x1  }
0x98: {  	v0 =	vadd.f32 v3, v0  }
0x99: {  	v2 =	vld [tilespmem:s25+$0x1BC50]  }
0x9a: {  	v1 =	vld [tilespmem:s25+$0x1CFD0];
	v0 =	vmax.f32 v0, $0.0e+00  }
0x9b: {  	[tilespmem:s25+$0x1BC40] =	vst v0  }
0x9c: {  	v0 =	vld [tilespmem:$0x1BBD0];
	_ =	sdelay $0x1  }
0x9d: {  	v3 =	vld [tilespmem:$0x1BC10]  }
0x9e: {  	v1 =	vadd.f32 v1, v2;
	_ =	sdelay $0x1  }
0x9f: {  	v0 =	vmul.f32 v0, v1;
	_ =	sdelay $0x1  }
0xa0: {  	v0 =	vadd.f32 v3, v0  }
0xa1: {  	v2 =	vld [tilespmem:s25+$0x1BC60]  }
0xa2: {  	v1 =	vld [tilespmem:s25+$0x1CFE0];
	v0 =	vmax.f32 v0, $0.0e+00  }
0xa3: {  	[tilespmem:s25+$0x1BC50] =	vst v0  }
0xa4: {  	v0 =	vld [tilespmem:$0x1BBE0];
	_ =	sdelay $0x1  }
0xa5: {  	v3 =	vld [tilespmem:$0x1BC20]  }
0xa6: {  	v1 =	vadd.f32 v1, v2;
	_ =	sdelay $0x1  }
0xa7: {  	v0 =	vmul.f32 v0, v1;
	_ =	sdelay $0x1  }
0xa8: {  	v0 =	vadd.f32 v3, v0  }
0xa9: {  	v2 =	vld [tilespmem:s25+$0x1BC70]  }
0xaa: {  	v1 =	vld [tilespmem:s25+$0x1CFF0];
	v0 =	vmax.f32 v0, $0.0e+00  }
0xab: {  	[tilespmem:s25+$0x1BC60] =	vst v0  }
0xac: {  	v0 =	vld [tilespmem:$0x1BBF0];
	_ =	sdelay $0x1  }
0xad: {  	v3 =	vld [tilespmem:$0x1BC30]  }
0xae: {  	v1 =	vadd.f32 v1, v2;
	_ =	sdelay $0x1  }
0xaf: {  	v0 =	vmul.f32 v0, v1;
	_ =	sdelay $0x1  }
0xb0: {  	v0 =	vadd.f32 v3, v0;
	_ =	sdelay $0x1  }
0xb1: {  	v0 =	vmax.f32 v0, $0.0e+00  }
0xb2: {  	s24 =	rddreg [dreg:$0x19];
	[tilespmem:s25+$0x1BC70] =	vst v0  }
0xb3: {  	[spmem:s24] =	stream.linear.scatter [tilespmem:s13], [sflag:$0x5], $0x1380, $0x38;
	[tilespmem:$0x1E340] =	vst v63  }
0xb4: {  	_ =	swait.ge [sflag:s11], $0x1380  }
0xb5: {  	[sflag:s11] =	ssyncset.done $0x0  }
0xb6: {  	s25 =	simm.s32 $0x0;
	s24 =	rddreg [dreg:$0x8];
	[sflag:s11] =	ssyncadd.s32 $0xFFFFEC80  }
0xb7: {  	[tilespmem:s13], [sflag:$0x5] =	stream.linear.gather [hbm4b:s24+s25], $0x1380, $0x38;
	[tilespmem:$0x1E340] =	vst v63  }
0xb8: {  	_ =	swait.ge [sflag:s11], $0x1380  }
0xb9: {  	[sflag:s11] =	ssyncset.done $0x0  }
0xba: {  	s26 =	rddreg [dreg:$0x9];
	[sflag:s11] =	ssyncadd.s32 $0xFFFFEC80  }
0xbb: {  	[tilespmem:s14], [sflag:$0x5] =	stream.linear.gather [hbm4b:s26+s25], $0x1380, $0x38;
	[tilespmem:$0x1E340] =	vst v63  }
0xbc: {  	_ =	swait.ge [sflag:s11], $0x1380  }
0xbd: {  	[sflag:s11] =	ssyncset.done $0x0  }
0xbe: {  	s23 =	simm.s32 $0x0;
	[sflag:s11] =	ssyncadd.s32 $0xFFFFEC80  }
0xbf: {  	v0 =	vld [tilespmem:s23+$0x1CFC0]  }
0xc0: {  	v1 =	vld [tilespmem:s23+$0x1BC40];
	_ =	sdelay $0x1  }
0xc1: {  	v2 =	vld [tilespmem:$0x1BBC0];
	_ =	sdelay $0x1  }
0xc2: {  	v3 =	vld [tilespmem:$0x1BC00]  }
0xc3: {  	v0 =	vadd.f32 v0, v1;
	_ =	sdelay $0x1  }
0xc4: {  	v0 =	vmul.f32 v2, v0;
	_ =	sdelay $0x1  }
0xc5: {  	v0 =	vadd.f32 v3, v0  }
0xc6: {  	v1 =	vld [tilespmem:s23+$0x1CFD0]  }
0xc7: {  	v2 =	vld [tilespmem:s23+$0x1BC50];
	v0 =	vmax.f32 v0, $0.0e+00  }
0xc8: {  	[tilespmem:s23+$0x1BC40] =	vst v0  }
0xc9: {  	v0 =	vld [tilespmem:$0x1BBD0];
	_ =	sdelay $0x1  }
0xca: {  	v3 =	vld [tilespmem:$0x1BC10]  }
0xcb: {  	v1 =	vadd.f32 v1, v2;
	_ =	sdelay $0x1  }
0xcc: {  	v0 =	vmul.f32 v0, v1;
	_ =	sdelay $0x1  }
0xcd: {  	v0 =	vadd.f32 v3, v0  }
0xce: {  	v2 =	vld [tilespmem:s23+$0x1BC60]  }
0xcf: {  	v1 =	vld [tilespmem:s23+$0x1CFE0];
	v0 =	vmax.f32 v0, $0.0e+00  }
0xd0: {  	[tilespmem:s23+$0x1BC50] =	vst v0  }
0xd1: {  	v0 =	vld [tilespmem:$0x1BBE0];
	_ =	sdelay $0x1  }
0xd2: {  	v3 =	vld [tilespmem:$0x1BC20]  }
0xd3: {  	v1 =	vadd.f32 v1, v2;
	_ =	sdelay $0x1  }
0xd4: {  	v0 =	vmul.f32 v0, v1;
	_ =	sdelay $0x1  }
0xd5: {  	v0 =	vadd.f32 v3, v0  }
0xd6: {  	v2 =	vld [tilespmem:s23+$0x1BC70]  }
0xd7: {  	v1 =	vld [tilespmem:s23+$0x1CFF0];
	v0 =	vmax.f32 v0, $0.0e+00  }
0xd8: {  	[tilespmem:s23+$0x1BC60] =	vst v0  }
0xd9: {  	v0 =	vld [tilespmem:$0x1BBF0];
	_ =	sdelay $0x1  }
0xda: {  	v3 =	vld [tilespmem:$0x1BC30]  }
0xdb: {  	v1 =	vadd.f32 v1, v2;
	_ =	sdelay $0x1  }
0xdc: {  	v0 =	vmul.f32 v0, v1;
	_ =	sdelay $0x1  }
0xdd: {  	s25 =	simm.s32 $0x40;
	v1 =	vadd.f32 v3, v0  }
0xde: {  	s24 =	simm.s32 $0x200;
	v0 =	vld [tilespmem:s25+$0x1CFC0]  }
.LBB2_4:
0xdf: {  	p3 =	sne.s32 s24, $0x4D00;
	v2 =	vld [tilespmem:s25+$0x1BC40];
	v1 =	vmax.f32 v1, $0.0e+00  }
0xe0: {  	[tilespmem:s23+$0x1BC70] =	vst v1;
	s23 =	smov.u32 s25  }
0xe1: {  	v1 =	vld [tilespmem:$0x1BBC0]  }
0xe2: {  	v3 =	vld [tilespmem:$0x1BC00];
	_ =	sdelay $0x1  }
0xe3: {  	v0 =	vadd.f32 v0, v2;
	_ =	sdelay $0x1  }
0xe4: {  	v0 =	vmul.f32 v1, v0;
	_ =	sdelay $0x1  }
0xe5: {  	v0 =	vadd.f32 v3, v0  }
0xe6: {  	v1 =	vld [tilespmem:s23+$0x1CFD0]  }
0xe7: {  	v0 =	vmax.f32 v0, $0.0e+00;
	v2 =	vld [tilespmem:s23+$0x1BC50]  }
0xe8: {  	[tilespmem:s23+$0x1BC40] =	vst v0  }
0xe9: {  	v0 =	vld [tilespmem:$0x1BBD0];
	_ =	sdelay $0x1  }
0xea: {  	v3 =	vld [tilespmem:$0x1BC10]  }
0xeb: {  	v1 =	vadd.f32 v1, v2;
	_ =	sdelay $0x1  }
0xec: {  	v0 =	vmul.f32 v0, v1;
	_ =	sdelay $0x1  }
0xed: {  	v0 =	vadd.f32 v3, v0  }
0xee: {  	v1 =	vld [tilespmem:s23+$0x1CFE0]  }
0xef: {  	v0 =	vmax.f32 v0, $0.0e+00;
	v2 =	vld [tilespmem:s23+$0x1BC60]  }
0xf0: {  	[tilespmem:s23+$0x1BC50] =	vst v0  }
0xf1: {  	v0 =	vld [tilespmem:$0x1BBE0];
	_ =	sdelay $0x1  }
0xf2: {  	v3 =	vld [tilespmem:$0x1BC20]  }
0xf3: {  	v1 =	vadd.f32 v1, v2;
	_ =	sdelay $0x1  }
0xf4: {  	v0 =	vmul.f32 v0, v1;
	_ =	sdelay $0x1  }
0xf5: {  	v0 =	vadd.f32 v3, v0  }
0xf6: {  	v1 =	vld [tilespmem:s23+$0x1CFF0]  }
0xf7: {  	v0 =	vmax.f32 v0, $0.0e+00;
	v2 =	vld [tilespmem:s23+$0x1BC70]  }
0xf8: {  	[tilespmem:s23+$0x1BC60] =	vst v0  }
0xf9: {  	v0 =	vld [tilespmem:$0x1BBF0]  }
0xfa: {  	v3 =	vld [tilespmem:$0x1BC30];
	_ =	sdelay $0x1  }
0xfb: {  	v1 =	vadd.f32 v1, v2  }
.Ltmp3:
0xfc: {  	(pc) =	sbr.rel @p3 .LBB2_4-.Ltmp3, $3  }
0xfd: {  	v0 =	vmul.f32 v0, v1;
	_ =	sdelay $0x1  }
0xfe: {  	s25 =	sshra.s32 s24, $0x2;
	v1 =	vadd.f32 v3, v0  }
0xff: {  	s24 =	sadd.s32 $0x100, s24;
	v0 =	vld [tilespmem:s25+$0x1CFC0]  }
0x100: {  	v2 =	vld [tilespmem:s25+$0x1BC40];
	v1 =	vmax.f32 v1, $0.0e+00  }
0x101: {  	[tilespmem:s23+$0x1BC70] =	vst v1  }
0x102: {  	v1 =	vld [tilespmem:$0x1BBC0];
	_ =	sdelay $0x1  }
0x103: {  	v3 =	vld [tilespmem:$0x1BC00]  }
0x104: {  	v0 =	vadd.f32 v0, v2;
	_ =	sdelay $0x1  }
0x105: {  	v0 =	vmul.f32 v1, v0;
	_ =	sdelay $0x1  }
0x106: {  	v0 =	vadd.f32 v3, v0  }
0x107: {  	v2 =	vld [tilespmem:s25+$0x1BC50]  }
0x108: {  	v1 =	vld [tilespmem:s25+$0x1CFD0];
	v0 =	vmax.f32 v0, $0.0e+00  }
0x109: {  	[tilespmem:s25+$0x1BC40] =	vst v0  }
0x10a: {  	v0 =	vld [tilespmem:$0x1BBD0];
	_ =	sdelay $0x1  }
0x10b: {  	v3 =	vld [tilespmem:$0x1BC10]  }
0x10c: {  	v1 =	vadd.f32 v1, v2;
	_ =	sdelay $0x1  }
0x10d: {  	v0 =	vmul.f32 v0, v1;
	_ =	sdelay $0x1  }
0x10e: {  	v0 =	vadd.f32 v3, v0  }
0x10f: {  	v2 =	vld [tilespmem:s25+$0x1BC60]  }
0x110: {  	v1 =	vld [tilespmem:s25+$0x1CFE0];
	v0 =	vmax.f32 v0, $0.0e+00  }
0x111: {  	[tilespmem:s25+$0x1BC50] =	vst v0  }
0x112: {  	v0 =	vld [tilespmem:$0x1BBE0];
	_ =	sdelay $0x1  }
0x113: {  	v3 =	vld [tilespmem:$0x1BC20]  }
0x114: {  	v1 =	vadd.f32 v1, v2;
	_ =	sdelay $0x1  }
0x115: {  	v0 =	vmul.f32 v0, v1;
	_ =	sdelay $0x1  }
0x116: {  	v0 =	vadd.f32 v3, v0  }
0x117: {  	v2 =	vld [tilespmem:s25+$0x1BC70]  }
0x118: {  	v1 =	vld [tilespmem:s25+$0x1CFF0];
	v0 =	vmax.f32 v0, $0.0e+00  }
0x119: {  	[tilespmem:s25+$0x1BC60] =	vst v0  }
0x11a: {  	v0 =	vld [tilespmem:$0x1BBF0];
	_ =	sdelay $0x1  }
0x11b: {  	v3 =	vld [tilespmem:$0x1BC30]  }
0x11c: {  	v1 =	vadd.f32 v1, v2;
	_ =	sdelay $0x1  }
0x11d: {  	v0 =	vmul.f32 v0, v1;
	_ =	sdelay $0x1  }
0x11e: {  	v0 =	vadd.f32 v3, v0;
	_ =	sdelay $0x1  }
0x11f: {  	v0 =	vmax.f32 v0, $0.0e+00  }
0x120: {  	[tilespmem:s25+$0x1BC70] =	vst v0  }
0x121: {  	[spmem:s28] =	stream.linear.scatter [tilespmem:s13], [sflag:$0x5], $0x1380, $0x38;
	[tilespmem:$0x1E340] =	vst v63  }
0x122: {  	_ =	swait.ge [sflag:s11], $0x1380  }
0x123: {  	[sflag:s11] =	ssyncset.done $0x0  }
0x124: {  	s25 =	simm.s32 $0x0;
	s24 =	rddreg [dreg:$0xa];
	[sflag:s11] =	ssyncadd.s32 $0xFFFFEC80  }
0x125: {  	[tilespmem:s13], [sflag:$0x5] =	stream.linear.gather [hbm4b:s24+s25], $0x1380, $0x38;
	[tilespmem:$0x1E340] =	vst v63  }
0x126: {  	_ =	swait.ge [sflag:s11], $0x1380  }
0x127: {  	[sflag:s11] =	ssyncset.done $0x0  }
0x128: {  	s26 =	rddreg [dreg:$0xb];
	[sflag:s11] =	ssyncadd.s32 $0xFFFFEC80  }
0x129: {  	[tilespmem:s14], [sflag:$0x5] =	stream.linear.gather [hbm4b:s26+s25], $0x1380, $0x38;
	[tilespmem:$0x1E340] =	vst v63  }
0x12a: {  	_ =	swait.ge [sflag:s11], $0x1380  }
0x12b: {  	[sflag:s11] =	ssyncset.done $0x0  }
0x12c: {  	s23 =	simm.s32 $0x0;
	[sflag:s11] =	ssyncadd.s32 $0xFFFFEC80  }
0x12d: {  	v0 =	vld [tilespmem:s23+$0x1CFC0]  }
0x12e: {  	v1 =	vld [tilespmem:s23+$0x1BC40];
	_ =	sdelay $0x1  }
0x12f: {  	v2 =	vld [tilespmem:$0x1BBC0];
	_ =	sdelay $0x1  }
0x130: {  	v3 =	vld [tilespmem:$0x1BC00]  }
0x131: {  	v0 =	vadd.f32 v0, v1;
	_ =	sdelay $0x1  }
0x132: {  	v0 =	vmul.f32 v2, v0;
	_ =	sdelay $0x1  }
0x133: {  	v0 =	vadd.f32 v3, v0  }
0x134: {  	v1 =	vld [tilespmem:s23+$0x1CFD0]  }
0x135: {  	v2 =	vld [tilespmem:s23+$0x1BC50];
	v0 =	vmax.f32 v0, $0.0e+00  }
0x136: {  	[tilespmem:s23+$0x1BC40] =	vst v0  }
0x137: {  	v0 =	vld [tilespmem:$0x1BBD0];
	_ =	sdelay $0x1  }
0x138: {  	v3 =	vld [tilespmem:$0x1BC10]  }
0x139: {  	v1 =	vadd.f32 v1, v2;
	_ =	sdelay $0x1  }
0x13a: {  	v0 =	vmul.f32 v0, v1;
	_ =	sdelay $0x1  }
0x13b: {  	v0 =	vadd.f32 v3, v0  }
0x13c: {  	v2 =	vld [tilespmem:s23+$0x1BC60]  }
0x13d: {  	v1 =	vld [tilespmem:s23+$0x1CFE0];
	v0 =	vmax.f32 v0, $0.0e+00  }
0x13e: {  	[tilespmem:s23+$0x1BC50] =	vst v0  }
0x13f: {  	v0 =	vld [tilespmem:$0x1BBE0];
	_ =	sdelay $0x1  }
0x140: {  	v3 =	vld [tilespmem:$0x1BC20]  }
0x141: {  	v1 =	vadd.f32 v1, v2;
	_ =	sdelay $0x1  }
0x142: {  	v0 =	vmul.f32 v0, v1;
	_ =	sdelay $0x1  }
0x143: {  	v0 =	vadd.f32 v3, v0  }
0x144: {  	v2 =	vld [tilespmem:s23+$0x1BC70]  }
0x145: {  	v1 =	vld [tilespmem:s23+$0x1CFF0];
	v0 =	vmax.f32 v0, $0.0e+00  }
0x146: {  	[tilespmem:s23+$0x1BC60] =	vst v0  }
0x147: {  	v0 =	vld [tilespmem:$0x1BBF0];
	_ =	sdelay $0x1  }
0x148: {  	v3 =	vld [tilespmem:$0x1BC30]  }
0x149: {  	v1 =	vadd.f32 v1, v2;
	_ =	sdelay $0x1  }
0x14a: {  	v0 =	vmul.f32 v0, v1;
	_ =	sdelay $0x1  }
0x14b: {  	s25 =	simm.s32 $0x40;
	v1 =	vadd.f32 v3, v0  }
0x14c: {  	s24 =	simm.s32 $0x200;
	v0 =	vld [tilespmem:s25+$0x1CFC0]  }
.LBB2_6:
0x14d: {  	p3 =	sne.s32 s24, $0x4D00;
	v2 =	vld [tilespmem:s25+$0x1BC40];
	v1 =	vmax.f32 v1, $0.0e+00  }
0x14e: {  	[tilespmem:s23+$0x1BC70] =	vst v1;
	s23 =	smov.u32 s25  }
0x14f: {  	v1 =	vld [tilespmem:$0x1BBC0]  }
0x150: {  	v3 =	vld [tilespmem:$0x1BC00];
	_ =	sdelay $0x1  }
0x151: {  	v0 =	vadd.f32 v0, v2;
	_ =	sdelay $0x1  }
0x152: {  	v0 =	vmul.f32 v1, v0;
	_ =	sdelay $0x1  }
0x153: {  	v0 =	vadd.f32 v3, v0  }
0x154: {  	v1 =	vld [tilespmem:s23+$0x1CFD0]  }
0x155: {  	v0 =	vmax.f32 v0, $0.0e+00;
	v2 =	vld [tilespmem:s23+$0x1BC50]  }
0x156: {  	[tilespmem:s23+$0x1BC40] =	vst v0  }
0x157: {  	v0 =	vld [tilespmem:$0x1BBD0];
	_ =	sdelay $0x1  }
0x158: {  	v3 =	vld [tilespmem:$0x1BC10]  }
0x159: {  	v1 =	vadd.f32 v1, v2;
	_ =	sdelay $0x1  }
0x15a: {  	v0 =	vmul.f32 v0, v1;
	_ =	sdelay $0x1  }
0x15b: {  	v0 =	vadd.f32 v3, v0  }
0x15c: {  	v1 =	vld [tilespmem:s23+$0x1CFE0]  }
0x15d: {  	v0 =	vmax.f32 v0, $0.0e+00;
	v2 =	vld [tilespmem:s23+$0x1BC60]  }
0x15e: {  	[tilespmem:s23+$0x1BC50] =	vst v0  }
0x15f: {  	v0 =	vld [tilespmem:$0x1BBE0];
	_ =	sdelay $0x1  }
0x160: {  	v3 =	vld [tilespmem:$0x1BC20]  }
0x161: {  	v1 =	vadd.f32 v1, v2;
	_ =	sdelay $0x1  }
0x162: {  	v0 =	vmul.f32 v0, v1;
	_ =	sdelay $0x1  }
0x163: {  	v0 =	vadd.f32 v3, v0  }
0x164: {  	v1 =	vld [tilespmem:s23+$0x1CFF0]  }
0x165: {  	v0 =	vmax.f32 v0, $0.0e+00;
	v2 =	vld [tilespmem:s23+$0x1BC70]  }
0x166: {  	[tilespmem:s23+$0x1BC60] =	vst v0  }
0x167: {  	v0 =	vld [tilespmem:$0x1BBF0]  }
0x168: {  	v3 =	vld [tilespmem:$0x1BC30];
	_ =	sdelay $0x1  }
0x169: {  	v1 =	vadd.f32 v1, v2  }
.Ltmp4:
0x16a: {  	(pc) =	sbr.rel @p3 .LBB2_6-.Ltmp4, $3  }
0x16b: {  	v0 =	vmul.f32 v0, v1;
	_ =	sdelay $0x1  }
0x16c: {  	s25 =	sshra.s32 s24, $0x2;
	v1 =	vadd.f32 v3, v0  }
0x16d: {  	s24 =	sadd.s32 $0x100, s24;
	v0 =	vld [tilespmem:s25+$0x1CFC0]  }
0x16e: {  	v2 =	vld [tilespmem:s25+$0x1BC40];
	v1 =	vmax.f32 v1, $0.0e+00  }
0x16f: {  	[tilespmem:s23+$0x1BC70] =	vst v1  }
0x170: {  	v1 =	vld [tilespmem:$0x1BBC0];
	_ =	sdelay $0x1  }
0x171: {  	v3 =	vld [tilespmem:$0x1BC00]  }
0x172: {  	v0 =	vadd.f32 v0, v2;
	_ =	sdelay $0x1  }
0x173: {  	v0 =	vmul.f32 v1, v0;
	_ =	sdelay $0x1  }
0x174: {  	v0 =	vadd.f32 v3, v0  }
0x175: {  	v2 =	vld [tilespmem:s25+$0x1BC50]  }
0x176: {  	v1 =	vld [tilespmem:s25+$0x1CFD0];
	v0 =	vmax.f32 v0, $0.0e+00  }
0x177: {  	[tilespmem:s25+$0x1BC40] =	vst v0  }
0x178: {  	v0 =	vld [tilespmem:$0x1BBD0];
	_ =	sdelay $0x1  }
0x179: {  	v3 =	vld [tilespmem:$0x1BC10]  }
0x17a: {  	v1 =	vadd.f32 v1, v2;
	_ =	sdelay $0x1  }
0x17b: {  	v0 =	vmul.f32 v0, v1;
	_ =	sdelay $0x1  }
0x17c: {  	v0 =	vadd.f32 v3, v0  }
0x17d: {  	v2 =	vld [tilespmem:s25+$0x1BC60]  }
0x17e: {  	v1 =	vld [tilespmem:s25+$0x1CFE0];
	v0 =	vmax.f32 v0, $0.0e+00  }
0x17f: {  	[tilespmem:s25+$0x1BC50] =	vst v0  }
0x180: {  	v0 =	vld [tilespmem:$0x1BBE0];
	_ =	sdelay $0x1  }
0x181: {  	v3 =	vld [tilespmem:$0x1BC20]  }
0x182: {  	v1 =	vadd.f32 v1, v2;
	_ =	sdelay $0x1  }
0x183: {  	v0 =	vmul.f32 v0, v1;
	_ =	sdelay $0x1  }
0x184: {  	v0 =	vadd.f32 v3, v0  }
0x185: {  	v2 =	vld [tilespmem:s25+$0x1BC70]  }
0x186: {  	v1 =	vld [tilespmem:s25+$0x1CFF0];
	v0 =	vmax.f32 v0, $0.0e+00  }
0x187: {  	[tilespmem:s25+$0x1BC60] =	vst v0  }
0x188: {  	v0 =	vld [tilespmem:$0x1BBF0];
	_ =	sdelay $0x1  }
0x189: {  	v3 =	vld [tilespmem:$0x1BC30]  }
0x18a: {  	v1 =	vadd.f32 v1, v2;
	_ =	sdelay $0x1  }
0x18b: {  	v0 =	vmul.f32 v0, v1;
	_ =	sdelay $0x1  }
0x18c: {  	v0 =	vadd.f32 v3, v0;
	_ =	sdelay $0x1  }
0x18d: {  	v0 =	vmax.f32 v0, $0.0e+00  }
0x18e: {  	[tilespmem:s25+$0x1BC70] =	vst v0  }
0x18f: {  	[spmem:s29] =	stream.linear.scatter [tilespmem:s13], [sflag:$0x5], $0x1380, $0x38;
	[tilespmem:$0x1E340] =	vst v63  }
0x190: {  	_ =	swait.ge [sflag:s11], $0x1380  }
0x191: {  	[sflag:s11] =	ssyncset.done $0x0  }
0x192: {  	s25 =	simm.s32 $0x0;
	s24 =	rddreg [dreg:$0xc];
	[sflag:s11] =	ssyncadd.s32 $0xFFFFEC80  }
0x193: {  	[tilespmem:s13], [sflag:$0x5] =	stream.linear.gather [hbm4b:s24+s25], $0x1380, $0x38;
	[tilespmem:$0x1E340] =	vst v63  }
0x194: {  	_ =	swait.ge [sflag:s11], $0x1380  }
0x195: {  	[sflag:s11] =	ssyncset.done $0x0  }
0x196: {  	s26 =	rddreg [dreg:$0xd];
	[sflag:s11] =	ssyncadd.s32 $0xFFFFEC80  }
0x197: {  	[tilespmem:s14], [sflag:$0x5] =	stream.linear.gather [hbm4b:s26+s25], $0x1380, $0x38;
	[tilespmem:$0x1E340] =	vst v63  }
0x198: {  	_ =	swait.ge [sflag:s11], $0x1380  }
0x199: {  	[sflag:s11] =	ssyncset.done $0x0  }
0x19a: {  	s23 =	simm.s32 $0x0;
	[sflag:s11] =	ssyncadd.s32 $0xFFFFEC80  }
0x19b: {  	v0 =	vld [tilespmem:s23+$0x1CFC0]  }
0x19c: {  	v1 =	vld [tilespmem:s23+$0x1BC40];
	_ =	sdelay $0x1  }
0x19d: {  	v2 =	vld [tilespmem:$0x1BBC0];
	_ =	sdelay $0x1  }
0x19e: {  	v3 =	vld [tilespmem:$0x1BC00]  }
0x19f: {  	v0 =	vadd.f32 v0, v1;
	_ =	sdelay $0x1  }
0x1a0: {  	v0 =	vmul.f32 v2, v0;
	_ =	sdelay $0x1  }
0x1a1: {  	v0 =	vadd.f32 v3, v0  }
0x1a2: {  	v1 =	vld [tilespmem:s23+$0x1CFD0]  }
0x1a3: {  	v2 =	vld [tilespmem:s23+$0x1BC50];
	v0 =	vmax.f32 v0, $0.0e+00  }
0x1a4: {  	[tilespmem:s23+$0x1BC40] =	vst v0  }
0x1a5: {  	v0 =	vld [tilespmem:$0x1BBD0];
	_ =	sdelay $0x1  }
0x1a6: {  	v3 =	vld [tilespmem:$0x1BC10]  }
0x1a7: {  	v1 =	vadd.f32 v1, v2;
	_ =	sdelay $0x1  }
0x1a8: {  	v0 =	vmul.f32 v0, v1;
	_ =	sdelay $0x1  }
0x1a9: {  	v0 =	vadd.f32 v3, v0  }
0x1aa: {  	v2 =	vld [tilespmem:s23+$0x1BC60]  }
0x1ab: {  	v1 =	vld [tilespmem:s23+$0x1CFE0];
	v0 =	vmax.f32 v0, $0.0e+00  }
0x1ac: {  	[tilespmem:s23+$0x1BC50] =	vst v0  }
0x1ad: {  	v0 =	vld [tilespmem:$0x1BBE0];
	_ =	sdelay $0x1  }
0x1ae: {  	v3 =	vld [tilespmem:$0x1BC20]  }
0x1af: {  	v1 =	vadd.f32 v1, v2;
	_ =	sdelay $0x1  }
0x1b0: {  	v0 =	vmul.f32 v0, v1;
	_ =	sdelay $0x1  }
0x1b1: {  	v0 =	vadd.f32 v3, v0  }
0x1b2: {  	v2 =	vld [tilespmem:s23+$0x1BC70]  }
0x1b3: {  	v1 =	vld [tilespmem:s23+$0x1CFF0];
	v0 =	vmax.f32 v0, $0.0e+00  }
0x1b4: {  	[tilespmem:s23+$0x1BC60] =	vst v0  }
0x1b5: {  	v0 =	vld [tilespmem:$0x1BBF0];
	_ =	sdelay $0x1  }
0x1b6: {  	v3 =	vld [tilespmem:$0x1BC30]  }
0x1b7: {  	v1 =	vadd.f32 v1, v2;
	_ =	sdelay $0x1  }
0x1b8: {  	v0 =	vmul.f32 v0, v1;
	_ =	sdelay $0x1  }
0x1b9: {  	s25 =	simm.s32 $0x40;
	v1 =	vadd.f32 v3, v0  }
0x1ba: {  	s24 =	simm.s32 $0x200;
	v0 =	vld [tilespmem:s25+$0x1CFC0]  }
.LBB2_8:
0x1bb: {  	p3 =	sne.s32 s24, $0x4D00;
	v2 =	vld [tilespmem:s25+$0x1BC40];
	v1 =	vmax.f32 v1, $0.0e+00  }
0x1bc: {  	[tilespmem:s23+$0x1BC70] =	vst v1;
	s23 =	smov.u32 s25  }
0x1bd: {  	v1 =	vld [tilespmem:$0x1BBC0]  }
0x1be: {  	v3 =	vld [tilespmem:$0x1BC00];
	_ =	sdelay $0x1  }
0x1bf: {  	v0 =	vadd.f32 v0, v2;
	_ =	sdelay $0x1  }
0x1c0: {  	v0 =	vmul.f32 v1, v0;
	_ =	sdelay $0x1  }
0x1c1: {  	v0 =	vadd.f32 v3, v0  }
0x1c2: {  	v1 =	vld [tilespmem:s23+$0x1CFD0]  }
0x1c3: {  	v0 =	vmax.f32 v0, $0.0e+00;
	v2 =	vld [tilespmem:s23+$0x1BC50]  }
0x1c4: {  	[tilespmem:s23+$0x1BC40] =	vst v0  }
0x1c5: {  	v0 =	vld [tilespmem:$0x1BBD0];
	_ =	sdelay $0x1  }
0x1c6: {  	v3 =	vld [tilespmem:$0x1BC10]  }
0x1c7: {  	v1 =	vadd.f32 v1, v2;
	_ =	sdelay $0x1  }
0x1c8: {  	v0 =	vmul.f32 v0, v1;
	_ =	sdelay $0x1  }
0x1c9: {  	v0 =	vadd.f32 v3, v0  }
0x1ca: {  	v1 =	vld [tilespmem:s23+$0x1CFE0]  }
0x1cb: {  	v0 =	vmax.f32 v0, $0.0e+00;
	v2 =	vld [tilespmem:s23+$0x1BC60]  }
0x1cc: {  	[tilespmem:s23+$0x1BC50] =	vst v0  }
0x1cd: {  	v0 =	vld [tilespmem:$0x1BBE0];
	_ =	sdelay $0x1  }
0x1ce: {  	v3 =	vld [tilespmem:$0x1BC20]  }
0x1cf: {  	v1 =	vadd.f32 v1, v2;
	_ =	sdelay $0x1  }
0x1d0: {  	v0 =	vmul.f32 v0, v1;
	_ =	sdelay $0x1  }
0x1d1: {  	v0 =	vadd.f32 v3, v0  }
0x1d2: {  	v1 =	vld [tilespmem:s23+$0x1CFF0]  }
0x1d3: {  	v0 =	vmax.f32 v0, $0.0e+00;
	v2 =	vld [tilespmem:s23+$0x1BC70]  }
0x1d4: {  	[tilespmem:s23+$0x1BC60] =	vst v0  }
0x1d5: {  	v0 =	vld [tilespmem:$0x1BBF0]  }
0x1d6: {  	v3 =	vld [tilespmem:$0x1BC30];
	_ =	sdelay $0x1  }
0x1d7: {  	v1 =	vadd.f32 v1, v2  }
.Ltmp5:
0x1d8: {  	(pc) =	sbr.rel @p3 .LBB2_8-.Ltmp5, $3  }
0x1d9: {  	v0 =	vmul.f32 v0, v1;
	_ =	sdelay $0x1  }
0x1da: {  	s25 =	sshra.s32 s24, $0x2;
	v1 =	vadd.f32 v3, v0  }
0x1db: {  	s24 =	sadd.s32 $0x100, s24;
	v0 =	vld [tilespmem:s25+$0x1CFC0]  }
0x1dc: {  	v2 =	vld [tilespmem:s25+$0x1BC40];
	v1 =	vmax.f32 v1, $0.0e+00  }
0x1dd: {  	[tilespmem:s23+$0x1BC70] =	vst v1  }
0x1de: {  	v1 =	vld [tilespmem:$0x1BBC0];
	_ =	sdelay $0x1  }
0x1df: {  	v3 =	vld [tilespmem:$0x1BC00]  }
0x1e0: {  	v0 =	vadd.f32 v0, v2;
	_ =	sdelay $0x1  }
0x1e1: {  	v0 =	vmul.f32 v1, v0;
	_ =	sdelay $0x1  }
0x1e2: {  	v0 =	vadd.f32 v3, v0  }
0x1e3: {  	v2 =	vld [tilespmem:s25+$0x1BC50]  }
0x1e4: {  	v1 =	vld [tilespmem:s25+$0x1CFD0];
	v0 =	vmax.f32 v0, $0.0e+00  }
0x1e5: {  	[tilespmem:s25+$0x1BC40] =	vst v0  }
0x1e6: {  	v0 =	vld [tilespmem:$0x1BBD0];
	_ =	sdelay $0x1  }
0x1e7: {  	v3 =	vld [tilespmem:$0x1BC10]  }
0x1e8: {  	v1 =	vadd.f32 v1, v2;
	_ =	sdelay $0x1  }
0x1e9: {  	v0 =	vmul.f32 v0, v1;
	_ =	sdelay $0x1  }
0x1ea: {  	v0 =	vadd.f32 v3, v0  }
0x1eb: {  	v2 =	vld [tilespmem:s25+$0x1BC60]  }
0x1ec: {  	v1 =	vld [tilespmem:s25+$0x1CFE0];
	v0 =	vmax.f32 v0, $0.0e+00  }
0x1ed: {  	[tilespmem:s25+$0x1BC50] =	vst v0  }
0x1ee: {  	v0 =	vld [tilespmem:$0x1BBE0];
	_ =	sdelay $0x1  }
0x1ef: {  	v3 =	vld [tilespmem:$0x1BC20]  }
0x1f0: {  	v1 =	vadd.f32 v1, v2;
	_ =	sdelay $0x1  }
0x1f1: {  	v0 =	vmul.f32 v0, v1;
	_ =	sdelay $0x1  }
0x1f2: {  	v0 =	vadd.f32 v3, v0  }
0x1f3: {  	v2 =	vld [tilespmem:s25+$0x1BC70]  }
0x1f4: {  	v1 =	vld [tilespmem:s25+$0x1CFF0];
	v0 =	vmax.f32 v0, $0.0e+00  }
0x1f5: {  	[tilespmem:s25+$0x1BC60] =	vst v0  }
0x1f6: {  	v0 =	vld [tilespmem:$0x1BBF0];
	_ =	sdelay $0x1  }
0x1f7: {  	v3 =	vld [tilespmem:$0x1BC30]  }
0x1f8: {  	v1 =	vadd.f32 v1, v2;
	_ =	sdelay $0x1  }
0x1f9: {  	v0 =	vmul.f32 v0, v1;
	_ =	sdelay $0x1  }
0x1fa: {  	v0 =	vadd.f32 v3, v0;
	_ =	sdelay $0x1  }
0x1fb: {  	v0 =	vmax.f32 v0, $0.0e+00  }
0x1fc: {  	[tilespmem:s25+$0x1BC70] =	vst v0  }
0x1fd: {  	[spmem:s30] =	stream.linear.scatter [tilespmem:s13], [sflag:$0x5], $0x1380, $0x38;
	[tilespmem:$0x1E340] =	vst v63  }
0x1fe: {  	_ =	swait.ge [sflag:s11], $0x1380  }
0x1ff: {  	[sflag:s11] =	ssyncset.done $0x0  }
0x200: {  	s25 =	simm.s32 $0x0;
	s24 =	rddreg [dreg:$0xe];
	[sflag:s11] =	ssyncadd.s32 $0xFFFFEC80  }
0x201: {  	[tilespmem:s13], [sflag:$0x5] =	stream.linear.gather [hbm4b:s24+s25], $0x1380, $0x38;
	[tilespmem:$0x1E340] =	vst v63  }
0x202: {  	_ =	swait.ge [sflag:s11], $0x1380  }
0x203: {  	[sflag:s11] =	ssyncset.done $0x0  }
0x204: {  	s26 =	rddreg [dreg:$0xf];
	[sflag:s11] =	ssyncadd.s32 $0xFFFFEC80  }
0x205: {  	[tilespmem:s14], [sflag:$0x5] =	stream.linear.gather [hbm4b:s26+s25], $0x1380, $0x38;
	[tilespmem:$0x1E340] =	vst v63  }
0x206: {  	_ =	swait.ge [sflag:s11], $0x1380  }
0x207: {  	[sflag:s11] =	ssyncset.done $0x0  }
0x208: {  	s23 =	simm.s32 $0x0;
	[sflag:s11] =	ssyncadd.s32 $0xFFFFEC80  }
0x209: {  	v0 =	vld [tilespmem:s23+$0x1CFC0]  }
0x20a: {  	v1 =	vld [tilespmem:s23+$0x1BC40];
	_ =	sdelay $0x1  }
0x20b: {  	v2 =	vld [tilespmem:$0x1BBC0];
	_ =	sdelay $0x1  }
0x20c: {  	v3 =	vld [tilespmem:$0x1BC00]  }
0x20d: {  	v0 =	vadd.f32 v0, v1;
	_ =	sdelay $0x1  }
0x20e: {  	v0 =	vmul.f32 v2, v0;
	_ =	sdelay $0x1  }
0x20f: {  	v0 =	vadd.f32 v3, v0  }
0x210: {  	v1 =	vld [tilespmem:s23+$0x1CFD0]  }
0x211: {  	v2 =	vld [tilespmem:s23+$0x1BC50];
	v0 =	vmax.f32 v0, $0.0e+00  }
0x212: {  	[tilespmem:s23+$0x1BC40] =	vst v0  }
0x213: {  	v0 =	vld [tilespmem:$0x1BBD0];
	_ =	sdelay $0x1  }
0x214: {  	v3 =	vld [tilespmem:$0x1BC10]  }
0x215: {  	v1 =	vadd.f32 v1, v2;
	_ =	sdelay $0x1  }
0x216: {  	v0 =	vmul.f32 v0, v1;
	_ =	sdelay $0x1  }
0x217: {  	v0 =	vadd.f32 v3, v0  }
0x218: {  	v2 =	vld [tilespmem:s23+$0x1BC60]  }
0x219: {  	v1 =	vld [tilespmem:s23+$0x1CFE0];
	v0 =	vmax.f32 v0, $0.0e+00  }
0x21a: {  	[tilespmem:s23+$0x1BC50] =	vst v0  }
0x21b: {  	v0 =	vld [tilespmem:$0x1BBE0];
	_ =	sdelay $0x1  }
0x21c: {  	v3 =	vld [tilespmem:$0x1BC20]  }
0x21d: {  	v1 =	vadd.f32 v1, v2;
	_ =	sdelay $0x1  }
0x21e: {  	v0 =	vmul.f32 v0, v1;
	_ =	sdelay $0x1  }
0x21f: {  	v0 =	vadd.f32 v3, v0  }
0x220: {  	v2 =	vld [tilespmem:s23+$0x1BC70]  }
0x221: {  	v1 =	vld [tilespmem:s23+$0x1CFF0];
	v0 =	vmax.f32 v0, $0.0e+00  }
0x222: {  	[tilespmem:s23+$0x1BC60] =	vst v0  }
0x223: {  	v0 =	vld [tilespmem:$0x1BBF0];
	_ =	sdelay $0x1  }
0x224: {  	v3 =	vld [tilespmem:$0x1BC30]  }
0x225: {  	v1 =	vadd.f32 v1, v2;
	_ =	sdelay $0x1  }
0x226: {  	v0 =	vmul.f32 v0, v1;
	_ =	sdelay $0x1  }
0x227: {  	s25 =	simm.s32 $0x40;
	v1 =	vadd.f32 v3, v0  }
0x228: {  	s24 =	simm.s32 $0x200;
	v0 =	vld [tilespmem:s25+$0x1CFC0]  }
.LBB2_10:
0x229: {  	p3 =	sne.s32 s24, $0x4D00;
	v2 =	vld [tilespmem:s25+$0x1BC40];
	v1 =	vmax.f32 v1, $0.0e+00  }
0x22a: {  	[tilespmem:s23+$0x1BC70] =	vst v1;
	s23 =	smov.u32 s25  }
0x22b: {  	v1 =	vld [tilespmem:$0x1BBC0]  }
0x22c: {  	v3 =	vld [tilespmem:$0x1BC00];
	_ =	sdelay $0x1  }
0x22d: {  	v0 =	vadd.f32 v0, v2;
	_ =	sdelay $0x1  }
0x22e: {  	v0 =	vmul.f32 v1, v0;
	_ =	sdelay $0x1  }
0x22f: {  	v0 =	vadd.f32 v3, v0  }
0x230: {  	v1 =	vld [tilespmem:s23+$0x1CFD0]  }
0x231: {  	v0 =	vmax.f32 v0, $0.0e+00;
	v2 =	vld [tilespmem:s23+$0x1BC50]  }
0x232: {  	[tilespmem:s23+$0x1BC40] =	vst v0  }
0x233: {  	v0 =	vld [tilespmem:$0x1BBD0];
	_ =	sdelay $0x1  }
0x234: {  	v3 =	vld [tilespmem:$0x1BC10]  }
0x235: {  	v1 =	vadd.f32 v1, v2;
	_ =	sdelay $0x1  }
0x236: {  	v0 =	vmul.f32 v0, v1;
	_ =	sdelay $0x1  }
0x237: {  	v0 =	vadd.f32 v3, v0  }
0x238: {  	v1 =	vld [tilespmem:s23+$0x1CFE0]  }
0x239: {  	v0 =	vmax.f32 v0, $0.0e+00;
	v2 =	vld [tilespmem:s23+$0x1BC60]  }
0x23a: {  	[tilespmem:s23+$0x1BC50] =	vst v0  }
0x23b: {  	v0 =	vld [tilespmem:$0x1BBE0];
	_ =	sdelay $0x1  }
0x23c: {  	v3 =	vld [tilespmem:$0x1BC20]  }
0x23d: {  	v1 =	vadd.f32 v1, v2;
	_ =	sdelay $0x1  }
0x23e: {  	v0 =	vmul.f32 v0, v1;
	_ =	sdelay $0x1  }
0x23f: {  	v0 =	vadd.f32 v3, v0  }
0x240: {  	v1 =	vld [tilespmem:s23+$0x1CFF0]  }
0x241: {  	v0 =	vmax.f32 v0, $0.0e+00;
	v2 =	vld [tilespmem:s23+$0x1BC70]  }
0x242: {  	[tilespmem:s23+$0x1BC60] =	vst v0  }
0x243: {  	v0 =	vld [tilespmem:$0x1BBF0]  }
0x244: {  	v3 =	vld [tilespmem:$0x1BC30];
	_ =	sdelay $0x1  }
0x245: {  	v1 =	vadd.f32 v1, v2  }
.Ltmp6:
0x246: {  	(pc) =	sbr.rel @p3 .LBB2_10-.Ltmp6, $3  }
0x247: {  	v0 =	vmul.f32 v0, v1;
	_ =	sdelay $0x1  }
0x248: {  	s25 =	sshra.s32 s24, $0x2;
	v1 =	vadd.f32 v3, v0  }
0x249: {  	s24 =	sadd.s32 $0x100, s24;
	v0 =	vld [tilespmem:s25+$0x1CFC0]  }
0x24a: {  	v2 =	vld [tilespmem:s25+$0x1BC40];
	v1 =	vmax.f32 v1, $0.0e+00  }
0x24b: {  	[tilespmem:s23+$0x1BC70] =	vst v1  }
0x24c: {  	v1 =	vld [tilespmem:$0x1BBC0];
	_ =	sdelay $0x1  }
0x24d: {  	v3 =	vld [tilespmem:$0x1BC00]  }
0x24e: {  	v0 =	vadd.f32 v0, v2;
	_ =	sdelay $0x1  }
0x24f: {  	v0 =	vmul.f32 v1, v0;
	_ =	sdelay $0x1  }
0x250: {  	v0 =	vadd.f32 v3, v0  }
0x251: {  	v2 =	vld [tilespmem:s25+$0x1BC50]  }
0x252: {  	v1 =	vld [tilespmem:s25+$0x1CFD0];
	v0 =	vmax.f32 v0, $0.0e+00  }
0x253: {  	[tilespmem:s25+$0x1BC40] =	vst v0  }
0x254: {  	v0 =	vld [tilespmem:$0x1BBD0];
	_ =	sdelay $0x1  }
0x255: {  	v3 =	vld [tilespmem:$0x1BC10]  }
0x256: {  	v1 =	vadd.f32 v1, v2;
	_ =	sdelay $0x1  }
0x257: {  	v0 =	vmul.f32 v0, v1;
	_ =	sdelay $0x1  }
0x258: {  	v0 =	vadd.f32 v3, v0  }
0x259: {  	v2 =	vld [tilespmem:s25+$0x1BC60]  }
0x25a: {  	v1 =	vld [tilespmem:s25+$0x1CFE0];
	v0 =	vmax.f32 v0, $0.0e+00  }
0x25b: {  	[tilespmem:s25+$0x1BC50] =	vst v0  }
0x25c: {  	v0 =	vld [tilespmem:$0x1BBE0];
	_ =	sdelay $0x1  }
0x25d: {  	v3 =	vld [tilespmem:$0x1BC20]  }
0x25e: {  	v1 =	vadd.f32 v1, v2;
	_ =	sdelay $0x1  }
0x25f: {  	v0 =	vmul.f32 v0, v1;
	_ =	sdelay $0x1  }
0x260: {  	v0 =	vadd.f32 v3, v0  }
0x261: {  	v2 =	vld [tilespmem:s25+$0x1BC70]  }
0x262: {  	v1 =	vld [tilespmem:s25+$0x1CFF0];
	v0 =	vmax.f32 v0, $0.0e+00  }
0x263: {  	[tilespmem:s25+$0x1BC60] =	vst v0  }
0x264: {  	v0 =	vld [tilespmem:$0x1BBF0];
	_ =	sdelay $0x1  }
0x265: {  	v3 =	vld [tilespmem:$0x1BC30]  }
0x266: {  	v1 =	vadd.f32 v1, v2;
	_ =	sdelay $0x1  }
0x267: {  	v0 =	vmul.f32 v0, v1;
	_ =	sdelay $0x1  }
0x268: {  	v0 =	vadd.f32 v3, v0;
	_ =	sdelay $0x1  }
0x269: {  	v0 =	vmax.f32 v0, $0.0e+00  }
0x26a: {  	[tilespmem:s25+$0x1BC70] =	vst v0  }
0x26b: {  	[spmem:s31] =	stream.linear.scatter [tilespmem:s13], [sflag:$0x5], $0x1380, $0x38;
	[tilespmem:$0x1E340] =	vst v63  }
0x26c: {  	_ =	swait.ge [sflag:s11], $0x1380  }
0x26d: {  	[sflag:s11] =	ssyncset.done $0x0  }
0x26e: {  	s25 =	simm.s32 $0x0;
	s24 =	rddreg [dreg:$0x10];
	[sflag:s11] =	ssyncadd.s32 $0xFFFFEC80  }
0x26f: {  	[tilespmem:s13], [sflag:$0x5] =	stream.linear.gather [hbm4b:s24+s25], $0x1380, $0x38;
	[tilespmem:$0x1E340] =	vst v63  }
0x270: {  	_ =	swait.ge [sflag:s11], $0x1380  }
0x271: {  	[sflag:s11] =	ssyncset.done $0x0  }
0x272: {  	s26 =	rddreg [dreg:$0x11];
	[sflag:s11] =	ssyncadd.s32 $0xFFFFEC80  }
0x273: {  	[tilespmem:s14], [sflag:$0x5] =	stream.linear.gather [hbm4b:s26+s25], $0x1380, $0x38;
	[tilespmem:$0x1E340] =	vst v63  }
0x274: {  	_ =	swait.ge [sflag:s11], $0x1380  }
0x275: {  	[sflag:s11] =	ssyncset.done $0x0  }
0x276: {  	s23 =	simm.s32 $0x0;
	[sflag:s11] =	ssyncadd.s32 $0xFFFFEC80  }
0x277: {  	v0 =	vld [tilespmem:s23+$0x1CFC0]  }
0x278: {  	v1 =	vld [tilespmem:s23+$0x1BC40];
	_ =	sdelay $0x1  }
0x279: {  	v2 =	vld [tilespmem:$0x1BBC0];
	_ =	sdelay $0x1  }
0x27a: {  	v3 =	vld [tilespmem:$0x1BC00]  }
0x27b: {  	v0 =	vadd.f32 v0, v1;
	_ =	sdelay $0x1  }
0x27c: {  	v0 =	vmul.f32 v2, v0;
	_ =	sdelay $0x1  }
0x27d: {  	v0 =	vadd.f32 v3, v0  }
0x27e: {  	v1 =	vld [tilespmem:s23+$0x1CFD0]  }
0x27f: {  	v2 =	vld [tilespmem:s23+$0x1BC50];
	v0 =	vmax.f32 v0, $0.0e+00  }
0x280: {  	[tilespmem:s23+$0x1BC40] =	vst v0  }
0x281: {  	v0 =	vld [tilespmem:$0x1BBD0];
	_ =	sdelay $0x1  }
0x282: {  	v3 =	vld [tilespmem:$0x1BC10]  }
0x283: {  	v1 =	vadd.f32 v1, v2;
	_ =	sdelay $0x1  }
0x284: {  	v0 =	vmul.f32 v0, v1;
	_ =	sdelay $0x1  }
0x285: {  	v0 =	vadd.f32 v3, v0  }
0x286: {  	v2 =	vld [tilespmem:s23+$0x1BC60]  }
0x287: {  	v1 =	vld [tilespmem:s23+$0x1CFE0];
	v0 =	vmax.f32 v0, $0.0e+00  }
0x288: {  	[tilespmem:s23+$0x1BC50] =	vst v0  }
0x289: {  	v0 =	vld [tilespmem:$0x1BBE0];
	_ =	sdelay $0x1  }
0x28a: {  	v3 =	vld [tilespmem:$0x1BC20]  }
0x28b: {  	v1 =	vadd.f32 v1, v2;
	_ =	sdelay $0x1  }
0x28c: {  	v0 =	vmul.f32 v0, v1;
	_ =	sdelay $0x1  }
0x28d: {  	v0 =	vadd.f32 v3, v0  }
0x28e: {  	v2 =	vld [tilespmem:s23+$0x1BC70]  }
0x28f: {  	v1 =	vld [tilespmem:s23+$0x1CFF0];
	v0 =	vmax.f32 v0, $0.0e+00  }
0x290: {  	[tilespmem:s23+$0x1BC60] =	vst v0  }
0x291: {  	v0 =	vld [tilespmem:$0x1BBF0];
	_ =	sdelay $0x1  }
0x292: {  	v3 =	vld [tilespmem:$0x1BC30]  }
0x293: {  	v1 =	vadd.f32 v1, v2;
	_ =	sdelay $0x1  }
0x294: {  	v0 =	vmul.f32 v0, v1;
	_ =	sdelay $0x1  }
0x295: {  	s25 =	simm.s32 $0x40;
	v1 =	vadd.f32 v3, v0  }
0x296: {  	s24 =	simm.s32 $0x200;
	v0 =	vld [tilespmem:s25+$0x1CFC0]  }
.LBB2_12:
0x297: {  	p3 =	sne.s32 s24, $0x4D00;
	v2 =	vld [tilespmem:s25+$0x1BC40];
	v1 =	vmax.f32 v1, $0.0e+00  }
0x298: {  	[tilespmem:s23+$0x1BC70] =	vst v1;
	s23 =	smov.u32 s25  }
0x299: {  	v1 =	vld [tilespmem:$0x1BBC0]  }
0x29a: {  	v3 =	vld [tilespmem:$0x1BC00];
	_ =	sdelay $0x1  }
0x29b: {  	v0 =	vadd.f32 v0, v2;
	_ =	sdelay $0x1  }
0x29c: {  	v0 =	vmul.f32 v1, v0;
	_ =	sdelay $0x1  }
0x29d: {  	v0 =	vadd.f32 v3, v0  }
0x29e: {  	v1 =	vld [tilespmem:s23+$0x1CFD0]  }
0x29f: {  	v0 =	vmax.f32 v0, $0.0e+00;
	v2 =	vld [tilespmem:s23+$0x1BC50]  }
0x2a0: {  	[tilespmem:s23+$0x1BC40] =	vst v0  }
0x2a1: {  	v0 =	vld [tilespmem:$0x1BBD0];
	_ =	sdelay $0x1  }
0x2a2: {  	v3 =	vld [tilespmem:$0x1BC10]  }
0x2a3: {  	v1 =	vadd.f32 v1, v2;
	_ =	sdelay $0x1  }
0x2a4: {  	v0 =	vmul.f32 v0, v1;
	_ =	sdelay $0x1  }
0x2a5: {  	v0 =	vadd.f32 v3, v0  }
0x2a6: {  	v1 =	vld [tilespmem:s23+$0x1CFE0]  }
0x2a7: {  	v0 =	vmax.f32 v0, $0.0e+00;
	v2 =	vld [tilespmem:s23+$0x1BC60]  }
0x2a8: {  	[tilespmem:s23+$0x1BC50] =	vst v0  }
0x2a9: {  	v0 =	vld [tilespmem:$0x1BBE0];
	_ =	sdelay $0x1  }
0x2aa: {  	v3 =	vld [tilespmem:$0x1BC20]  }
0x2ab: {  	v1 =	vadd.f32 v1, v2;
	_ =	sdelay $0x1  }
0x2ac: {  	v0 =	vmul.f32 v0, v1;
	_ =	sdelay $0x1  }
0x2ad: {  	v0 =	vadd.f32 v3, v0  }
0x2ae: {  	v1 =	vld [tilespmem:s23+$0x1CFF0]  }
0x2af: {  	v0 =	vmax.f32 v0, $0.0e+00;
	v2 =	vld [tilespmem:s23+$0x1BC70]  }
0x2b0: {  	[tilespmem:s23+$0x1BC60] =	vst v0  }
0x2b1: {  	v0 =	vld [tilespmem:$0x1BBF0]  }
0x2b2: {  	v3 =	vld [tilespmem:$0x1BC30];
	_ =	sdelay $0x1  }
0x2b3: {  	v1 =	vadd.f32 v1, v2  }
.Ltmp7:
0x2b4: {  	(pc) =	sbr.rel @p3 .LBB2_12-.Ltmp7, $3  }
0x2b5: {  	v0 =	vmul.f32 v0, v1;
	_ =	sdelay $0x1  }
0x2b6: {  	s25 =	sshra.s32 s24, $0x2;
	v1 =	vadd.f32 v3, v0  }
0x2b7: {  	s24 =	sadd.s32 $0x100, s24;
	v0 =	vld [tilespmem:s25+$0x1CFC0]  }
0x2b8: {  	v2 =	vld [tilespmem:s25+$0x1BC40];
	v1 =	vmax.f32 v1, $0.0e+00  }
0x2b9: {  	[tilespmem:s23+$0x1BC70] =	vst v1  }
0x2ba: {  	v1 =	vld [tilespmem:$0x1BBC0];
	_ =	sdelay $0x1  }
0x2bb: {  	v3 =	vld [tilespmem:$0x1BC00]  }
0x2bc: {  	v0 =	vadd.f32 v0, v2;
	_ =	sdelay $0x1  }
0x2bd: {  	v0 =	vmul.f32 v1, v0;
	_ =	sdelay $0x1  }
0x2be: {  	v0 =	vadd.f32 v3, v0  }
0x2bf: {  	v2 =	vld [tilespmem:s25+$0x1BC50]  }
0x2c0: {  	v1 =	vld [tilespmem:s25+$0x1CFD0];
	v0 =	vmax.f32 v0, $0.0e+00  }
0x2c1: {  	[tilespmem:s25+$0x1BC40] =	vst v0  }
0x2c2: {  	v0 =	vld [tilespmem:$0x1BBD0];
	_ =	sdelay $0x1  }
0x2c3: {  	v3 =	vld [tilespmem:$0x1BC10]  }
0x2c4: {  	v1 =	vadd.f32 v1, v2;
	_ =	sdelay $0x1  }
0x2c5: {  	v0 =	vmul.f32 v0, v1;
	_ =	sdelay $0x1  }
0x2c6: {  	v0 =	vadd.f32 v3, v0  }
0x2c7: {  	v2 =	vld [tilespmem:s25+$0x1BC60]  }
0x2c8: {  	v1 =	vld [tilespmem:s25+$0x1CFE0];
	v0 =	vmax.f32 v0, $0.0e+00  }
0x2c9: {  	[tilespmem:s25+$0x1BC50] =	vst v0  }
0x2ca: {  	v0 =	vld [tilespmem:$0x1BBE0];
	_ =	sdelay $0x1  }
0x2cb: {  	v3 =	vld [tilespmem:$0x1BC20]  }
0x2cc: {  	v1 =	vadd.f32 v1, v2;
	_ =	sdelay $0x1  }
0x2cd: {  	v0 =	vmul.f32 v0, v1;
	_ =	sdelay $0x1  }
0x2ce: {  	v0 =	vadd.f32 v3, v0  }
0x2cf: {  	v2 =	vld [tilespmem:s25+$0x1BC70]  }
0x2d0: {  	v1 =	vld [tilespmem:s25+$0x1CFF0];
	v0 =	vmax.f32 v0, $0.0e+00  }
0x2d1: {  	[tilespmem:s25+$0x1BC60] =	vst v0  }
0x2d2: {  	v0 =	vld [tilespmem:$0x1BBF0];
	_ =	sdelay $0x1  }
0x2d3: {  	v3 =	vld [tilespmem:$0x1BC30]  }
0x2d4: {  	v1 =	vadd.f32 v1, v2;
	_ =	sdelay $0x1  }
0x2d5: {  	v0 =	vmul.f32 v0, v1;
	_ =	sdelay $0x1  }
0x2d6: {  	v0 =	vadd.f32 v3, v0;
	_ =	sdelay $0x1  }
0x2d7: {  	v0 =	vmax.f32 v0, $0.0e+00  }
0x2d8: {  	[tilespmem:s25+$0x1BC70] =	vst v0  }
0x2d9: {  	[spmem:s0] =	stream.linear.scatter [tilespmem:s13], [sflag:$0x5], $0x1380, $0x38;
	[tilespmem:$0x1E340] =	vst v63  }
0x2da: {  	_ =	swait.ge [sflag:s11], $0x1380  }
0x2db: {  	[sflag:s11] =	ssyncset.done $0x0  }
0x2dc: {  	s25 =	simm.s32 $0x0;
	s24 =	rddreg [dreg:$0x12];
	[sflag:s11] =	ssyncadd.s32 $0xFFFFEC80  }
0x2dd: {  	[tilespmem:s13], [sflag:$0x5] =	stream.linear.gather [hbm4b:s24+s25], $0x1380, $0x38;
	[tilespmem:$0x1E340] =	vst v63  }
0x2de: {  	_ =	swait.ge [sflag:s11], $0x1380  }
0x2df: {  	[sflag:s11] =	ssyncset.done $0x0  }
0x2e0: {  	s26 =	rddreg [dreg:$0x13];
	[sflag:s11] =	ssyncadd.s32 $0xFFFFEC80  }
0x2e1: {  	[tilespmem:s14], [sflag:$0x5] =	stream.linear.gather [hbm4b:s26+s25], $0x1380, $0x38;
	[tilespmem:$0x1E340] =	vst v63  }
0x2e2: {  	_ =	swait.ge [sflag:s11], $0x1380  }
0x2e3: {  	[sflag:s11] =	ssyncset.done $0x0  }
0x2e4: {  	s23 =	simm.s32 $0x0;
	[sflag:s11] =	ssyncadd.s32 $0xFFFFEC80  }
0x2e5: {  	v0 =	vld [tilespmem:s23+$0x1CFC0]  }
0x2e6: {  	v1 =	vld [tilespmem:s23+$0x1BC40];
	_ =	sdelay $0x1  }
0x2e7: {  	v2 =	vld [tilespmem:$0x1BBC0];
	_ =	sdelay $0x1  }
0x2e8: {  	v3 =	vld [tilespmem:$0x1BC00]  }
0x2e9: {  	v0 =	vadd.f32 v0, v1;
	_ =	sdelay $0x1  }
0x2ea: {  	v0 =	vmul.f32 v2, v0;
	_ =	sdelay $0x1  }
0x2eb: {  	v0 =	vadd.f32 v3, v0  }
0x2ec: {  	v1 =	vld [tilespmem:s23+$0x1CFD0]  }
0x2ed: {  	v2 =	vld [tilespmem:s23+$0x1BC50];
	v0 =	vmax.f32 v0, $0.0e+00  }
0x2ee: {  	[tilespmem:s23+$0x1BC40] =	vst v0  }
0x2ef: {  	v0 =	vld [tilespmem:$0x1BBD0];
	_ =	sdelay $0x1  }
0x2f0: {  	v3 =	vld [tilespmem:$0x1BC10]  }
0x2f1: {  	v1 =	vadd.f32 v1, v2;
	_ =	sdelay $0x1  }
0x2f2: {  	v0 =	vmul.f32 v0, v1;
	_ =	sdelay $0x1  }
0x2f3: {  	v0 =	vadd.f32 v3, v0  }
0x2f4: {  	v2 =	vld [tilespmem:s23+$0x1BC60]  }
0x2f5: {  	v1 =	vld [tilespmem:s23+$0x1CFE0];
	v0 =	vmax.f32 v0, $0.0e+00  }
0x2f6: {  	[tilespmem:s23+$0x1BC50] =	vst v0  }
0x2f7: {  	v0 =	vld [tilespmem:$0x1BBE0];
	_ =	sdelay $0x1  }
0x2f8: {  	v3 =	vld [tilespmem:$0x1BC20]  }
0x2f9: {  	v1 =	vadd.f32 v1, v2;
	_ =	sdelay $0x1  }
0x2fa: {  	v0 =	vmul.f32 v0, v1;
	_ =	sdelay $0x1  }
0x2fb: {  	v0 =	vadd.f32 v3, v0  }
0x2fc: {  	v2 =	vld [tilespmem:s23+$0x1BC70]  }
0x2fd: {  	v1 =	vld [tilespmem:s23+$0x1CFF0];
	v0 =	vmax.f32 v0, $0.0e+00  }
0x2fe: {  	[tilespmem:s23+$0x1BC60] =	vst v0  }
0x2ff: {  	v0 =	vld [tilespmem:$0x1BBF0];
	_ =	sdelay $0x1  }
0x300: {  	v3 =	vld [tilespmem:$0x1BC30]  }
0x301: {  	v1 =	vadd.f32 v1, v2;
	_ =	sdelay $0x1  }
0x302: {  	v0 =	vmul.f32 v0, v1;
	_ =	sdelay $0x1  }
0x303: {  	s25 =	simm.s32 $0x40;
	v1 =	vadd.f32 v3, v0  }
0x304: {  	s24 =	simm.s32 $0x200;
	v0 =	vld [tilespmem:s25+$0x1CFC0]  }
.LBB2_14:
0x305: {  	p3 =	sne.s32 s24, $0x4D00;
	v2 =	vld [tilespmem:s25+$0x1BC40];
	v1 =	vmax.f32 v1, $0.0e+00  }
0x306: {  	[tilespmem:s23+$0x1BC70] =	vst v1;
	s23 =	smov.u32 s25  }
0x307: {  	v1 =	vld [tilespmem:$0x1BBC0]  }
0x308: {  	v3 =	vld [tilespmem:$0x1BC00];
	_ =	sdelay $0x1  }
0x309: {  	v0 =	vadd.f32 v0, v2;
	_ =	sdelay $0x1  }
0x30a: {  	v0 =	vmul.f32 v1, v0;
	_ =	sdelay $0x1  }
0x30b: {  	v0 =	vadd.f32 v3, v0  }
0x30c: {  	v1 =	vld [tilespmem:s23+$0x1CFD0]  }
0x30d: {  	v0 =	vmax.f32 v0, $0.0e+00;
	v2 =	vld [tilespmem:s23+$0x1BC50]  }
0x30e: {  	[tilespmem:s23+$0x1BC40] =	vst v0  }
0x30f: {  	v0 =	vld [tilespmem:$0x1BBD0];
	_ =	sdelay $0x1  }
0x310: {  	v3 =	vld [tilespmem:$0x1BC10]  }
0x311: {  	v1 =	vadd.f32 v1, v2;
	_ =	sdelay $0x1  }
0x312: {  	v0 =	vmul.f32 v0, v1;
	_ =	sdelay $0x1  }
0x313: {  	v0 =	vadd.f32 v3, v0  }
0x314: {  	v1 =	vld [tilespmem:s23+$0x1CFE0]  }
0x315: {  	v0 =	vmax.f32 v0, $0.0e+00;
	v2 =	vld [tilespmem:s23+$0x1BC60]  }
0x316: {  	[tilespmem:s23+$0x1BC50] =	vst v0  }
0x317: {  	v0 =	vld [tilespmem:$0x1BBE0];
	_ =	sdelay $0x1  }
0x318: {  	v3 =	vld [tilespmem:$0x1BC20]  }
0x319: {  	v1 =	vadd.f32 v1, v2;
	_ =	sdelay $0x1  }
0x31a: {  	v0 =	vmul.f32 v0, v1;
	_ =	sdelay $0x1  }
0x31b: {  	v0 =	vadd.f32 v3, v0  }
0x31c: {  	v1 =	vld [tilespmem:s23+$0x1CFF0]  }
0x31d: {  	v0 =	vmax.f32 v0, $0.0e+00;
	v2 =	vld [tilespmem:s23+$0x1BC70]  }
0x31e: {  	[tilespmem:s23+$0x1BC60] =	vst v0  }
0x31f: {  	v0 =	vld [tilespmem:$0x1BBF0]  }
0x320: {  	v3 =	vld [tilespmem:$0x1BC30];
	_ =	sdelay $0x1  }
0x321: {  	v1 =	vadd.f32 v1, v2  }
.Ltmp8:
0x322: {  	(pc) =	sbr.rel @p3 .LBB2_14-.Ltmp8, $3  }
0x323: {  	v0 =	vmul.f32 v0, v1;
	_ =	sdelay $0x1  }
0x324: {  	s25 =	sshra.s32 s24, $0x2;
	v1 =	vadd.f32 v3, v0  }
0x325: {  	s24 =	sadd.s32 $0x100, s24;
	v0 =	vld [tilespmem:s25+$0x1CFC0]  }
0x326: {  	v2 =	vld [tilespmem:s25+$0x1BC40];
	v1 =	vmax.f32 v1, $0.0e+00  }
0x327: {  	[tilespmem:s23+$0x1BC70] =	vst v1  }
0x328: {  	v1 =	vld [tilespmem:$0x1BBC0];
	_ =	sdelay $0x1  }
0x329: {  	v3 =	vld [tilespmem:$0x1BC00]  }
0x32a: {  	v0 =	vadd.f32 v0, v2;
	_ =	sdelay $0x1  }
0x32b: {  	v0 =	vmul.f32 v1, v0;
	_ =	sdelay $0x1  }
0x32c: {  	v0 =	vadd.f32 v3, v0  }
0x32d: {  	v2 =	vld [tilespmem:s25+$0x1BC50]  }
0x32e: {  	v1 =	vld [tilespmem:s25+$0x1CFD0];
	v0 =	vmax.f32 v0, $0.0e+00  }
0x32f: {  	[tilespmem:s25+$0x1BC40] =	vst v0  }
0x330: {  	v0 =	vld [tilespmem:$0x1BBD0];
	_ =	sdelay $0x1  }
0x331: {  	v3 =	vld [tilespmem:$0x1BC10]  }
0x332: {  	v1 =	vadd.f32 v1, v2;
	_ =	sdelay $0x1  }
0x333: {  	v0 =	vmul.f32 v0, v1;
	_ =	sdelay $0x1  }
0x334: {  	v0 =	vadd.f32 v3, v0  }
0x335: {  	v2 =	vld [tilespmem:s25+$0x1BC60]  }
0x336: {  	v1 =	vld [tilespmem:s25+$0x1CFE0];
	v0 =	vmax.f32 v0, $0.0e+00  }
0x337: {  	[tilespmem:s25+$0x1BC50] =	vst v0  }
0x338: {  	v0 =	vld [tilespmem:$0x1BBE0];
	_ =	sdelay $0x1  }
0x339: {  	v3 =	vld [tilespmem:$0x1BC20]  }
0x33a: {  	v1 =	vadd.f32 v1, v2;
	_ =	sdelay $0x1  }
0x33b: {  	v0 =	vmul.f32 v0, v1;
	_ =	sdelay $0x1  }
0x33c: {  	v0 =	vadd.f32 v3, v0  }
0x33d: {  	v2 =	vld [tilespmem:s25+$0x1BC70]  }
0x33e: {  	v1 =	vld [tilespmem:s25+$0x1CFF0];
	v0 =	vmax.f32 v0, $0.0e+00  }
0x33f: {  	[tilespmem:s25+$0x1BC60] =	vst v0  }
0x340: {  	v0 =	vld [tilespmem:$0x1BBF0];
	_ =	sdelay $0x1  }
0x341: {  	v3 =	vld [tilespmem:$0x1BC30]  }
0x342: {  	v1 =	vadd.f32 v1, v2;
	_ =	sdelay $0x1  }
0x343: {  	v0 =	vmul.f32 v0, v1;
	_ =	sdelay $0x1  }
0x344: {  	v0 =	vadd.f32 v3, v0;
	_ =	sdelay $0x1  }
0x345: {  	v0 =	vmax.f32 v0, $0.0e+00  }
0x346: {  	[tilespmem:s25+$0x1BC70] =	vst v0  }
0x347: {  	[spmem:s1] =	stream.linear.scatter [tilespmem:s13], [sflag:$0x5], $0x1380, $0x38;
	[tilespmem:$0x1E340] =	vst v63  }
0x348: {  	_ =	swait.ge [sflag:s11], $0x1380  }
0x349: {  	[sflag:s11] =	ssyncset.done $0x0  }
0x34a: {  	s25 =	simm.s32 $0x0;
	s24 =	rddreg [dreg:$0x15];
	[sflag:s11] =	ssyncadd.s32 $0xFFFFEC80  }
0x34b: {  	[tilespmem:s13], [sflag:$0x5] =	stream.linear.gather [hbm4b:s24+s25], $0x1380, $0x38;
	[tilespmem:$0x1E340] =	vst v63  }
0x34c: {  	_ =	swait.ge [sflag:s11], $0x1380  }
0x34d: {  	[sflag:s11] =	ssyncset.done $0x0  }
0x34e: {  	s26 =	rddreg [dreg:$0x16];
	[sflag:s11] =	ssyncadd.s32 $0xFFFFEC80  }
0x34f: {  	[tilespmem:s14], [sflag:$0x5] =	stream.linear.gather [hbm4b:s26+s25], $0x1380, $0x38;
	[tilespmem:$0x1E340] =	vst v63  }
0x350: {  	_ =	swait.ge [sflag:s11], $0x1380  }
0x351: {  	[sflag:s11] =	ssyncset.done $0x0  }
0x352: {  	s23 =	simm.s32 $0x0;
	[sflag:s11] =	ssyncadd.s32 $0xFFFFEC80  }
0x353: {  	v0 =	vld [tilespmem:s23+$0x1CFC0]  }
0x354: {  	v1 =	vld [tilespmem:s23+$0x1BC40];
	_ =	sdelay $0x1  }
0x355: {  	v2 =	vld [tilespmem:$0x1BBC0];
	_ =	sdelay $0x1  }
0x356: {  	v3 =	vld [tilespmem:$0x1BC00]  }
0x357: {  	v0 =	vadd.f32 v0, v1;
	_ =	sdelay $0x1  }
0x358: {  	v0 =	vmul.f32 v2, v0;
	_ =	sdelay $0x1  }
0x359: {  	v0 =	vadd.f32 v3, v0  }
0x35a: {  	v1 =	vld [tilespmem:s23+$0x1CFD0]  }
0x35b: {  	v2 =	vld [tilespmem:s23+$0x1BC50];
	v0 =	vmax.f32 v0, $0.0e+00  }
0x35c: {  	[tilespmem:s23+$0x1BC40] =	vst v0  }
0x35d: {  	v0 =	vld [tilespmem:$0x1BBD0];
	_ =	sdelay $0x1  }
0x35e: {  	v3 =	vld [tilespmem:$0x1BC10]  }
0x35f: {  	v1 =	vadd.f32 v1, v2;
	_ =	sdelay $0x1  }
0x360: {  	v0 =	vmul.f32 v0, v1;
	_ =	sdelay $0x1  }
0x361: {  	v0 =	vadd.f32 v3, v0  }
0x362: {  	v2 =	vld [tilespmem:s23+$0x1BC60]  }
0x363: {  	v1 =	vld [tilespmem:s23+$0x1CFE0];
	v0 =	vmax.f32 v0, $0.0e+00  }
0x364: {  	[tilespmem:s23+$0x1BC50] =	vst v0  }
0x365: {  	v0 =	vld [tilespmem:$0x1BBE0];
	_ =	sdelay $0x1  }
0x366: {  	v3 =	vld [tilespmem:$0x1BC20]  }
0x367: {  	v1 =	vadd.f32 v1, v2;
	_ =	sdelay $0x1  }
0x368: {  	v0 =	vmul.f32 v0, v1;
	_ =	sdelay $0x1  }
0x369: {  	v0 =	vadd.f32 v3, v0  }
0x36a: {  	v2 =	vld [tilespmem:s23+$0x1BC70]  }
0x36b: {  	v1 =	vld [tilespmem:s23+$0x1CFF0];
	v0 =	vmax.f32 v0, $0.0e+00  }
0x36c: {  	[tilespmem:s23+$0x1BC60] =	vst v0  }
0x36d: {  	v0 =	vld [tilespmem:$0x1BBF0];
	_ =	sdelay $0x1  }
0x36e: {  	v3 =	vld [tilespmem:$0x1BC30]  }
0x36f: {  	v1 =	vadd.f32 v1, v2;
	_ =	sdelay $0x1  }
0x370: {  	v0 =	vmul.f32 v0, v1;
	_ =	sdelay $0x1  }
0x371: {  	s25 =	simm.s32 $0x40;
	v1 =	vadd.f32 v3, v0  }
0x372: {  	s24 =	simm.s32 $0x200;
	v0 =	vld [tilespmem:s25+$0x1CFC0]  }
.LBB2_16:
0x373: {  	p3 =	sne.s32 s24, $0x4D00;
	v2 =	vld [tilespmem:s25+$0x1BC40];
	v1 =	vmax.f32 v1, $0.0e+00  }
0x374: {  	[tilespmem:s23+$0x1BC70] =	vst v1;
	s23 =	smov.u32 s25  }
0x375: {  	v1 =	vld [tilespmem:$0x1BBC0]  }
0x376: {  	v3 =	vld [tilespmem:$0x1BC00];
	_ =	sdelay $0x1  }
0x377: {  	v0 =	vadd.f32 v0, v2;
	_ =	sdelay $0x1  }
0x378: {  	v0 =	vmul.f32 v1, v0;
	_ =	sdelay $0x1  }
0x379: {  	v0 =	vadd.f32 v3, v0  }
0x37a: {  	v1 =	vld [tilespmem:s23+$0x1CFD0]  }
0x37b: {  	v0 =	vmax.f32 v0, $0.0e+00;
	v2 =	vld [tilespmem:s23+$0x1BC50]  }
0x37c: {  	[tilespmem:s23+$0x1BC40] =	vst v0  }
0x37d: {  	v0 =	vld [tilespmem:$0x1BBD0];
	_ =	sdelay $0x1  }
0x37e: {  	v3 =	vld [tilespmem:$0x1BC10]  }
0x37f: {  	v1 =	vadd.f32 v1, v2;
	_ =	sdelay $0x1  }
0x380: {  	v0 =	vmul.f32 v0, v1;
	_ =	sdelay $0x1  }
0x381: {  	v0 =	vadd.f32 v3, v0  }
0x382: {  	v1 =	vld [tilespmem:s23+$0x1CFE0]  }
0x383: {  	v0 =	vmax.f32 v0, $0.0e+00;
	v2 =	vld [tilespmem:s23+$0x1BC60]  }
0x384: {  	[tilespmem:s23+$0x1BC50] =	vst v0  }
0x385: {  	v0 =	vld [tilespmem:$0x1BBE0];
	_ =	sdelay $0x1  }
0x386: {  	v3 =	vld [tilespmem:$0x1BC20]  }
0x387: {  	v1 =	vadd.f32 v1, v2;
	_ =	sdelay $0x1  }
0x388: {  	v0 =	vmul.f32 v0, v1;
	_ =	sdelay $0x1  }
0x389: {  	v0 =	vadd.f32 v3, v0  }
0x38a: {  	v1 =	vld [tilespmem:s23+$0x1CFF0]  }
0x38b: {  	v0 =	vmax.f32 v0, $0.0e+00;
	v2 =	vld [tilespmem:s23+$0x1BC70]  }
0x38c: {  	[tilespmem:s23+$0x1BC60] =	vst v0  }
0x38d: {  	v0 =	vld [tilespmem:$0x1BBF0]  }
0x38e: {  	v3 =	vld [tilespmem:$0x1BC30];
	_ =	sdelay $0x1  }
0x38f: {  	v1 =	vadd.f32 v1, v2  }
.Ltmp9:
0x390: {  	(pc) =	sbr.rel @p3 .LBB2_16-.Ltmp9, $3  }
0x391: {  	v0 =	vmul.f32 v0, v1;
	_ =	sdelay $0x1  }
0x392: {  	s25 =	sshra.s32 s24, $0x2;
	v1 =	vadd.f32 v3, v0  }
0x393: {  	s24 =	sadd.s32 $0x100, s24;
	v0 =	vld [tilespmem:s25+$0x1CFC0]  }
0x394: {  	v2 =	vld [tilespmem:s25+$0x1BC40];
	v1 =	vmax.f32 v1, $0.0e+00  }
0x395: {  	[tilespmem:s23+$0x1BC70] =	vst v1  }
0x396: {  	v1 =	vld [tilespmem:$0x1BBC0];
	_ =	sdelay $0x1  }
0x397: {  	v3 =	vld [tilespmem:$0x1BC00]  }
0x398: {  	v0 =	vadd.f32 v0, v2;
	_ =	sdelay $0x1  }
0x399: {  	v0 =	vmul.f32 v1, v0;
	_ =	sdelay $0x1  }
0x39a: {  	v0 =	vadd.f32 v3, v0  }
0x39b: {  	v55 =	vld [tilespmem:s25+$0x1CFD0]  }
0x39c: {  	v56 =	vld [tilespmem:s25+$0x1BC50];
	v0 =	vmax.f32 v0, $0.0e+00  }
0x39d: {  	[tilespmem:s25+$0x1BC40] =	vst v0  }
0x39e: {  	v0 =	vld [tilespmem:$0x1BBD0];
	_ =	sdelay $0x1  }
0x39f: {  	v57 =	vld [tilespmem:$0x1BC10]  }
0x3a0: {  	v1 =	vadd.f32 v55, v56;
	_ =	sdelay $0x1  }
0x3a1: {  	v0 =	vmul.f32 v0, v1;
	_ =	sdelay $0x1  }
0x3a2: {  	v0 =	vadd.f32 v57, v0  }
0x3a3: {  	v58 =	vld [tilespmem:s25+$0x1CFE0]  }
0x3a4: {  	v59 =	vld [tilespmem:s25+$0x1BC60];
	v0 =	vmax.f32 v0, $0.0e+00  }
0x3a5: {  	[tilespmem:s25+$0x1BC50] =	vst v0  }
0x3a6: {  	v0 =	vld [tilespmem:$0x1BBE0];
	_ =	sdelay $0x1  }
0x3a7: {  	v60 =	vld [tilespmem:$0x1BC20]  }
0x3a8: {  	v1 =	vadd.f32 v58, v59;
	_ =	sdelay $0x1  }
0x3a9: {  	v0 =	vmul.f32 v0, v1;
	_ =	sdelay $0x1  }
0x3aa: {  	v0 =	vadd.f32 v60, v0  }
0x3ab: {  	v61 =	vld [tilespmem:s25+$0x1CFF0]  }
0x3ac: {  	v62 =	vld [tilespmem:s25+$0x1BC70];
	v0 =	vmax.f32 v0, $0.0e+00  }
0x3ad: {  	[tilespmem:s25+$0x1BC60] =	vst v0  }
0x3ae: {  	v0 =	vld [tilespmem:$0x1BBF0];
	_ =	sdelay $0x1  }
0x3af: {  	v63 =	vld [tilespmem:$0x1BC30]  }
0x3b0: {  	v1 =	vadd.f32 v61, v62;
	_ =	sdelay $0x1  }
0x3b1: {  	v0 =	vmul.f32 v0, v1;
	_ =	sdelay $0x1  }
0x3b2: {  	v0 =	vadd.f32 v63, v0;
	_ =	sdelay $0x1  }
0x3b3: {  	v0 =	vmax.f32 v0, $0.0e+00  }
.Ltmp10:
0x3b4: {  	[tilespmem:s25+$0x1BC70] =	vst v0;
	(pc) =	sbr.rel @p1 .LBB2_21-.Ltmp10, $4  }
0x3b5: {  	[spmem:s2] =	stream.linear.scatter [tilespmem:s13], [sflag:$0x5], $0x1380, $0x38;
	[tilespmem:$0x1E340] =	vst v63  }
0x3b6: {  	_ =	swait.ge [sflag:s11], $0x1380  }
0x3b7: {  	[sflag:s11] =	ssyncset.done $0x0  }
0x3b8: {  	s23 =	sshrl.u32 s9, $0x3;
	[sflag:s11] =	ssyncadd.s32 $0xFFFFEC80  }
0x3b9: {  	s24 =	rddreg [dreg:$0x1b]  }
0x3ba: {  	[spmem:s23], [sflag:s22] =	dma.local [hbm:s24], $0x80  }
0x3bb: {  	_ =	swait.ge [sflag:s11], $0x80  }
0x3bc: {  	[sflag:s11] =	ssyncset.done $0x0  }
0x3bd: {  	s24 =	simm.s32 $0x0;
	s25 =	rddreg [dreg:$0x1c];
	[sflag:s11] =	ssyncadd.s32 $0xFFFFFF80  }
0x3be: {  	[tilespmem:s13], [sflag:$0x5] =	stream.linear.gather [hbm4b:s25+s24], $0x400, $0x38;
	[tilespmem:$0x1E340] =	vst v63  }
0x3bf: {  	_ =	swait.ge [sflag:s11], $0x400  }
0x3c0: {  	[sflag:s11] =	ssyncset.done $0x0  }
0x3c1: {  	s26 =	rddreg [dreg:$0x1d];
	[sflag:s11] =	ssyncadd.s32 $0xFFFFFC00  }
0x3c2: {  	[tilespmem:s14], [sflag:$0x5] =	stream.linear.gather [hbm4b:s26+s24], $0x400, $0x38;
	[tilespmem:$0x1E340] =	vst v63  }
0x3c3: {  	_ =	swait.ge [sflag:s11], $0x400  }
0x3c4: {  	[sflag:s11] =	ssyncset.done $0x0  }
0x3c5: {  	s24 =	simm.s32 $0x0;
	[sflag:s11] =	ssyncadd.s32 $0xFFFFFC00  }
0x3c6: {  	v0 =	vld [tilespmem:s24+$0x1CFC0]  }
0x3c7: {  	v1 =	vld [tilespmem:s24+$0x1BC40];
	_ =	sdelay $0x1  }
0x3c8: {  	v2 =	vld [tilespmem:$0x1BBC0];
	_ =	sdelay $0x1  }
0x3c9: {  	v3 =	vld [tilespmem:$0x1BC00]  }
0x3ca: {  	v0 =	vadd.f32 v0, v1;
	_ =	sdelay $0x1  }
0x3cb: {  	v0 =	vmul.f32 v2, v0;
	_ =	sdelay $0x1  }
0x3cc: {  	v0 =	vadd.f32 v3, v0  }
0x3cd: {  	v1 =	vld [tilespmem:s24+$0x1CFD0]  }
0x3ce: {  	v2 =	vld [tilespmem:s24+$0x1BC50];
	v0 =	vmax.f32 v0, $0.0e+00  }
0x3cf: {  	[tilespmem:s24+$0x1BC40] =	vst v0  }
0x3d0: {  	v0 =	vld [tilespmem:$0x1BBD0];
	_ =	sdelay $0x1  }
0x3d1: {  	v3 =	vld [tilespmem:$0x1BC10]  }
0x3d2: {  	v1 =	vadd.f32 v1, v2;
	_ =	sdelay $0x1  }
0x3d3: {  	v0 =	vmul.f32 v0, v1;
	_ =	sdelay $0x1  }
0x3d4: {  	v0 =	vadd.f32 v3, v0  }
0x3d5: {  	v2 =	vld [tilespmem:s24+$0x1BC60]  }
0x3d6: {  	v1 =	vld [tilespmem:s24+$0x1CFE0];
	v0 =	vmax.f32 v0, $0.0e+00  }
0x3d7: {  	[tilespmem:s24+$0x1BC50] =	vst v0  }
0x3d8: {  	v0 =	vld [tilespmem:$0x1BBE0];
	_ =	sdelay $0x1  }
0x3d9: {  	v3 =	vld [tilespmem:$0x1BC20]  }
0x3da: {  	v1 =	vadd.f32 v1, v2;
	_ =	sdelay $0x1  }
0x3db: {  	v0 =	vmul.f32 v0, v1;
	_ =	sdelay $0x1  }
0x3dc: {  	v0 =	vadd.f32 v3, v0  }
0x3dd: {  	v2 =	vld [tilespmem:s24+$0x1BC70]  }
0x3de: {  	v1 =	vld [tilespmem:s24+$0x1CFF0];
	v0 =	vmax.f32 v0, $0.0e+00  }
0x3df: {  	[tilespmem:s24+$0x1BC60] =	vst v0  }
0x3e0: {  	v0 =	vld [tilespmem:$0x1BBF0];
	_ =	sdelay $0x1  }
0x3e1: {  	v3 =	vld [tilespmem:$0x1BC30]  }
0x3e2: {  	v1 =	vadd.f32 v1, v2;
	_ =	sdelay $0x1  }
0x3e3: {  	v0 =	vmul.f32 v0, v1;
	_ =	sdelay $0x1  }
0x3e4: {  	s26 =	simm.s32 $0x40;
	v1 =	vadd.f32 v3, v0  }
0x3e5: {  	s25 =	simm.s32 $0x200;
	v0 =	vld [tilespmem:s26+$0x1CFC0]  }
.LBB2_19:
0x3e6: {  	p3 =	sne.s32 s25, $0xF00;
	v2 =	vld [tilespmem:s26+$0x1BC40];
	v1 =	vmax.f32 v1, $0.0e+00  }
0x3e7: {  	[tilespmem:s24+$0x1BC70] =	vst v1;
	s24 =	smov.u32 s26  }
0x3e8: {  	v1 =	vld [tilespmem:$0x1BBC0]  }
0x3e9: {  	v3 =	vld [tilespmem:$0x1BC00];
	_ =	sdelay $0x1  }
0x3ea: {  	v0 =	vadd.f32 v0, v2;
	_ =	sdelay $0x1  }
0x3eb: {  	v0 =	vmul.f32 v1, v0;
	_ =	sdelay $0x1  }
0x3ec: {  	v0 =	vadd.f32 v3, v0  }
0x3ed: {  	v1 =	vld [tilespmem:s24+$0x1CFD0]  }
0x3ee: {  	v0 =	vmax.f32 v0, $0.0e+00;
	v2 =	vld [tilespmem:s24+$0x1BC50]  }
0x3ef: {  	[tilespmem:s24+$0x1BC40] =	vst v0  }
0x3f0: {  	v0 =	vld [tilespmem:$0x1BBD0];
	_ =	sdelay $0x1  }
0x3f1: {  	v3 =	vld [tilespmem:$0x1BC10]  }
0x3f2: {  	v1 =	vadd.f32 v1, v2;
	_ =	sdelay $0x1  }
0x3f3: {  	v0 =	vmul.f32 v0, v1;
	_ =	sdelay $0x1  }
0x3f4: {  	v0 =	vadd.f32 v3, v0  }
0x3f5: {  	v1 =	vld [tilespmem:s24+$0x1CFE0]  }
0x3f6: {  	v0 =	vmax.f32 v0, $0.0e+00;
	v2 =	vld [tilespmem:s24+$0x1BC60]  }
0x3f7: {  	[tilespmem:s24+$0x1BC50] =	vst v0  }
0x3f8: {  	v0 =	vld [tilespmem:$0x1BBE0];
	_ =	sdelay $0x1  }
0x3f9: {  	v3 =	vld [tilespmem:$0x1BC20]  }
0x3fa: {  	v1 =	vadd.f32 v1, v2;
	_ =	sdelay $0x1  }
0x3fb: {  	v0 =	vmul.f32 v0, v1;
	_ =	sdelay $0x1  }
0x3fc: {  	v0 =	vadd.f32 v3, v0  }
0x3fd: {  	v1 =	vld [tilespmem:s24+$0x1CFF0]  }
0x3fe: {  	v0 =	vmax.f32 v0, $0.0e+00;
	v2 =	vld [tilespmem:s24+$0x1BC70]  }
0x3ff: {  	[tilespmem:s24+$0x1BC60] =	vst v0  }
0x400: {  	v0 =	vld [tilespmem:$0x1BBF0]  }
0x401: {  	v3 =	vld [tilespmem:$0x1BC30];
	_ =	sdelay $0x1  }
0x402: {  	v1 =	vadd.f32 v1, v2  }
.Ltmp11:
0x403: {  	(pc) =	sbr.rel @p3 .LBB2_19-.Ltmp11, $3  }
0x404: {  	v0 =	vmul.f32 v0, v1;
	_ =	sdelay $0x1  }
0x405: {  	s26 =	sshra.s32 s25, $0x2;
	v1 =	vadd.f32 v3, v0  }
0x406: {  	s25 =	sadd.s32 $0x100, s25;
	v0 =	vld [tilespmem:s26+$0x1CFC0]  }
0x407: {  	v2 =	vld [tilespmem:s26+$0x1BC40];
	v1 =	vmax.f32 v1, $0.0e+00  }
0x408: {  	[tilespmem:s24+$0x1BC70] =	vst v1  }
0x409: {  	v1 =	vld [tilespmem:$0x1BBC0];
	_ =	sdelay $0x1  }
0x40a: {  	v3 =	vld [tilespmem:$0x1BC00]  }
0x40b: {  	v0 =	vadd.f32 v0, v2;
	_ =	sdelay $0x1  }
0x40c: {  	v0 =	vmul.f32 v1, v0;
	_ =	sdelay $0x1  }
0x40d: {  	v0 =	vadd.f32 v3, v0  }
0x40e: {  	v55 =	vld [tilespmem:s26+$0x1CFD0]  }
0x40f: {  	v56 =	vld [tilespmem:s26+$0x1BC50];
	v0 =	vmax.f32 v0, $0.0e+00  }
0x410: {  	[tilespmem:s26+$0x1BC40] =	vst v0  }
0x411: {  	v0 =	vld [tilespmem:$0x1BBD0];
	_ =	sdelay $0x1  }
0x412: {  	v57 =	vld [tilespmem:$0x1BC10]  }
0x413: {  	v1 =	vadd.f32 v55, v56;
	_ =	sdelay $0x1  }
0x414: {  	v0 =	vmul.f32 v0, v1;
	_ =	sdelay $0x1  }
0x415: {  	v0 =	vadd.f32 v57, v0  }
0x416: {  	v58 =	vld [tilespmem:s26+$0x1CFE0]  }
0x417: {  	v59 =	vld [tilespmem:s26+$0x1BC60];
	v0 =	vmax.f32 v0, $0.0e+00  }
0x418: {  	[tilespmem:s26+$0x1BC50] =	vst v0  }
0x419: {  	v0 =	vld [tilespmem:$0x1BBE0];
	_ =	sdelay $0x1  }
0x41a: {  	v60 =	vld [tilespmem:$0x1BC20]  }
0x41b: {  	v1 =	vadd.f32 v58, v59;
	_ =	sdelay $0x1  }
0x41c: {  	v0 =	vmul.f32 v0, v1;
	_ =	sdelay $0x1  }
0x41d: {  	v0 =	vadd.f32 v60, v0  }
0x41e: {  	v61 =	vld [tilespmem:s26+$0x1CFF0]  }
0x41f: {  	v62 =	vld [tilespmem:s26+$0x1BC70];
	v0 =	vmax.f32 v0, $0.0e+00  }
0x420: {  	[tilespmem:s26+$0x1BC60] =	vst v0  }
0x421: {  	v0 =	vld [tilespmem:$0x1BBF0];
	_ =	sdelay $0x1  }
0x422: {  	v63 =	vld [tilespmem:$0x1BC30]  }
0x423: {  	v1 =	vadd.f32 v61, v62;
	_ =	sdelay $0x1  }
0x424: {  	v0 =	vmul.f32 v0, v1;
	_ =	sdelay $0x1  }
0x425: {  	v0 =	vadd.f32 v63, v0;
	_ =	sdelay $0x1  }
0x426: {  	v0 =	vmax.f32 v0, $0.0e+00  }
0x427: {  	[tilespmem:s26+$0x1BC70] =	vst v0;
	s26 =	sld [smem:$0x7FD];
	_ =	sdelay $0x2  }
0x428: {  	[spmem:s26] =	stream.linear.scatter [tilespmem:s13], [sflag:$0x5], $0x400, $0x38;
	[tilespmem:$0x1E340] =	vst v63  }
0x429: {  	_ =	swait.ge [sflag:s11], $0x400  }
0x42a: {  	[sflag:s11] =	ssyncset.done $0x0  }
0x42b: {  	[sflag:s11] =	ssyncadd.s32 $0xFFFFFC00  }
.LBB2_21:
0x42c: {  	[bflag:$0x0] =	sbarrier.arrive $0xFFFF;
	s24 =	simm.s32 $0x13880  }
0x42d: {  	[tilespmem:s16], [sflag:$0x1] =	stream.indirect.gather [spmem:s4], $0x40, s24, s15, $0xb8;
	[tilespmem:$0x1E340] =	vst v63  }
0x42e: {  	_ =	swait.ge [sflag:s17], $0x1900  }
0x42f: {  	[sflag:s17] =	ssyncset.done $0x0  }
0x430: {  	s25 =	simm.s32 $0x138E8;
	[sflag:s17] =	ssyncadd.s32 $0xFFFFE700  }
0x431: {  	[tilespmem:s18], [sflag:$0x2] =	stream.indirect.gather [spmem:s4], $0x40, s25, s15, $0xb8;
	[tilespmem:$0x1E340] =	vst v63  }
0x432: {  	s26 =	simm.s32 $0x16120  }
0x433: {  	[spmem:s3] =	stream.indirect.scatter.add.f32 [tilespmem:s16], [sflag:$0x3], $0x40, s26, s15, $0xb8;
	[tilespmem:$0x1E340] =	vst v63  }
0x434: {  	_ =	swait.ge [sflag:s19], $0x1900  }
0x435: {  	[sflag:s19] =	ssyncset.done $0x0  }
0x436: {  	[sflag:s19] =	ssyncadd.s32 $0xFFFFE700  }
0x437: {  	_ =	swait.ge [sflag:s20], $0x1900  }
0x438: {  	[sflag:s20] =	ssyncset.done $0x0  }
0x439: {  	s25 =	simm.s32 $0x13950;
	[sflag:s20] =	ssyncadd.s32 $0xFFFFE700  }
0x43a: {  	[tilespmem:s16], [sflag:$0x1] =	stream.indirect.gather [spmem:s4], $0x40, s25, s15, $0xb8;
	[tilespmem:$0x1E340] =	vst v63  }
0x43b: {  	s24 =	simm.s32 $0xFFFF6400;
	s26 =	simm.s32 $0x16188  }
0x43c: {  	[spmem:s3] =	stream.indirect.scatter.add.f32 [tilespmem:s18], [sflag:$0x4], $0x40, s26, s15, $0xb8;
	[tilespmem:$0x1E340] =	vst v63  }
.LBB2_22:
0x43d: {  	_ =	swait.ge [sflag:s17], $0x1900  }
0x43e: {  	[sflag:s17] =	ssyncset.done $0x0  }
0x43f: {  	[sflag:s17] =	ssyncadd.s32 $0xFFFFE700  }
0x440: {  	_ =	swait.ge [sflag:s10], $0x1900  }
0x441: {  	s25 =	sshra.s32 s24, $0x2;
	[sflag:s10] =	ssyncset.done $0x0  }
0x442: {  	s26 =	sadd.s32 $0x160B8, s25;
	[sflag:s10] =	ssyncadd.s32 $0xFFFFE700  }
0x443: {  	[tilespmem:s18], [sflag:$0x2] =	stream.indirect.gather [spmem:s4], $0x40, s26, s15, $0xb8;
	[tilespmem:$0x1E340] =	vst v63  }
0x444: {  	s26 =	sadd.s32 $0x188F0, s25  }
0x445: {  	[spmem:s3] =	stream.indirect.scatter.add.f32 [tilespmem:s16], [sflag:$0x3], $0x40, s26, s15, $0xb8;
	[tilespmem:$0x1E340] =	vst v63  }
0x446: {  	p3 =	seq.s32 s24, $0x0;
	_ =	swait.ge [sflag:s19], $0x1900  }
.Ltmp12:
0x447: {  	[sflag:s19] =	ssyncset.done $0x0;
	(pc) =	sbr.rel @p3 .LBB2_24-.Ltmp12, $4  }
0x448: {  	[sflag:s19] =	ssyncadd.s32 $0xFFFFE700  }
0x449: {  	_ =	swait.ge [sflag:s20], $0x1900  }
0x44a: {  	[sflag:s20] =	ssyncset.done $0x0  }
0x44b: {  	s26 =	sadd.s32 $0x18958, s25;
	[sflag:s20] =	ssyncadd.s32 $0xFFFFE700  }
.Ltmp13:
0x44c: {  	(pc) =	sbr.rel .LBB2_22-.Ltmp13, $4  }
0x44d: {  	s25 =	sadd.s32 $0x16120, s25  }
0x44e: {  	[tilespmem:s16], [sflag:$0x1] =	stream.indirect.gather [spmem:s4], $0x40, s25, s15, $0xb8;
	[tilespmem:$0x1E340] =	vst v63  }
0x44f: {  	s24 =	sadd.s32 $0x340, s24  }
0x450: {  	[spmem:s3] =	stream.indirect.scatter.add.f32 [tilespmem:s18], [sflag:$0x4], $0x40, s26, s15, $0xb8;
	[tilespmem:$0x1E340] =	vst v63  }
.LBB2_24:
0x451: {  	[spmem:s3] =	stream.indirect.scatter.add.f32 [tilespmem:s18], [sflag:$0x4], $0x40, s26, s15, $0xb8;
	[tilespmem:$0x1E340] =	vst v63  }
.Ltmp14:
0x452: {  	_ =	swait.ge [sflag:s10], $0x1900;
	(pc) =	sbr.rel @!p0 .LBB2_25-.Ltmp14, $3  }
0x453: {  	[sflag:s10] =	ssyncset.done $0x0  }
0x454: {  	[sflag:s10] =	ssyncadd.s32 $0xFFFFE700  }
0x455: {  	[bflag:$0x0] =	sbarrier.arrive $0xFFFF;
	_ =	sdelay $0x1  }
0x456: {  	s24 =	rddreg [dreg:$0x1f]  }
0x457: {  	[hbm:s24], [sflag:s22] =	dma.local [spmem:s12], $0x1380  }
.Ltmp15:
0x458: {  	_ = 	snop;
	(pc) =	sbr.rel @p1 .LBB2_28-.Ltmp15, $4  }
.Ltmp16:
0x459: {  	_ = 	snop;
	(pc) =	sbr.rel @!p1 .LBB2_27-.Ltmp16, $4  }
0x45a: {  	_ =	swait.ge [sflag:s11], $0x1380  }
0x45b: {  	[sflag:s11] =	ssyncset.done $0x0  }
0x45c: {  	s12 =	rddreg [dreg:$0x1a];
	[sflag:s11] =	ssyncadd.s32 $0xFFFFEC80  }
0x45d: {  	_ = 	snop  }
.LBB2_25:
0x45e: {  	s24 =	rddreg [dreg:$0x1e]  }
0x45f: {  	[hbm:s24], [sflag:s22] =	dma.local [spmem:s12], $0x1380  }
.Ltmp17:
0x460: {  	_ = 	snop;
	(pc) =	sbr.rel @p2 .LBB2_27-.Ltmp17, $4  }
.Ltmp18:
0x461: {  	_ =	swait.ge [sflag:s11], $0x1380;
	(pc) =	sbr.rel @!p2 .LBB2_28-.Ltmp18, $4  }
0x462: {  	[sflag:s11] =	ssyncset.done $0x0  }
0x463: {  	[sflag:s11] =	ssyncadd.s32 $0xFFFFEC80  }
0x464: {  	s12 =	rddreg [dreg:$0x1]  }
0x465: {  	_ = 	snop  }
.LBB2_29:
0x466: {  	_ =	sfence.sel $0x180000  }
0x467: {  	[bflag:$0x0] =	sbarrier.arrive $0xFFFF  }
0x468: {  	_ =	strace $0x9000004A  }
0x469: {  	s0 =	stileid.u32;
	[bflag:$0x2] =	sbarrier.arrive $0xFFFF  }
0x46a: {  	p0 =	sne.s32 s0, $0x0;
	s0 =	rddreg [dreg:$0x4]  }
0x46b: {  	s0 =	sadd.s32 @!p0 $0x100000, s0  }
0x46c: {  	[sflag:s0] =	ssyncadd.tile.s32 @!p0 $0x1;
	_ =	shalt  }
.Lfunc_end2:
_tile_overlayer_lowered:
.L_overlay_start_2:
0x46d: {  	(tag) =	ssettag $0x2  }
0x46e: {  	s0 =	rddreg [dreg:$0x0];
	s2 =	stileid.u32  }
0x46f: {  	s1 =	rddreg [dreg:$0x1];
	p0 =	sne.s32 s2, $0x0  }
0x470: {  	s3 =	rddreg [dreg:$0x2];
	[bflag:$0x3] =	sbarrier.arrive $0xFFFF;
	s2 =	simm.s32 @!p0 $0x1C05  }
0x471: {  	[timem:s3], [sflag:s2] =	dma.local @!p0 [hbm:s0], s1  }
0x472: {  	s0 =	simm.s32 @!p0 $0x5  }
0x473: {  	_ =	swait.ge @!p0 [sflag:s0], s1  }
0x474: {  	s1 =	ssub.s32 @!p0 $0x0, s1;
	[sflag:s0] =	ssyncset.done @!p0 $0x0  }
0x475: {  	[sflag:s0] =	ssyncadd.s32 @!p0 s1  }
0x476: {  	[bflag:$0x3] =	sbarrier.arrive $0xFFFF  }
0x477: {  	_ =	shalt  }

// kernel: kernel.7.cloned.1.call-start
scs
__scs_entry_jumppad:
0x0: {  	(pc) =	sbr.rel $0x88, $3  }
0x1: {  	(tag) =	ssettag $0x0;
	lr =	simm.s32 $0x1  }
0x2: {  	[smem:$0x3F96] =	sst lr;
	_ =	strace $0xD0000000  }
0x3: {  	_ = 	snop  }
0x4: {  	_ = 	snop  }
0x5: {  	_ = 	snop  }
0x6: {  	_ = 	snop  }
0x7: {  	_ = 	snop  }
__scs_overlays_trampoline_lowered:
0x8: {  	[smem:$0x3FA5] =	sst s0  }
0x9: {  	[smem:$0x3FA6] =	sst s1  }
0xa: {  	[smem:$0x3FA7] =	sst s2  }
0xb: {  	[smem:$0x3FA8] =	sst s3  }
0xc: {  	[smem:$0x3FA9] =	sst s4  }
0xd: {  	[smem:$0x3FAA] =	sst s5  }
0xe: {  	[smem:$0x3FAB] =	sst s6  }
0xf: {  	[smem:$0x3FAC] =	sst s7  }
0x10: {  	[smem:$0x3FAD] =	sst s8  }
0x11: {  	[smem:$0x3FAE] =	sst s9;
	s0 =	simm.s32 @!p0 $0x0  }
0x12: {  	s1 =	sld [smem:$0x3F94];
	s0 =	simm.s32 @p0 $0x1  }
0x13: {  	[smem:$0x3FAF] =	sst s0;
	s0 =	simm.s32 @!p1 $0x0  }
0x14: {  	s2 =	sld [smem:$0x3F93];
	s0 =	simm.s32 @p1 $0x1  }
0x15: {  	[smem:$0x3FB0] =	sst s0;
	s0 =	simm.s32 @!p2 $0x0  }
0x16: {  	s3 =	sld [smem:$0x3FDB];
	s0 =	simm.s32 @p2 $0x1  }
0x17: {  	s4 =	simm.s32 $0x1BF5;
	[smem:$0x3FB2] =	sst s0  }
0x18: {  	s0 =	sld [smem:$0x3F95];
	_ =	swait.ge [sflag:s4], $0x0  }
0x19: {  	s7 =	sld [smem:$0x3F96]  }
0x1a: {  	s8 =	sadd.s32 $0xFFFFE003, lr  }
0x1b: {  	s9 =	sadd.s32 $0xFFFFFEF7, lr;
	s5 =	simm.s32 $0xFFFFFFFF;
	p2 =	slt.u32 s8, $0xFFFFF086  }
0x1c: {  	p1 =	slt.u32 s9, $0xF7A;
	s5 =	simm.s32 @!p2 $0x0  }
0x1d: {  	s5 =	simm.s32 @p1 $0x1;
	p0 =	seq.s32 s7, s2  }
0x1e: {  	s7 =	smul.u32 @!p0 $0xF7A, s2;
	p2 =	seq.s32 @!p0 s5, $0x0  }
0x1f: {  	s9 =	smul.u32 $0xF7A, s1;
	s8 =	simm.s32 @!p0 $0x1BF5;
	p2 =	por !p2, p0  }
0x20: {  	[sflag:s8] =	ssyncset.s32 @!p0 $0xFFFFF086;
	s6 =	sadd.s32 @!p0 s3, s7;
	s7 =	simm.s32 @!p0 $0x108  }
0x21: {  	s3 =	sadd.s32 s3, s9;
	s6 =	sadd.s32 @!p0 $0x88, s6;
	s7 =	simm.s32 @p2 $0x1082  }
0x22: {  	[simem:s7], [sflag:s8] =	dma.local @!p0 [hbm:s6], $0xF7A  }
0x23: {  	s9 =	sor.u32 $0xD0000000, s2;
	s6 =	simm.s32 $0x108;
	_ =	swait.ge @!p0 [sflag:s8], $0x0  }
0x24: {  	s3 =	sadd.s32 $0x88, s3;
	s6 =	simm.s32 @!p1 $0x1082;
	[sflag:s4] =	ssyncset.s32 $0xFFFFF086  }
0x25: {  	[simem:s6], [sflag:s4] =	dma.local [hbm:s3], $0xF7A  }
0x26: {  	[smem:$0x3F96] =	sst s1;
	(tag) =	ssettag s2;
	_ =	strace s9  }
0x27: {  	s1 =	sld [smem:$0x3FA6]  }
0x28: {  	s2 =	sld [smem:$0x3FA7]  }
0x29: {  	s4 =	sld [smem:$0x3FA9]  }
0x2a: {  	p0 =	seq.s32 s5, $0x0;
	s5 =	sld [smem:$0x3FAA]  }
0x2b: {  	s6 =	sld [smem:$0x3FAB]  }
0x2c: {  	s7 =	sld [smem:$0x3FAC]  }
0x2d: {  	s3 =	simm.s32 $0x108;
	s8 =	sld [smem:$0x3FAD]  }
0x2e: {  	s3 =	simm.s32 @!p0 $0x1082;
	s9 =	sld [smem:$0x3FAE]  }
0x2f: {  	lr =	sadd.s32 s0, s3;
	s0 =	sld [smem:$0x3FA5]  }
0x30: {  	s3 =	sld [smem:$0x3FA8]  }
0x31: {  	[smem:$0x3FB1] =	sst s10  }
0x32: {  	s10 =	sld [smem:$0x3FAF];
	_ =	sdelay $0x3  }
0x33: {  	p0 =	seq.s32 s10, $0x1;
	s10 =	sld [smem:$0x3FB1];
	_ =	sdelay $0x3  }
0x34: {  	[smem:$0x3FB1] =	sst s10  }
0x35: {  	s10 =	sld [smem:$0x3FB0];
	_ =	sdelay $0x3  }
0x36: {  	p1 =	seq.s32 s10, $0x1;
	s10 =	sld [smem:$0x3FB1];
	_ =	sdelay $0x3  }
0x37: {  	[smem:$0x3FB1] =	sst s10  }
0x38: {  	s10 =	sld [smem:$0x3FB2]  }
0x39: {  	_ = 	snop;
	(pc) =	sbr.ind lr, $3  }
0x3a: {  	_ = 	snop  }
0x3b: {  	_ = 	snop  }
0x3c: {  	p2 =	seq.s32 s10, $0x1;
	s10 =	sld [smem:$0x3FB1]  }
0x3d: {  	_ =	shalt  }
0x3e: {  	_ =	shalt  }
0x3f: {  	_ =	shalt  }
0x40: {  	_ =	shalt  }
0x41: {  	_ =	shalt  }
0x42: {  	_ =	shalt  }
0x43: {  	_ =	shalt  }
0x44: {  	_ =	shalt  }
0x45: {  	_ =	shalt  }
0x46: {  	_ =	shalt  }
0x47: {  	_ =	shalt  }
0x48: {  	_ =	shalt  }
0x49: {  	_ =	shalt  }
0x4a: {  	_ =	shalt  }
0x4b: {  	_ =	shalt  }
0x4c: {  	_ =	shalt  }
0x4d: {  	_ =	shalt  }
0x4e: {  	_ =	shalt  }
0x4f: {  	_ =	shalt  }
0x50: {  	_ =	shalt  }
0x51: {  	_ =	shalt  }
0x52: {  	_ =	shalt  }
0x53: {  	_ =	shalt  }
0x54: {  	_ =	shalt  }
0x55: {  	_ =	shalt  }
0x56: {  	_ =	shalt  }
0x57: {  	_ =	shalt  }
0x58: {  	_ =	shalt  }
0x59: {  	_ =	shalt  }
0x5a: {  	_ =	shalt  }
0x5b: {  	_ =	shalt  }
0x5c: {  	_ =	shalt  }
0x5d: {  	_ =	shalt  }
0x5e: {  	_ =	shalt  }
0x5f: {  	_ =	shalt  }
0x60: {  	_ =	shalt  }
0x61: {  	_ =	shalt  }
0x62: {  	_ =	shalt  }
0x63: {  	_ =	shalt  }
0x64: {  	_ =	shalt  }
0x65: {  	_ =	shalt  }
0x66: {  	_ =	shalt  }
0x67: {  	_ =	shalt  }
0x68: {  	_ =	shalt  }
0x69: {  	_ =	shalt  }
0x6a: {  	_ =	shalt  }
0x6b: {  	_ =	shalt  }
0x6c: {  	_ =	shalt  }
0x6d: {  	_ =	shalt  }
0x6e: {  	_ =	shalt  }
0x6f: {  	_ =	shalt  }
0x70: {  	_ =	shalt  }
0x71: {  	_ =	shalt  }
0x72: {  	_ =	shalt  }
0x73: {  	_ =	shalt  }
0x74: {  	_ =	shalt  }
0x75: {  	_ =	shalt  }
0x76: {  	_ =	shalt  }
0x77: {  	_ =	shalt  }
0x78: {  	_ =	shalt  }
0x79: {  	_ =	shalt  }
0x7a: {  	_ =	shalt  }
0x7b: {  	_ =	shalt  }
0x7c: {  	_ =	shalt  }
0x7d: {  	_ =	shalt  }
0x7e: {  	_ =	shalt  }
0x7f: {  	_ =	shalt  }
0x80: {  	_ =	shalt  }
0x81: {  	_ =	shalt  }
0x82: {  	_ =	shalt  }
0x83: {  	_ =	shalt  }
0x84: {  	_ =	shalt  }
0x85: {  	_ =	shalt  }
0x86: {  	_ =	shalt  }
0x87: {  	_ =	shalt  }
.Lfunc_end0:
.L_simem_size_0:
called_computation_lowered:
.L_overlay_start_0:
0x88: {  	s2 =	sld [smem:$0x3FD9]  }
0x89: {  	s3 =	sld [smem:$0x3FFE];
	_ =	sdelay $0x1  }
0x8a: {  	s1 =	srdreg.scid  }
0x8b: {  	s0 =	sand.u32 $0x1, s1  }
0x8c: {  	s17 =	sshll.u32 s0, $0xA;
	s2 =	sadd.s32 s3, s2  }
0x8d: {  	s2 =	sadd.s32 s2, s17  }
0x8e: {  	[smem:$0x3FBD] =	sst s2  }
0x8f: {  	_ = 	snop  }
0x90: {  	s2 =	sld [smem:$0x3FD0];
	(tm) =	ssettm $0x1  }
0x91: {  	s18 =	sld [smem:$0x3FFB];
	_ =	sdelay $0x3  }
0x92: {  	_ =	strace s18  }
0x93: {  	s3 =	sld [smem:$0x3FFC];
	_ =	sdelay $0x3  }
0x94: {  	_ =	strace s3  }
0x95: {  	s3 =	sld [smem:$0x3FFD];
	_ =	sdelay $0x3  }
0x96: {  	_ =	strace s3  }
0x97: {  	_ =	strace $0x8FFFFFFF  }
0x98: {  	s19 =	sld [smem:$0x3FDB];
	_ =	sdelay $0x1  }
0x99: {  	s4 =	simm.s32 $_scs_section_size  }
0x9a: {  	s5 =	simm.s32 $_size__tile_overlayer_lowered;
	s6 =	simm.s32 $_tile_overlayer_lowered  }
0x9b: {  	s22 =	simm.s32 $0x1BFF;
	s21 =	sshll.u32 s6, $0x1;
	s3 =	sadd.s32 s4, s19  }
0x9c: {  	s7 =	simm.s32 $0x0;
	s20 =	sshll.u32 s5, $0x1;
	s5 =	sadd.s32 s21, s3  }
0x9d: {  	[timem:s7], [sflag:s22] =	dma.local [hbm:s5], s20  }
0x9e: {  	_ =	swait.ge [sflag:s22], s20  }
0x9f: {  	s4 =	ssub.s32 $0x0, s20;
	[sflag:s22] =	ssyncset.done $0x0  }
0xa0: {  	[sflag:s22] =	ssyncadd.s32 s4;
	_ =	sdelay $0x1  }
0xa1: {  	s23 =	simm.s32 $0x1B8B  }
0xa2: {  	_ =	swait.ge [sflag:s23], $0x1  }
0xa3: {  	[sflag:s23] =	ssyncset.done $0x0  }
0xa4: {  	s25 =	simm.s32 $0x1B8E;
	s24 =	sld [smem:$0x3FFE];
	[sflag:s23] =	ssyncadd.s32 $0xFFFFFFFF  }
0xa5: {  	s26 =	simm.s32 $execute0_lowered;
	[smem:$0x3FD2] =	sst s25  }
0xa6: {  	s5 =	sshll.u32 s26, $0x1;
	_ =	strace $0x80000046;
	[dreg:$0x1] =	wrdreg $0xFFFFFFFF  }
0xa7: {  	s28 =	simm.s32 $_size_execute0_lowered;
	s3 =	sadd.s32 s3, s5;
	[dreg:$0x0] =	wrdreg $0x0  }
0xa8: {  	s5 =	sshll.u32 s28, $0x1;
	[dreg:$0x2] =	wrdreg s3  }
0xa9: {  	[dreg:$0x3] =	wrdreg s5  }
0xaa: {  	[dreg:$0x4] =	wrdreg $0xC0  }
0xab: {  	_ =	task [dreg:s7], $0x5FFFF  }
0xac: {  	[dreg:$0x1] =	wrdreg $0xFFFFFFFF  }
0xad: {  	[dreg:$0x0] =	wrdreg $0x60  }
0xae: {  	[dreg:$0x2] =	wrdreg s2  }
0xaf: {  	[dreg:$0x3] =	wrdreg s24  }
0xb0: {  	[dreg:$0x4] =	wrdreg $0x0  }
0xb1: {  	[dreg:$0x5] =	wrdreg $0x9C400  }
0xb2: {  	[dreg:$0x6] =	wrdreg $0x9  }
0xb3: {  	_ =	task.clear_ibuf [dreg:s7], $0x7FFFF;
	_ =	strace $0x90000046  }
0xb4: {  	s29 =	simm.s32 $0x9;
	_ =	strace $0x80000048  }
0xb5: {  	_ =	swait.ge [sflag:s29], $0x1  }
0xb6: {  	[sflag:s29] =	ssyncadd.s32 $0xFFFFFFFF  }
0xb7: {  	_ =	strace $0x90000048  }
0xb8: {  	_ =	sfence  }
0xb9: {  	s30 =	sld [smem:$0x0];
	_ =	sdelay $0x2  }
0xba: {  	s31 =	sshll.u32 s1, $0xD;
	s1 =	sshrl.u32 s1, $0x2  }
0xbb: {  	s3 =	sand.u32 $0x4000, s31;
	s1 =	sadd.s32 s1, s30  }
0xbc: {  	s0 =	sor.u32 s3, s0;
	s1 =	sshll.u32 s1, $0x11  }
0xbd: {  	s0 =	sor.u32 s1, s0  }
0xbe: {  	s0 =	sadd.s32 $0x8F2B, s0  }
0xbf: {  	[sflag:s0] =	ssyncadd.remote.s32 $0x1  }
0xc0: {  	_ =	sfence.sel $0xFFFF  }
0xc1: {  	[dreg:$0x0] =	wrdreg $0xFFFFFFFF;
	(pc) =	sbr.abs _section_cstart, $3  }
0xc2: {  	[dreg:$0x1] =	wrdreg $0xFFFFFFFF  }
0xc3: {  	_ =	task.clear_ibuf [dreg:s7], $0x2FFFF;
	_ =	strace $0x9FFFFFFF  }
0xc4: {  	(tm) =	ssettm $0x7FFFFFFF  }
0xc5: {  	_ =	shalt  }
tec
execute0_lowered:
.L_overlay_start_1:
0x0: {  	(tag) =	ssettag $0x1  }
0x1: {  	s0 =	rddreg [dreg:$0x0];
	s1 =	srdreg.scid  }
0x2: {  	s16 =	stileid.u32;
	s5 =	rddreg [dreg:$0x1]  }
0x3: {  	s2 =	rddreg [dreg:$0x2];
	s4 =	simm.s32 $0x0;
	s20 =	simm.s32 $0x5  }
0x4: {  	s28 =	simm.s32 $0x1;
	s29 =	simm.s32 $0x1A2C0;
	s30 =	simm.s32 $0x2  }
0x5: {  	s31 =	simm.s32 $0x3;
	s21 =	simm.s32 $0x0;
	s1 =	sand.u32 $0x1, s1  }
0x6: {  	s3 =	sshll.u32 s16, $0x1;
	[smem:$0x7FF] =	sst s4;
	s8 =	smul.u32 $0x9C00, s16  }
0x7: {  	s17 =	sadd.s32 $0x33E00, s5;
	s18 =	sadd.s32 $0x47800, s5;
	s13 =	sadd.s32 $0x9C000, s2  }
0x8: {  	s14 =	sadd.s32 $0x33C00, s5;
	s15 =	sadd.s32 $0x13800, s0;
	p1 =	sne.s32 s16, $0xF  }
0x9: {  	p2 =	seq.s32 s16, $0xF;
	s6 =	sor.u32 s1, s3;
	s3 =	rddreg [dreg:$0x3]  }
0xa: {  	_ =	strace $0x80000047;
	s10 =	ssub.s32 $0x2, s1;
	[dreg:$0x5] =	wrdreg s17  }
0xb: {  	p0 =	seq.s32 s1, $0x1;
	[dreg:$0x6] =	wrdreg s18;
	s7 =	smul.u32 $0x514, s6  }
0xc: {  	s1 =	simm.s32 $0x4;
	s6 =	smul.u32 $0x4E2, s6;
	s9 =	sshrl.u32 s8, $0x3  }
0xd: {  	s12 =	sshrl.u32 s10, $0x1;
	s23 =	sadd.s32 s8, s2;
	s24 =	sadd.s32 s8, s3  }
0xe: {  	s11 =	sadd.s32 s9, s5;
	s10 =	ssub.s32 s10, s12;
	[dreg:$0xa] =	wrdreg s23  }
0xf: {  	s12 =	sadd.s32 s0, s9;
	s25 =	sadd.s32 s17, s9;
	s26 =	sadd.s32 s18, s9  }
0x10: {  	s23 =	sshrl.u32 s24, $0x3;
	s7 =	sadd.s32 s7, s5;
	s6 =	sadd.s32 s6, s5  }
.Ltmp0:
0x11: {  	s11 =	sadd.s32 $0x20400, s11;
	[dreg:$0xb] =	wrdreg s25;
	(pc) =	sbr.rel .LBB2_1-.Ltmp0, $4  }
0x12: {  	s5 =	sadd.s32 $0x9C000, s3;
	[dreg:$0xc] =	wrdreg s26;
	s22 =	sadd.s32 $0xBE00, s7  }
0x13: {  	s18 =	smax.u32 s10, $0x1;
	s7 =	sadd.s32 $0x1A00, s7;
	[dreg:$0x7] =	wrdreg s22  }
0x14: {  	s25 =	simm.s32 $0x64;
	s6 =	sadd.s32 $0x16200, s6;
	[dreg:$0x8] =	wrdreg s7  }
0x15: {  	s26 =	simm.s32 $0x189C0;
	s24 =	sshrl.u32 @!p1 s5, $0x3;
	[dreg:$0x9] =	wrdreg s6  }
.LBB2_10:
0x16: {  	s0 =	sadd.s32 $0x13800, s0;
	s5 =	sshrl.u32 s13, $0x3  }
0x17: {  	[hbm:s0], [sflag:s22] =	dma.local [spmem:s5], $0x80  }
0x18: {  	_ =	swait.ge [sflag:s20], $0x80  }
0x19: {  	[sflag:s20] =	ssyncset.done $0x0  }
0x1a: {  	[sflag:s20] =	ssyncadd.s32 $0xFFFFFF80  }
.LBB2_11:
0x1b: {  	s21 =	sadd.s32 $0x1, s21  }
0x1c: {  	p3 =	sne.s32 s21, s18  }
.Ltmp1:
0x1d: {  	_ = 	snop;
	(pc) =	sbr.rel @!p3 .LBB2_12-.Ltmp1, $1  }
0x1e: {  	_ =	sdelay $0x3  }
.LBB2_1:
0x1f: {  	s0 =	rddreg [dreg:$0x7];
	s5 =	simm.s32 $0x13880  }
0x20: {  	[tilespmem:s5], [sflag:$0x5] =	stream.linear.gather [hbm4b:s0+s4], $0x28A0, $0x38;
	[tilespmem:$0x1E2E0] =	vst v63  }
0x21: {  	_ =	swait.ge [sflag:s20], $0x28A0  }
0x22: {  	[sflag:s20] =	ssyncset.done $0x0  }
0x23: {  	s6 =	simm.s32 $0x16120;
	s9 =	rddreg [dreg:$0x8];
	[sflag:s20] =	ssyncadd.s32 $0xFFFFD760  }
0x24: {  	[tilespmem:s6], [sflag:$0x5] =	stream.linear.gather [hbm4b:s9+s4], $0x28A0, $0x38;
	[tilespmem:$0x1E2E0] =	vst v63  }
0x25: {  	_ =	swait.ge [sflag:s20], $0x28A0  }
0x26: {  	[sflag:s20] =	ssyncset.done $0x0  }
0x27: {  	s16 =	simm.s32 $0x1BBC0;
	s10 =	rddreg [dreg:$0x9];
	[sflag:s20] =	ssyncadd.s32 $0xFFFFD760  }
0x28: {  	[tilespmem:s16], [sflag:$0x5] =	stream.linear.gather [hbm4b:s10+s4], $0x2710, $0x38;
	[tilespmem:$0x1E2E0] =	vst v63  }
0x29: {  	s17 =	stileid.u32;
	_ =	swait.ge [sflag:s20], $0x2710  }
0x2a: {  	s0 =	sshll.u32 s17, $0x6;
	[sflag:s20] =	ssyncset.done $0x0;
	s19 =	rddreg [dreg:$0xa]  }
0x2b: {  	s22 =	sor.u32 $0x1C05, s0;
	[sflag:s20] =	ssyncadd.s32 $0xFFFFD8F0;
	s16 =	sshrl.u32 s19, $0x3  }
0x2c: {  	[spmem:s16], [sflag:s22] =	dma.local [hbm:s11], $0x1380  }
0x2d: {  	_ =	swait.ge [sflag:s20], $0x1380  }
0x2e: {  	[sflag:s20] =	ssyncset.done $0x0  }
0x2f: {  	[sflag:s20] =	ssyncadd.s32 $0xFFFFEC80  }
0x30: {  	[spmem:s23], [sflag:s22] =	dma.local [hbm:s12], $0x1380  }
0x31: {  	_ =	swait.ge [sflag:s20], $0x1380  }
0x32: {  	[sflag:s20] =	ssyncset.done $0x0  }
0x33: {  	s0 =	sshrl.u32 @!p1 s13, $0x3;
	[sflag:s20] =	ssyncadd.s32 $0xFFFFEC80  }
0x34: {  	[spmem:s0], [sflag:s22] =	dma.local @!p1 [hbm:s14], $0x80  }
0x35: {  	s0 =	simm.s32 @!p1 $0x5  }
0x36: {  	_ =	swait.ge @!p1 [sflag:s0], $0x80  }
0x37: {  	[sflag:s0] =	ssyncset.done @!p1 $0x0  }
0x38: {  	[sflag:s0] =	ssyncadd.s32 @!p1 $0xFFFFFF80  }
0x39: {  	[spmem:s24], [sflag:s22] =	dma.local @!p1 [hbm:s15], $0x80  }
0x3a: {  	_ =	swait.ge @!p1 [sflag:s0], $0x80  }
0x3b: {  	[sflag:s0] =	ssyncset.done @!p1 $0x0  }
0x3c: {  	[sflag:s0] =	ssyncadd.s32 @!p1 $0xFFFFFF80  }
0x3d: {  	[bflag:$0x0] =	sbarrier.arrive $0xFFFF  }
0x3e: {  	[tilespmem:s26], [sflag:$0x1] =	stream.indirect.gather [spmem:s3], $0x40, s5, s25, $0xb8;
	[tilespmem:$0x1E2E0] =	vst v63  }
0x3f: {  	s17 =	simm.s32 $0x1BC24;
	s6 =	simm.s32 $0x0;
	s5 =	simm.s32 $0x0  }
.LBB2_2:
0x40: {  	_ =	swait.ge [sflag:s28], $0x1900  }
0x41: {  	s0 =	sshll.u32 s6, $0x1;
	p3 =	seq.s32 s6, $0x0;
	[sflag:s28] =	ssyncset.done $0x0  }
0x42: {  	s7 =	simm.s32 @!p3 $0x4;
	s0 =	sor.u32 $0x1, s0;
	[sflag:s28] =	ssyncadd.s32 $0xFFFFE700  }
0x43: {  	s0 =	smul.u32 $0x68, s0;
	_ =	swait.ge @!p3 [sflag:s7], $0x1900  }
0x44: {  	[sflag:s7] =	ssyncset.done @!p3 $0x0  }
0x45: {  	s19 =	sadd.s32 $0x13880, s0;
	[sflag:s7] =	ssyncadd.s32 @!p3 $0xFFFFE700;
	s7 =	simm.s32 $0x18B00  }
0x46: {  	[tilespmem:s29], [sflag:$0x2] =	stream.indirect.gather [spmem:s3], $0x40, s19, s25, $0xb8;
	[tilespmem:$0x1E2E0] =	vst v63  }
0x47: {  	v4 =	vld [tilespmem:s7+$0x130]  }
0x48: {  	v0 =	vld [tilespmem:s7+$0xFFFFFFF0]  }
0x49: {  	v7 =	vld [tilespmem:s7+$0xFFFFFF50]  }
0x4a: {  	v17 =	vld [tilespmem:s7+$0xFFFFFF40]  }
0x4b: {  	v11 =	vld [tilespmem:s7+$0xF0]  }
0x4c: {  	v15 =	vld [tilespmem:s7+$0xFFFFFFE0]  }
0x4d: {  	v16 =	vld [tilespmem:s7+$0xFFFFFF70]  }
0x4e: {  	v20 =	vld [tilespmem:s7+$0x70]  }
0x4f: {  	v1 =	vld [tilespmem:s7+$0xFFFFFEF0]  }
0x50: {  	v2 =	vld [tilespmem:s7+$0xD0]  }
0x51: {  	v23 =	vld [tilespmem:s7+$0x100]  }
0x52: {  	v3 =	vld [tilespmem:s7+$0xFFFFFEC0]  }
0x53: {  	s8 =	simm.s32 $0x0;
	s9 =	sadd.s32 $0x0, s5;
	v9 =	vld [tilespmem:s7+$0xFFFFFF80]  }
0x54: {  	s9 =	sand.u32 $0x7FF8, s9;
	s8 =	sand.u32 $0x6, s8;
	v21 =	vld [tilespmem:s7+$0x60]  }
0x55: {  	s8 =	sor.u32 s8, s9;
	v24 =	vld [tilespmem:s7+$0x120]  }
0x56: {  	v12 =	vld [tilespmem:s8+$0x1BBC0]  }
0x57: {  	v10 =	vld [tilespmem:s7+$0xFFFFFFC0]  }
0x58: {  	v14 =	vld [tilespmem:s7+$0xFFFFFF90]  }
0x59: {  	v27 =	vld [tilespmem:s7+$0xFFFFFF60]  }
0x5a: {  	v19 =	vld [tilespmem:s7+$0xB0]  }
0x5b: {  	v22 =	vld [tilespmem:s7+$0x90];
	v5 =	vbroadcast v12, $0x0;
	v8 =	vbroadcast v12, $0x9  }
0x5c: {  	v26 =	vld [tilespmem:s7+$0xE0];
	v18 =	vbroadcast v12, $0x2;
	v6 =	vbroadcast v12, $0x8  }
0x5d: {  	v25 =	vld [tilespmem:s7+$0x50];
	v29 =	vmul.f32 v5, v3;
	v3 =	vbroadcast v12, $0x7  }
0x5e: {  	s9 =	simm.s32 $0x18B00;
	s8 =	simm.s32 $0xA;
	v13 =	vld [tilespmem:s7+$0xFFFFFED0];
	v28 =	vmul.f32 v17, v18;
	v17 =	vbroadcast v12, $0x6  }
.LBB2_3:
0x5f: {  	p3 =	sne.s32 s8, $0x5A  }
0x60: {  	[tilespmem:s7+$0xFFFFFEC0] =	vst v29;
	v27 =	vmul.f32 v27, v18;
	v29 =	vld [tilespmem:s7+$0x80];
	v23 =	vmul.f32 v23, v8;
	s9 =	sadd.s32 $0x280, s9;
	s10 =	smov.u32 s8;
	s8 =	sadd.s32 $0xA, s8  }
0x61: {  	[tilespmem:s7+$0xFFFFFF40] =	vst v28;
	v28 =	vbroadcast v12, $0x4;
	v30 =	vld [tilespmem:s7+$0x0];
	v20 =	vmul.f32 v20, v17  }
0x62: {  	v31 =	vld [tilespmem:s7+$0x40];
	v26 =	vmul.f32 v26, v6;
	[tilespmem:s7+$0x100] =	vst v23;
	v23 =	vmul.f32 v24, v8  }
0x63: {  	v21 =	vmul.f32 v21, v17;
	v24 =	vld [tilespmem:s7+$0xFFFFFF10];
	v25 =	vmul.f32 v25, v17;
	[tilespmem:s7+$0x70] =	vst v20  }
0x64: {  	v16 =	vmul.f32 v16, v18;
	v22 =	vmul.f32 v22, v3;
	v20 =	vld [tilespmem:s7+$0x10];
	[tilespmem:s7+$0x120] =	vst v23  }
0x65: {  	v4 =	vmul.f32 v4, v8;
	v23 =	vbroadcast v12, $0x5;
	v32 =	vld [tilespmem:s7+$0x30];
	[tilespmem:s7+$0x60] =	vst v21  }
0x66: {  	v19 =	vmul.f32 v19, v3;
	v15 =	vmul.f32 v15, v28;
	[tilespmem:s7+$0xFFFFFF70] =	vst v16;
	v16 =	vld [tilespmem:s7+$0xFFFFFFD0]  }
0x67: {  	v11 =	vmul.f32 v11, v6;
	[tilespmem:s7+$0xFFFFFF60] =	vst v27;
	v21 =	vld [tilespmem:s7+$0xFFFFFFA0];
	v17 =	vmul.f32 v31, v17  }
0x68: {  	v30 =	vmul.f32 v30, v23;
	v27 =	vbroadcast v12, $0x1;
	v31 =	vld [tilespmem:s7+$0xFFFFFFB0];
	[tilespmem:s7+$0x130] =	vst v4  }
0x69: {  	v12 =	vbroadcast v12, $0x3;
	v4 =	vld [tilespmem:s7+$0xFFFFFF00];
	[tilespmem:s7+$0xFFFFFFE0] =	vst v15;
	v20 =	vmul.f32 v20, v23  }
0x6a: {  	v7 =	vmul.f32 v7, v18;
	v18 =	vmul.f32 v29, v3;
	v15 =	vld [tilespmem:s7+$0xFFFFFF20];
	[tilespmem:s7+$0xF0] =	vst v11  }
0x6b: {  	v9 =	vmul.f32 v9, v12;
	v29 =	vmul.f32 v32, v23;
	v11 =	vld [tilespmem:s7+$0xFFFFFF30];
	[tilespmem:s7+$0xE0] =	vst v26  }
0x6c: {  	[tilespmem:s7+$0xFFFFFF50] =	vst v7;
	v7 =	vmul.f32 v14, v12;
	v14 =	vmul.f32 v21, v12;
	v21 =	vld [tilespmem:s7+$0x110]  }
0x6d: {  	v10 =	vmul.f32 v10, v28;
	v12 =	vmul.f32 v31, v12;
	[tilespmem:s7+$0x90] =	vst v22;
	v22 =	vld [tilespmem:s7+$0xC0]  }
0x6e: {  	v32 =	vmul.f32 v16, v28;
	v26 =	vld [tilespmem:s7+$0xFFFFFEE0];
	v31 =	vmul.f32 v4, v27;
	[tilespmem:s7+$0x50] =	vst v25  }
0x6f: {  	v16 =	vmul.f32 v24, v27;
	v4 =	vld [tilespmem:s9+$0x130];
	v24 =	vmul.f32 v15, v27;
	[tilespmem:s7+$0xB0] =	vst v19  }
0x70: {  	v13 =	vmul.f32 v13, v5;
	v19 =	vmul.f32 v11, v27;
	[tilespmem:s7+$0xFFFFFF80] =	vst v9;
	v9 =	vld [tilespmem:s7+$0x20]  }
0x71: {  	v0 =	vmul.f32 v0, v28;
	[tilespmem:s7+$0x80] =	vst v18;
	v8 =	vmul.f32 v21, v8  }
0x72: {  	v2 =	vmul.f32 v2, v6;
	[tilespmem:s7+$0x0] =	vst v30;
	v15 =	vmul.f32 v22, v6  }
0x73: {  	v1 =	vmul.f32 v1, v5;
	v6 =	vmul.f32 v26, v5;
	[tilespmem:s7+$0xFFFFFF90] =	vst v7;
	v5 =	vld [tilespmem:s7+$0xA0]  }
0x74: {  	[tilespmem:s7+$0xFFFFFFC0] =	vst v10  }
0x75: {  	v9 =	vmul.f32 v9, v23;
	[tilespmem:s7+$0x110] =	vst v8  }
0x76: {  	[tilespmem:s7+$0xD0] =	vst v2  }
0x77: {  	[tilespmem:s7+$0xFFFFFEF0] =	vst v1  }
0x78: {  	[tilespmem:s7+$0xFFFFFEE0] =	vst v6;
	v2 =	vmul.f32 v5, v3  }
0x79: {  	[tilespmem:s7+$0xFFFFFFF0] =	vst v0  }
0x7a: {  	v0 =	vld [tilespmem:s9+$0xFFFFFFF0];
	[tilespmem:s7+$0xFFFFFED0] =	vst v13  }
0x7b: {  	v7 =	vld [tilespmem:s9+$0xFFFFFF50];
	[tilespmem:s7+$0xFFFFFF10] =	vst v16  }
0x7c: {  	v28 =	vld [tilespmem:s9+$0xFFFFFF40];
	[tilespmem:s7+$0x30] =	vst v29  }
0x7d: {  	v11 =	vld [tilespmem:s9+$0xF0];
	[tilespmem:s7+$0xC0] =	vst v15  }
0x7e: {  	v15 =	vld [tilespmem:s9+$0xFFFFFFE0];
	[tilespmem:s7+$0x10] =	vst v20  }
0x7f: {  	v16 =	vld [tilespmem:s9+$0xFFFFFF70];
	[tilespmem:s7+$0x40] =	vst v17  }
0x80: {  	v20 =	vld [tilespmem:s9+$0x70];
	[tilespmem:s7+$0xFFFFFF20] =	vst v24  }
0x81: {  	v1 =	vld [tilespmem:s9+$0xFFFFFEF0];
	[tilespmem:s7+$0xA0] =	vst v2  }
0x82: {  	v2 =	vld [tilespmem:s9+$0xD0];
	[tilespmem:s7+$0xFFFFFFD0] =	vst v32  }
0x83: {  	v23 =	vld [tilespmem:s9+$0x100];
	[tilespmem:s7+$0x20] =	vst v9  }
0x84: {  	v3 =	vld [tilespmem:s9+$0xFFFFFEC0];
	[tilespmem:s7+$0xFFFFFFB0] =	vst v12  }
0x85: {  	s19 =	sadd.s32 s10, s5;
	v9 =	vld [tilespmem:s9+$0xFFFFFF80];
	[tilespmem:s7+$0xFFFFFF30] =	vst v19  }
0x86: {  	s10 =	sand.u32 $0x6, s10;
	s19 =	sand.u32 $0x7FF8, s19;
	v21 =	vld [tilespmem:s9+$0x60];
	[tilespmem:s7+$0xFFFFFFA0] =	vst v14  }
0x87: {  	s10 =	sor.u32 s10, s19;
	v24 =	vld [tilespmem:s9+$0x120];
	[tilespmem:s7+$0xFFFFFF00] =	vst v31;
	s7 =	smov.u32 s9  }
0x88: {  	v12 =	vld [tilespmem:s10+$0x1BBC0]  }
0x89: {  	v10 =	vld [tilespmem:s9+$0xFFFFFFC0]  }
0x8a: {  	v14 =	vld [tilespmem:s9+$0xFFFFFF90]  }
0x8b: {  	v27 =	vld [tilespmem:s9+$0xFFFFFF60]  }
.Ltmp2:
0x8c: {  	v19 =	vld [tilespmem:s9+$0xB0];
	(pc) =	sbr.rel @p3 .LBB2_3-.Ltmp2, $4  }
0x8d: {  	v5 =	vbroadcast v12, $0x0;
	v22 =	vld [tilespmem:s9+$0x90];
	v8 =	vbroadcast v12, $0x9  }
0x8e: {  	v18 =	vbroadcast v12, $0x2;
	v6 =	vbroadcast v12, $0x8;
	v26 =	vld [tilespmem:s9+$0xE0]  }
0x8f: {  	v29 =	vmul.f32 v5, v3;
	v25 =	vld [tilespmem:s9+$0x50];
	v3 =	vbroadcast v12, $0x7  }
0x90: {  	v17 =	vbroadcast v12, $0x6;
	v28 =	vmul.f32 v28, v18;
	v13 =	vld [tilespmem:s9+$0xFFFFFED0]  }
0x91: {  	[tilespmem:s7+$0xFFFFFEC0] =	vst v29;
	v23 =	vmul.f32 v23, v8  }
0x92: {  	v16 =	vmul.f32 v16, v18;
	[tilespmem:s7+$0xFFFFFF40] =	vst v28  }
0x93: {  	v4 =	vmul.f32 v4, v8;
	[tilespmem:s7+$0x100] =	vst v23  }
0x94: {  	v11 =	vmul.f32 v11, v6;
	[tilespmem:s7+$0xFFFFFF70] =	vst v16  }
0x95: {  	v7 =	vmul.f32 v7, v18;
	[tilespmem:s7+$0x130] =	vst v4  }
0x96: {  	v2 =	vmul.f32 v2, v6;
	[tilespmem:s7+$0xF0] =	vst v11  }
0x97: {  	v1 =	vmul.f32 v1, v5;
	[tilespmem:s7+$0xFFFFFF50] =	vst v7  }
0x98: {  	v20 =	vmul.f32 v20, v17;
	[tilespmem:s7+$0xD0] =	vst v2  }
0x99: {  	v21 =	vmul.f32 v21, v17;
	[tilespmem:s7+$0xFFFFFEF0] =	vst v1  }
0x9a: {  	v23 =	vmul.f32 v24, v8;
	[tilespmem:s7+$0x70] =	vst v20  }
0x9b: {  	v4 =	vmul.f32 v26, v6;
	[tilespmem:s7+$0x60] =	vst v21  }
0x9c: {  	v11 =	vmul.f32 v22, v3;
	[tilespmem:s7+$0x120] =	vst v23  }
0x9d: {  	v24 =	vbroadcast v12, $0x4;
	v7 =	vmul.f32 v19, v3;
	[tilespmem:s7+$0xE0] =	vst v4  }
0x9e: {  	v23 =	vmul.f32 v27, v18;
	[tilespmem:s7+$0x90] =	vst v11  }
0x9f: {  	v22 =	vbroadcast v12, $0x3;
	v15 =	vmul.f32 v15, v24;
	[tilespmem:s7+$0xB0] =	vst v7  }
0xa0: {  	v29 =	vld [tilespmem:s7+$0x80];
	v4 =	vmul.f32 v25, v17;
	[tilespmem:s7+$0xFFFFFF60] =	vst v23  }
0xa1: {  	v9 =	vmul.f32 v9, v22;
	[tilespmem:s7+$0xFFFFFFE0] =	vst v15  }
0xa2: {  	v20 =	vld [tilespmem:s7+$0x30];
	v10 =	vmul.f32 v10, v24;
	[tilespmem:s7+$0x50] =	vst v4  }
0xa3: {  	v27 =	vld [tilespmem:s7+$0x0];
	v0 =	vmul.f32 v0, v24;
	[tilespmem:s7+$0xFFFFFF80] =	vst v9  }
0xa4: {  	v25 =	vld [tilespmem:s7+$0xC0];
	v1 =	vmul.f32 v13, v5;
	[tilespmem:s7+$0xFFFFFFC0] =	vst v10  }
0xa5: {  	v28 =	vld [tilespmem:s7+$0x40];
	v11 =	vbroadcast v12, $0x5;
	v26 =	vmul.f32 v29, v3;
	[tilespmem:s7+$0xFFFFFFF0] =	vst v0  }
0xa6: {  	v19 =	vld [tilespmem:s7+$0x110];
	v9 =	vmul.f32 v14, v22;
	[tilespmem:s7+$0xFFFFFED0] =	vst v1  }
0xa7: {  	v15 =	vld [tilespmem:s7+$0xFFFFFF20];
	[tilespmem:s7+$0x80] =	vst v26;
	v0 =	vmul.f32 v20, v11  }
0xa8: {  	v16 =	vld [tilespmem:s7+$0xFFFFFFD0];
	[tilespmem:s7+$0xFFFFFF90] =	vst v9;
	v7 =	vmul.f32 v27, v11  }
0xa9: {  	v9 =	vld [tilespmem:s7+$0xA0];
	v1 =	vmul.f32 v25, v6;
	[tilespmem:s7+$0x30] =	vst v0  }
0xaa: {  	v2 =	vbroadcast v12, $0x1;
	v14 =	vld [tilespmem:s7+$0x20];
	v0 =	vmul.f32 v28, v17;
	[tilespmem:s7+$0x0] =	vst v7  }
0xab: {  	v27 =	vld [tilespmem:s7+$0xFFFFFEE0];
	v7 =	vmul.f32 v19, v8;
	[tilespmem:s7+$0xC0] =	vst v1  }
0xac: {  	v18 =	vld [tilespmem:s7+$0xFFFFFF30];
	v1 =	vmul.f32 v15, v2;
	[tilespmem:s7+$0x40] =	vst v0  }
0xad: {  	v23 =	vld [tilespmem:s7+$0xFFFFFFB0];
	v0 =	vmul.f32 v16, v24;
	[tilespmem:s7+$0x110] =	vst v7  }
0xae: {  	v8 =	vld [tilespmem:s7+$0xFFFFFF10];
	v3 =	vmul.f32 v9, v3;
	[tilespmem:s7+$0xFFFFFF20] =	vst v1  }
0xaf: {  	v4 =	vld [tilespmem:s7+$0xFFFFFFA0];
	v1 =	vmul.f32 v14, v11;
	[tilespmem:s7+$0xFFFFFFD0] =	vst v0  }
0xb0: {  	v21 =	vld [tilespmem:s7+$0x10];
	v10 =	vmul.f32 v27, v5;
	[tilespmem:s7+$0xA0] =	vst v3  }
0xb1: {  	v7 =	vld [tilespmem:s7+$0xFFFFFF00];
	v0 =	vmul.f32 v18, v2;
	[tilespmem:s7+$0x20] =	vst v1  }
0xb2: {  	v3 =	vmul.f32 v23, v22;
	[tilespmem:s7+$0xFFFFFEE0] =	vst v10  }
0xb3: {  	v5 =	vmul.f32 v8, v2;
	[tilespmem:s7+$0xFFFFFF30] =	vst v0  }
0xb4: {  	v1 =	vmul.f32 v4, v22;
	[tilespmem:s7+$0xFFFFFFB0] =	vst v3  }
0xb5: {  	s8 =	smul.u32 $0x340, s6;
	[tilespmem:s7+$0xFFFFFF10] =	vst v5;
	v5 =	vmul.f32 v21, v11  }
0xb6: {  	[tilespmem:s7+$0xFFFFFFA0] =	vst v1;
	v2 =	vmul.f32 v7, v2  }
0xb7: {  	s9 =	sshra.s32 s8, $0x2;
	[tilespmem:s7+$0x10] =	vst v5  }
0xb8: {  	s10 =	sadd.s32 $0x16120, s9;
	[tilespmem:s7+$0xFFFFFF00] =	vst v2  }
0xb9: {  	[spmem:s2] =	stream.indirect.scatter.add.f32 [tilespmem:s26], [sflag:$0x3], $0x40, s10, s25, $0xb8;
	[tilespmem:$0x1E2E0] =	vst v63  }
0xba: {  	_ =	swait.ge [sflag:s30], $0x1900  }
0xbb: {  	[sflag:s30] =	ssyncset.done $0x0  }
0xbc: {  	[sflag:s30] =	ssyncadd.s32 $0xFFFFE700  }
0xbd: {  	p3 =	seq.s32 s6, $0x31;
	_ =	swait.ge [sflag:s31], $0x1900  }
0xbe: {  	s9 =	simm.s32 @!p3 $0x189C0;
	s7 =	sshra.s32 @!p3 s8, $0x2;
	[sflag:s31] =	ssyncset.done $0x0  }
0xbf: {  	s8 =	simm.s32 @!p3 $0x64;
	s7 =	sadd.s32 @!p3 $0x13950, s7;
	[sflag:s31] =	ssyncadd.s32 $0xFFFFE700  }
0xc0: {  	[tilespmem:s9], [sflag:$0x1] =	stream.indirect.gather @!p3 [spmem:s3], $0x40, s7, s8, $0xb8;
	[tilespmem:$0x1E2E0] =	vst v63  }
0xc1: {  	s7 =	simm.s32 $0x1A400  }
0xc2: {  	v6 =	vld [tilespmem:s7+$0x130]  }
0xc3: {  	v0 =	vld [tilespmem:s7+$0xFFFFFFF0]  }
0xc4: {  	v8 =	vld [tilespmem:s7+$0xFFFFFF50]  }
0xc5: {  	v17 =	vld [tilespmem:s7+$0xFFFFFF40]  }
0xc6: {  	v14 =	vld [tilespmem:s7+$0xF0]  }
0xc7: {  	v16 =	vld [tilespmem:s7+$0xFFFFFFE0]  }
0xc8: {  	v18 =	vld [tilespmem:s7+$0xFFFFFF70]  }
0xc9: {  	v21 =	vld [tilespmem:s7+$0x70]  }
0xca: {  	v1 =	vld [tilespmem:s7+$0xFFFFFEF0]  }
0xcb: {  	v3 =	vmov s17;
	v2 =	vld [tilespmem:s7+$0xD0]  }
0xcc: {  	v24 =	vld [tilespmem:s7+$0x100]  }
0xcd: {  	v4 =	vld [tilespmem:s7+$0xFFFFFEC0]  }
0xce: {  	v13 =	vld [tilespmem:s7+$0xFFFFFF80]  }
0xcf: {  	s19 =	simm.s32 $0x0;
	v23 =	vld [tilespmem:s7+$0x60]  }
0xd0: {  	v11 =	vld.idx.msk [tilespmem:v3+s19+$0x0 ss:$0x1], $0xffff  }
0xd1: {  	v25 =	vld [tilespmem:s7+$0x120]  }
0xd2: {  	v10 =	vld [tilespmem:s7+$0xFFFFFFC0]  }
0xd3: {  	v15 =	vld [tilespmem:s7+$0xFFFFFF90]  }
0xd4: {  	v28 =	vld [tilespmem:s7+$0xFFFFFF60]  }
0xd5: {  	v20 =	vld [tilespmem:s7+$0xB0]  }
0xd6: {  	v22 =	vld [tilespmem:s7+$0x90];
	v5 =	vbroadcast v11, $0x0;
	v9 =	vbroadcast v11, $0x9  }
0xd7: {  	v27 =	vld [tilespmem:s7+$0xE0];
	v19 =	vbroadcast v11, $0x2;
	v7 =	vbroadcast v11, $0x8  }
0xd8: {  	v26 =	vld [tilespmem:s7+$0x50];
	v30 =	vmul.f32 v5, v4;
	v4 =	vbroadcast v11, $0x7  }
0xd9: {  	s8 =	simm.s32 $0x28;
	s9 =	simm.s32 $0x1A400;
	v12 =	vld [tilespmem:s7+$0xFFFFFED0];
	v29 =	vmul.f32 v17, v19;
	v17 =	vbroadcast v11, $0x6  }
.LBB2_5:
0xda: {  	p3 =	sne.s32 s8, $0x168  }
0xdb: {  	[tilespmem:s7+$0xFFFFFEC0] =	vst v30;
	v28 =	vmul.f32 v28, v19;
	v30 =	vld [tilespmem:s7+$0x80];
	v24 =	vmul.f32 v24, v9;
	s9 =	sadd.s32 $0x280, s9;
	s10 =	smov.u32 s8;
	s8 =	sadd.s32 $0x28, s8  }
0xdc: {  	[tilespmem:s7+$0xFFFFFF40] =	vst v29;
	v29 =	vbroadcast v11, $0x4;
	v31 =	vld [tilespmem:s7+$0x0];
	v21 =	vmul.f32 v21, v17  }
0xdd: {  	v32 =	vld [tilespmem:s7+$0x40];
	v27 =	vmul.f32 v27, v7;
	[tilespmem:s7+$0x100] =	vst v24;
	v24 =	vmul.f32 v25, v9  }
0xde: {  	v23 =	vmul.f32 v23, v17;
	v25 =	vld [tilespmem:s7+$0xFFFFFF10];
	v26 =	vmul.f32 v26, v17;
	[tilespmem:s7+$0x70] =	vst v21  }
0xdf: {  	v18 =	vmul.f32 v18, v19;
	v22 =	vmul.f32 v22, v4;
	v21 =	vld [tilespmem:s7+$0x10];
	[tilespmem:s7+$0x120] =	vst v24  }
0xe0: {  	v6 =	vmul.f32 v6, v9;
	v24 =	vbroadcast v11, $0x5;
	v33 =	vld [tilespmem:s7+$0x30];
	[tilespmem:s7+$0x60] =	vst v23  }
0xe1: {  	v20 =	vmul.f32 v20, v4;
	v16 =	vmul.f32 v16, v29;
	[tilespmem:s7+$0xFFFFFF70] =	vst v18;
	v18 =	vld [tilespmem:s7+$0xFFFFFFD0]  }
0xe2: {  	v14 =	vmul.f32 v14, v7;
	[tilespmem:s7+$0xFFFFFF60] =	vst v28;
	v23 =	vld [tilespmem:s7+$0xFFFFFFA0];
	v17 =	vmul.f32 v32, v17  }
0xe3: {  	v31 =	vmul.f32 v31, v24;
	v28 =	vbroadcast v11, $0x1;
	v32 =	vld [tilespmem:s7+$0xFFFFFFB0];
	[tilespmem:s7+$0x130] =	vst v6  }
0xe4: {  	v11 =	vbroadcast v11, $0x3;
	v6 =	vld [tilespmem:s7+$0xFFFFFF00];
	[tilespmem:s7+$0xFFFFFFE0] =	vst v16;
	v16 =	vmul.f32 v21, v24  }
0xe5: {  	v8 =	vmul.f32 v8, v19;
	v19 =	vmul.f32 v30, v4;
	v21 =	vld [tilespmem:s7+$0xFFFFFF20];
	[tilespmem:s7+$0xF0] =	vst v14  }
0xe6: {  	v13 =	vmul.f32 v13, v11;
	v30 =	vmul.f32 v33, v24;
	v14 =	vld [tilespmem:s7+$0xFFFFFF30];
	[tilespmem:s7+$0xE0] =	vst v27  }
0xe7: {  	[tilespmem:s7+$0xFFFFFF50] =	vst v8;
	v8 =	vmul.f32 v15, v11;
	v15 =	vmul.f32 v23, v11;
	v23 =	vld [tilespmem:s7+$0x110]  }
0xe8: {  	v10 =	vmul.f32 v10, v29;
	v11 =	vmul.f32 v32, v11;
	[tilespmem:s7+$0x90] =	vst v22;
	v22 =	vld [tilespmem:s7+$0xC0]  }
0xe9: {  	v33 =	vmul.f32 v18, v29;
	v27 =	vld [tilespmem:s7+$0xFFFFFEE0];
	v32 =	vmul.f32 v6, v28;
	[tilespmem:s7+$0x50] =	vst v26  }
0xea: {  	v18 =	vmul.f32 v25, v28;
	v6 =	vld [tilespmem:s9+$0x130];
	v21 =	vmul.f32 v21, v28;
	[tilespmem:s7+$0xB0] =	vst v20  }
0xeb: {  	v12 =	vmul.f32 v12, v5;
	v20 =	vmul.f32 v14, v28;
	[tilespmem:s7+$0xFFFFFF80] =	vst v13;
	v13 =	vld [tilespmem:s7+$0x20]  }
0xec: {  	v0 =	vmul.f32 v0, v29;
	[tilespmem:s7+$0x80] =	vst v19;
	v9 =	vmul.f32 v23, v9  }
0xed: {  	v2 =	vmul.f32 v2, v7;
	[tilespmem:s7+$0x0] =	vst v31;
	v14 =	vmul.f32 v22, v7  }
0xee: {  	v1 =	vmul.f32 v1, v5;
	v7 =	vmul.f32 v27, v5;
	[tilespmem:s7+$0xFFFFFF90] =	vst v8;
	v5 =	vld [tilespmem:s7+$0xA0]  }
0xef: {  	[tilespmem:s7+$0xFFFFFFC0] =	vst v10  }
0xf0: {  	v10 =	vmul.f32 v13, v24;
	[tilespmem:s7+$0x110] =	vst v9  }
0xf1: {  	[tilespmem:s7+$0xD0] =	vst v2  }
0xf2: {  	[tilespmem:s7+$0xFFFFFEF0] =	vst v1  }
0xf3: {  	[tilespmem:s7+$0xFFFFFEE0] =	vst v7;
	v1 =	vmul.f32 v5, v4  }
0xf4: {  	[tilespmem:s7+$0xFFFFFFF0] =	vst v0  }
0xf5: {  	[tilespmem:s7+$0xFFFFFED0] =	vst v12  }
0xf6: {  	v0 =	vld [tilespmem:s9+$0xFFFFFFF0];
	[tilespmem:s7+$0xFFFFFF10] =	vst v18  }
0xf7: {  	v8 =	vld [tilespmem:s9+$0xFFFFFF50];
	[tilespmem:s7+$0x30] =	vst v30  }
0xf8: {  	v29 =	vld [tilespmem:s9+$0xFFFFFF40];
	[tilespmem:s7+$0xC0] =	vst v14  }
0xf9: {  	v14 =	vld [tilespmem:s9+$0xF0];
	[tilespmem:s7+$0x10] =	vst v16  }
0xfa: {  	v16 =	vld [tilespmem:s9+$0xFFFFFFE0];
	[tilespmem:s7+$0x40] =	vst v17  }
0xfb: {  	v18 =	vld [tilespmem:s9+$0xFFFFFF70];
	[tilespmem:s7+$0xFFFFFF20] =	vst v21  }
0xfc: {  	v21 =	vld [tilespmem:s9+$0x70];
	[tilespmem:s7+$0xA0] =	vst v1  }
0xfd: {  	v1 =	vld [tilespmem:s9+$0xFFFFFEF0];
	[tilespmem:s7+$0xFFFFFFD0] =	vst v33  }
0xfe: {  	v2 =	vld [tilespmem:s9+$0xD0];
	[tilespmem:s7+$0x20] =	vst v10  }
0xff: {  	v24 =	vld [tilespmem:s9+$0x100];
	[tilespmem:s7+$0xFFFFFFB0] =	vst v11  }
0x100: {  	v4 =	vld [tilespmem:s9+$0xFFFFFEC0];
	[tilespmem:s7+$0xFFFFFF30] =	vst v20  }
0x101: {  	v13 =	vld [tilespmem:s9+$0xFFFFFF80];
	[tilespmem:s7+$0xFFFFFFA0] =	vst v15  }
0x102: {  	s10 =	sshra.s32 s10, $0x2;
	v23 =	vld [tilespmem:s9+$0x60];
	[tilespmem:s7+$0xFFFFFF00] =	vst v32;
	s7 =	smov.u32 s9  }
0x103: {  	v11 =	vld.idx.msk [tilespmem:v3+s10+$0x0 ss:$0x1], $0xffff  }
0x104: {  	v25 =	vld [tilespmem:s9+$0x120]  }
0x105: {  	v10 =	vld [tilespmem:s9+$0xFFFFFFC0]  }
0x106: {  	v15 =	vld [tilespmem:s9+$0xFFFFFF90]  }
0x107: {  	v28 =	vld [tilespmem:s9+$0xFFFFFF60]  }
.Ltmp3:
0x108: {  	v20 =	vld [tilespmem:s9+$0xB0];
	(pc) =	sbr.rel @p3 .LBB2_5-.Ltmp3, $4  }
0x109: {  	v5 =	vbroadcast v11, $0x0;
	v9 =	vbroadcast v11, $0x9;
	v22 =	vld [tilespmem:s9+$0x90]  }
0x10a: {  	v19 =	vbroadcast v11, $0x2;
	v7 =	vbroadcast v11, $0x8;
	v27 =	vld [tilespmem:s9+$0xE0]  }
0x10b: {  	v30 =	vmul.f32 v5, v4;
	v4 =	vbroadcast v11, $0x7;
	v26 =	vld [tilespmem:s9+$0x50]  }
0x10c: {  	v17 =	vbroadcast v11, $0x6;
	v29 =	vmul.f32 v29, v19;
	v12 =	vld [tilespmem:s9+$0xFFFFFED0]  }
0x10d: {  	[tilespmem:s7+$0xFFFFFEC0] =	vst v30;
	v3 =	vmul.f32 v24, v9  }
0x10e: {  	v56 =	vmul.f32 v25, v9;
	[tilespmem:s7+$0xFFFFFF40] =	vst v29  }
0x10f: {  	v18 =	vmul.f32 v18, v19;
	[tilespmem:s7+$0x100] =	vst v3  }
0x110: {  	v58 =	vmul.f32 v28, v19;
	[tilespmem:s7+$0x120] =	vst v56  }
0x111: {  	v6 =	vmul.f32 v6, v9;
	[tilespmem:s7+$0xFFFFFF70] =	vst v18  }
0x112: {  	v14 =	vmul.f32 v14, v7;
	[tilespmem:s7+$0xFFFFFF60] =	vst v58  }
0x113: {  	v8 =	vmul.f32 v8, v19;
	[tilespmem:s7+$0x130] =	vst v6  }
0x114: {  	v36 =	vmul.f32 v20, v4;
	[tilespmem:s7+$0xF0] =	vst v14  }
0x115: {  	v2 =	vmul.f32 v2, v7;
	[tilespmem:s7+$0xFFFFFF50] =	vst v8  }
0x116: {  	v1 =	vmul.f32 v1, v5;
	[tilespmem:s7+$0xB0] =	vst v36  }
0x117: {  	v21 =	vmul.f32 v21, v17;
	[tilespmem:s7+$0xD0] =	vst v2  }
0x118: {  	v59 =	vbroadcast v11, $0x4;
	v23 =	vmul.f32 v23, v17;
	[tilespmem:s7+$0xFFFFFEF0] =	vst v1  }
0x119: {  	v32 =	vmul.f32 v22, v4;
	[tilespmem:s7+$0x70] =	vst v21  }
0x11a: {  	v35 =	vbroadcast v11, $0x3;
	v16 =	vmul.f32 v16, v59;
	[tilespmem:s7+$0x60] =	vst v23  }
0x11b: {  	v30 =	vmul.f32 v27, v7;
	[tilespmem:s7+$0x90] =	vst v32  }
0x11c: {  	v13 =	vmul.f32 v13, v35;
	[tilespmem:s7+$0xFFFFFFE0] =	vst v16  }
0x11d: {  	v55 =	vld [tilespmem:s7+$0x80];
	v43 =	vmul.f32 v15, v35;
	[tilespmem:s7+$0xE0] =	vst v30  }
0x11e: {  	v60 =	vld [tilespmem:s7+$0x0];
	v10 =	vmul.f32 v10, v59;
	[tilespmem:s7+$0xFFFFFF80] =	vst v13  }
0x11f: {  	v37 =	vld [tilespmem:s7+$0x110];
	v0 =	vmul.f32 v0, v59;
	[tilespmem:s7+$0xFFFFFF90] =	vst v43  }
0x120: {  	v42 =	vld [tilespmem:s7+$0xFFFFFEE0];
	v34 =	vmul.f32 v26, v17;
	[tilespmem:s7+$0xFFFFFFC0] =	vst v10  }
0x121: {  	v38 =	vbroadcast v11, $0x5;
	v46 =	vld [tilespmem:s7+$0xFFFFFF10];
	v51 =	vmul.f32 v12, v5;
	[tilespmem:s7+$0xFFFFFFF0] =	vst v0  }
0x122: {  	v57 =	vld [tilespmem:s7+$0x30];
	[tilespmem:s7+$0x50] =	vst v34;
	v24 =	vmul.f32 v55, v4  }
0x123: {  	v39 =	vld [tilespmem:s7+$0xC0];
	v41 =	vmul.f32 v60, v38;
	[tilespmem:s7+$0xFFFFFED0] =	vst v51  }
0x124: {  	v61 =	vld [tilespmem:s7+$0x10];
	v50 =	vbroadcast v11, $0x1;
	v45 =	vmul.f32 v37, v9;
	[tilespmem:s7+$0x80] =	vst v24  }
0x125: {  	v31 =	vld [tilespmem:s7+$0xFFFFFF20];
	v49 =	vmul.f32 v42, v5;
	[tilespmem:s7+$0x0] =	vst v41  }
0x126: {  	v47 =	vld [tilespmem:s7+$0xA0];
	v52 =	vmul.f32 v46, v50;
	[tilespmem:s7+$0x110] =	vst v45  }
0x127: {  	v62 =	vld [tilespmem:s7+$0xFFFFFFD0];
	v53 =	vmul.f32 v57, v38;
	[tilespmem:s7+$0xFFFFFEE0] =	vst v49  }
0x128: {  	v44 =	vld [tilespmem:s7+$0x20];
	v54 =	vmul.f32 v39, v7;
	[tilespmem:s7+$0xFFFFFF10] =	vst v52  }
0x129: {  	v63 =	vld [tilespmem:s7+$0xFFFFFFB0];
	v55 =	vmul.f32 v61, v38;
	[tilespmem:s7+$0x30] =	vst v53  }
0x12a: {  	v33 =	vld [tilespmem:s7+$0xFFFFFF30];
	v57 =	vmul.f32 v31, v50;
	[tilespmem:s7+$0xC0] =	vst v54  }
0x12b: {  	v40 =	vld [tilespmem:s7+$0xFFFFFFA0];
	v58 =	vmul.f32 v47, v4;
	[tilespmem:s7+$0x10] =	vst v55  }
0x12c: {  	v48 =	vld [tilespmem:s7+$0xFFFFFF00];
	v59 =	vmul.f32 v62, v59;
	[tilespmem:s7+$0xFFFFFF20] =	vst v57  }
0x12d: {  	v29 =	vld [tilespmem:s7+$0x40];
	v60 =	vmul.f32 v44, v38;
	[tilespmem:s7+$0xA0] =	vst v58  }
0x12e: {  	v61 =	vmul.f32 v63, v35;
	[tilespmem:s7+$0xFFFFFFD0] =	vst v59  }
0x12f: {  	s6 =	sadd.s32 $0x1, s6;
	v62 =	vmul.f32 v33, v50;
	[tilespmem:s7+$0x20] =	vst v60  }
0x130: {  	p3 =	sne.s32 s6, $0x32;
	v63 =	vmul.f32 v40, v35;
	[tilespmem:s7+$0xFFFFFFB0] =	vst v61  }
.Ltmp4:
0x131: {  	v2 =	vmul.f32 v48, v50;
	[tilespmem:s7+$0xFFFFFF30] =	vst v62;
	(pc) =	sbr.rel @p3 .LBB2_2-.Ltmp4, $4  }
0x132: {  	v56 =	vmul.f32 v29, v17;
	[tilespmem:s7+$0xFFFFFFA0] =	vst v63  }
0x133: {  	[tilespmem:s7+$0xFFFFFF00] =	vst v2  }
0x134: {  	s0 =	sadd.s32 $0x16120, s0;
	s5 =	sadd.s32 $0xC8, s5;
	s17 =	sadd.s32 $0xC8, s17;
	[tilespmem:s7+$0x40] =	vst v56  }
0x135: {  	[spmem:s2] =	stream.indirect.scatter.add.f32 [tilespmem:s29], [sflag:$0x4], $0x40, s0, s25, $0xb8;
	[tilespmem:$0x1E2E0] =	vst v63  }
.Ltmp5:
0x136: {  	_ =	swait.ge [sflag:s1], $0x1900;
	(pc) =	sbr.rel @!p0 .LBB2_8-.Ltmp5, $3  }
0x137: {  	[sflag:s1] =	ssyncset.done $0x0  }
0x138: {  	[sflag:s1] =	ssyncadd.s32 $0xFFFFE700  }
0x139: {  	[bflag:$0x0] =	sbarrier.arrive $0xFFFF;
	_ =	sdelay $0x1  }
0x13a: {  	s0 =	rddreg [dreg:$0xc]  }
0x13b: {  	[hbm:s0], [sflag:s22] =	dma.local [spmem:s16], $0x1380  }
.Ltmp6:
0x13c: {  	_ = 	snop;
	(pc) =	sbr.rel @p1 .LBB2_11-.Ltmp6, $4  }
.Ltmp7:
0x13d: {  	_ = 	snop;
	(pc) =	sbr.rel @!p1 .LBB2_10-.Ltmp7, $4  }
0x13e: {  	_ =	swait.ge [sflag:s20], $0x1380  }
0x13f: {  	[sflag:s20] =	ssyncset.done $0x0  }
0x140: {  	s0 =	rddreg [dreg:$0x6];
	[sflag:s20] =	ssyncadd.s32 $0xFFFFEC80  }
0x141: {  	_ = 	snop  }
.LBB2_8:
0x142: {  	s0 =	rddreg [dreg:$0xb]  }
0x143: {  	[hbm:s0], [sflag:s22] =	dma.local [spmem:s16], $0x1380  }
.Ltmp8:
0x144: {  	_ = 	snop;
	(pc) =	sbr.rel @p2 .LBB2_10-.Ltmp8, $4  }
.Ltmp9:
0x145: {  	_ = 	snop;
	(pc) =	sbr.rel @!p2 .LBB2_11-.Ltmp9, $4  }
0x146: {  	_ =	swait.ge [sflag:s20], $0x1380  }
0x147: {  	[sflag:s20] =	ssyncset.done $0x0  }
0x148: {  	s0 =	rddreg [dreg:$0x5];
	[sflag:s20] =	ssyncadd.s32 $0xFFFFEC80  }
0x149: {  	_ = 	snop  }
.LBB2_12:
0x14a: {  	_ =	sfence.sel $0x180000  }
0x14b: {  	[bflag:$0x0] =	sbarrier.arrive $0xFFFF  }
0x14c: {  	_ =	strace $0x90000047  }
0x14d: {  	s0 =	stileid.u32;
	[bflag:$0x2] =	sbarrier.arrive $0xFFFF  }
0x14e: {  	p0 =	sne.s32 s0, $0x0;
	s0 =	rddreg [dreg:$0x4]  }
0x14f: {  	s0 =	sadd.s32 @!p0 $0x100000, s0  }
0x150: {  	[sflag:s0] =	ssyncadd.tile.s32 @!p0 $0x1;
	_ =	shalt  }
.Lfunc_end2:
_tile_overlayer_lowered:
.L_overlay_start_2:
0x151: {  	(tag) =	ssettag $0x2  }
0x152: {  	s0 =	rddreg [dreg:$0x0];
	s2 =	stileid.u32  }
0x153: {  	s1 =	rddreg [dreg:$0x1];
	p0 =	sne.s32 s2, $0x0  }
0x154: {  	s3 =	rddreg [dreg:$0x2];
	[bflag:$0x3] =	sbarrier.arrive $0xFFFF;
	s2 =	simm.s32 @!p0 $0x1C05  }
0x155: {  	[timem:s3], [sflag:s2] =	dma.local @!p0 [hbm:s0], s1  }
0x156: {  	s0 =	simm.s32 @!p0 $0x5  }
0x157: {  	_ =	swait.ge @!p0 [sflag:s0], s1  }
0x158: {  	s1 =	ssub.s32 @!p0 $0x0, s1;
	[sflag:s0] =	ssyncset.done @!p0 $0x0  }
0x159: {  	[sflag:s0] =	ssyncadd.s32 @!p0 s1  }
0x15a: {  	[bflag:$0x3] =	sbarrier.arrive $0xFFFF  }
0x15b: {  	_ =	shalt  }

</sc_bundles>
